<compile_context>
chip_gen: v7x
topology: tpu7x:2x2x1
jax: 0.10.2.dev20260603
libtpu: 0.0.44.dev20260713+nightly
codegen_flags: <defaults>
</compile_context>

<pallas_src>
import functools

import jax
import jax.numpy as jnp
from jax import lax
from jax.experimental import pallas as pl
from jax.experimental.pallas import tpu as pltpu
from jax.experimental.pallas import tpu_sc as plsc

NUM_ROWS = 16384
SEQ = 50
DIM = 32
B = NUM_ROWS * SEQ

_info = plsc.get_sparse_core_info()
NC = _info.num_cores
NS = _info.num_subcores
NW = NC * NS
BPW = B // NW
CHUNK = 1024
NCHUNK = BPW // CHUNK
BUFS = 3
LEAD = 2

_mesh = plsc.VectorSubcoreMesh(core_axis_name="c", subcore_axis_name="s")

_DT_CC = 2048
_DT_ITEMS = 7 * (NUM_ROWS // _DT_CC)


@functools.partial(
    pl.kernel,
    mesh=_mesh,
    out_type=jax.ShapeDtypeStruct((B,), jnp.int32),
    scratch_types=[
        pltpu.VMEM((8, _DT_CC), jnp.int32),
    ],
    compiler_params=pltpu.CompilerParams(use_tc_tiling_on_sc=True),
)
def _detile_sc(tok_hbm, out_hbm, buf_v):
    wid = lax.axis_index("s") * NC + lax.axis_index("c")

    def do_item(it):
        tr = it // (NUM_ROWS // _DT_CC)
        cc = it % (NUM_ROWS // _DT_CC)
        c0 = cc * _DT_CC
        pltpu.sync_copy(tok_hbm.at[pl.ds(tr * 8, 8), pl.ds(c0, _DT_CC)],
                        buf_v)
        for r in range(8):
            s = tr * 8 + r

            @pl.when(s < SEQ)
            def _():
                pltpu.sync_copy(
                    buf_v.at[r],
                    out_hbm.at[pl.ds(s * NUM_ROWS + c0, _DT_CC)])

    for i in range(2):
        it = wid + i * NW

        @pl.when(it < _DT_ITEMS)
        def _():
            do_item(it)


@functools.partial(
    pl.kernel,
    mesh=_mesh,
    out_type=jax.ShapeDtypeStruct((SEQ, NUM_ROWS, DIM), jnp.float32),
    scratch_types=[
        pltpu.VMEM((BPW,), jnp.int32),
        pltpu.VMEM((BUFS, CHUNK, DIM), jnp.float32),
        pltpu.SemaphoreType.DMA,
        pltpu.SemaphoreType.DMA,
        pltpu.SemaphoreType.DMA,
        pltpu.SemaphoreType.DMA,
        pltpu.SemaphoreType.DMA,
        pltpu.SemaphoreType.DMA,
    ],
    compiler_params=pltpu.CompilerParams(use_tc_tiling_on_sc=False),
)
def _embed_sc(idx_hbm, tbl_hbm, out_hbm, idx_v, rows_v,
              g0, g1, g2, w0, w1, w2):
    wid = lax.axis_index("s") * NC + lax.axis_index("c")
    base = wid * BPW
    gsem = (g0, g1, g2)
    wsem = (w0, w1, w2)

    pltpu.sync_copy(idx_hbm.at[pl.ds(base, BPW)], idx_v)

    def gather(k):
        b = k % BUFS
        return pltpu.make_async_copy(
            tbl_hbm.at[idx_v.at[pl.ds(k * CHUNK, CHUNK)]],
            rows_v.at[b], gsem[b])

    def write(k):
        b = k % BUFS
        f0 = base + k * CHUNK
        s = lax.div(f0, NUM_ROWS)
        b0 = lax.rem(f0, NUM_ROWS)
        return pltpu.make_async_copy(
            rows_v.at[b], out_hbm.at[s, pl.ds(b0, CHUNK)], wsem[b])

    for k in range(LEAD):
        gather(k).start()
    for k in range(NCHUNK):
        nxt = k + LEAD
        if nxt < NCHUNK:
            if nxt >= BUFS:
                write(nxt - BUFS).wait()
            gather(nxt).start()
        gather(k).wait()
        write(k).start()
    for k in range(NCHUNK - BUFS, NCHUNK):
        write(k).wait()


def kernel(token_ids, weight):
    flat = _detile_sc(token_ids.T)
    out = _embed_sc(flat, weight)
    return jnp.transpose(out, (1, 0, 2))

# --- scband reference (transcript-rebuilt; emitter-appended) ---
"""Pipeline reference for scband-embedding-51084341018654 (READ-ONLY COPY).

The authoritative reference and input builder live on the scoring server;
editing this copy changes nothing except your own understanding.
"""

import jax, jax.numpy as jnp
import numpy as np

NUM_EMBEDDINGS = 1000000
EMBEDDING_DIM = 32

def setup_inputs(seed: int = 0) -> dict:
    key = jax.random.key(seed)
    k_idx, k_w = jax.random.split(key)
    token_ids = jax.random.randint(k_idx, (16384, 50), 0, NUM_EMBEDDINGS, dtype=jnp.int64 if jax.config.jax_enable_x64 else jnp.int32)
    # trunc_normal init with std = embedding_dim ** -0.5 (approximate with truncated normal on [-2, 2] scaled)
    std = EMBEDDING_DIM ** (-0.5)
    weight = jax.random.truncated_normal(k_w, -2.0, 2.0, (NUM_EMBEDDINGS, EMBEDDING_DIM), dtype=jnp.float32) * std
    return {"token_ids": token_ids, "weight": weight}

def reference(token_ids, weight):
    # Faithful translation: embeddings = self.weight[token_ids]
    embeddings = jnp.take(weight, token_ids, axis=0)
    return embeddings

if __name__ == "__main__":
    import jax
    _d = setup_inputs()
    print(jax.jit(kernel)(*tuple(_d.values())))

</pallas_src>

<mosaic_0001>
#map = affine_map<(d0, d1) -> (0)>
#map1 = affine_map<(d0, d1) -> (0, 0)>
#map2 = affine_map<(d0, d1) -> (0, 0, 0)>
module attributes {stable_mosaic.version = 14 : i64} {
  func.func @_embed_sc(%arg0: i32, %arg1: i32, %arg2: memref<819200xi32, #tpu.memory_space<hbm>>, %arg3: memref<1000000x32xf32, #tpu.memory_space<hbm>>, %arg4: memref<50x16384x32xf32, #tpu.memory_space<hbm>>, %arg5: memref<25600xi32, #tpu.memory_space<vmem>>, %arg6: memref<3x1024x32xf32, #tpu.memory_space<vmem>>, %arg7: memref<!tpu.dma_semaphore, #tpu.memory_space<semaphore_mem>>, %arg8: memref<!tpu.dma_semaphore, #tpu.memory_space<semaphore_mem>>, %arg9: memref<!tpu.dma_semaphore, #tpu.memory_space<semaphore_mem>>, %arg10: memref<!tpu.dma_semaphore, #tpu.memory_space<semaphore_mem>>, %arg11: memref<!tpu.dma_semaphore, #tpu.memory_space<semaphore_mem>>, %arg12: memref<!tpu.dma_semaphore, #tpu.memory_space<semaphore_mem>>) attributes {dimension_semantics = [#tpu.dimension_semantics<core_parallel>, #tpu.dimension_semantics<subcore_parallel>], iteration_bounds = array<i64: 2, 16>, scalar_prefetch = 0 : i64, scratch_operands = 8 : i64, tpu.core_type = #tpu.core_type<sc_vector_subcore>, window_params = [{transform_indices = #map}, {transform_indices = #map1}, {transform_indices = #map2}]} {
    %mul3A = arith.constant 2 : i32
    %mul3A_0 = arith.muli %arg1, %mul3A : i32
    %add3A = arith.addi %mul3A_0, %arg0 : i32
    %mul3A_1 = arith.constant 25600 : i32
    %mul3A_2 = arith.muli %add3A, %mul3A_1 : i32
    "tpu.region"() ({
      %run_scoped3A = tpu.sem_alloc : memref<!tpu.dma_semaphore, #tpu.memory_space<semaphore_mem>>
      %dma_start3A_1549 = tpu.memref_slice %arg2[%mul3A_2] : memref<819200xi32, #tpu.memory_space<hbm>> -> memref<25600xi32, #tpu.memory_space<hbm>>
      %dma_start3A_1550 = tpu.memref_slice %arg2[%mul3A_2] : memref<819200xi32, #tpu.memory_space<hbm>> -> memref<25600xi32, #tpu.memory_space<hbm>>
      tpu.enqueue_dma source(%dma_start3A_1550 : memref<25600xi32, #tpu.memory_space<hbm>>) target(%arg5 : memref<25600xi32, #tpu.memory_space<vmem>>) target_semaphore(%run_scoped3A : memref<!tpu.dma_semaphore, #tpu.memory_space<semaphore_mem>>)
      %dma_wait3A_1551 = tpu.memref_slice %arg2[%mul3A_2] : memref<819200xi32, #tpu.memory_space<hbm>> -> memref<25600xi32, #tpu.memory_space<hbm>>
      %dma_wait3A_1552 = tpu.memref_slice %arg2[%mul3A_2] : memref<819200xi32, #tpu.memory_space<hbm>> -> memref<25600xi32, #tpu.memory_space<hbm>>
      tpu.wait_dma2 semaphore(%run_scoped3A : memref<!tpu.dma_semaphore, #tpu.memory_space<semaphore_mem>>) src(%dma_wait3A_1552 : memref<25600xi32, #tpu.memory_space<hbm>>) dst(%arg5 : memref<25600xi32, #tpu.memory_space<vmem>>)
      tpu.yield
    }) : () -> ()
    %dma_start3A = arith.constant 0 : i32
    %dma_start3A_3 = arith.constant 0 : i32
    %dma_start3A_4 = arith.constant 0 : i32
    %dma_start3A_5 = tpu.memref_slice %arg6[%dma_start3A, %dma_start3A_3, %dma_start3A_4] : memref<3x1024x32xf32, #tpu.memory_space<vmem>> -> memref<1x1024x32xf32, #tpu.memory_space<vmem>>
    %dma_start3A_6 = tpu.memref_squeeze %dma_start3A_5 : memref<1x1024x32xf32, #tpu.memory_space<vmem>> -> memref<1024x32xf32, #tpu.memory_space<vmem>>
    %dma_start3A_7 = arith.constant 0 : i32
    %dma_start3A_8 = tpu.memref_slice %arg5[%dma_start3A_7] : memref<25600xi32, #tpu.memory_space<vmem>> -> memref<1024xi32, #tpu.memory_space<vmem>>
    %dma_start3A_9 = arith.constant 0 : i32
    %dma_start3A_10 = arith.constant 0 : i32
    %dma_start3A_11 = tpu.memref_slice %arg3[%dma_start3A_9, %dma_start3A_10] : memref<1000000x32xf32, #tpu.memory_space<hbm>> -> memref<1000000x32xf32, #tpu.memory_space<hbm>>
    tpu.enqueue_indirect_dma source(%dma_start3A_11 : memref<1000000x32xf32, #tpu.memory_space<hbm>>) target(%dma_start3A_6 : memref<1024x32xf32, #tpu.memory_space<vmem>>) offsets(%dma_start3A_8 : memref<1024xi32, #tpu.memory_space<vmem>>) semaphore(%arg7 : memref<!tpu.dma_semaphore, #tpu.memory_space<semaphore_mem>>)
    %dma_start3A_12 = arith.constant 1 : i32
    %dma_start3A_13 = arith.constant 0 : i32
    %dma_start3A_14 = arith.constant 0 : i32
    %dma_start3A_15 = tpu.memref_slice %arg6[%dma_start3A_12, %dma_start3A_13, %dma_start3A_14] : memref<3x1024x32xf32, #tpu.memory_space<vmem>> -> memref<1x1024x32xf32, #tpu.memory_space<vmem>>
    %dma_start3A_16 = tpu.memref_squeeze %dma_start3A_15 : memref<1x1024x32xf32, #tpu.memory_space<vmem>> -> memref<1024x32xf32, #tpu.memory_space<vmem>>
    %dma_start3A_17 = arith.constant 1024 : i32
    %dma_start3A_18 = tpu.memref_slice %arg5[%dma_start3A_17] : memref<25600xi32, #tpu.memory_space<vmem>> -> memref<1024xi32, #tpu.memory_space<vmem>>
    %dma_start3A_19 = arith.constant 0 : i32
    %dma_start3A_20 = arith.constant 0 : i32
    %dma_start3A_21 = tpu.memref_slice %arg3[%dma_start3A_19, %dma_start3A_20] : memref<1000000x32xf32, #tpu.memory_space<hbm>> -> memref<1000000x32xf32, #tpu.memory_space<hbm>>
    tpu.enqueue_indirect_dma source(%dma_start3A_21 : memref<1000000x32xf32, #tpu.memory_space<hbm>>) target(%dma_start3A_16 : memref<1024x32xf32, #tpu.memory_space<vmem>>) offsets(%dma_start3A_18 : memref<1024xi32, #tpu.memory_space<vmem>>) semaphore(%arg8 : memref<!tpu.dma_semaphore, #tpu.memory_space<semaphore_mem>>)
    %dma_start3A_22 = arith.constant 2 : i32
    %dma_start3A_23 = arith.constant 0 : i32
    %dma_start3A_24 = arith.constant 0 : i32
    %dma_start3A_25 = tpu.memref_slice %arg6[%dma_start3A_22, %dma_start3A_23, %dma_start3A_24] : memref<3x1024x32xf32, #tpu.memory_space<vmem>> -> memref<1x1024x32xf32, #tpu.memory_space<vmem>>
    %dma_start3A_26 = tpu.memref_squeeze %dma_start3A_25 : memref<1x1024x32xf32, #tpu.memory_space<vmem>> -> memref<1024x32xf32, #tpu.memory_space<vmem>>
    %dma_start3A_27 = arith.constant 2048 : i32
    %dma_start3A_28 = tpu.memref_slice %arg5[%dma_start3A_27] : memref<25600xi32, #tpu.memory_space<vmem>> -> memref<1024xi32, #tpu.memory_space<vmem>>
    %dma_start3A_29 = arith.constant 0 : i32
    %dma_start3A_30 = arith.constant 0 : i32
    %dma_start3A_31 = tpu.memref_slice %arg3[%dma_start3A_29, %dma_start3A_30] : memref<1000000x32xf32, #tpu.memory_space<hbm>> -> memref<1000000x32xf32, #tpu.memory_space<hbm>>
    tpu.enqueue_indirect_dma source(%dma_start3A_31 : memref<1000000x32xf32, #tpu.memory_space<hbm>>) target(%dma_start3A_26 : memref<1024x32xf32, #tpu.memory_space<vmem>>) offsets(%dma_start3A_28 : memref<1024xi32, #tpu.memory_space<vmem>>) semaphore(%arg9 : memref<!tpu.dma_semaphore, #tpu.memory_space<semaphore_mem>>)
    %dma_wait3A = arith.constant 0 : i32
    %dma_wait3A_32 = arith.constant 0 : i32
    %dma_wait3A_33 = arith.constant 0 : i32
    %dma_wait3A_34 = tpu.memref_slice %arg6[%dma_wait3A, %dma_wait3A_32, %dma_wait3A_33] : memref<3x1024x32xf32, #tpu.memory_space<vmem>> -> memref<1x1024x32xf32, #tpu.memory_space<vmem>>
    %dma_wait3A_35 = tpu.memref_squeeze %dma_wait3A_34 : memref<1x1024x32xf32, #tpu.memory_space<vmem>> -> memref<1024x32xf32, #tpu.memory_space<vmem>>
    %dma_wait3A_36 = arith.constant 0 : i32
    %dma_wait3A_37 = tpu.memref_slice %arg5[%dma_wait3A_36] : memref<25600xi32, #tpu.memory_space<vmem>> -> memref<1024xi32, #tpu.memory_space<vmem>>
    %dma_wait3A_38 = arith.constant 0 : i32
    %dma_wait3A_39 = arith.constant 0 : i32
    %dma_wait3A_40 = tpu.memref_slice %arg3[%dma_wait3A_38, %dma_wait3A_39] : memref<1000000x32xf32, #tpu.memory_space<hbm>> -> memref<1000000x32xf32, #tpu.memory_space<hbm>>
    tpu.wait_indirect_dma semaphore(%arg7 : memref<!tpu.dma_semaphore, #tpu.memory_space<semaphore_mem>>) src(%dma_wait3A_40 : memref<1000000x32xf32, #tpu.memory_space<hbm>>) dst(%dma_wait3A_35 : memref<1024x32xf32, #tpu.memory_space<vmem>>)
    %add3A_41 = arith.constant 0 : i32
    %add3A_42 = arith.addi %mul3A_2, %add3A_41 : i32
    %div3A = arith.constant 16384 : i32
    %div3A_43 = arith.divsi %add3A_42, %div3A : i32
    %rem3A = arith.constant 16384 : i32
    %rem3A_44 = arith.remsi %add3A_42, %rem3A : i32
    %dma_start3A_45 = arith.constant 0 : i32
    %dma_start3A_46 = arith.constant 0 : i32
    %dma_start3A_47 = arith.constant 0 : i32
    %dma_start3A_48 = tpu.memref_slice %arg6[%dma_start3A_45, %dma_start3A_46, %dma_start3A_47] : memref<3x1024x32xf32, #tpu.memory_space<vmem>> -> memref<1x1024x32xf32, #tpu.memory_space<vmem>>
    %dma_start3A_49 = tpu.memref_squeeze %dma_start3A_48 : memref<1x1024x32xf32, #tpu.memory_space<vmem>> -> memref<1024x32xf32, #tpu.memory_space<vmem>>
    %dma_start3A_50 = arith.constant 0 : i32
    %dma_start3A_51 = tpu.memref_slice %arg4[%div3A_43, %rem3A_44, %dma_start3A_50] : memref<50x16384x32xf32, #tpu.memory_space<hbm>> -> memref<1x1024x32xf32, #tpu.memory_space<hbm>>
    %dma_start3A_52 = tpu.memref_squeeze %dma_start3A_51 : memref<1x1024x32xf32, #tpu.memory_space<hbm>> -> memref<1024x32xf32, #tpu.memory_space<hbm>>
    %dma_start3A_53 = arith.constant 0 : i32
    %dma_start3A_54 = tpu.memref_slice %arg4[%div3A_43, %rem3A_44, %dma_start3A_53] : memref<50x16384x32xf32, #tpu.memory_space<hbm>> -> memref<1x1024x32xf32, #tpu.memory_space<hbm>>
    %dma_start3A_55 = tpu.memref_squeeze %dma_start3A_54 : memref<1x1024x32xf32, #tpu.memory_space<hbm>> -> memref<1024x32xf32, #tpu.memory_space<hbm>>
    %dma_start3A_56 = arith.constant 0 : i32
    %dma_start3A_57 = arith.constant 0 : i32
    %dma_start3A_58 = tpu.memref_slice %arg6[%dma_start3A_45, %dma_start3A_56, %dma_start3A_57] : memref<3x1024x32xf32, #tpu.memory_space<vmem>> -> memref<1x1024x32xf32, #tpu.memory_space<vmem>>
    %dma_start3A_59 = tpu.memref_squeeze %dma_start3A_58 : memref<1x1024x32xf32, #tpu.memory_space<vmem>> -> memref<1024x32xf32, #tpu.memory_space<vmem>>
    tpu.enqueue_dma source(%dma_start3A_59 : memref<1024x32xf32, #tpu.memory_space<vmem>>) target(%dma_start3A_55 : memref<1024x32xf32, #tpu.memory_space<hbm>>) target_semaphore(%arg10 : memref<!tpu.dma_semaphore, #tpu.memory_space<semaphore_mem>>)
    %add3A_60 = arith.constant 0 : i32
    %add3A_61 = arith.addi %mul3A_2, %add3A_60 : i32
    %div3A_62 = arith.constant 16384 : i32
    %div3A_63 = arith.divsi %add3A_61, %div3A_62 : i32
    %rem3A_64 = arith.constant 16384 : i32
    %rem3A_65 = arith.remsi %add3A_61, %rem3A_64 : i32
    %dma_wait3A_66 = arith.constant 0 : i32
    %dma_wait3A_67 = arith.constant 0 : i32
    %dma_wait3A_68 = arith.constant 0 : i32
    %dma_wait3A_69 = tpu.memref_slice %arg6[%dma_wait3A_66, %dma_wait3A_67, %dma_wait3A_68] : memref<3x1024x32xf32, #tpu.memory_space<vmem>> -> memref<1x1024x32xf32, #tpu.memory_space<vmem>>
    %dma_wait3A_70 = tpu.memref_squeeze %dma_wait3A_69 : memref<1x1024x32xf32, #tpu.memory_space<vmem>> -> memref<1024x32xf32, #tpu.memory_space<vmem>>
    %dma_wait3A_71 = arith.constant 0 : i32
    %dma_wait3A_72 = tpu.memref_slice %arg4[%div3A_63, %rem3A_65, %dma_wait3A_71] : memref<50x16384x32xf32, #tpu.memory_space<hbm>> -> memref<1x1024x32xf32, #tpu.memory_space<hbm>>
    %dma_wait3A_73 = tpu.memref_squeeze %dma_wait3A_72 : memref<1x1024x32xf32, #tpu.memory_space<hbm>> -> memref<1024x32xf32, #tpu.memory_space<hbm>>
    %dma_wait3A_74 = arith.constant 0 : i32
    %dma_wait3A_75 = tpu.memref_slice %arg4[%div3A_63, %rem3A_65, %dma_wait3A_74] : memref<50x16384x32xf32, #tpu.memory_space<hbm>> -> memref<1x1024x32xf32, #tpu.memory_space<hbm>>
    %dma_wait3A_76 = tpu.memref_squeeze %dma_wait3A_75 : memref<1x1024x32xf32, #tpu.memory_space<hbm>> -> memref<1024x32xf32, #tpu.memory_space<hbm>>
    %dma_wait3A_77 = arith.constant 0 : i32
    %dma_wait3A_78 = arith.constant 0 : i32
    %dma_wait3A_79 = tpu.memref_slice %arg6[%dma_wait3A_66, %dma_wait3A_77, %dma_wait3A_78] : memref<3x1024x32xf32, #tpu.memory_space<vmem>> -> memref<1x1024x32xf32, #tpu.memory_space<vmem>>
    %dma_wait3A_80 = tpu.memref_squeeze %dma_wait3A_79 : memref<1x1024x32xf32, #tpu.memory_space<vmem>> -> memref<1024x32xf32, #tpu.memory_space<vmem>>
    tpu.wait_dma2 semaphore(%arg10 : memref<!tpu.dma_semaphore, #tpu.memory_space<semaphore_mem>>) src(%dma_wait3A_80 : memref<1024x32xf32, #tpu.memory_space<vmem>>) dst(%dma_wait3A_76 : memref<1024x32xf32, #tpu.memory_space<hbm>>)
    %dma_start3A_81 = arith.constant 0 : i32
    %dma_start3A_82 = arith.constant 0 : i32
    %dma_start3A_83 = arith.constant 0 : i32
    %dma_start3A_84 = tpu.memref_slice %arg6[%dma_start3A_81, %dma_start3A_82, %dma_start3A_83] : memref<3x1024x32xf32, #tpu.memory_space<vmem>> -> memref<1x1024x32xf32, #tpu.memory_space<vmem>>
    %dma_start3A_85 = tpu.memref_squeeze %dma_start3A_84 : memref<1x1024x32xf32, #tpu.memory_space<vmem>> -> memref<1024x32xf32, #tpu.memory_space<vmem>>
    %dma_start3A_86 = arith.constant 3072 : i32
    %dma_start3A_87 = tpu.memref_slice %arg5[%dma_start3A_86] : memref<25600xi32, #tpu.memory_space<vmem>> -> memref<1024xi32, #tpu.memory_space<vmem>>
    %dma_start3A_88 = arith.constant 0 : i32
    %dma_start3A_89 = arith.constant 0 : i32
    %dma_start3A_90 = tpu.memref_slice %arg3[%dma_start3A_88, %dma_start3A_89] : memref<1000000x32xf32, #tpu.memory_space<hbm>> -> memref<1000000x32xf32, #tpu.memory_space<hbm>>
    tpu.enqueue_indirect_dma source(%dma_start3A_90 : memref<1000000x32xf32, #tpu.memory_space<hbm>>) target(%dma_start3A_85 : memref<1024x32xf32, #tpu.memory_space<vmem>>) offsets(%dma_start3A_87 : memref<1024xi32, #tpu.memory_space<vmem>>) semaphore(%arg7 : memref<!tpu.dma_semaphore, #tpu.memory_space<semaphore_mem>>)
    %dma_wait3A_91 = arith.constant 1 : i32
    %dma_wait3A_92 = arith.constant 0 : i32
    %dma_wait3A_93 = arith.constant 0 : i32
    %dma_wait3A_94 = tpu.memref_slice %arg6[%dma_wait3A_91, %dma_wait3A_92, %dma_wait3A_93] : memref<3x1024x32xf32, #tpu.memory_space<vmem>> -> memref<1x1024x32xf32, #tpu.memory_space<vmem>>
    %dma_wait3A_95 = tpu.memref_squeeze %dma_wait3A_94 : memref<1x1024x32xf32, #tpu.memory_space<vmem>> -> memref<1024x32xf32, #tpu.memory_space<vmem>>
    %dma_wait3A_96 = arith.constant 1024 : i32
    %dma_wait3A_97 = tpu.memref_slice %arg5[%dma_wait3A_96] : memref<25600xi32, #tpu.memory_space<vmem>> -> memref<1024xi32, #tpu.memory_space<vmem>>
    %dma_wait3A_98 = arith.constant 0 : i32
    %dma_wait3A_99 = arith.constant 0 : i32
    %dma_wait3A_100 = tpu.memref_slice %arg3[%dma_wait3A_98, %dma_wait3A_99] : memref<1000000x32xf32, #tpu.memory_space<hbm>> -> memref<1000000x32xf32, #tpu.memory_space<hbm>>
    tpu.wait_indirect_dma semaphore(%arg8 : memref<!tpu.dma_semaphore, #tpu.memory_space<semaphore_mem>>) src(%dma_wait3A_100 : memref<1000000x32xf32, #tpu.memory_space<hbm>>) dst(%dma_wait3A_95 : memref<1024x32xf32, #tpu.memory_space<vmem>>)
    %add3A_101 = arith.constant 1024 : i32
    %add3A_102 = arith.addi %mul3A_2, %add3A_101 : i32
    %div3A_103 = arith.constant 16384 : i32
    %div3A_104 = arith.divsi %add3A_102, %div3A_103 : i32
    %rem3A_105 = arith.constant 16384 : i32
    %rem3A_106 = arith.remsi %add3A_102, %rem3A_105 : i32
    %dma_start3A_107 = arith.constant 1 : i32
    %dma_start3A_108 = arith.constant 0 : i32
    %dma_start3A_109 = arith.constant 0 : i32
    %dma_start3A_110 = tpu.memref_slice %arg6[%dma_start3A_107, %dma_start3A_108, %dma_start3A_109] : memref<3x1024x32xf32, #tpu.memory_space<vmem>> -> memref<1x1024x32xf32, #tpu.memory_space<vmem>>
    %dma_start3A_111 = tpu.memref_squeeze %dma_start3A_110 : memref<1x1024x32xf32, #tpu.memory_space<vmem>> -> memref<1024x32xf32, #tpu.memory_space<vmem>>
    %dma_start3A_112 = arith.constant 0 : i32
    %dma_start3A_113 = tpu.memref_slice %arg4[%div3A_104, %rem3A_106, %dma_start3A_112] : memref<50x16384x32xf32, #tpu.memory_space<hbm>> -> memref<1x1024x32xf32, #tpu.memory_space<hbm>>
    %dma_start3A_114 = tpu.memref_squeeze %dma_start3A_113 : memref<1x1024x32xf32, #tpu.memory_space<hbm>> -> memref<1024x32xf32, #tpu.memory_space<hbm>>
    %dma_start3A_115 = arith.constant 0 : i32
    %dma_start3A_116 = tpu.memref_slice %arg4[%div3A_104, %rem3A_106, %dma_start3A_115] : memref<50x16384x32xf32, #tpu.memory_space<hbm>> -> memref<1x1024x32xf32, #tpu.memory_space<hbm>>
    %dma_start3A_117 = tpu.memref_squeeze %dma_start3A_116 : memref<1x1024x32xf32, #tpu.memory_space<hbm>> -> memref<1024x32xf32, #tpu.memory_space<hbm>>
    %dma_start3A_118 = arith.constant 0 : i32
    %dma_start3A_119 = arith.constant 0 : i32
    %dma_start3A_120 = tpu.memref_slice %arg6[%dma_start3A_107, %dma_start3A_118, %dma_start3A_119] : memref<3x1024x32xf32, #tpu.memory_space<vmem>> -> memref<1x1024x32xf32, #tpu.memory_space<vmem>>
    %dma_start3A_121 = tpu.memref_squeeze %dma_start3A_120 : memref<1x1024x32xf32, #tpu.memory_space<vmem>> -> memref<1024x32xf32, #tpu.memory_space<vmem>>
    tpu.enqueue_dma source(%dma_start3A_121 : memref<1024x32xf32, #tpu.memory_space<vmem>>) target(%dma_start3A_117 : memref<1024x32xf32, #tpu.memory_space<hbm>>) target_semaphore(%arg11 : memref<!tpu.dma_semaphore, #tpu.memory_space<semaphore_mem>>)
    %add3A_122 = arith.constant 1024 : i32
    %add3A_123 = arith.addi %mul3A_2, %add3A_122 : i32
    %div3A_124 = arith.constant 16384 : i32
    %div3A_125 = arith.divsi %add3A_123, %div3A_124 : i32
    %rem3A_126 = arith.constant 16384 : i32
    %rem3A_127 = arith.remsi %add3A_123, %rem3A_126 : i32
    %dma_wait3A_128 = arith.constant 1 : i32
    %dma_wait3A_129 = arith.constant 0 : i32
    %dma_wait3A_130 = arith.constant 0 : i32
    %dma_wait3A_131 = tpu.memref_slice %arg6[%dma_wait3A_128, %dma_wait3A_129, %dma_wait3A_130] : memref<3x1024x32xf32, #tpu.memory_space<vmem>> -> memref<1x1024x32xf32, #tpu.memory_space<vmem>>
    %dma_wait3A_132 = tpu.memref_squeeze %dma_wait3A_131 : memref<1x1024x32xf32, #tpu.memory_space<vmem>> -> memref<1024x32xf32, #tpu.memory_space<vmem>>
    %dma_wait3A_133 = arith.constant 0 : i32
    %dma_wait3A_134 = tpu.memref_slice %arg4[%div3A_125, %rem3A_127, %dma_wait3A_133] : memref<50x16384x32xf32, #tpu.memory_space<hbm>> -> memref<1x1024x32xf32, #tpu.memory_space<hbm>>
    %dma_wait3A_135 = tpu.memref_squeeze %dma_wait3A_134 : memref<1x1024x32xf32, #tpu.memory_space<hbm>> -> memref<1024x32xf32, #tpu.memory_space<hbm>>
    %dma_wait3A_136 = arith.constant 0 : i32
    %dma_wait3A_137 = tpu.memref_slice %arg4[%div3A_125, %rem3A_127, %dma_wait3A_136] : memref<50x16384x32xf32, #tpu.memory_space<hbm>> -> memref<1x1024x32xf32, #tpu.memory_space<hbm>>
    %dma_wait3A_138 = tpu.memref_squeeze %dma_wait3A_137 : memref<1x1024x32xf32, #tpu.memory_space<hbm>> -> memref<1024x32xf32, #tpu.memory_space<hbm>>
    %dma_wait3A_139 = arith.constant 0 : i32
    %dma_wait3A_140 = arith.constant 0 : i32
    %dma_wait3A_141 = tpu.memref_slice %arg6[%dma_wait3A_128, %dma_wait3A_139, %dma_wait3A_140] : memref<3x1024x32xf32, #tpu.memory_space<vmem>> -> memref<1x1024x32xf32, #tpu.memory_space<vmem>>
    %dma_wait3A_142 = tpu.memref_squeeze %dma_wait3A_141 : memref<1x1024x32xf32, #tpu.memory_space<vmem>> -> memref<1024x32xf32, #tpu.memory_space<vmem>>
    tpu.wait_dma2 semaphore(%arg11 : memref<!tpu.dma_semaphore, #tpu.memory_space<semaphore_mem>>) src(%dma_wait3A_142 : memref<1024x32xf32, #tpu.memory_space<vmem>>) dst(%dma_wait3A_138 : memref<1024x32xf32, #tpu.memory_space<hbm>>)
    %dma_start3A_143 = arith.constant 1 : i32
    %dma_start3A_144 = arith.constant 0 : i32
    %dma_start3A_145 = arith.constant 0 : i32
    %dma_start3A_146 = tpu.memref_slice %arg6[%dma_start3A_143, %dma_start3A_144, %dma_start3A_145] : memref<3x1024x32xf32, #tpu.memory_space<vmem>> -> memref<1x1024x32xf32, #tpu.memory_space<vmem>>
    %dma_start3A_147 = tpu.memref_squeeze %dma_start3A_146 : memref<1x1024x32xf32, #tpu.memory_space<vmem>> -> memref<1024x32xf32, #tpu.memory_space<vmem>>
    %dma_start3A_148 = arith.constant 4096 : i32
    %dma_start3A_149 = tpu.memref_slice %arg5[%dma_start3A_148] : memref<25600xi32, #tpu.memory_space<vmem>> -> memref<1024xi32, #tpu.memory_space<vmem>>
    %dma_start3A_150 = arith.constant 0 : i32
    %dma_start3A_151 = arith.constant 0 : i32
    %dma_start3A_152 = tpu.memref_slice %arg3[%dma_start3A_150, %dma_start3A_151] : memref<1000000x32xf32, #tpu.memory_space<hbm>> -> memref<1000000x32xf32, #tpu.memory_space<hbm>>
    tpu.enqueue_indirect_dma source(%dma_start3A_152 : memref<1000000x32xf32, #tpu.memory_space<hbm>>) target(%dma_start3A_147 : memref<1024x32xf32, #tpu.memory_space<vmem>>) offsets(%dma_start3A_149 : memref<1024xi32, #tpu.memory_space<vmem>>) semaphore(%arg8 : memref<!tpu.dma_semaphore, #tpu.memory_space<semaphore_mem>>)
    %dma_wait3A_153 = arith.constant 2 : i32
    %dma_wait3A_154 = arith.constant 0 : i32
    %dma_wait3A_155 = arith.constant 0 : i32
    %dma_wait3A_156 = tpu.memref_slice %arg6[%dma_wait3A_153, %dma_wait3A_154, %dma_wait3A_155] : memref<3x1024x32xf32, #tpu.memory_space<vmem>> -> memref<1x1024x32xf32, #tpu.memory_space<vmem>>
    %dma_wait3A_157 = tpu.memref_squeeze %dma_wait3A_156 : memref<1x1024x32xf32, #tpu.memory_space<vmem>> -> memref<1024x32xf32, #tpu.memory_space<vmem>>
    %dma_wait3A_158 = arith.constant 2048 : i32
    %dma_wait3A_159 = tpu.memref_slice %arg5[%dma_wait3A_158] : memref<25600xi32, #tpu.memory_space<vmem>> -> memref<1024xi32, #tpu.memory_space<vmem>>
    %dma_wait3A_160 = arith.constant 0 : i32
    %dma_wait3A_161 = arith.constant 0 : i32
    %dma_wait3A_162 = tpu.memref_slice %arg3[%dma_wait3A_160, %dma_wait3A_161] : memref<1000000x32xf32, #tpu.memory_space<hbm>> -> memref<1000000x32xf32, #tpu.memory_space<hbm>>
    tpu.wait_indirect_dma semaphore(%arg9 : memref<!tpu.dma_semaphore, #tpu.memory_space<semaphore_mem>>) src(%dma_wait3A_162 : memref<1000000x32xf32, #tpu.memory_space<hbm>>) dst(%dma_wait3A_157 : memref<1024x32xf32, #tpu.memory_space<vmem>>)
    %add3A_163 = arith.constant 2048 : i32
    %add3A_164 = arith.addi %mul3A_2, %add3A_163 : i32
    %div3A_165 = arith.constant 16384 : i32
    %div3A_166 = arith.divsi %add3A_164, %div3A_165 : i32
    %rem3A_167 = arith.constant 16384 : i32
    %rem3A_168 = arith.remsi %add3A_164, %rem3A_167 : i32
    %dma_start3A_169 = arith.constant 2 : i32
    %dma_start3A_170 = arith.constant 0 : i32
    %dma_start3A_171 = arith.constant 0 : i32
    %dma_start3A_172 = tpu.memref_slice %arg6[%dma_start3A_169, %dma_start3A_170, %dma_start3A_171] : memref<3x1024x32xf32, #tpu.memory_space<vmem>> -> memref<1x1024x32xf32, #tpu.memory_space<vmem>>
    %dma_start3A_173 = tpu.memref_squeeze %dma_start3A_172 : memref<1x1024x32xf32, #tpu.memory_space<vmem>> -> memref<1024x32xf32, #tpu.memory_space<vmem>>
    %dma_start3A_174 = arith.constant 0 : i32
    %dma_start3A_175 = tpu.memref_slice %arg4[%div3A_166, %rem3A_168, %dma_start3A_174] : memref<50x16384x32xf32, #tpu.memory_space<hbm>> -> memref<1x1024x32xf32, #tpu.memory_space<hbm>>
    %dma_start3A_176 = tpu.memref_squeeze %dma_start3A_175 : memref<1x1024x32xf32, #tpu.memory_space<hbm>> -> memref<1024x32xf32, #tpu.memory_space<hbm>>
    %dma_start3A_177 = arith.constant 0 : i32
    %dma_start3A_178 = tpu.memref_slice %arg4[%div3A_166, %rem3A_168, %dma_start3A_177] : memref<50x16384x32xf32, #tpu.memory_space<hbm>> -> memref<1x1024x32xf32, #tpu.memory_space<hbm>>
    %dma_start3A_179 = tpu.memref_squeeze %dma_start3A_178 : memref<1x1024x32xf32, #tpu.memory_space<hbm>> -> memref<1024x32xf32, #tpu.memory_space<hbm>>
    %dma_start3A_180 = arith.constant 0 : i32
    %dma_start3A_181 = arith.constant 0 : i32
    %dma_start3A_182 = tpu.memref_slice %arg6[%dma_start3A_169, %dma_start3A_180, %dma_start3A_181] : memref<3x1024x32xf32, #tpu.memory_space<vmem>> -> memref<1x1024x32xf32, #tpu.memory_space<vmem>>
    %dma_start3A_183 = tpu.memref_squeeze %dma_start3A_182 : memref<1x1024x32xf32, #tpu.memory_space<vmem>> -> memref<1024x32xf32, #tpu.memory_space<vmem>>
    tpu.enqueue_dma source(%dma_start3A_183 : memref<1024x32xf32, #tpu.memory_space<vmem>>) target(%dma_start3A_179 : memref<1024x32xf32, #tpu.memory_space<hbm>>) target_semaphore(%arg12 : memref<!tpu.dma_semaphore, #tpu.memory_space<semaphore_mem>>)
    %add3A_184 = arith.constant 2048 : i32
    %add3A_185 = arith.addi %mul3A_2, %add3A_184 : i32
    %div3A_186 = arith.constant 16384 : i32
    %div3A_187 = arith.divsi %add3A_185, %div3A_186 : i32
    %rem3A_188 = arith.constant 16384 : i32
    %rem3A_189 = arith.remsi %add3A_185, %rem3A_188 : i32
    %dma_wait3A_190 = arith.constant 2 : i32
    %dma_wait3A_191 = arith.constant 0 : i32
    %dma_wait3A_192 = arith.constant 0 : i32
    %dma_wait3A_193 = tpu.memref_slice %arg6[%dma_wait3A_190, %dma_wait3A_191, %dma_wait3A_192] : memref<3x1024x32xf32, #tpu.memory_space<vmem>> -> memref<1x1024x32xf32, #tpu.memory_space<vmem>>
    %dma_wait3A_194 = tpu.memref_squeeze %dma_wait3A_193 : memref<1x1024x32xf32, #tpu.memory_space<vmem>> -> memref<1024x32xf32, #tpu.memory_space<vmem>>
    %dma_wait3A_195 = arith.constant 0 : i32
    %dma_wait3A_196 = tpu.memref_slice %arg4[%div3A_187, %rem3A_189, %dma_wait3A_195] : memref<50x16384x32xf32, #tpu.memory_space<hbm>> -> memref<1x1024x32xf32, #tpu.memory_space<hbm>>
    %dma_wait3A_197 = tpu.memref_squeeze %dma_wait3A_196 : memref<1x1024x32xf32, #tpu.memory_space<hbm>> -> memref<1024x32xf32, #tpu.memory_space<hbm>>
    %dma_wait3A_198 = arith.constant 0 : i32
    %dma_wait3A_199 = tpu.memref_slice %arg4[%div3A_187, %rem3A_189, %dma_wait3A_198] : memref<50x16384x32xf32, #tpu.memory_space<hbm>> -> memref<1x1024x32xf32, #tpu.memory_space<hbm>>
    %dma_wait3A_200 = tpu.memref_squeeze %dma_wait3A_199 : memref<1x1024x32xf32, #tpu.memory_space<hbm>> -> memref<1024x32xf32, #tpu.memory_space<hbm>>
    %dma_wait3A_201 = arith.constant 0 : i32
    %dma_wait3A_202 = arith.constant 0 : i32
    %dma_wait3A_203 = tpu.memref_slice %arg6[%dma_wait3A_190, %dma_wait3A_201, %dma_wait3A_202] : memref<3x1024x32xf32, #tpu.memory_space<vmem>> -> memref<1x1024x32xf32, #tpu.memory_space<vmem>>
    %dma_wait3A_204 = tpu.memref_squeeze %dma_wait3A_203 : memref<1x1024x32xf32, #tpu.memory_space<vmem>> -> memref<1024x32xf32, #tpu.memory_space<vmem>>
    tpu.wait_dma2 semaphore(%arg12 : memref<!tpu.dma_semaphore, #tpu.memory_space<semaphore_mem>>) src(%dma_wait3A_204 : memref<1024x32xf32, #tpu.memory_space<vmem>>) dst(%dma_wait3A_200 : memref<1024x32xf32, #tpu.memory_space<hbm>>)
    %dma_start3A_205 = arith.constant 2 : i32
    %dma_start3A_206 = arith.constant 0 : i32
    %dma_start3A_207 = arith.constant 0 : i32
    %dma_start3A_208 = tpu.memref_slice %arg6[%dma_start3A_205, %dma_start3A_206, %dma_start3A_207] : memref<3x1024x32xf32, #tpu.memory_space<vmem>> -> memref<1x1024x32xf32, #tpu.memory_space<vmem>>
    %dma_start3A_209 = tpu.memref_squeeze %dma_start3A_208 : memref<1x1024x32xf32, #tpu.memory_space<vmem>> -> memref<1024x32xf32, #tpu.memory_space<vmem>>
    %dma_start3A_210 = arith.constant 5120 : i32
    %dma_start3A_211 = tpu.memref_slice %arg5[%dma_start3A_210] : memref<25600xi32, #tpu.memory_space<vmem>> -> memref<1024xi32, #tpu.memory_space<vmem>>
    %dma_start3A_212 = arith.constant 0 : i32
    %dma_start3A_213 = arith.constant 0 : i32
    %dma_start3A_214 = tpu.memref_slice %arg3[%dma_start3A_212, %dma_start3A_213] : memref<1000000x32xf32, #tpu.memory_space<hbm>> -> memref<1000000x32xf32, #tpu.memory_space<hbm>>
    tpu.enqueue_indirect_dma source(%dma_start3A_214 : memref<1000000x32xf32, #tpu.memory_space<hbm>>) target(%dma_start3A_209 : memref<1024x32xf32, #tpu.memory_space<vmem>>) offsets(%dma_start3A_211 : memref<1024xi32, #tpu.memory_space<vmem>>) semaphore(%arg9 : memref<!tpu.dma_semaphore, #tpu.memory_space<semaphore_mem>>)
    %dma_wait3A_215 = arith.constant 0 : i32
    %dma_wait3A_216 = arith.constant 0 : i32
    %dma_wait3A_217 = arith.constant 0 : i32
    %dma_wait3A_218 = tpu.memref_slice %arg6[%dma_wait3A_215, %dma_wait3A_216, %dma_wait3A_217] : memref<3x1024x32xf32, #tpu.memory_space<vmem>> -> memref<1x1024x32xf32, #tpu.memory_space<vmem>>
    %dma_wait3A_219 = tpu.memref_squeeze %dma_wait3A_218 : memref<1x1024x32xf32, #tpu.memory_space<vmem>> -> memref<1024x32xf32, #tpu.memory_space<vmem>>
    %dma_wait3A_220 = arith.constant 3072 : i32
    %dma_wait3A_221 = tpu.memref_slice %arg5[%dma_wait3A_220] : memref<25600xi32, #tpu.memory_space<vmem>> -> memref<1024xi32, #tpu.memory_space<vmem>>
    %dma_wait3A_222 = arith.constant 0 : i32
    %dma_wait3A_223 = arith.constant 0 : i32
    %dma_wait3A_224 = tpu.memref_slice %arg3[%dma_wait3A_222, %dma_wait3A_223] : memref<1000000x32xf32, #tpu.memory_space<hbm>> -> memref<1000000x32xf32, #tpu.memory_space<hbm>>
    tpu.wait_indirect_dma semaphore(%arg7 : memref<!tpu.dma_semaphore, #tpu.memory_space<semaphore_mem>>) src(%dma_wait3A_224 : memref<1000000x32xf32, #tpu.memory_space<hbm>>) dst(%dma_wait3A_219 : memref<1024x32xf32, #tpu.memory_space<vmem>>)
    %add3A_225 = arith.constant 3072 : i32
    %add3A_226 = arith.addi %mul3A_2, %add3A_225 : i32
    %div3A_227 = arith.constant 16384 : i32
    %div3A_228 = arith.divsi %add3A_226, %div3A_227 : i32
    %rem3A_229 = arith.constant 16384 : i32
    %rem3A_230 = arith.remsi %add3A_226, %rem3A_229 : i32
    %dma_start3A_231 = arith.constant 0 : i32
    %dma_start3A_232 = arith.constant 0 : i32
    %dma_start3A_233 = arith.constant 0 : i32
    %dma_start3A_234 = tpu.memref_slice %arg6[%dma_start3A_231, %dma_start3A_232, %dma_start3A_233] : memref<3x1024x32xf32, #tpu.memory_space<vmem>> -> memref<1x1024x32xf32, #tpu.memory_space<vmem>>
    %dma_start3A_235 = tpu.memref_squeeze %dma_start3A_234 : memref<1x1024x32xf32, #tpu.memory_space<vmem>> -> memref<1024x32xf32, #tpu.memory_space<vmem>>
    %dma_start3A_236 = arith.constant 0 : i32
    %dma_start3A_237 = tpu.memref_slice %arg4[%div3A_228, %rem3A_230, %dma_start3A_236] : memref<50x16384x32xf32, #tpu.memory_space<hbm>> -> memref<1x1024x32xf32, #tpu.memory_space<hbm>>
    %dma_start3A_238 = tpu.memref_squeeze %dma_start3A_237 : memref<1x1024x32xf32, #tpu.memory_space<hbm>> -> memref<1024x32xf32, #tpu.memory_space<hbm>>
    %dma_start3A_239 = arith.constant 0 : i32
    %dma_start3A_240 = tpu.memref_slice %arg4[%div3A_228, %rem3A_230, %dma_start3A_239] : memref<50x16384x32xf32, #tpu.memory_space<hbm>> -> memref<1x1024x32xf32, #tpu.memory_space<hbm>>
    %dma_start3A_241 = tpu.memref_squeeze %dma_start3A_240 : memref<1x1024x32xf32, #tpu.memory_space<hbm>> -> memref<1024x32xf32, #tpu.memory_space<hbm>>
    %dma_start3A_242 = arith.constant 0 : i32
    %dma_start3A_243 = arith.constant 0 : i32
    %dma_start3A_244 = tpu.memref_slice %arg6[%dma_start3A_231, %dma_start3A_242, %dma_start3A_243] : memref<3x1024x32xf32, #tpu.memory_space<vmem>> -> memref<1x1024x32xf32, #tpu.memory_space<vmem>>
    %dma_start3A_245 = tpu.memref_squeeze %dma_start3A_244 : memref<1x1024x32xf32, #tpu.memory_space<vmem>> -> memref<1024x32xf32, #tpu.memory_space<vmem>>
    tpu.enqueue_dma source(%dma_start3A_245 : memref<1024x32xf32, #tpu.memory_space<vmem>>) target(%dma_start3A_241 : memref<1024x32xf32, #tpu.memory_space<hbm>>) target_semaphore(%arg10 : memref<!tpu.dma_semaphore, #tpu.memory_space<semaphore_mem>>)
    %add3A_246 = arith.constant 3072 : i32
    %add3A_247 = arith.addi %mul3A_2, %add3A_246 : i32
    %div3A_248 = arith.constant 16384 : i32
    %div3A_249 = arith.divsi %add3A_247, %div3A_248 : i32
    %rem3A_250 = arith.constant 16384 : i32
    %rem3A_251 = arith.remsi %add3A_247, %rem3A_250 : i32
    %dma_wait3A_252 = arith.constant 0 : i32
    %dma_wait3A_253 = arith.constant 0 : i32
    %dma_wait3A_254 = arith.constant 0 : i32
    %dma_wait3A_255 = tpu.memref_slice %arg6[%dma_wait3A_252, %dma_wait3A_253, %dma_wait3A_254] : memref<3x1024x32xf32, #tpu.memory_space<vmem>> -> memref<1x1024x32xf32, #tpu.memory_space<vmem>>
    %dma_wait3A_256 = tpu.memref_squeeze %dma_wait3A_255 : memref<1x1024x32xf32, #tpu.memory_space<vmem>> -> memref<1024x32xf32, #tpu.memory_space<vmem>>
    %dma_wait3A_257 = arith.constant 0 : i32
    %dma_wait3A_258 = tpu.memref_slice %arg4[%div3A_249, %rem3A_251, %dma_wait3A_257] : memref<50x16384x32xf32, #tpu.memory_space<hbm>> -> memref<1x1024x32xf32, #tpu.memory_space<hbm>>
    %dma_wait3A_259 = tpu.memref_squeeze %dma_wait3A_258 : memref<1x1024x32xf32, #tpu.memory_space<hbm>> -> memref<1024x32xf32, #tpu.memory_space<hbm>>
    %dma_wait3A_260 = arith.constant 0 : i32
    %dma_wait3A_261 = tpu.memref_slice %arg4[%div3A_249, %rem3A_251, %dma_wait3A_260] : memref<50x16384x32xf32, #tpu.memory_space<hbm>> -> memref<1x1024x32xf32, #tpu.memory_space<hbm>>
    %dma_wait3A_262 = tpu.memref_squeeze %dma_wait3A_261 : memref<1x1024x32xf32, #tpu.memory_space<hbm>> -> memref<1024x32xf32, #tpu.memory_space<hbm>>
    %dma_wait3A_263 = arith.constant 0 : i32
    %dma_wait3A_264 = arith.constant 0 : i32
    %dma_wait3A_265 = tpu.memref_slice %arg6[%dma_wait3A_252, %dma_wait3A_263, %dma_wait3A_264] : memref<3x1024x32xf32, #tpu.memory_space<vmem>> -> memref<1x1024x32xf32, #tpu.memory_space<vmem>>
    %dma_wait3A_266 = tpu.memref_squeeze %dma_wait3A_265 : memref<1x1024x32xf32, #tpu.memory_space<vmem>> -> memref<1024x32xf32, #tpu.memory_space<vmem>>
    tpu.wait_dma2 semaphore(%arg10 : memref<!tpu.dma_semaphore, #tpu.memory_space<semaphore_mem>>) src(%dma_wait3A_266 : memref<1024x32xf32, #tpu.memory_space<vmem>>) dst(%dma_wait3A_262 : memref<1024x32xf32, #tpu.memory_space<hbm>>)
    %dma_start3A_267 = arith.constant 0 : i32
    %dma_start3A_268 = arith.constant 0 : i32
    %dma_start3A_269 = arith.constant 0 : i32
    %dma_start3A_270 = tpu.memref_slice %arg6[%dma_start3A_267, %dma_start3A_268, %dma_start3A_269] : memref<3x1024x32xf32, #tpu.memory_space<vmem>> -> memref<1x1024x32xf32, #tpu.memory_space<vmem>>
    %dma_start3A_271 = tpu.memref_squeeze %dma_start3A_270 : memref<1x1024x32xf32, #tpu.memory_space<vmem>> -> memref<1024x32xf32, #tpu.memory_space<vmem>>
    %dma_start3A_272 = arith.constant 6144 : i32
    %dma_start3A_273 = tpu.memref_slice %arg5[%dma_start3A_272] : memref<25600xi32, #tpu.memory_space<vmem>> -> memref<1024xi32, #tpu.memory_space<vmem>>
    %dma_start3A_274 = arith.constant 0 : i32
    %dma_start3A_275 = arith.constant 0 : i32
    %dma_start3A_276 = tpu.memref_slice %arg3[%dma_start3A_274, %dma_start3A_275] : memref<1000000x32xf32, #tpu.memory_space<hbm>> -> memref<1000000x32xf32, #tpu.memory_space<hbm>>
    tpu.enqueue_indirect_dma source(%dma_start3A_276 : memref<1000000x32xf32, #tpu.memory_space<hbm>>) target(%dma_start3A_271 : memref<1024x32xf32, #tpu.memory_space<vmem>>) offsets(%dma_start3A_273 : memref<1024xi32, #tpu.memory_space<vmem>>) semaphore(%arg7 : memref<!tpu.dma_semaphore, #tpu.memory_space<semaphore_mem>>)
    %dma_wait3A_277 = arith.constant 1 : i32
    %dma_wait3A_278 = arith.constant 0 : i32
    %dma_wait3A_279 = arith.constant 0 : i32
    %dma_wait3A_280 = tpu.memref_slice %arg6[%dma_wait3A_277, %dma_wait3A_278, %dma_wait3A_279] : memref<3x1024x32xf32, #tpu.memory_space<vmem>> -> memref<1x1024x32xf32, #tpu.memory_space<vmem>>
    %dma_wait3A_281 = tpu.memref_squeeze %dma_wait3A_280 : memref<1x1024x32xf32, #tpu.memory_space<vmem>> -> memref<1024x32xf32, #tpu.memory_space<vmem>>
    %dma_wait3A_282 = arith.constant 4096 : i32
    %dma_wait3A_283 = tpu.memref_slice %arg5[%dma_wait3A_282] : memref<25600xi32, #tpu.memory_space<vmem>> -> memref<1024xi32, #tpu.memory_space<vmem>>
    %dma_wait3A_284 = arith.constant 0 : i32
    %dma_wait3A_285 = arith.constant 0 : i32
    %dma_wait3A_286 = tpu.memref_slice %arg3[%dma_wait3A_284, %dma_wait3A_285] : memref<1000000x32xf32, #tpu.memory_space<hbm>> -> memref<1000000x32xf32, #tpu.memory_space<hbm>>
    tpu.wait_indirect_dma semaphore(%arg8 : memref<!tpu.dma_semaphore, #tpu.memory_space<semaphore_mem>>) src(%dma_wait3A_286 : memref<1000000x32xf32, #tpu.memory_space<hbm>>) dst(%dma_wait3A_281 : memref<1024x32xf32, #tpu.memory_space<vmem>>)
    %add3A_287 = arith.constant 4096 : i32
    %add3A_288 = arith.addi %mul3A_2, %add3A_287 : i32
    %div3A_289 = arith.constant 16384 : i32
    %div3A_290 = arith.divsi %add3A_288, %div3A_289 : i32
    %rem3A_291 = arith.constant 16384 : i32
    %rem3A_292 = arith.remsi %add3A_288, %rem3A_291 : i32
    %dma_start3A_293 = arith.constant 1 : i32
    %dma_start3A_294 = arith.constant 0 : i32
    %dma_start3A_295 = arith.constant 0 : i32
    %dma_start3A_296 = tpu.memref_slice %arg6[%dma_start3A_293, %dma_start3A_294, %dma_start3A_295] : memref<3x1024x32xf32, #tpu.memory_space<vmem>> -> memref<1x1024x32xf32, #tpu.memory_space<vmem>>
    %dma_start3A_297 = tpu.memref_squeeze %dma_start3A_296 : memref<1x1024x32xf32, #tpu.memory_space<vmem>> -> memref<1024x32xf32, #tpu.memory_space<vmem>>
    %dma_start3A_298 = arith.constant 0 : i32
    %dma_start3A_299 = tpu.memref_slice %arg4[%div3A_290, %rem3A_292, %dma_start3A_298] : memref<50x16384x32xf32, #tpu.memory_space<hbm>> -> memref<1x1024x32xf32, #tpu.memory_space<hbm>>
    %dma_start3A_300 = tpu.memref_squeeze %dma_start3A_299 : memref<1x1024x32xf32, #tpu.memory_space<hbm>> -> memref<1024x32xf32, #tpu.memory_space<hbm>>
    %dma_start3A_301 = arith.constant 0 : i32
    %dma_start3A_302 = tpu.memref_slice %arg4[%div3A_290, %rem3A_292, %dma_start3A_301] : memref<50x16384x32xf32, #tpu.memory_space<hbm>> -> memref<1x1024x32xf32, #tpu.memory_space<hbm>>
    %dma_start3A_303 = tpu.memref_squeeze %dma_start3A_302 : memref<1x1024x32xf32, #tpu.memory_space<hbm>> -> memref<1024x32xf32, #tpu.memory_space<hbm>>
    %dma_start3A_304 = arith.constant 0 : i32
    %dma_start3A_305 = arith.constant 0 : i32
    %dma_start3A_306 = tpu.memref_slice %arg6[%dma_start3A_293, %dma_start3A_304, %dma_start3A_305] : memref<3x1024x32xf32, #tpu.memory_space<vmem>> -> memref<1x1024x32xf32, #tpu.memory_space<vmem>>
    %dma_start3A_307 = tpu.memref_squeeze %dma_start3A_306 : memref<1x1024x32xf32, #tpu.memory_space<vmem>> -> memref<1024x32xf32, #tpu.memory_space<vmem>>
    tpu.enqueue_dma source(%dma_start3A_307 : memref<1024x32xf32, #tpu.memory_space<vmem>>) target(%dma_start3A_303 : memref<1024x32xf32, #tpu.memory_space<hbm>>) target_semaphore(%arg11 : memref<!tpu.dma_semaphore, #tpu.memory_space<semaphore_mem>>)
    %add3A_308 = arith.constant 4096 : i32
    %add3A_309 = arith.addi %mul3A_2, %add3A_308 : i32
    %div3A_310 = arith.constant 16384 : i32
    %div3A_311 = arith.divsi %add3A_309, %div3A_310 : i32
    %rem3A_312 = arith.constant 16384 : i32
    %rem3A_313 = arith.remsi %add3A_309, %rem3A_312 : i32
    %dma_wait3A_314 = arith.constant 1 : i32
    %dma_wait3A_315 = arith.constant 0 : i32
    %dma_wait3A_316 = arith.constant 0 : i32
    %dma_wait3A_317 = tpu.memref_slice %arg6[%dma_wait3A_314, %dma_wait3A_315, %dma_wait3A_316] : memref<3x1024x32xf32, #tpu.memory_space<vmem>> -> memref<1x1024x32xf32, #tpu.memory_space<vmem>>
    %dma_wait3A_318 = tpu.memref_squeeze %dma_wait3A_317 : memref<1x1024x32xf32, #tpu.memory_space<vmem>> -> memref<1024x32xf32, #tpu.memory_space<vmem>>
    %dma_wait3A_319 = arith.constant 0 : i32
    %dma_wait3A_320 = tpu.memref_slice %arg4[%div3A_311, %rem3A_313, %dma_wait3A_319] : memref<50x16384x32xf32, #tpu.memory_space<hbm>> -> memref<1x1024x32xf32, #tpu.memory_space<hbm>>
    %dma_wait3A_321 = tpu.memref_squeeze %dma_wait3A_320 : memref<1x1024x32xf32, #tpu.memory_space<hbm>> -> memref<1024x32xf32, #tpu.memory_space<hbm>>
    %dma_wait3A_322 = arith.constant 0 : i32
    %dma_wait3A_323 = tpu.memref_slice %arg4[%div3A_311, %rem3A_313, %dma_wait3A_322] : memref<50x16384x32xf32, #tpu.memory_space<hbm>> -> memref<1x1024x32xf32, #tpu.memory_space<hbm>>
    %dma_wait3A_324 = tpu.memref_squeeze %dma_wait3A_323 : memref<1x1024x32xf32, #tpu.memory_space<hbm>> -> memref<1024x32xf32, #tpu.memory_space<hbm>>
    %dma_wait3A_325 = arith.constant 0 : i32
    %dma_wait3A_326 = arith.constant 0 : i32
    %dma_wait3A_327 = tpu.memref_slice %arg6[%dma_wait3A_314, %dma_wait3A_325, %dma_wait3A_326] : memref<3x1024x32xf32, #tpu.memory_space<vmem>> -> memref<1x1024x32xf32, #tpu.memory_space<vmem>>
    %dma_wait3A_328 = tpu.memref_squeeze %dma_wait3A_327 : memref<1x1024x32xf32, #tpu.memory_space<vmem>> -> memref<1024x32xf32, #tpu.memory_space<vmem>>
    tpu.wait_dma2 semaphore(%arg11 : memref<!tpu.dma_semaphore, #tpu.memory_space<semaphore_mem>>) src(%dma_wait3A_328 : memref<1024x32xf32, #tpu.memory_space<vmem>>) dst(%dma_wait3A_324 : memref<1024x32xf32, #tpu.memory_space<hbm>>)
    %dma_start3A_329 = arith.constant 1 : i32
    %dma_start3A_330 = arith.constant 0 : i32
    %dma_start3A_331 = arith.constant 0 : i32
    %dma_start3A_332 = tpu.memref_slice %arg6[%dma_start3A_329, %dma_start3A_330, %dma_start3A_331] : memref<3x1024x32xf32, #tpu.memory_space<vmem>> -> memref<1x1024x32xf32, #tpu.memory_space<vmem>>
    %dma_start3A_333 = tpu.memref_squeeze %dma_start3A_332 : memref<1x1024x32xf32, #tpu.memory_space<vmem>> -> memref<1024x32xf32, #tpu.memory_space<vmem>>
    %dma_start3A_334 = arith.constant 7168 : i32
    %dma_start3A_335 = tpu.memref_slice %arg5[%dma_start3A_334] : memref<25600xi32, #tpu.memory_space<vmem>> -> memref<1024xi32, #tpu.memory_space<vmem>>
    %dma_start3A_336 = arith.constant 0 : i32
    %dma_start3A_337 = arith.constant 0 : i32
    %dma_start3A_338 = tpu.memref_slice %arg3[%dma_start3A_336, %dma_start3A_337] : memref<1000000x32xf32, #tpu.memory_space<hbm>> -> memref<1000000x32xf32, #tpu.memory_space<hbm>>
    tpu.enqueue_indirect_dma source(%dma_start3A_338 : memref<1000000x32xf32, #tpu.memory_space<hbm>>) target(%dma_start3A_333 : memref<1024x32xf32, #tpu.memory_space<vmem>>) offsets(%dma_start3A_335 : memref<1024xi32, #tpu.memory_space<vmem>>) semaphore(%arg8 : memref<!tpu.dma_semaphore, #tpu.memory_space<semaphore_mem>>)
    %dma_wait3A_339 = arith.constant 2 : i32
    %dma_wait3A_340 = arith.constant 0 : i32
    %dma_wait3A_341 = arith.constant 0 : i32
    %dma_wait3A_342 = tpu.memref_slice %arg6[%dma_wait3A_339, %dma_wait3A_340, %dma_wait3A_341] : memref<3x1024x32xf32, #tpu.memory_space<vmem>> -> memref<1x1024x32xf32, #tpu.memory_space<vmem>>
    %dma_wait3A_343 = tpu.memref_squeeze %dma_wait3A_342 : memref<1x1024x32xf32, #tpu.memory_space<vmem>> -> memref<1024x32xf32, #tpu.memory_space<vmem>>
    %dma_wait3A_344 = arith.constant 5120 : i32
    %dma_wait3A_345 = tpu.memref_slice %arg5[%dma_wait3A_344] : memref<25600xi32, #tpu.memory_space<vmem>> -> memref<1024xi32, #tpu.memory_space<vmem>>
    %dma_wait3A_346 = arith.constant 0 : i32
    %dma_wait3A_347 = arith.constant 0 : i32
    %dma_wait3A_348 = tpu.memref_slice %arg3[%dma_wait3A_346, %dma_wait3A_347] : memref<1000000x32xf32, #tpu.memory_space<hbm>> -> memref<1000000x32xf32, #tpu.memory_space<hbm>>
    tpu.wait_indirect_dma semaphore(%arg9 : memref<!tpu.dma_semaphore, #tpu.memory_space<semaphore_mem>>) src(%dma_wait3A_348 : memref<1000000x32xf32, #tpu.memory_space<hbm>>) dst(%dma_wait3A_343 : memref<1024x32xf32, #tpu.memory_space<vmem>>)
    %add3A_349 = arith.constant 5120 : i32
    %add3A_350 = arith.addi %mul3A_2, %add3A_349 : i32
    %div3A_351 = arith.constant 16384 : i32
    %div3A_352 = arith.divsi %add3A_350, %div3A_351 : i32
    %rem3A_353 = arith.constant 16384 : i32
    %rem3A_354 = arith.remsi %add3A_350, %rem3A_353 : i32
    %dma_start3A_355 = arith.constant 2 : i32
    %dma_start3A_356 = arith.constant 0 : i32
    %dma_start3A_357 = arith.constant 0 : i32
    %dma_start3A_358 = tpu.memref_slice %arg6[%dma_start3A_355, %dma_start3A_356, %dma_start3A_357] : memref<3x1024x32xf32, #tpu.memory_space<vmem>> -> memref<1x1024x32xf32, #tpu.memory_space<vmem>>
    %dma_start3A_359 = tpu.memref_squeeze %dma_start3A_358 : memref<1x1024x32xf32, #tpu.memory_space<vmem>> -> memref<1024x32xf32, #tpu.memory_space<vmem>>
    %dma_start3A_360 = arith.constant 0 : i32
    %dma_start3A_361 = tpu.memref_slice %arg4[%div3A_352, %rem3A_354, %dma_start3A_360] : memref<50x16384x32xf32, #tpu.memory_space<hbm>> -> memref<1x1024x32xf32, #tpu.memory_space<hbm>>
    %dma_start3A_362 = tpu.memref_squeeze %dma_start3A_361 : memref<1x1024x32xf32, #tpu.memory_space<hbm>> -> memref<1024x32xf32, #tpu.memory_space<hbm>>
    %dma_start3A_363 = arith.constant 0 : i32
    %dma_start3A_364 = tpu.memref_slice %arg4[%div3A_352, %rem3A_354, %dma_start3A_363] : memref<50x16384x32xf32, #tpu.memory_space<hbm>> -> memref<1x1024x32xf32, #tpu.memory_space<hbm>>
    %dma_start3A_365 = tpu.memref_squeeze %dma_start3A_364 : memref<1x1024x32xf32, #tpu.memory_space<hbm>> -> memref<1024x32xf32, #tpu.memory_space<hbm>>
    %dma_start3A_366 = arith.constant 0 : i32
    %dma_start3A_367 = arith.constant 0 : i32
    %dma_start3A_368 = tpu.memref_slice %arg6[%dma_start3A_355, %dma_start3A_366, %dma_start3A_367] : memref<3x1024x32xf32, #tpu.memory_space<vmem>> -> memref<1x1024x32xf32, #tpu.memory_space<vmem>>
    %dma_start3A_369 = tpu.memref_squeeze %dma_start3A_368 : memref<1x1024x32xf32, #tpu.memory_space<vmem>> -> memref<1024x32xf32, #tpu.memory_space<vmem>>
    tpu.enqueue_dma source(%dma_start3A_369 : memref<1024x32xf32, #tpu.memory_space<vmem>>) target(%dma_start3A_365 : memref<1024x32xf32, #tpu.memory_space<hbm>>) target_semaphore(%arg12 : memref<!tpu.dma_semaphore, #tpu.memory_space<semaphore_mem>>)
    %add3A_370 = arith.constant 5120 : i32
    %add3A_371 = arith.addi %mul3A_2, %add3A_370 : i32
    %div3A_372 = arith.constant 16384 : i32
    %div3A_373 = arith.divsi %add3A_371, %div3A_372 : i32
    %rem3A_374 = arith.constant 16384 : i32
    %rem3A_375 = arith.remsi %add3A_371, %rem3A_374 : i32
    %dma_wait3A_376 = arith.constant 2 : i32
    %dma_wait3A_377 = arith.constant 0 : i32
    %dma_wait3A_378 = arith.constant 0 : i32
    %dma_wait3A_379 = tpu.memref_slice %arg6[%dma_wait3A_376, %dma_wait3A_377, %dma_wait3A_378] : memref<3x1024x32xf32, #tpu.memory_space<vmem>> -> memref<1x1024x32xf32, #tpu.memory_space<vmem>>
    %dma_wait3A_380 = tpu.memref_squeeze %dma_wait3A_379 : memref<1x1024x32xf32, #tpu.memory_space<vmem>> -> memref<1024x32xf32, #tpu.memory_space<vmem>>
    %dma_wait3A_381 = arith.constant 0 : i32
    %dma_wait3A_382 = tpu.memref_slice %arg4[%div3A_373, %rem3A_375, %dma_wait3A_381] : memref<50x16384x32xf32, #tpu.memory_space<hbm>> -> memref<1x1024x32xf32, #tpu.memory_space<hbm>>
    %dma_wait3A_383 = tpu.memref_squeeze %dma_wait3A_382 : memref<1x1024x32xf32, #tpu.memory_space<hbm>> -> memref<1024x32xf32, #tpu.memory_space<hbm>>
    %dma_wait3A_384 = arith.constant 0 : i32
    %dma_wait3A_385 = tpu.memref_slice %arg4[%div3A_373, %rem3A_375, %dma_wait3A_384] : memref<50x16384x32xf32, #tpu.memory_space<hbm>> -> memref<1x1024x32xf32, #tpu.memory_space<hbm>>
    %dma_wait3A_386 = tpu.memref_squeeze %dma_wait3A_385 : memref<1x1024x32xf32, #tpu.memory_space<hbm>> -> memref<1024x32xf32, #tpu.memory_space<hbm>>
    %dma_wait3A_387 = arith.constant 0 : i32
    %dma_wait3A_388 = arith.constant 0 : i32
    %dma_wait3A_389 = tpu.memref_slice %arg6[%dma_wait3A_376, %dma_wait3A_387, %dma_wait3A_388] : memref<3x1024x32xf32, #tpu.memory_space<vmem>> -> memref<1x1024x32xf32, #tpu.memory_space<vmem>>
    %dma_wait3A_390 = tpu.memref_squeeze %dma_wait3A_389 : memref<1x1024x32xf32, #tpu.memory_space<vmem>> -> memref<1024x32xf32, #tpu.memory_space<vmem>>
    tpu.wait_dma2 semaphore(%arg12 : memref<!tpu.dma_semaphore, #tpu.memory_space<semaphore_mem>>) src(%dma_wait3A_390 : memref<1024x32xf32, #tpu.memory_space<vmem>>) dst(%dma_wait3A_386 : memref<1024x32xf32, #tpu.memory_space<hbm>>)
    %dma_start3A_391 = arith.constant 2 : i32
    %dma_start3A_392 = arith.constant 0 : i32
    %dma_start3A_393 = arith.constant 0 : i32
    %dma_start3A_394 = tpu.memref_slice %arg6[%dma_start3A_391, %dma_start3A_392, %dma_start3A_393] : memref<3x1024x32xf32, #tpu.memory_space<vmem>> -> memref<1x1024x32xf32, #tpu.memory_space<vmem>>
    %dma_start3A_395 = tpu.memref_squeeze %dma_start3A_394 : memref<1x1024x32xf32, #tpu.memory_space<vmem>> -> memref<1024x32xf32, #tpu.memory_space<vmem>>
    %dma_start3A_396 = arith.constant 8192 : i32
    %dma_start3A_397 = tpu.memref_slice %arg5[%dma_start3A_396] : memref<25600xi32, #tpu.memory_space<vmem>> -> memref<1024xi32, #tpu.memory_space<vmem>>
    %dma_start3A_398 = arith.constant 0 : i32
    %dma_start3A_399 = arith.constant 0 : i32
    %dma_start3A_400 = tpu.memref_slice %arg3[%dma_start3A_398, %dma_start3A_399] : memref<1000000x32xf32, #tpu.memory_space<hbm>> -> memref<1000000x32xf32, #tpu.memory_space<hbm>>
    tpu.enqueue_indirect_dma source(%dma_start3A_400 : memref<1000000x32xf32, #tpu.memory_space<hbm>>) target(%dma_start3A_395 : memref<1024x32xf32, #tpu.memory_space<vmem>>) offsets(%dma_start3A_397 : memref<1024xi32, #tpu.memory_space<vmem>>) semaphore(%arg9 : memref<!tpu.dma_semaphore, #tpu.memory_space<semaphore_mem>>)
    %dma_wait3A_401 = arith.constant 0 : i32
    %dma_wait3A_402 = arith.constant 0 : i32
    %dma_wait3A_403 = arith.constant 0 : i32
    %dma_wait3A_404 = tpu.memref_slice %arg6[%dma_wait3A_401, %dma_wait3A_402, %dma_wait3A_403] : memref<3x1024x32xf32, #tpu.memory_space<vmem>> -> memref<1x1024x32xf32, #tpu.memory_space<vmem>>
    %dma_wait3A_405 = tpu.memref_squeeze %dma_wait3A_404 : memref<1x1024x32xf32, #tpu.memory_space<vmem>> -> memref<1024x32xf32, #tpu.memory_space<vmem>>
    %dma_wait3A_406 = arith.constant 6144 : i32
    %dma_wait3A_407 = tpu.memref_slice %arg5[%dma_wait3A_406] : memref<25600xi32, #tpu.memory_space<vmem>> -> memref<1024xi32, #tpu.memory_space<vmem>>
    %dma_wait3A_408 = arith.constant 0 : i32
    %dma_wait3A_409 = arith.constant 0 : i32
    %dma_wait3A_410 = tpu.memref_slice %arg3[%dma_wait3A_408, %dma_wait3A_409] : memref<1000000x32xf32, #tpu.memory_space<hbm>> -> memref<1000000x32xf32, #tpu.memory_space<hbm>>
    tpu.wait_indirect_dma semaphore(%arg7 : memref<!tpu.dma_semaphore, #tpu.memory_space<semaphore_mem>>) src(%dma_wait3A_410 : memref<1000000x32xf32, #tpu.memory_space<hbm>>) dst(%dma_wait3A_405 : memref<1024x32xf32, #tpu.memory_space<vmem>>)
    %add3A_411 = arith.constant 6144 : i32
    %add3A_412 = arith.addi %mul3A_2, %add3A_411 : i32
    %div3A_413 = arith.constant 16384 : i32
    %div3A_414 = arith.divsi %add3A_412, %div3A_413 : i32
    %rem3A_415 = arith.constant 16384 : i32
    %rem3A_416 = arith.remsi %add3A_412, %rem3A_415 : i32
    %dma_start3A_417 = arith.constant 0 : i32
    %dma_start3A_418 = arith.constant 0 : i32
    %dma_start3A_419 = arith.constant 0 : i32
    %dma_start3A_420 = tpu.memref_slice %arg6[%dma_start3A_417, %dma_start3A_418, %dma_start3A_419] : memref<3x1024x32xf32, #tpu.memory_space<vmem>> -> memref<1x1024x32xf32, #tpu.memory_space<vmem>>
    %dma_start3A_421 = tpu.memref_squeeze %dma_start3A_420 : memref<1x1024x32xf32, #tpu.memory_space<vmem>> -> memref<1024x32xf32, #tpu.memory_space<vmem>>
    %dma_start3A_422 = arith.constant 0 : i32
    %dma_start3A_423 = tpu.memref_slice %arg4[%div3A_414, %rem3A_416, %dma_start3A_422] : memref<50x16384x32xf32, #tpu.memory_space<hbm>> -> memref<1x1024x32xf32, #tpu.memory_space<hbm>>
    %dma_start3A_424 = tpu.memref_squeeze %dma_start3A_423 : memref<1x1024x32xf32, #tpu.memory_space<hbm>> -> memref<1024x32xf32, #tpu.memory_space<hbm>>
    %dma_start3A_425 = arith.constant 0 : i32
    %dma_start3A_426 = tpu.memref_slice %arg4[%div3A_414, %rem3A_416, %dma_start3A_425] : memref<50x16384x32xf32, #tpu.memory_space<hbm>> -> memref<1x1024x32xf32, #tpu.memory_space<hbm>>
    %dma_start3A_427 = tpu.memref_squeeze %dma_start3A_426 : memref<1x1024x32xf32, #tpu.memory_space<hbm>> -> memref<1024x32xf32, #tpu.memory_space<hbm>>
    %dma_start3A_428 = arith.constant 0 : i32
    %dma_start3A_429 = arith.constant 0 : i32
    %dma_start3A_430 = tpu.memref_slice %arg6[%dma_start3A_417, %dma_start3A_428, %dma_start3A_429] : memref<3x1024x32xf32, #tpu.memory_space<vmem>> -> memref<1x1024x32xf32, #tpu.memory_space<vmem>>
    %dma_start3A_431 = tpu.memref_squeeze %dma_start3A_430 : memref<1x1024x32xf32, #tpu.memory_space<vmem>> -> memref<1024x32xf32, #tpu.memory_space<vmem>>
    tpu.enqueue_dma source(%dma_start3A_431 : memref<1024x32xf32, #tpu.memory_space<vmem>>) target(%dma_start3A_427 : memref<1024x32xf32, #tpu.memory_space<hbm>>) target_semaphore(%arg10 : memref<!tpu.dma_semaphore, #tpu.memory_space<semaphore_mem>>)
    %add3A_432 = arith.constant 6144 : i32
    %add3A_433 = arith.addi %mul3A_2, %add3A_432 : i32
    %div3A_434 = arith.constant 16384 : i32
    %div3A_435 = arith.divsi %add3A_433, %div3A_434 : i32
    %rem3A_436 = arith.constant 16384 : i32
    %rem3A_437 = arith.remsi %add3A_433, %rem3A_436 : i32
    %dma_wait3A_438 = arith.constant 0 : i32
    %dma_wait3A_439 = arith.constant 0 : i32
    %dma_wait3A_440 = arith.constant 0 : i32
    %dma_wait3A_441 = tpu.memref_slice %arg6[%dma_wait3A_438, %dma_wait3A_439, %dma_wait3A_440] : memref<3x1024x32xf32, #tpu.memory_space<vmem>> -> memref<1x1024x32xf32, #tpu.memory_space<vmem>>
    %dma_wait3A_442 = tpu.memref_squeeze %dma_wait3A_441 : memref<1x1024x32xf32, #tpu.memory_space<vmem>> -> memref<1024x32xf32, #tpu.memory_space<vmem>>
    %dma_wait3A_443 = arith.constant 0 : i32
    %dma_wait3A_444 = tpu.memref_slice %arg4[%div3A_435, %rem3A_437, %dma_wait3A_443] : memref<50x16384x32xf32, #tpu.memory_space<hbm>> -> memref<1x1024x32xf32, #tpu.memory_space<hbm>>
    %dma_wait3A_445 = tpu.memref_squeeze %dma_wait3A_444 : memref<1x1024x32xf32, #tpu.memory_space<hbm>> -> memref<1024x32xf32, #tpu.memory_space<hbm>>
    %dma_wait3A_446 = arith.constant 0 : i32
    %dma_wait3A_447 = tpu.memref_slice %arg4[%div3A_435, %rem3A_437, %dma_wait3A_446] : memref<50x16384x32xf32, #tpu.memory_space<hbm>> -> memref<1x1024x32xf32, #tpu.memory_space<hbm>>
    %dma_wait3A_448 = tpu.memref_squeeze %dma_wait3A_447 : memref<1x1024x32xf32, #tpu.memory_space<hbm>> -> memref<1024x32xf32, #tpu.memory_space<hbm>>
    %dma_wait3A_449 = arith.constant 0 : i32
    %dma_wait3A_450 = arith.constant 0 : i32
    %dma_wait3A_451 = tpu.memref_slice %arg6[%dma_wait3A_438, %dma_wait3A_449, %dma_wait3A_450] : memref<3x1024x32xf32, #tpu.memory_space<vmem>> -> memref<1x1024x32xf32, #tpu.memory_space<vmem>>
    %dma_wait3A_452 = tpu.memref_squeeze %dma_wait3A_451 : memref<1x1024x32xf32, #tpu.memory_space<vmem>> -> memref<1024x32xf32, #tpu.memory_space<vmem>>
    tpu.wait_dma2 semaphore(%arg10 : memref<!tpu.dma_semaphore, #tpu.memory_space<semaphore_mem>>) src(%dma_wait3A_452 : memref<1024x32xf32, #tpu.memory_space<vmem>>) dst(%dma_wait3A_448 : memref<1024x32xf32, #tpu.memory_space<hbm>>)
    %dma_start3A_453 = arith.constant 0 : i32
    %dma_start3A_454 = arith.constant 0 : i32
    %dma_start3A_455 = arith.constant 0 : i32
    %dma_start3A_456 = tpu.memref_slice %arg6[%dma_start3A_453, %dma_start3A_454, %dma_start3A_455] : memref<3x1024x32xf32, #tpu.memory_space<vmem>> -> memref<1x1024x32xf32, #tpu.memory_space<vmem>>
    %dma_start3A_457 = tpu.memref_squeeze %dma_start3A_456 : memref<1x1024x32xf32, #tpu.memory_space<vmem>> -> memref<1024x32xf32, #tpu.memory_space<vmem>>
    %dma_start3A_458 = arith.constant 9216 : i32
    %dma_start3A_459 = tpu.memref_slice %arg5[%dma_start3A_458] : memref<25600xi32, #tpu.memory_space<vmem>> -> memref<1024xi32, #tpu.memory_space<vmem>>
    %dma_start3A_460 = arith.constant 0 : i32
    %dma_start3A_461 = arith.constant 0 : i32
    %dma_start3A_462 = tpu.memref_slice %arg3[%dma_start3A_460, %dma_start3A_461] : memref<1000000x32xf32, #tpu.memory_space<hbm>> -> memref<1000000x32xf32, #tpu.memory_space<hbm>>
    tpu.enqueue_indirect_dma source(%dma_start3A_462 : memref<1000000x32xf32, #tpu.memory_space<hbm>>) target(%dma_start3A_457 : memref<1024x32xf32, #tpu.memory_space<vmem>>) offsets(%dma_start3A_459 : memref<1024xi32, #tpu.memory_space<vmem>>) semaphore(%arg7 : memref<!tpu.dma_semaphore, #tpu.memory_space<semaphore_mem>>)
    %dma_wait3A_463 = arith.constant 1 : i32
    %dma_wait3A_464 = arith.constant 0 : i32
    %dma_wait3A_465 = arith.constant 0 : i32
    %dma_wait3A_466 = tpu.memref_slice %arg6[%dma_wait3A_463, %dma_wait3A_464, %dma_wait3A_465] : memref<3x1024x32xf32, #tpu.memory_space<vmem>> -> memref<1x1024x32xf32, #tpu.memory_space<vmem>>
    %dma_wait3A_467 = tpu.memref_squeeze %dma_wait3A_466 : memref<1x1024x32xf32, #tpu.memory_space<vmem>> -> memref<1024x32xf32, #tpu.memory_space<vmem>>
    %dma_wait3A_468 = arith.constant 7168 : i32
    %dma_wait3A_469 = tpu.memref_slice %arg5[%dma_wait3A_468] : memref<25600xi32, #tpu.memory_space<vmem>> -> memref<1024xi32, #tpu.memory_space<vmem>>
    %dma_wait3A_470 = arith.constant 0 : i32
    %dma_wait3A_471 = arith.constant 0 : i32
    %dma_wait3A_472 = tpu.memref_slice %arg3[%dma_wait3A_470, %dma_wait3A_471] : memref<1000000x32xf32, #tpu.memory_space<hbm>> -> memref<1000000x32xf32, #tpu.memory_space<hbm>>
    tpu.wait_indirect_dma semaphore(%arg8 : memref<!tpu.dma_semaphore, #tpu.memory_space<semaphore_mem>>) src(%dma_wait3A_472 : memref<1000000x32xf32, #tpu.memory_space<hbm>>) dst(%dma_wait3A_467 : memref<1024x32xf32, #tpu.memory_space<vmem>>)
    %add3A_473 = arith.constant 7168 : i32
    %add3A_474 = arith.addi %mul3A_2, %add3A_473 : i32
    %div3A_475 = arith.constant 16384 : i32
    %div3A_476 = arith.divsi %add3A_474, %div3A_475 : i32
    %rem3A_477 = arith.constant 16384 : i32
    %rem3A_478 = arith.remsi %add3A_474, %rem3A_477 : i32
    %dma_start3A_479 = arith.constant 1 : i32
    %dma_start3A_480 = arith.constant 0 : i32
    %dma_start3A_481 = arith.constant 0 : i32
    %dma_start3A_482 = tpu.memref_slice %arg6[%dma_start3A_479, %dma_start3A_480, %dma_start3A_481] : memref<3x1024x32xf32, #tpu.memory_space<vmem>> -> memref<1x1024x32xf32, #tpu.memory_space<vmem>>
    %dma_start3A_483 = tpu.memref_squeeze %dma_start3A_482 : memref<1x1024x32xf32, #tpu.memory_space<vmem>> -> memref<1024x32xf32, #tpu.memory_space<vmem>>
    %dma_start3A_484 = arith.constant 0 : i32
    %dma_start3A_485 = tpu.memref_slice %arg4[%div3A_476, %rem3A_478, %dma_start3A_484] : memref<50x16384x32xf32, #tpu.memory_space<hbm>> -> memref<1x1024x32xf32, #tpu.memory_space<hbm>>
    %dma_start3A_486 = tpu.memref_squeeze %dma_start3A_485 : memref<1x1024x32xf32, #tpu.memory_space<hbm>> -> memref<1024x32xf32, #tpu.memory_space<hbm>>
    %dma_start3A_487 = arith.constant 0 : i32
    %dma_start3A_488 = tpu.memref_slice %arg4[%div3A_476, %rem3A_478, %dma_start3A_487] : memref<50x16384x32xf32, #tpu.memory_space<hbm>> -> memref<1x1024x32xf32, #tpu.memory_space<hbm>>
    %dma_start3A_489 = tpu.memref_squeeze %dma_start3A_488 : memref<1x1024x32xf32, #tpu.memory_space<hbm>> -> memref<1024x32xf32, #tpu.memory_space<hbm>>
    %dma_start3A_490 = arith.constant 0 : i32
    %dma_start3A_491 = arith.constant 0 : i32
    %dma_start3A_492 = tpu.memref_slice %arg6[%dma_start3A_479, %dma_start3A_490, %dma_start3A_491] : memref<3x1024x32xf32, #tpu.memory_space<vmem>> -> memref<1x1024x32xf32, #tpu.memory_space<vmem>>
    %dma_start3A_493 = tpu.memref_squeeze %dma_start3A_492 : memref<1x1024x32xf32, #tpu.memory_space<vmem>> -> memref<1024x32xf32, #tpu.memory_space<vmem>>
    tpu.enqueue_dma source(%dma_start3A_493 : memref<1024x32xf32, #tpu.memory_space<vmem>>) target(%dma_start3A_489 : memref<1024x32xf32, #tpu.memory_space<hbm>>) target_semaphore(%arg11 : memref<!tpu.dma_semaphore, #tpu.memory_space<semaphore_mem>>)
    %add3A_494 = arith.constant 7168 : i32
    %add3A_495 = arith.addi %mul3A_2, %add3A_494 : i32
    %div3A_496 = arith.constant 16384 : i32
    %div3A_497 = arith.divsi %add3A_495, %div3A_496 : i32
    %rem3A_498 = arith.constant 16384 : i32
    %rem3A_499 = arith.remsi %add3A_495, %rem3A_498 : i32
    %dma_wait3A_500 = arith.constant 1 : i32
    %dma_wait3A_501 = arith.constant 0 : i32
    %dma_wait3A_502 = arith.constant 0 : i32
    %dma_wait3A_503 = tpu.memref_slice %arg6[%dma_wait3A_500, %dma_wait3A_501, %dma_wait3A_502] : memref<3x1024x32xf32, #tpu.memory_space<vmem>> -> memref<1x1024x32xf32, #tpu.memory_space<vmem>>
    %dma_wait3A_504 = tpu.memref_squeeze %dma_wait3A_503 : memref<1x1024x32xf32, #tpu.memory_space<vmem>> -> memref<1024x32xf32, #tpu.memory_space<vmem>>
    %dma_wait3A_505 = arith.constant 0 : i32
    %dma_wait3A_506 = tpu.memref_slice %arg4[%div3A_497, %rem3A_499, %dma_wait3A_505] : memref<50x16384x32xf32, #tpu.memory_space<hbm>> -> memref<1x1024x32xf32, #tpu.memory_space<hbm>>
    %dma_wait3A_507 = tpu.memref_squeeze %dma_wait3A_506 : memref<1x1024x32xf32, #tpu.memory_space<hbm>> -> memref<1024x32xf32, #tpu.memory_space<hbm>>
    %dma_wait3A_508 = arith.constant 0 : i32
    %dma_wait3A_509 = tpu.memref_slice %arg4[%div3A_497, %rem3A_499, %dma_wait3A_508] : memref<50x16384x32xf32, #tpu.memory_space<hbm>> -> memref<1x1024x32xf32, #tpu.memory_space<hbm>>
    %dma_wait3A_510 = tpu.memref_squeeze %dma_wait3A_509 : memref<1x1024x32xf32, #tpu.memory_space<hbm>> -> memref<1024x32xf32, #tpu.memory_space<hbm>>
    %dma_wait3A_511 = arith.constant 0 : i32
    %dma_wait3A_512 = arith.constant 0 : i32
    %dma_wait3A_513 = tpu.memref_slice %arg6[%dma_wait3A_500, %dma_wait3A_511, %dma_wait3A_512] : memref<3x1024x32xf32, #tpu.memory_space<vmem>> -> memref<1x1024x32xf32, #tpu.memory_space<vmem>>
    %dma_wait3A_514 = tpu.memref_squeeze %dma_wait3A_513 : memref<1x1024x32xf32, #tpu.memory_space<vmem>> -> memref<1024x32xf32, #tpu.memory_space<vmem>>
    tpu.wait_dma2 semaphore(%arg11 : memref<!tpu.dma_semaphore, #tpu.memory_space<semaphore_mem>>) src(%dma_wait3A_514 : memref<1024x32xf32, #tpu.memory_space<vmem>>) dst(%dma_wait3A_510 : memref<1024x32xf32, #tpu.memory_space<hbm>>)
    %dma_start3A_515 = arith.constant 1 : i32
    %dma_start3A_516 = arith.constant 0 : i32
    %dma_start3A_517 = arith.constant 0 : i32
    %dma_start3A_518 = tpu.memref_slice %arg6[%dma_start3A_515, %dma_start3A_516, %dma_start3A_517] : memref<3x1024x32xf32, #tpu.memory_space<vmem>> -> memref<1x1024x32xf32, #tpu.memory_space<vmem>>
    %dma_start3A_519 = tpu.memref_squeeze %dma_start3A_518 : memref<1x1024x32xf32, #tpu.memory_space<vmem>> -> memref<1024x32xf32, #tpu.memory_space<vmem>>
    %dma_start3A_520 = arith.constant 10240 : i32
    %dma_start3A_521 = tpu.memref_slice %arg5[%dma_start3A_520] : memref<25600xi32, #tpu.memory_space<vmem>> -> memref<1024xi32, #tpu.memory_space<vmem>>
    %dma_start3A_522 = arith.constant 0 : i32
    %dma_start3A_523 = arith.constant 0 : i32
    %dma_start3A_524 = tpu.memref_slice %arg3[%dma_start3A_522, %dma_start3A_523] : memref<1000000x32xf32, #tpu.memory_space<hbm>> -> memref<1000000x32xf32, #tpu.memory_space<hbm>>
    tpu.enqueue_indirect_dma source(%dma_start3A_524 : memref<1000000x32xf32, #tpu.memory_space<hbm>>) target(%dma_start3A_519 : memref<1024x32xf32, #tpu.memory_space<vmem>>) offsets(%dma_start3A_521 : memref<1024xi32, #tpu.memory_space<vmem>>) semaphore(%arg8 : memref<!tpu.dma_semaphore, #tpu.memory_space<semaphore_mem>>)
    %dma_wait3A_525 = arith.constant 2 : i32
    %dma_wait3A_526 = arith.constant 0 : i32
    %dma_wait3A_527 = arith.constant 0 : i32
    %dma_wait3A_528 = tpu.memref_slice %arg6[%dma_wait3A_525, %dma_wait3A_526, %dma_wait3A_527] : memref<3x1024x32xf32, #tpu.memory_space<vmem>> -> memref<1x1024x32xf32, #tpu.memory_space<vmem>>
    %dma_wait3A_529 = tpu.memref_squeeze %dma_wait3A_528 : memref<1x1024x32xf32, #tpu.memory_space<vmem>> -> memref<1024x32xf32, #tpu.memory_space<vmem>>
    %dma_wait3A_530 = arith.constant 8192 : i32
    %dma_wait3A_531 = tpu.memref_slice %arg5[%dma_wait3A_530] : memref<25600xi32, #tpu.memory_space<vmem>> -> memref<1024xi32, #tpu.memory_space<vmem>>
    %dma_wait3A_532 = arith.constant 0 : i32
    %dma_wait3A_533 = arith.constant 0 : i32
    %dma_wait3A_534 = tpu.memref_slice %arg3[%dma_wait3A_532, %dma_wait3A_533] : memref<1000000x32xf32, #tpu.memory_space<hbm>> -> memref<1000000x32xf32, #tpu.memory_space<hbm>>
    tpu.wait_indirect_dma semaphore(%arg9 : memref<!tpu.dma_semaphore, #tpu.memory_space<semaphore_mem>>) src(%dma_wait3A_534 : memref<1000000x32xf32, #tpu.memory_space<hbm>>) dst(%dma_wait3A_529 : memref<1024x32xf32, #tpu.memory_space<vmem>>)
    %add3A_535 = arith.constant 8192 : i32
    %add3A_536 = arith.addi %mul3A_2, %add3A_535 : i32
    %div3A_537 = arith.constant 16384 : i32
    %div3A_538 = arith.divsi %add3A_536, %div3A_537 : i32
    %rem3A_539 = arith.constant 16384 : i32
    %rem3A_540 = arith.remsi %add3A_536, %rem3A_539 : i32
    %dma_start3A_541 = arith.constant 2 : i32
    %dma_start3A_542 = arith.constant 0 : i32
    %dma_start3A_543 = arith.constant 0 : i32
    %dma_start3A_544 = tpu.memref_slice %arg6[%dma_start3A_541, %dma_start3A_542, %dma_start3A_543] : memref<3x1024x32xf32, #tpu.memory_space<vmem>> -> memref<1x1024x32xf32, #tpu.memory_space<vmem>>
    %dma_start3A_545 = tpu.memref_squeeze %dma_start3A_544 : memref<1x1024x32xf32, #tpu.memory_space<vmem>> -> memref<1024x32xf32, #tpu.memory_space<vmem>>
    %dma_start3A_546 = arith.constant 0 : i32
    %dma_start3A_547 = tpu.memref_slice %arg4[%div3A_538, %rem3A_540, %dma_start3A_546] : memref<50x16384x32xf32, #tpu.memory_space<hbm>> -> memref<1x1024x32xf32, #tpu.memory_space<hbm>>
    %dma_start3A_548 = tpu.memref_squeeze %dma_start3A_547 : memref<1x1024x32xf32, #tpu.memory_space<hbm>> -> memref<1024x32xf32, #tpu.memory_space<hbm>>
    %dma_start3A_549 = arith.constant 0 : i32
    %dma_start3A_550 = tpu.memref_slice %arg4[%div3A_538, %rem3A_540, %dma_start3A_549] : memref<50x16384x32xf32, #tpu.memory_space<hbm>> -> memref<1x1024x32xf32, #tpu.memory_space<hbm>>
    %dma_start3A_551 = tpu.memref_squeeze %dma_start3A_550 : memref<1x1024x32xf32, #tpu.memory_space<hbm>> -> memref<1024x32xf32, #tpu.memory_space<hbm>>
    %dma_start3A_552 = arith.constant 0 : i32
    %dma_start3A_553 = arith.constant 0 : i32
    %dma_start3A_554 = tpu.memref_slice %arg6[%dma_start3A_541, %dma_start3A_552, %dma_start3A_553] : memref<3x1024x32xf32, #tpu.memory_space<vmem>> -> memref<1x1024x32xf32, #tpu.memory_space<vmem>>
    %dma_start3A_555 = tpu.memref_squeeze %dma_start3A_554 : memref<1x1024x32xf32, #tpu.memory_space<vmem>> -> memref<1024x32xf32, #tpu.memory_space<vmem>>
    tpu.enqueue_dma source(%dma_start3A_555 : memref<1024x32xf32, #tpu.memory_space<vmem>>) target(%dma_start3A_551 : memref<1024x32xf32, #tpu.memory_space<hbm>>) target_semaphore(%arg12 : memref<!tpu.dma_semaphore, #tpu.memory_space<semaphore_mem>>)
    %add3A_556 = arith.constant 8192 : i32
    %add3A_557 = arith.addi %mul3A_2, %add3A_556 : i32
    %div3A_558 = arith.constant 16384 : i32
    %div3A_559 = arith.divsi %add3A_557, %div3A_558 : i32
    %rem3A_560 = arith.constant 16384 : i32
    %rem3A_561 = arith.remsi %add3A_557, %rem3A_560 : i32
    %dma_wait3A_562 = arith.constant 2 : i32
    %dma_wait3A_563 = arith.constant 0 : i32
    %dma_wait3A_564 = arith.constant 0 : i32
    %dma_wait3A_565 = tpu.memref_slice %arg6[%dma_wait3A_562, %dma_wait3A_563, %dma_wait3A_564] : memref<3x1024x32xf32, #tpu.memory_space<vmem>> -> memref<1x1024x32xf32, #tpu.memory_space<vmem>>
    %dma_wait3A_566 = tpu.memref_squeeze %dma_wait3A_565 : memref<1x1024x32xf32, #tpu.memory_space<vmem>> -> memref<1024x32xf32, #tpu.memory_space<vmem>>
    %dma_wait3A_567 = arith.constant 0 : i32
    %dma_wait3A_568 = tpu.memref_slice %arg4[%div3A_559, %rem3A_561, %dma_wait3A_567] : memref<50x16384x32xf32, #tpu.memory_space<hbm>> -> memref<1x1024x32xf32, #tpu.memory_space<hbm>>
    %dma_wait3A_569 = tpu.memref_squeeze %dma_wait3A_568 : memref<1x1024x32xf32, #tpu.memory_space<hbm>> -> memref<1024x32xf32, #tpu.memory_space<hbm>>
    %dma_wait3A_570 = arith.constant 0 : i32
    %dma_wait3A_571 = tpu.memref_slice %arg4[%div3A_559, %rem3A_561, %dma_wait3A_570] : memref<50x16384x32xf32, #tpu.memory_space<hbm>> -> memref<1x1024x32xf32, #tpu.memory_space<hbm>>
    %dma_wait3A_572 = tpu.memref_squeeze %dma_wait3A_571 : memref<1x1024x32xf32, #tpu.memory_space<hbm>> -> memref<1024x32xf32, #tpu.memory_space<hbm>>
    %dma_wait3A_573 = arith.constant 0 : i32
    %dma_wait3A_574 = arith.constant 0 : i32
    %dma_wait3A_575 = tpu.memref_slice %arg6[%dma_wait3A_562, %dma_wait3A_573, %dma_wait3A_574] : memref<3x1024x32xf32, #tpu.memory_space<vmem>> -> memref<1x1024x32xf32, #tpu.memory_space<vmem>>
    %dma_wait3A_576 = tpu.memref_squeeze %dma_wait3A_575 : memref<1x1024x32xf32, #tpu.memory_space<vmem>> -> memref<1024x32xf32, #tpu.memory_space<vmem>>
    tpu.wait_dma2 semaphore(%arg12 : memref<!tpu.dma_semaphore, #tpu.memory_space<semaphore_mem>>) src(%dma_wait3A_576 : memref<1024x32xf32, #tpu.memory_space<vmem>>) dst(%dma_wait3A_572 : memref<1024x32xf32, #tpu.memory_space<hbm>>)
    %dma_start3A_577 = arith.constant 2 : i32
    %dma_start3A_578 = arith.constant 0 : i32
    %dma_start3A_579 = arith.constant 0 : i32
    %dma_start3A_580 = tpu.memref_slice %arg6[%dma_start3A_577, %dma_start3A_578, %dma_start3A_579] : memref<3x1024x32xf32, #tpu.memory_space<vmem>> -> memref<1x1024x32xf32, #tpu.memory_space<vmem>>
    %dma_start3A_581 = tpu.memref_squeeze %dma_start3A_580 : memref<1x1024x32xf32, #tpu.memory_space<vmem>> -> memref<1024x32xf32, #tpu.memory_space<vmem>>
    %dma_start3A_582 = arith.constant 11264 : i32
    %dma_start3A_583 = tpu.memref_slice %arg5[%dma_start3A_582] : memref<25600xi32, #tpu.memory_space<vmem>> -> memref<1024xi32, #tpu.memory_space<vmem>>
    %dma_start3A_584 = arith.constant 0 : i32
    %dma_start3A_585 = arith.constant 0 : i32
    %dma_start3A_586 = tpu.memref_slice %arg3[%dma_start3A_584, %dma_start3A_585] : memref<1000000x32xf32, #tpu.memory_space<hbm>> -> memref<1000000x32xf32, #tpu.memory_space<hbm>>
    tpu.enqueue_indirect_dma source(%dma_start3A_586 : memref<1000000x32xf32, #tpu.memory_space<hbm>>) target(%dma_start3A_581 : memref<1024x32xf32, #tpu.memory_space<vmem>>) offsets(%dma_start3A_583 : memref<1024xi32, #tpu.memory_space<vmem>>) semaphore(%arg9 : memref<!tpu.dma_semaphore, #tpu.memory_space<semaphore_mem>>)
    %dma_wait3A_587 = arith.constant 0 : i32
    %dma_wait3A_588 = arith.constant 0 : i32
    %dma_wait3A_589 = arith.constant 0 : i32
    %dma_wait3A_590 = tpu.memref_slice %arg6[%dma_wait3A_587, %dma_wait3A_588, %dma_wait3A_589] : memref<3x1024x32xf32, #tpu.memory_space<vmem>> -> memref<1x1024x32xf32, #tpu.memory_space<vmem>>
    %dma_wait3A_591 = tpu.memref_squeeze %dma_wait3A_590 : memref<1x1024x32xf32, #tpu.memory_space<vmem>> -> memref<1024x32xf32, #tpu.memory_space<vmem>>
    %dma_wait3A_592 = arith.constant 9216 : i32
    %dma_wait3A_593 = tpu.memref_slice %arg5[%dma_wait3A_592] : memref<25600xi32, #tpu.memory_space<vmem>> -> memref<1024xi32, #tpu.memory_space<vmem>>
    %dma_wait3A_594 = arith.constant 0 : i32
    %dma_wait3A_595 = arith.constant 0 : i32
    %dma_wait3A_596 = tpu.memref_slice %arg3[%dma_wait3A_594, %dma_wait3A_595] : memref<1000000x32xf32, #tpu.memory_space<hbm>> -> memref<1000000x32xf32, #tpu.memory_space<hbm>>
    tpu.wait_indirect_dma semaphore(%arg7 : memref<!tpu.dma_semaphore, #tpu.memory_space<semaphore_mem>>) src(%dma_wait3A_596 : memref<1000000x32xf32, #tpu.memory_space<hbm>>) dst(%dma_wait3A_591 : memref<1024x32xf32, #tpu.memory_space<vmem>>)
    %add3A_597 = arith.constant 9216 : i32
    %add3A_598 = arith.addi %mul3A_2, %add3A_597 : i32
    %div3A_599 = arith.constant 16384 : i32
    %div3A_600 = arith.divsi %add3A_598, %div3A_599 : i32
    %rem3A_601 = arith.constant 16384 : i32
    %rem3A_602 = arith.remsi %add3A_598, %rem3A_601 : i32
    %dma_start3A_603 = arith.constant 0 : i32
    %dma_start3A_604 = arith.constant 0 : i32
    %dma_start3A_605 = arith.constant 0 : i32
    %dma_start3A_606 = tpu.memref_slice %arg6[%dma_start3A_603, %dma_start3A_604, %dma_start3A_605] : memref<3x1024x32xf32, #tpu.memory_space<vmem>> -> memref<1x1024x32xf32, #tpu.memory_space<vmem>>
    %dma_start3A_607 = tpu.memref_squeeze %dma_start3A_606 : memref<1x1024x32xf32, #tpu.memory_space<vmem>> -> memref<1024x32xf32, #tpu.memory_space<vmem>>
    %dma_start3A_608 = arith.constant 0 : i32
    %dma_start3A_609 = tpu.memref_slice %arg4[%div3A_600, %rem3A_602, %dma_start3A_608] : memref<50x16384x32xf32, #tpu.memory_space<hbm>> -> memref<1x1024x32xf32, #tpu.memory_space<hbm>>
    %dma_start3A_610 = tpu.memref_squeeze %dma_start3A_609 : memref<1x1024x32xf32, #tpu.memory_space<hbm>> -> memref<1024x32xf32, #tpu.memory_space<hbm>>
    %dma_start3A_611 = arith.constant 0 : i32
    %dma_start3A_612 = tpu.memref_slice %arg4[%div3A_600, %rem3A_602, %dma_start3A_611] : memref<50x16384x32xf32, #tpu.memory_space<hbm>> -> memref<1x1024x32xf32, #tpu.memory_space<hbm>>
    %dma_start3A_613 = tpu.memref_squeeze %dma_start3A_612 : memref<1x1024x32xf32, #tpu.memory_space<hbm>> -> memref<1024x32xf32, #tpu.memory_space<hbm>>
    %dma_start3A_614 = arith.constant 0 : i32
    %dma_start3A_615 = arith.constant 0 : i32
    %dma_start3A_616 = tpu.memref_slice %arg6[%dma_start3A_603, %dma_start3A_614, %dma_start3A_615] : memref<3x1024x32xf32, #tpu.memory_space<vmem>> -> memref<1x1024x32xf32, #tpu.memory_space<vmem>>
    %dma_start3A_617 = tpu.memref_squeeze %dma_start3A_616 : memref<1x1024x32xf32, #tpu.memory_space<vmem>> -> memref<1024x32xf32, #tpu.memory_space<vmem>>
    tpu.enqueue_dma source(%dma_start3A_617 : memref<1024x32xf32, #tpu.memory_space<vmem>>) target(%dma_start3A_613 : memref<1024x32xf32, #tpu.memory_space<hbm>>) target_semaphore(%arg10 : memref<!tpu.dma_semaphore, #tpu.memory_space<semaphore_mem>>)
    %add3A_618 = arith.constant 9216 : i32
    %add3A_619 = arith.addi %mul3A_2, %add3A_618 : i32
    %div3A_620 = arith.constant 16384 : i32
    %div3A_621 = arith.divsi %add3A_619, %div3A_620 : i32
    %rem3A_622 = arith.constant 16384 : i32
    %rem3A_623 = arith.remsi %add3A_619, %rem3A_622 : i32
    %dma_wait3A_624 = arith.constant 0 : i32
    %dma_wait3A_625 = arith.constant 0 : i32
    %dma_wait3A_626 = arith.constant 0 : i32
    %dma_wait3A_627 = tpu.memref_slice %arg6[%dma_wait3A_624, %dma_wait3A_625, %dma_wait3A_626] : memref<3x1024x32xf32, #tpu.memory_space<vmem>> -> memref<1x1024x32xf32, #tpu.memory_space<vmem>>
    %dma_wait3A_628 = tpu.memref_squeeze %dma_wait3A_627 : memref<1x1024x32xf32, #tpu.memory_space<vmem>> -> memref<1024x32xf32, #tpu.memory_space<vmem>>
    %dma_wait3A_629 = arith.constant 0 : i32
    %dma_wait3A_630 = tpu.memref_slice %arg4[%div3A_621, %rem3A_623, %dma_wait3A_629] : memref<50x16384x32xf32, #tpu.memory_space<hbm>> -> memref<1x1024x32xf32, #tpu.memory_space<hbm>>
    %dma_wait3A_631 = tpu.memref_squeeze %dma_wait3A_630 : memref<1x1024x32xf32, #tpu.memory_space<hbm>> -> memref<1024x32xf32, #tpu.memory_space<hbm>>
    %dma_wait3A_632 = arith.constant 0 : i32
    %dma_wait3A_633 = tpu.memref_slice %arg4[%div3A_621, %rem3A_623, %dma_wait3A_632] : memref<50x16384x32xf32, #tpu.memory_space<hbm>> -> memref<1x1024x32xf32, #tpu.memory_space<hbm>>
    %dma_wait3A_634 = tpu.memref_squeeze %dma_wait3A_633 : memref<1x1024x32xf32, #tpu.memory_space<hbm>> -> memref<1024x32xf32, #tpu.memory_space<hbm>>
    %dma_wait3A_635 = arith.constant 0 : i32
    %dma_wait3A_636 = arith.constant 0 : i32
    %dma_wait3A_637 = tpu.memref_slice %arg6[%dma_wait3A_624, %dma_wait3A_635, %dma_wait3A_636] : memref<3x1024x32xf32, #tpu.memory_space<vmem>> -> memref<1x1024x32xf32, #tpu.memory_space<vmem>>
    %dma_wait3A_638 = tpu.memref_squeeze %dma_wait3A_637 : memref<1x1024x32xf32, #tpu.memory_space<vmem>> -> memref<1024x32xf32, #tpu.memory_space<vmem>>
    tpu.wait_dma2 semaphore(%arg10 : memref<!tpu.dma_semaphore, #tpu.memory_space<semaphore_mem>>) src(%dma_wait3A_638 : memref<1024x32xf32, #tpu.memory_space<vmem>>) dst(%dma_wait3A_634 : memref<1024x32xf32, #tpu.memory_space<hbm>>)
    %dma_start3A_639 = arith.constant 0 : i32
    %dma_start3A_640 = arith.constant 0 : i32
    %dma_start3A_641 = arith.constant 0 : i32
    %dma_start3A_642 = tpu.memref_slice %arg6[%dma_start3A_639, %dma_start3A_640, %dma_start3A_641] : memref<3x1024x32xf32, #tpu.memory_space<vmem>> -> memref<1x1024x32xf32, #tpu.memory_space<vmem>>
    %dma_start3A_643 = tpu.memref_squeeze %dma_start3A_642 : memref<1x1024x32xf32, #tpu.memory_space<vmem>> -> memref<1024x32xf32, #tpu.memory_space<vmem>>
    %dma_start3A_644 = arith.constant 12288 : i32
    %dma_start3A_645 = tpu.memref_slice %arg5[%dma_start3A_644] : memref<25600xi32, #tpu.memory_space<vmem>> -> memref<1024xi32, #tpu.memory_space<vmem>>
    %dma_start3A_646 = arith.constant 0 : i32
    %dma_start3A_647 = arith.constant 0 : i32
    %dma_start3A_648 = tpu.memref_slice %arg3[%dma_start3A_646, %dma_start3A_647] : memref<1000000x32xf32, #tpu.memory_space<hbm>> -> memref<1000000x32xf32, #tpu.memory_space<hbm>>
    tpu.enqueue_indirect_dma source(%dma_start3A_648 : memref<1000000x32xf32, #tpu.memory_space<hbm>>) target(%dma_start3A_643 : memref<1024x32xf32, #tpu.memory_space<vmem>>) offsets(%dma_start3A_645 : memref<1024xi32, #tpu.memory_space<vmem>>) semaphore(%arg7 : memref<!tpu.dma_semaphore, #tpu.memory_space<semaphore_mem>>)
    %dma_wait3A_649 = arith.constant 1 : i32
    %dma_wait3A_650 = arith.constant 0 : i32
    %dma_wait3A_651 = arith.constant 0 : i32
    %dma_wait3A_652 = tpu.memref_slice %arg6[%dma_wait3A_649, %dma_wait3A_650, %dma_wait3A_651] : memref<3x1024x32xf32, #tpu.memory_space<vmem>> -> memref<1x1024x32xf32, #tpu.memory_space<vmem>>
    %dma_wait3A_653 = tpu.memref_squeeze %dma_wait3A_652 : memref<1x1024x32xf32, #tpu.memory_space<vmem>> -> memref<1024x32xf32, #tpu.memory_space<vmem>>
    %dma_wait3A_654 = arith.constant 10240 : i32
    %dma_wait3A_655 = tpu.memref_slice %arg5[%dma_wait3A_654] : memref<25600xi32, #tpu.memory_space<vmem>> -> memref<1024xi32, #tpu.memory_space<vmem>>
    %dma_wait3A_656 = arith.constant 0 : i32
    %dma_wait3A_657 = arith.constant 0 : i32
    %dma_wait3A_658 = tpu.memref_slice %arg3[%dma_wait3A_656, %dma_wait3A_657] : memref<1000000x32xf32, #tpu.memory_space<hbm>> -> memref<1000000x32xf32, #tpu.memory_space<hbm>>
    tpu.wait_indirect_dma semaphore(%arg8 : memref<!tpu.dma_semaphore, #tpu.memory_space<semaphore_mem>>) src(%dma_wait3A_658 : memref<1000000x32xf32, #tpu.memory_space<hbm>>) dst(%dma_wait3A_653 : memref<1024x32xf32, #tpu.memory_space<vmem>>)
    %add3A_659 = arith.constant 10240 : i32
    %add3A_660 = arith.addi %mul3A_2, %add3A_659 : i32
    %div3A_661 = arith.constant 16384 : i32
    %div3A_662 = arith.divsi %add3A_660, %div3A_661 : i32
    %rem3A_663 = arith.constant 16384 : i32
    %rem3A_664 = arith.remsi %add3A_660, %rem3A_663 : i32
    %dma_start3A_665 = arith.constant 1 : i32
    %dma_start3A_666 = arith.constant 0 : i32
    %dma_start3A_667 = arith.constant 0 : i32
    %dma_start3A_668 = tpu.memref_slice %arg6[%dma_start3A_665, %dma_start3A_666, %dma_start3A_667] : memref<3x1024x32xf32, #tpu.memory_space<vmem>> -> memref<1x1024x32xf32, #tpu.memory_space<vmem>>
    %dma_start3A_669 = tpu.memref_squeeze %dma_start3A_668 : memref<1x1024x32xf32, #tpu.memory_space<vmem>> -> memref<1024x32xf32, #tpu.memory_space<vmem>>
    %dma_start3A_670 = arith.constant 0 : i32
    %dma_start3A_671 = tpu.memref_slice %arg4[%div3A_662, %rem3A_664, %dma_start3A_670] : memref<50x16384x32xf32, #tpu.memory_space<hbm>> -> memref<1x1024x32xf32, #tpu.memory_space<hbm>>
    %dma_start3A_672 = tpu.memref_squeeze %dma_start3A_671 : memref<1x1024x32xf32, #tpu.memory_space<hbm>> -> memref<1024x32xf32, #tpu.memory_space<hbm>>
    %dma_start3A_673 = arith.constant 0 : i32
    %dma_start3A_674 = tpu.memref_slice %arg4[%div3A_662, %rem3A_664, %dma_start3A_673] : memref<50x16384x32xf32, #tpu.memory_space<hbm>> -> memref<1x1024x32xf32, #tpu.memory_space<hbm>>
    %dma_start3A_675 = tpu.memref_squeeze %dma_start3A_674 : memref<1x1024x32xf32, #tpu.memory_space<hbm>> -> memref<1024x32xf32, #tpu.memory_space<hbm>>
    %dma_start3A_676 = arith.constant 0 : i32
    %dma_start3A_677 = arith.constant 0 : i32
    %dma_start3A_678 = tpu.memref_slice %arg6[%dma_start3A_665, %dma_start3A_676, %dma_start3A_677] : memref<3x1024x32xf32, #tpu.memory_space<vmem>> -> memref<1x1024x32xf32, #tpu.memory_space<vmem>>
    %dma_start3A_679 = tpu.memref_squeeze %dma_start3A_678 : memref<1x1024x32xf32, #tpu.memory_space<vmem>> -> memref<1024x32xf32, #tpu.memory_space<vmem>>
    tpu.enqueue_dma source(%dma_start3A_679 : memref<1024x32xf32, #tpu.memory_space<vmem>>) target(%dma_start3A_675 : memref<1024x32xf32, #tpu.memory_space<hbm>>) target_semaphore(%arg11 : memref<!tpu.dma_semaphore, #tpu.memory_space<semaphore_mem>>)
    %add3A_680 = arith.constant 10240 : i32
    %add3A_681 = arith.addi %mul3A_2, %add3A_680 : i32
    %div3A_682 = arith.constant 16384 : i32
    %div3A_683 = arith.divsi %add3A_681, %div3A_682 : i32
    %rem3A_684 = arith.constant 16384 : i32
    %rem3A_685 = arith.remsi %add3A_681, %rem3A_684 : i32
    %dma_wait3A_686 = arith.constant 1 : i32
    %dma_wait3A_687 = arith.constant 0 : i32
    %dma_wait3A_688 = arith.constant 0 : i32
    %dma_wait3A_689 = tpu.memref_slice %arg6[%dma_wait3A_686, %dma_wait3A_687, %dma_wait3A_688] : memref<3x1024x32xf32, #tpu.memory_space<vmem>> -> memref<1x1024x32xf32, #tpu.memory_space<vmem>>
    %dma_wait3A_690 = tpu.memref_squeeze %dma_wait3A_689 : memref<1x1024x32xf32, #tpu.memory_space<vmem>> -> memref<1024x32xf32, #tpu.memory_space<vmem>>
    %dma_wait3A_691 = arith.constant 0 : i32
    %dma_wait3A_692 = tpu.memref_slice %arg4[%div3A_683, %rem3A_685, %dma_wait3A_691] : memref<50x16384x32xf32, #tpu.memory_space<hbm>> -> memref<1x1024x32xf32, #tpu.memory_space<hbm>>
    %dma_wait3A_693 = tpu.memref_squeeze %dma_wait3A_692 : memref<1x1024x32xf32, #tpu.memory_space<hbm>> -> memref<1024x32xf32, #tpu.memory_space<hbm>>
    %dma_wait3A_694 = arith.constant 0 : i32
    %dma_wait3A_695 = tpu.memref_slice %arg4[%div3A_683, %rem3A_685, %dma_wait3A_694] : memref<50x16384x32xf32, #tpu.memory_space<hbm>> -> memref<1x1024x32xf32, #tpu.memory_space<hbm>>
    %dma_wait3A_696 = tpu.memref_squeeze %dma_wait3A_695 : memref<1x1024x32xf32, #tpu.memory_space<hbm>> -> memref<1024x32xf32, #tpu.memory_space<hbm>>
    %dma_wait3A_697 = arith.constant 0 : i32
    %dma_wait3A_698 = arith.constant 0 : i32
    %dma_wait3A_699 = tpu.memref_slice %arg6[%dma_wait3A_686, %dma_wait3A_697, %dma_wait3A_698] : memref<3x1024x32xf32, #tpu.memory_space<vmem>> -> memref<1x1024x32xf32, #tpu.memory_space<vmem>>
    %dma_wait3A_700 = tpu.memref_squeeze %dma_wait3A_699 : memref<1x1024x32xf32, #tpu.memory_space<vmem>> -> memref<1024x32xf32, #tpu.memory_space<vmem>>
    tpu.wait_dma2 semaphore(%arg11 : memref<!tpu.dma_semaphore, #tpu.memory_space<semaphore_mem>>) src(%dma_wait3A_700 : memref<1024x32xf32, #tpu.memory_space<vmem>>) dst(%dma_wait3A_696 : memref<1024x32xf32, #tpu.memory_space<hbm>>)
    %dma_start3A_701 = arith.constant 1 : i32
    %dma_start3A_702 = arith.constant 0 : i32
    %dma_start3A_703 = arith.constant 0 : i32
    %dma_start3A_704 = tpu.memref_slice %arg6[%dma_start3A_701, %dma_start3A_702, %dma_start3A_703] : memref<3x1024x32xf32, #tpu.memory_space<vmem>> -> memref<1x1024x32xf32, #tpu.memory_space<vmem>>
    %dma_start3A_705 = tpu.memref_squeeze %dma_start3A_704 : memref<1x1024x32xf32, #tpu.memory_space<vmem>> -> memref<1024x32xf32, #tpu.memory_space<vmem>>
    %dma_start3A_706 = arith.constant 13312 : i32
    %dma_start3A_707 = tpu.memref_slice %arg5[%dma_start3A_706] : memref<25600xi32, #tpu.memory_space<vmem>> -> memref<1024xi32, #tpu.memory_space<vmem>>
    %dma_start3A_708 = arith.constant 0 : i32
    %dma_start3A_709 = arith.constant 0 : i32
    %dma_start3A_710 = tpu.memref_slice %arg3[%dma_start3A_708, %dma_start3A_709] : memref<1000000x32xf32, #tpu.memory_space<hbm>> -> memref<1000000x32xf32, #tpu.memory_space<hbm>>
    tpu.enqueue_indirect_dma source(%dma_start3A_710 : memref<1000000x32xf32, #tpu.memory_space<hbm>>) target(%dma_start3A_705 : memref<1024x32xf32, #tpu.memory_space<vmem>>) offsets(%dma_start3A_707 : memref<1024xi32, #tpu.memory_space<vmem>>) semaphore(%arg8 : memref<!tpu.dma_semaphore, #tpu.memory_space<semaphore_mem>>)
    %dma_wait3A_711 = arith.constant 2 : i32
    %dma_wait3A_712 = arith.constant 0 : i32
    %dma_wait3A_713 = arith.constant 0 : i32
    %dma_wait3A_714 = tpu.memref_slice %arg6[%dma_wait3A_711, %dma_wait3A_712, %dma_wait3A_713] : memref<3x1024x32xf32, #tpu.memory_space<vmem>> -> memref<1x1024x32xf32, #tpu.memory_space<vmem>>
    %dma_wait3A_715 = tpu.memref_squeeze %dma_wait3A_714 : memref<1x1024x32xf32, #tpu.memory_space<vmem>> -> memref<1024x32xf32, #tpu.memory_space<vmem>>
    %dma_wait3A_716 = arith.constant 11264 : i32
    %dma_wait3A_717 = tpu.memref_slice %arg5[%dma_wait3A_716] : memref<25600xi32, #tpu.memory_space<vmem>> -> memref<1024xi32, #tpu.memory_space<vmem>>
    %dma_wait3A_718 = arith.constant 0 : i32
    %dma_wait3A_719 = arith.constant 0 : i32
    %dma_wait3A_720 = tpu.memref_slice %arg3[%dma_wait3A_718, %dma_wait3A_719] : memref<1000000x32xf32, #tpu.memory_space<hbm>> -> memref<1000000x32xf32, #tpu.memory_space<hbm>>
    tpu.wait_indirect_dma semaphore(%arg9 : memref<!tpu.dma_semaphore, #tpu.memory_space<semaphore_mem>>) src(%dma_wait3A_720 : memref<1000000x32xf32, #tpu.memory_space<hbm>>) dst(%dma_wait3A_715 : memref<1024x32xf32, #tpu.memory_space<vmem>>)
    %add3A_721 = arith.constant 11264 : i32
    %add3A_722 = arith.addi %mul3A_2, %add3A_721 : i32
    %div3A_723 = arith.constant 16384 : i32
    %div3A_724 = arith.divsi %add3A_722, %div3A_723 : i32
    %rem3A_725 = arith.constant 16384 : i32
    %rem3A_726 = arith.remsi %add3A_722, %rem3A_725 : i32
    %dma_start3A_727 = arith.constant 2 : i32
    %dma_start3A_728 = arith.constant 0 : i32
    %dma_start3A_729 = arith.constant 0 : i32
    %dma_start3A_730 = tpu.memref_slice %arg6[%dma_start3A_727, %dma_start3A_728, %dma_start3A_729] : memref<3x1024x32xf32, #tpu.memory_space<vmem>> -> memref<1x1024x32xf32, #tpu.memory_space<vmem>>
    %dma_start3A_731 = tpu.memref_squeeze %dma_start3A_730 : memref<1x1024x32xf32, #tpu.memory_space<vmem>> -> memref<1024x32xf32, #tpu.memory_space<vmem>>
    %dma_start3A_732 = arith.constant 0 : i32
    %dma_start3A_733 = tpu.memref_slice %arg4[%div3A_724, %rem3A_726, %dma_start3A_732] : memref<50x16384x32xf32, #tpu.memory_space<hbm>> -> memref<1x1024x32xf32, #tpu.memory_space<hbm>>
    %dma_start3A_734 = tpu.memref_squeeze %dma_start3A_733 : memref<1x1024x32xf32, #tpu.memory_space<hbm>> -> memref<1024x32xf32, #tpu.memory_space<hbm>>
    %dma_start3A_735 = arith.constant 0 : i32
    %dma_start3A_736 = tpu.memref_slice %arg4[%div3A_724, %rem3A_726, %dma_start3A_735] : memref<50x16384x32xf32, #tpu.memory_space<hbm>> -> memref<1x1024x32xf32, #tpu.memory_space<hbm>>
    %dma_start3A_737 = tpu.memref_squeeze %dma_start3A_736 : memref<1x1024x32xf32, #tpu.memory_space<hbm>> -> memref<1024x32xf32, #tpu.memory_space<hbm>>
    %dma_start3A_738 = arith.constant 0 : i32
    %dma_start3A_739 = arith.constant 0 : i32
    %dma_start3A_740 = tpu.memref_slice %arg6[%dma_start3A_727, %dma_start3A_738, %dma_start3A_739] : memref<3x1024x32xf32, #tpu.memory_space<vmem>> -> memref<1x1024x32xf32, #tpu.memory_space<vmem>>
    %dma_start3A_741 = tpu.memref_squeeze %dma_start3A_740 : memref<1x1024x32xf32, #tpu.memory_space<vmem>> -> memref<1024x32xf32, #tpu.memory_space<vmem>>
    tpu.enqueue_dma source(%dma_start3A_741 : memref<1024x32xf32, #tpu.memory_space<vmem>>) target(%dma_start3A_737 : memref<1024x32xf32, #tpu.memory_space<hbm>>) target_semaphore(%arg12 : memref<!tpu.dma_semaphore, #tpu.memory_space<semaphore_mem>>)
    %add3A_742 = arith.constant 11264 : i32
    %add3A_743 = arith.addi %mul3A_2, %add3A_742 : i32
    %div3A_744 = arith.constant 16384 : i32
    %div3A_745 = arith.divsi %add3A_743, %div3A_744 : i32
    %rem3A_746 = arith.constant 16384 : i32
    %rem3A_747 = arith.remsi %add3A_743, %rem3A_746 : i32
    %dma_wait3A_748 = arith.constant 2 : i32
    %dma_wait3A_749 = arith.constant 0 : i32
    %dma_wait3A_750 = arith.constant 0 : i32
    %dma_wait3A_751 = tpu.memref_slice %arg6[%dma_wait3A_748, %dma_wait3A_749, %dma_wait3A_750] : memref<3x1024x32xf32, #tpu.memory_space<vmem>> -> memref<1x1024x32xf32, #tpu.memory_space<vmem>>
    %dma_wait3A_752 = tpu.memref_squeeze %dma_wait3A_751 : memref<1x1024x32xf32, #tpu.memory_space<vmem>> -> memref<1024x32xf32, #tpu.memory_space<vmem>>
    %dma_wait3A_753 = arith.constant 0 : i32
    %dma_wait3A_754 = tpu.memref_slice %arg4[%div3A_745, %rem3A_747, %dma_wait3A_753] : memref<50x16384x32xf32, #tpu.memory_space<hbm>> -> memref<1x1024x32xf32, #tpu.memory_space<hbm>>
    %dma_wait3A_755 = tpu.memref_squeeze %dma_wait3A_754 : memref<1x1024x32xf32, #tpu.memory_space<hbm>> -> memref<1024x32xf32, #tpu.memory_space<hbm>>
    %dma_wait3A_756 = arith.constant 0 : i32
    %dma_wait3A_757 = tpu.memref_slice %arg4[%div3A_745, %rem3A_747, %dma_wait3A_756] : memref<50x16384x32xf32, #tpu.memory_space<hbm>> -> memref<1x1024x32xf32, #tpu.memory_space<hbm>>
    %dma_wait3A_758 = tpu.memref_squeeze %dma_wait3A_757 : memref<1x1024x32xf32, #tpu.memory_space<hbm>> -> memref<1024x32xf32, #tpu.memory_space<hbm>>
    %dma_wait3A_759 = arith.constant 0 : i32
    %dma_wait3A_760 = arith.constant 0 : i32
    %dma_wait3A_761 = tpu.memref_slice %arg6[%dma_wait3A_748, %dma_wait3A_759, %dma_wait3A_760] : memref<3x1024x32xf32, #tpu.memory_space<vmem>> -> memref<1x1024x32xf32, #tpu.memory_space<vmem>>
    %dma_wait3A_762 = tpu.memref_squeeze %dma_wait3A_761 : memref<1x1024x32xf32, #tpu.memory_space<vmem>> -> memref<1024x32xf32, #tpu.memory_space<vmem>>
    tpu.wait_dma2 semaphore(%arg12 : memref<!tpu.dma_semaphore, #tpu.memory_space<semaphore_mem>>) src(%dma_wait3A_762 : memref<1024x32xf32, #tpu.memory_space<vmem>>) dst(%dma_wait3A_758 : memref<1024x32xf32, #tpu.memory_space<hbm>>)
    %dma_start3A_763 = arith.constant 2 : i32
    %dma_start3A_764 = arith.constant 0 : i32
    %dma_start3A_765 = arith.constant 0 : i32
    %dma_start3A_766 = tpu.memref_slice %arg6[%dma_start3A_763, %dma_start3A_764, %dma_start3A_765] : memref<3x1024x32xf32, #tpu.memory_space<vmem>> -> memref<1x1024x32xf32, #tpu.memory_space<vmem>>
    %dma_start3A_767 = tpu.memref_squeeze %dma_start3A_766 : memref<1x1024x32xf32, #tpu.memory_space<vmem>> -> memref<1024x32xf32, #tpu.memory_space<vmem>>
    %dma_start3A_768 = arith.constant 14336 : i32
    %dma_start3A_769 = tpu.memref_slice %arg5[%dma_start3A_768] : memref<25600xi32, #tpu.memory_space<vmem>> -> memref<1024xi32, #tpu.memory_space<vmem>>
    %dma_start3A_770 = arith.constant 0 : i32
    %dma_start3A_771 = arith.constant 0 : i32
    %dma_start3A_772 = tpu.memref_slice %arg3[%dma_start3A_770, %dma_start3A_771] : memref<1000000x32xf32, #tpu.memory_space<hbm>> -> memref<1000000x32xf32, #tpu.memory_space<hbm>>
    tpu.enqueue_indirect_dma source(%dma_start3A_772 : memref<1000000x32xf32, #tpu.memory_space<hbm>>) target(%dma_start3A_767 : memref<1024x32xf32, #tpu.memory_space<vmem>>) offsets(%dma_start3A_769 : memref<1024xi32, #tpu.memory_space<vmem>>) semaphore(%arg9 : memref<!tpu.dma_semaphore, #tpu.memory_space<semaphore_mem>>)
    %dma_wait3A_773 = arith.constant 0 : i32
    %dma_wait3A_774 = arith.constant 0 : i32
    %dma_wait3A_775 = arith.constant 0 : i32
    %dma_wait3A_776 = tpu.memref_slice %arg6[%dma_wait3A_773, %dma_wait3A_774, %dma_wait3A_775] : memref<3x1024x32xf32, #tpu.memory_space<vmem>> -> memref<1x1024x32xf32, #tpu.memory_space<vmem>>
    %dma_wait3A_777 = tpu.memref_squeeze %dma_wait3A_776 : memref<1x1024x32xf32, #tpu.memory_space<vmem>> -> memref<1024x32xf32, #tpu.memory_space<vmem>>
    %dma_wait3A_778 = arith.constant 12288 : i32
    %dma_wait3A_779 = tpu.memref_slice %arg5[%dma_wait3A_778] : memref<25600xi32, #tpu.memory_space<vmem>> -> memref<1024xi32, #tpu.memory_space<vmem>>
    %dma_wait3A_780 = arith.constant 0 : i32
    %dma_wait3A_781 = arith.constant 0 : i32
    %dma_wait3A_782 = tpu.memref_slice %arg3[%dma_wait3A_780, %dma_wait3A_781] : memref<1000000x32xf32, #tpu.memory_space<hbm>> -> memref<1000000x32xf32, #tpu.memory_space<hbm>>
    tpu.wait_indirect_dma semaphore(%arg7 : memref<!tpu.dma_semaphore, #tpu.memory_space<semaphore_mem>>) src(%dma_wait3A_782 : memref<1000000x32xf32, #tpu.memory_space<hbm>>) dst(%dma_wait3A_777 : memref<1024x32xf32, #tpu.memory_space<vmem>>)
    %add3A_783 = arith.constant 12288 : i32
    %add3A_784 = arith.addi %mul3A_2, %add3A_783 : i32
    %div3A_785 = arith.constant 16384 : i32
    %div3A_786 = arith.divsi %add3A_784, %div3A_785 : i32
    %rem3A_787 = arith.constant 16384 : i32
    %rem3A_788 = arith.remsi %add3A_784, %rem3A_787 : i32
    %dma_start3A_789 = arith.constant 0 : i32
    %dma_start3A_790 = arith.constant 0 : i32
    %dma_start3A_791 = arith.constant 0 : i32
    %dma_start3A_792 = tpu.memref_slice %arg6[%dma_start3A_789, %dma_start3A_790, %dma_start3A_791] : memref<3x1024x32xf32, #tpu.memory_space<vmem>> -> memref<1x1024x32xf32, #tpu.memory_space<vmem>>
    %dma_start3A_793 = tpu.memref_squeeze %dma_start3A_792 : memref<1x1024x32xf32, #tpu.memory_space<vmem>> -> memref<1024x32xf32, #tpu.memory_space<vmem>>
    %dma_start3A_794 = arith.constant 0 : i32
    %dma_start3A_795 = tpu.memref_slice %arg4[%div3A_786, %rem3A_788, %dma_start3A_794] : memref<50x16384x32xf32, #tpu.memory_space<hbm>> -> memref<1x1024x32xf32, #tpu.memory_space<hbm>>
    %dma_start3A_796 = tpu.memref_squeeze %dma_start3A_795 : memref<1x1024x32xf32, #tpu.memory_space<hbm>> -> memref<1024x32xf32, #tpu.memory_space<hbm>>
    %dma_start3A_797 = arith.constant 0 : i32
    %dma_start3A_798 = tpu.memref_slice %arg4[%div3A_786, %rem3A_788, %dma_start3A_797] : memref<50x16384x32xf32, #tpu.memory_space<hbm>> -> memref<1x1024x32xf32, #tpu.memory_space<hbm>>
    %dma_start3A_799 = tpu.memref_squeeze %dma_start3A_798 : memref<1x1024x32xf32, #tpu.memory_space<hbm>> -> memref<1024x32xf32, #tpu.memory_space<hbm>>
    %dma_start3A_800 = arith.constant 0 : i32
    %dma_start3A_801 = arith.constant 0 : i32
    %dma_start3A_802 = tpu.memref_slice %arg6[%dma_start3A_789, %dma_start3A_800, %dma_start3A_801] : memref<3x1024x32xf32, #tpu.memory_space<vmem>> -> memref<1x1024x32xf32, #tpu.memory_space<vmem>>
    %dma_start3A_803 = tpu.memref_squeeze %dma_start3A_802 : memref<1x1024x32xf32, #tpu.memory_space<vmem>> -> memref<1024x32xf32, #tpu.memory_space<vmem>>
    tpu.enqueue_dma source(%dma_start3A_803 : memref<1024x32xf32, #tpu.memory_space<vmem>>) target(%dma_start3A_799 : memref<1024x32xf32, #tpu.memory_space<hbm>>) target_semaphore(%arg10 : memref<!tpu.dma_semaphore, #tpu.memory_space<semaphore_mem>>)
    %add3A_804 = arith.constant 12288 : i32
    %add3A_805 = arith.addi %mul3A_2, %add3A_804 : i32
    %div3A_806 = arith.constant 16384 : i32
    %div3A_807 = arith.divsi %add3A_805, %div3A_806 : i32
    %rem3A_808 = arith.constant 16384 : i32
    %rem3A_809 = arith.remsi %add3A_805, %rem3A_808 : i32
    %dma_wait3A_810 = arith.constant 0 : i32
    %dma_wait3A_811 = arith.constant 0 : i32
    %dma_wait3A_812 = arith.constant 0 : i32
    %dma_wait3A_813 = tpu.memref_slice %arg6[%dma_wait3A_810, %dma_wait3A_811, %dma_wait3A_812] : memref<3x1024x32xf32, #tpu.memory_space<vmem>> -> memref<1x1024x32xf32, #tpu.memory_space<vmem>>
    %dma_wait3A_814 = tpu.memref_squeeze %dma_wait3A_813 : memref<1x1024x32xf32, #tpu.memory_space<vmem>> -> memref<1024x32xf32, #tpu.memory_space<vmem>>
    %dma_wait3A_815 = arith.constant 0 : i32
    %dma_wait3A_816 = tpu.memref_slice %arg4[%div3A_807, %rem3A_809, %dma_wait3A_815] : memref<50x16384x32xf32, #tpu.memory_space<hbm>> -> memref<1x1024x32xf32, #tpu.memory_space<hbm>>
    %dma_wait3A_817 = tpu.memref_squeeze %dma_wait3A_816 : memref<1x1024x32xf32, #tpu.memory_space<hbm>> -> memref<1024x32xf32, #tpu.memory_space<hbm>>
    %dma_wait3A_818 = arith.constant 0 : i32
    %dma_wait3A_819 = tpu.memref_slice %arg4[%div3A_807, %rem3A_809, %dma_wait3A_818] : memref<50x16384x32xf32, #tpu.memory_space<hbm>> -> memref<1x1024x32xf32, #tpu.memory_space<hbm>>
    %dma_wait3A_820 = tpu.memref_squeeze %dma_wait3A_819 : memref<1x1024x32xf32, #tpu.memory_space<hbm>> -> memref<1024x32xf32, #tpu.memory_space<hbm>>
    %dma_wait3A_821 = arith.constant 0 : i32
    %dma_wait3A_822 = arith.constant 0 : i32
    %dma_wait3A_823 = tpu.memref_slice %arg6[%dma_wait3A_810, %dma_wait3A_821, %dma_wait3A_822] : memref<3x1024x32xf32, #tpu.memory_space<vmem>> -> memref<1x1024x32xf32, #tpu.memory_space<vmem>>
    %dma_wait3A_824 = tpu.memref_squeeze %dma_wait3A_823 : memref<1x1024x32xf32, #tpu.memory_space<vmem>> -> memref<1024x32xf32, #tpu.memory_space<vmem>>
    tpu.wait_dma2 semaphore(%arg10 : memref<!tpu.dma_semaphore, #tpu.memory_space<semaphore_mem>>) src(%dma_wait3A_824 : memref<1024x32xf32, #tpu.memory_space<vmem>>) dst(%dma_wait3A_820 : memref<1024x32xf32, #tpu.memory_space<hbm>>)
    %dma_start3A_825 = arith.constant 0 : i32
    %dma_start3A_826 = arith.constant 0 : i32
    %dma_start3A_827 = arith.constant 0 : i32
    %dma_start3A_828 = tpu.memref_slice %arg6[%dma_start3A_825, %dma_start3A_826, %dma_start3A_827] : memref<3x1024x32xf32, #tpu.memory_space<vmem>> -> memref<1x1024x32xf32, #tpu.memory_space<vmem>>
    %dma_start3A_829 = tpu.memref_squeeze %dma_start3A_828 : memref<1x1024x32xf32, #tpu.memory_space<vmem>> -> memref<1024x32xf32, #tpu.memory_space<vmem>>
    %dma_start3A_830 = arith.constant 15360 : i32
    %dma_start3A_831 = tpu.memref_slice %arg5[%dma_start3A_830] : memref<25600xi32, #tpu.memory_space<vmem>> -> memref<1024xi32, #tpu.memory_space<vmem>>
    %dma_start3A_832 = arith.constant 0 : i32
    %dma_start3A_833 = arith.constant 0 : i32
    %dma_start3A_834 = tpu.memref_slice %arg3[%dma_start3A_832, %dma_start3A_833] : memref<1000000x32xf32, #tpu.memory_space<hbm>> -> memref<1000000x32xf32, #tpu.memory_space<hbm>>
    tpu.enqueue_indirect_dma source(%dma_start3A_834 : memref<1000000x32xf32, #tpu.memory_space<hbm>>) target(%dma_start3A_829 : memref<1024x32xf32, #tpu.memory_space<vmem>>) offsets(%dma_start3A_831 : memref<1024xi32, #tpu.memory_space<vmem>>) semaphore(%arg7 : memref<!tpu.dma_semaphore, #tpu.memory_space<semaphore_mem>>)
    %dma_wait3A_835 = arith.constant 1 : i32
    %dma_wait3A_836 = arith.constant 0 : i32
    %dma_wait3A_837 = arith.constant 0 : i32
    %dma_wait3A_838 = tpu.memref_slice %arg6[%dma_wait3A_835, %dma_wait3A_836, %dma_wait3A_837] : memref<3x1024x32xf32, #tpu.memory_space<vmem>> -> memref<1x1024x32xf32, #tpu.memory_space<vmem>>
    %dma_wait3A_839 = tpu.memref_squeeze %dma_wait3A_838 : memref<1x1024x32xf32, #tpu.memory_space<vmem>> -> memref<1024x32xf32, #tpu.memory_space<vmem>>
    %dma_wait3A_840 = arith.constant 13312 : i32
    %dma_wait3A_841 = tpu.memref_slice %arg5[%dma_wait3A_840] : memref<25600xi32, #tpu.memory_space<vmem>> -> memref<1024xi32, #tpu.memory_space<vmem>>
    %dma_wait3A_842 = arith.constant 0 : i32
    %dma_wait3A_843 = arith.constant 0 : i32
    %dma_wait3A_844 = tpu.memref_slice %arg3[%dma_wait3A_842, %dma_wait3A_843] : memref<1000000x32xf32, #tpu.memory_space<hbm>> -> memref<1000000x32xf32, #tpu.memory_space<hbm>>
    tpu.wait_indirect_dma semaphore(%arg8 : memref<!tpu.dma_semaphore, #tpu.memory_space<semaphore_mem>>) src(%dma_wait3A_844 : memref<1000000x32xf32, #tpu.memory_space<hbm>>) dst(%dma_wait3A_839 : memref<1024x32xf32, #tpu.memory_space<vmem>>)
    %add3A_845 = arith.constant 13312 : i32
    %add3A_846 = arith.addi %mul3A_2, %add3A_845 : i32
    %div3A_847 = arith.constant 16384 : i32
    %div3A_848 = arith.divsi %add3A_846, %div3A_847 : i32
    %rem3A_849 = arith.constant 16384 : i32
    %rem3A_850 = arith.remsi %add3A_846, %rem3A_849 : i32
    %dma_start3A_851 = arith.constant 1 : i32
    %dma_start3A_852 = arith.constant 0 : i32
    %dma_start3A_853 = arith.constant 0 : i32
    %dma_start3A_854 = tpu.memref_slice %arg6[%dma_start3A_851, %dma_start3A_852, %dma_start3A_853] : memref<3x1024x32xf32, #tpu.memory_space<vmem>> -> memref<1x1024x32xf32, #tpu.memory_space<vmem>>
    %dma_start3A_855 = tpu.memref_squeeze %dma_start3A_854 : memref<1x1024x32xf32, #tpu.memory_space<vmem>> -> memref<1024x32xf32, #tpu.memory_space<vmem>>
    %dma_start3A_856 = arith.constant 0 : i32
    %dma_start3A_857 = tpu.memref_slice %arg4[%div3A_848, %rem3A_850, %dma_start3A_856] : memref<50x16384x32xf32, #tpu.memory_space<hbm>> -> memref<1x1024x32xf32, #tpu.memory_space<hbm>>
    %dma_start3A_858 = tpu.memref_squeeze %dma_start3A_857 : memref<1x1024x32xf32, #tpu.memory_space<hbm>> -> memref<1024x32xf32, #tpu.memory_space<hbm>>
    %dma_start3A_859 = arith.constant 0 : i32
    %dma_start3A_860 = tpu.memref_slice %arg4[%div3A_848, %rem3A_850, %dma_start3A_859] : memref<50x16384x32xf32, #tpu.memory_space<hbm>> -> memref<1x1024x32xf32, #tpu.memory_space<hbm>>
    %dma_start3A_861 = tpu.memref_squeeze %dma_start3A_860 : memref<1x1024x32xf32, #tpu.memory_space<hbm>> -> memref<1024x32xf32, #tpu.memory_space<hbm>>
    %dma_start3A_862 = arith.constant 0 : i32
    %dma_start3A_863 = arith.constant 0 : i32
    %dma_start3A_864 = tpu.memref_slice %arg6[%dma_start3A_851, %dma_start3A_862, %dma_start3A_863] : memref<3x1024x32xf32, #tpu.memory_space<vmem>> -> memref<1x1024x32xf32, #tpu.memory_space<vmem>>
    %dma_start3A_865 = tpu.memref_squeeze %dma_start3A_864 : memref<1x1024x32xf32, #tpu.memory_space<vmem>> -> memref<1024x32xf32, #tpu.memory_space<vmem>>
    tpu.enqueue_dma source(%dma_start3A_865 : memref<1024x32xf32, #tpu.memory_space<vmem>>) target(%dma_start3A_861 : memref<1024x32xf32, #tpu.memory_space<hbm>>) target_semaphore(%arg11 : memref<!tpu.dma_semaphore, #tpu.memory_space<semaphore_mem>>)
    %add3A_866 = arith.constant 13312 : i32
    %add3A_867 = arith.addi %mul3A_2, %add3A_866 : i32
    %div3A_868 = arith.constant 16384 : i32
    %div3A_869 = arith.divsi %add3A_867, %div3A_868 : i32
    %rem3A_870 = arith.constant 16384 : i32
    %rem3A_871 = arith.remsi %add3A_867, %rem3A_870 : i32
    %dma_wait3A_872 = arith.constant 1 : i32
    %dma_wait3A_873 = arith.constant 0 : i32
    %dma_wait3A_874 = arith.constant 0 : i32
    %dma_wait3A_875 = tpu.memref_slice %arg6[%dma_wait3A_872, %dma_wait3A_873, %dma_wait3A_874] : memref<3x1024x32xf32, #tpu.memory_space<vmem>> -> memref<1x1024x32xf32, #tpu.memory_space<vmem>>
    %dma_wait3A_876 = tpu.memref_squeeze %dma_wait3A_875 : memref<1x1024x32xf32, #tpu.memory_space<vmem>> -> memref<1024x32xf32, #tpu.memory_space<vmem>>
    %dma_wait3A_877 = arith.constant 0 : i32
    %dma_wait3A_878 = tpu.memref_slice %arg4[%div3A_869, %rem3A_871, %dma_wait3A_877] : memref<50x16384x32xf32, #tpu.memory_space<hbm>> -> memref<1x1024x32xf32, #tpu.memory_space<hbm>>
    %dma_wait3A_879 = tpu.memref_squeeze %dma_wait3A_878 : memref<1x1024x32xf32, #tpu.memory_space<hbm>> -> memref<1024x32xf32, #tpu.memory_space<hbm>>
    %dma_wait3A_880 = arith.constant 0 : i32
    %dma_wait3A_881 = tpu.memref_slice %arg4[%div3A_869, %rem3A_871, %dma_wait3A_880] : memref<50x16384x32xf32, #tpu.memory_space<hbm>> -> memref<1x1024x32xf32, #tpu.memory_space<hbm>>
    %dma_wait3A_882 = tpu.memref_squeeze %dma_wait3A_881 : memref<1x1024x32xf32, #tpu.memory_space<hbm>> -> memref<1024x32xf32, #tpu.memory_space<hbm>>
    %dma_wait3A_883 = arith.constant 0 : i32
    %dma_wait3A_884 = arith.constant 0 : i32
    %dma_wait3A_885 = tpu.memref_slice %arg6[%dma_wait3A_872, %dma_wait3A_883, %dma_wait3A_884] : memref<3x1024x32xf32, #tpu.memory_space<vmem>> -> memref<1x1024x32xf32, #tpu.memory_space<vmem>>
    %dma_wait3A_886 = tpu.memref_squeeze %dma_wait3A_885 : memref<1x1024x32xf32, #tpu.memory_space<vmem>> -> memref<1024x32xf32, #tpu.memory_space<vmem>>
    tpu.wait_dma2 semaphore(%arg11 : memref<!tpu.dma_semaphore, #tpu.memory_space<semaphore_mem>>) src(%dma_wait3A_886 : memref<1024x32xf32, #tpu.memory_space<vmem>>) dst(%dma_wait3A_882 : memref<1024x32xf32, #tpu.memory_space<hbm>>)
    %dma_start3A_887 = arith.constant 1 : i32
    %dma_start3A_888 = arith.constant 0 : i32
    %dma_start3A_889 = arith.constant 0 : i32
    %dma_start3A_890 = tpu.memref_slice %arg6[%dma_start3A_887, %dma_start3A_888, %dma_start3A_889] : memref<3x1024x32xf32, #tpu.memory_space<vmem>> -> memref<1x1024x32xf32, #tpu.memory_space<vmem>>
    %dma_start3A_891 = tpu.memref_squeeze %dma_start3A_890 : memref<1x1024x32xf32, #tpu.memory_space<vmem>> -> memref<1024x32xf32, #tpu.memory_space<vmem>>
    %dma_start3A_892 = arith.constant 16384 : i32
    %dma_start3A_893 = tpu.memref_slice %arg5[%dma_start3A_892] : memref<25600xi32, #tpu.memory_space<vmem>> -> memref<1024xi32, #tpu.memory_space<vmem>>
    %dma_start3A_894 = arith.constant 0 : i32
    %dma_start3A_895 = arith.constant 0 : i32
    %dma_start3A_896 = tpu.memref_slice %arg3[%dma_start3A_894, %dma_start3A_895] : memref<1000000x32xf32, #tpu.memory_space<hbm>> -> memref<1000000x32xf32, #tpu.memory_space<hbm>>
    tpu.enqueue_indirect_dma source(%dma_start3A_896 : memref<1000000x32xf32, #tpu.memory_space<hbm>>) target(%dma_start3A_891 : memref<1024x32xf32, #tpu.memory_space<vmem>>) offsets(%dma_start3A_893 : memref<1024xi32, #tpu.memory_space<vmem>>) semaphore(%arg8 : memref<!tpu.dma_semaphore, #tpu.memory_space<semaphore_mem>>)
    %dma_wait3A_897 = arith.constant 2 : i32
    %dma_wait3A_898 = arith.constant 0 : i32
    %dma_wait3A_899 = arith.constant 0 : i32
    %dma_wait3A_900 = tpu.memref_slice %arg6[%dma_wait3A_897, %dma_wait3A_898, %dma_wait3A_899] : memref<3x1024x32xf32, #tpu.memory_space<vmem>> -> memref<1x1024x32xf32, #tpu.memory_space<vmem>>
    %dma_wait3A_901 = tpu.memref_squeeze %dma_wait3A_900 : memref<1x1024x32xf32, #tpu.memory_space<vmem>> -> memref<1024x32xf32, #tpu.memory_space<vmem>>
    %dma_wait3A_902 = arith.constant 14336 : i32
    %dma_wait3A_903 = tpu.memref_slice %arg5[%dma_wait3A_902] : memref<25600xi32, #tpu.memory_space<vmem>> -> memref<1024xi32, #tpu.memory_space<vmem>>
    %dma_wait3A_904 = arith.constant 0 : i32
    %dma_wait3A_905 = arith.constant 0 : i32
    %dma_wait3A_906 = tpu.memref_slice %arg3[%dma_wait3A_904, %dma_wait3A_905] : memref<1000000x32xf32, #tpu.memory_space<hbm>> -> memref<1000000x32xf32, #tpu.memory_space<hbm>>
    tpu.wait_indirect_dma semaphore(%arg9 : memref<!tpu.dma_semaphore, #tpu.memory_space<semaphore_mem>>) src(%dma_wait3A_906 : memref<1000000x32xf32, #tpu.memory_space<hbm>>) dst(%dma_wait3A_901 : memref<1024x32xf32, #tpu.memory_space<vmem>>)
    %add3A_907 = arith.constant 14336 : i32
    %add3A_908 = arith.addi %mul3A_2, %add3A_907 : i32
    %div3A_909 = arith.constant 16384 : i32
    %div3A_910 = arith.divsi %add3A_908, %div3A_909 : i32
    %rem3A_911 = arith.constant 16384 : i32
    %rem3A_912 = arith.remsi %add3A_908, %rem3A_911 : i32
    %dma_start3A_913 = arith.constant 2 : i32
    %dma_start3A_914 = arith.constant 0 : i32
    %dma_start3A_915 = arith.constant 0 : i32
    %dma_start3A_916 = tpu.memref_slice %arg6[%dma_start3A_913, %dma_start3A_914, %dma_start3A_915] : memref<3x1024x32xf32, #tpu.memory_space<vmem>> -> memref<1x1024x32xf32, #tpu.memory_space<vmem>>
    %dma_start3A_917 = tpu.memref_squeeze %dma_start3A_916 : memref<1x1024x32xf32, #tpu.memory_space<vmem>> -> memref<1024x32xf32, #tpu.memory_space<vmem>>
    %dma_start3A_918 = arith.constant 0 : i32
    %dma_start3A_919 = tpu.memref_slice %arg4[%div3A_910, %rem3A_912, %dma_start3A_918] : memref<50x16384x32xf32, #tpu.memory_space<hbm>> -> memref<1x1024x32xf32, #tpu.memory_space<hbm>>
    %dma_start3A_920 = tpu.memref_squeeze %dma_start3A_919 : memref<1x1024x32xf32, #tpu.memory_space<hbm>> -> memref<1024x32xf32, #tpu.memory_space<hbm>>
    %dma_start3A_921 = arith.constant 0 : i32
    %dma_start3A_922 = tpu.memref_slice %arg4[%div3A_910, %rem3A_912, %dma_start3A_921] : memref<50x16384x32xf32, #tpu.memory_space<hbm>> -> memref<1x1024x32xf32, #tpu.memory_space<hbm>>
    %dma_start3A_923 = tpu.memref_squeeze %dma_start3A_922 : memref<1x1024x32xf32, #tpu.memory_space<hbm>> -> memref<1024x32xf32, #tpu.memory_space<hbm>>
    %dma_start3A_924 = arith.constant 0 : i32
    %dma_start3A_925 = arith.constant 0 : i32
    %dma_start3A_926 = tpu.memref_slice %arg6[%dma_start3A_913, %dma_start3A_924, %dma_start3A_925] : memref<3x1024x32xf32, #tpu.memory_space<vmem>> -> memref<1x1024x32xf32, #tpu.memory_space<vmem>>
    %dma_start3A_927 = tpu.memref_squeeze %dma_start3A_926 : memref<1x1024x32xf32, #tpu.memory_space<vmem>> -> memref<1024x32xf32, #tpu.memory_space<vmem>>
    tpu.enqueue_dma source(%dma_start3A_927 : memref<1024x32xf32, #tpu.memory_space<vmem>>) target(%dma_start3A_923 : memref<1024x32xf32, #tpu.memory_space<hbm>>) target_semaphore(%arg12 : memref<!tpu.dma_semaphore, #tpu.memory_space<semaphore_mem>>)
    %add3A_928 = arith.constant 14336 : i32
    %add3A_929 = arith.addi %mul3A_2, %add3A_928 : i32
    %div3A_930 = arith.constant 16384 : i32
    %div3A_931 = arith.divsi %add3A_929, %div3A_930 : i32
    %rem3A_932 = arith.constant 16384 : i32
    %rem3A_933 = arith.remsi %add3A_929, %rem3A_932 : i32
    %dma_wait3A_934 = arith.constant 2 : i32
    %dma_wait3A_935 = arith.constant 0 : i32
    %dma_wait3A_936 = arith.constant 0 : i32
    %dma_wait3A_937 = tpu.memref_slice %arg6[%dma_wait3A_934, %dma_wait3A_935, %dma_wait3A_936] : memref<3x1024x32xf32, #tpu.memory_space<vmem>> -> memref<1x1024x32xf32, #tpu.memory_space<vmem>>
    %dma_wait3A_938 = tpu.memref_squeeze %dma_wait3A_937 : memref<1x1024x32xf32, #tpu.memory_space<vmem>> -> memref<1024x32xf32, #tpu.memory_space<vmem>>
    %dma_wait3A_939 = arith.constant 0 : i32
    %dma_wait3A_940 = tpu.memref_slice %arg4[%div3A_931, %rem3A_933, %dma_wait3A_939] : memref<50x16384x32xf32, #tpu.memory_space<hbm>> -> memref<1x1024x32xf32, #tpu.memory_space<hbm>>
    %dma_wait3A_941 = tpu.memref_squeeze %dma_wait3A_940 : memref<1x1024x32xf32, #tpu.memory_space<hbm>> -> memref<1024x32xf32, #tpu.memory_space<hbm>>
    %dma_wait3A_942 = arith.constant 0 : i32
    %dma_wait3A_943 = tpu.memref_slice %arg4[%div3A_931, %rem3A_933, %dma_wait3A_942] : memref<50x16384x32xf32, #tpu.memory_space<hbm>> -> memref<1x1024x32xf32, #tpu.memory_space<hbm>>
    %dma_wait3A_944 = tpu.memref_squeeze %dma_wait3A_943 : memref<1x1024x32xf32, #tpu.memory_space<hbm>> -> memref<1024x32xf32, #tpu.memory_space<hbm>>
    %dma_wait3A_945 = arith.constant 0 : i32
    %dma_wait3A_946 = arith.constant 0 : i32
    %dma_wait3A_947 = tpu.memref_slice %arg6[%dma_wait3A_934, %dma_wait3A_945, %dma_wait3A_946] : memref<3x1024x32xf32, #tpu.memory_space<vmem>> -> memref<1x1024x32xf32, #tpu.memory_space<vmem>>
    %dma_wait3A_948 = tpu.memref_squeeze %dma_wait3A_947 : memref<1x1024x32xf32, #tpu.memory_space<vmem>> -> memref<1024x32xf32, #tpu.memory_space<vmem>>
    tpu.wait_dma2 semaphore(%arg12 : memref<!tpu.dma_semaphore, #tpu.memory_space<semaphore_mem>>) src(%dma_wait3A_948 : memref<1024x32xf32, #tpu.memory_space<vmem>>) dst(%dma_wait3A_944 : memref<1024x32xf32, #tpu.memory_space<hbm>>)
    %dma_start3A_949 = arith.constant 2 : i32
    %dma_start3A_950 = arith.constant 0 : i32
    %dma_start3A_951 = arith.constant 0 : i32
    %dma_start3A_952 = tpu.memref_slice %arg6[%dma_start3A_949, %dma_start3A_950, %dma_start3A_951] : memref<3x1024x32xf32, #tpu.memory_space<vmem>> -> memref<1x1024x32xf32, #tpu.memory_space<vmem>>
    %dma_start3A_953 = tpu.memref_squeeze %dma_start3A_952 : memref<1x1024x32xf32, #tpu.memory_space<vmem>> -> memref<1024x32xf32, #tpu.memory_space<vmem>>
    %dma_start3A_954 = arith.constant 17408 : i32
    %dma_start3A_955 = tpu.memref_slice %arg5[%dma_start3A_954] : memref<25600xi32, #tpu.memory_space<vmem>> -> memref<1024xi32, #tpu.memory_space<vmem>>
    %dma_start3A_956 = arith.constant 0 : i32
    %dma_start3A_957 = arith.constant 0 : i32
    %dma_start3A_958 = tpu.memref_slice %arg3[%dma_start3A_956, %dma_start3A_957] : memref<1000000x32xf32, #tpu.memory_space<hbm>> -> memref<1000000x32xf32, #tpu.memory_space<hbm>>
    tpu.enqueue_indirect_dma source(%dma_start3A_958 : memref<1000000x32xf32, #tpu.memory_space<hbm>>) target(%dma_start3A_953 : memref<1024x32xf32, #tpu.memory_space<vmem>>) offsets(%dma_start3A_955 : memref<1024xi32, #tpu.memory_space<vmem>>) semaphore(%arg9 : memref<!tpu.dma_semaphore, #tpu.memory_space<semaphore_mem>>)
    %dma_wait3A_959 = arith.constant 0 : i32
    %dma_wait3A_960 = arith.constant 0 : i32
    %dma_wait3A_961 = arith.constant 0 : i32
    %dma_wait3A_962 = tpu.memref_slice %arg6[%dma_wait3A_959, %dma_wait3A_960, %dma_wait3A_961] : memref<3x1024x32xf32, #tpu.memory_space<vmem>> -> memref<1x1024x32xf32, #tpu.memory_space<vmem>>
    %dma_wait3A_963 = tpu.memref_squeeze %dma_wait3A_962 : memref<1x1024x32xf32, #tpu.memory_space<vmem>> -> memref<1024x32xf32, #tpu.memory_space<vmem>>
    %dma_wait3A_964 = arith.constant 15360 : i32
    %dma_wait3A_965 = tpu.memref_slice %arg5[%dma_wait3A_964] : memref<25600xi32, #tpu.memory_space<vmem>> -> memref<1024xi32, #tpu.memory_space<vmem>>
    %dma_wait3A_966 = arith.constant 0 : i32
    %dma_wait3A_967 = arith.constant 0 : i32
    %dma_wait3A_968 = tpu.memref_slice %arg3[%dma_wait3A_966, %dma_wait3A_967] : memref<1000000x32xf32, #tpu.memory_space<hbm>> -> memref<1000000x32xf32, #tpu.memory_space<hbm>>
    tpu.wait_indirect_dma semaphore(%arg7 : memref<!tpu.dma_semaphore, #tpu.memory_space<semaphore_mem>>) src(%dma_wait3A_968 : memref<1000000x32xf32, #tpu.memory_space<hbm>>) dst(%dma_wait3A_963 : memref<1024x32xf32, #tpu.memory_space<vmem>>)
    %add3A_969 = arith.constant 15360 : i32
    %add3A_970 = arith.addi %mul3A_2, %add3A_969 : i32
    %div3A_971 = arith.constant 16384 : i32
    %div3A_972 = arith.divsi %add3A_970, %div3A_971 : i32
    %rem3A_973 = arith.constant 16384 : i32
    %rem3A_974 = arith.remsi %add3A_970, %rem3A_973 : i32
    %dma_start3A_975 = arith.constant 0 : i32
    %dma_start3A_976 = arith.constant 0 : i32
    %dma_start3A_977 = arith.constant 0 : i32
    %dma_start3A_978 = tpu.memref_slice %arg6[%dma_start3A_975, %dma_start3A_976, %dma_start3A_977] : memref<3x1024x32xf32, #tpu.memory_space<vmem>> -> memref<1x1024x32xf32, #tpu.memory_space<vmem>>
    %dma_start3A_979 = tpu.memref_squeeze %dma_start3A_978 : memref<1x1024x32xf32, #tpu.memory_space<vmem>> -> memref<1024x32xf32, #tpu.memory_space<vmem>>
    %dma_start3A_980 = arith.constant 0 : i32
    %dma_start3A_981 = tpu.memref_slice %arg4[%div3A_972, %rem3A_974, %dma_start3A_980] : memref<50x16384x32xf32, #tpu.memory_space<hbm>> -> memref<1x1024x32xf32, #tpu.memory_space<hbm>>
    %dma_start3A_982 = tpu.memref_squeeze %dma_start3A_981 : memref<1x1024x32xf32, #tpu.memory_space<hbm>> -> memref<1024x32xf32, #tpu.memory_space<hbm>>
    %dma_start3A_983 = arith.constant 0 : i32
    %dma_start3A_984 = tpu.memref_slice %arg4[%div3A_972, %rem3A_974, %dma_start3A_983] : memref<50x16384x32xf32, #tpu.memory_space<hbm>> -> memref<1x1024x32xf32, #tpu.memory_space<hbm>>
    %dma_start3A_985 = tpu.memref_squeeze %dma_start3A_984 : memref<1x1024x32xf32, #tpu.memory_space<hbm>> -> memref<1024x32xf32, #tpu.memory_space<hbm>>
    %dma_start3A_986 = arith.constant 0 : i32
    %dma_start3A_987 = arith.constant 0 : i32
    %dma_start3A_988 = tpu.memref_slice %arg6[%dma_start3A_975, %dma_start3A_986, %dma_start3A_987] : memref<3x1024x32xf32, #tpu.memory_space<vmem>> -> memref<1x1024x32xf32, #tpu.memory_space<vmem>>
    %dma_start3A_989 = tpu.memref_squeeze %dma_start3A_988 : memref<1x1024x32xf32, #tpu.memory_space<vmem>> -> memref<1024x32xf32, #tpu.memory_space<vmem>>
    tpu.enqueue_dma source(%dma_start3A_989 : memref<1024x32xf32, #tpu.memory_space<vmem>>) target(%dma_start3A_985 : memref<1024x32xf32, #tpu.memory_space<hbm>>) target_semaphore(%arg10 : memref<!tpu.dma_semaphore, #tpu.memory_space<semaphore_mem>>)
    %add3A_990 = arith.constant 15360 : i32
    %add3A_991 = arith.addi %mul3A_2, %add3A_990 : i32
    %div3A_992 = arith.constant 16384 : i32
    %div3A_993 = arith.divsi %add3A_991, %div3A_992 : i32
    %rem3A_994 = arith.constant 16384 : i32
    %rem3A_995 = arith.remsi %add3A_991, %rem3A_994 : i32
    %dma_wait3A_996 = arith.constant 0 : i32
    %dma_wait3A_997 = arith.constant 0 : i32
    %dma_wait3A_998 = arith.constant 0 : i32
    %dma_wait3A_999 = tpu.memref_slice %arg6[%dma_wait3A_996, %dma_wait3A_997, %dma_wait3A_998] : memref<3x1024x32xf32, #tpu.memory_space<vmem>> -> memref<1x1024x32xf32, #tpu.memory_space<vmem>>
    %dma_wait3A_1000 = tpu.memref_squeeze %dma_wait3A_999 : memref<1x1024x32xf32, #tpu.memory_space<vmem>> -> memref<1024x32xf32, #tpu.memory_space<vmem>>
    %dma_wait3A_1001 = arith.constant 0 : i32
    %dma_wait3A_1002 = tpu.memref_slice %arg4[%div3A_993, %rem3A_995, %dma_wait3A_1001] : memref<50x16384x32xf32, #tpu.memory_space<hbm>> -> memref<1x1024x32xf32, #tpu.memory_space<hbm>>
    %dma_wait3A_1003 = tpu.memref_squeeze %dma_wait3A_1002 : memref<1x1024x32xf32, #tpu.memory_space<hbm>> -> memref<1024x32xf32, #tpu.memory_space<hbm>>
    %dma_wait3A_1004 = arith.constant 0 : i32
    %dma_wait3A_1005 = tpu.memref_slice %arg4[%div3A_993, %rem3A_995, %dma_wait3A_1004] : memref<50x16384x32xf32, #tpu.memory_space<hbm>> -> memref<1x1024x32xf32, #tpu.memory_space<hbm>>
    %dma_wait3A_1006 = tpu.memref_squeeze %dma_wait3A_1005 : memref<1x1024x32xf32, #tpu.memory_space<hbm>> -> memref<1024x32xf32, #tpu.memory_space<hbm>>
    %dma_wait3A_1007 = arith.constant 0 : i32
    %dma_wait3A_1008 = arith.constant 0 : i32
    %dma_wait3A_1009 = tpu.memref_slice %arg6[%dma_wait3A_996, %dma_wait3A_1007, %dma_wait3A_1008] : memref<3x1024x32xf32, #tpu.memory_space<vmem>> -> memref<1x1024x32xf32, #tpu.memory_space<vmem>>
    %dma_wait3A_1010 = tpu.memref_squeeze %dma_wait3A_1009 : memref<1x1024x32xf32, #tpu.memory_space<vmem>> -> memref<1024x32xf32, #tpu.memory_space<vmem>>
    tpu.wait_dma2 semaphore(%arg10 : memref<!tpu.dma_semaphore, #tpu.memory_space<semaphore_mem>>) src(%dma_wait3A_1010 : memref<1024x32xf32, #tpu.memory_space<vmem>>) dst(%dma_wait3A_1006 : memref<1024x32xf32, #tpu.memory_space<hbm>>)
    %dma_start3A_1011 = arith.constant 0 : i32
    %dma_start3A_1012 = arith.constant 0 : i32
    %dma_start3A_1013 = arith.constant 0 : i32
    %dma_start3A_1014 = tpu.memref_slice %arg6[%dma_start3A_1011, %dma_start3A_1012, %dma_start3A_1013] : memref<3x1024x32xf32, #tpu.memory_space<vmem>> -> memref<1x1024x32xf32, #tpu.memory_space<vmem>>
    %dma_start3A_1015 = tpu.memref_squeeze %dma_start3A_1014 : memref<1x1024x32xf32, #tpu.memory_space<vmem>> -> memref<1024x32xf32, #tpu.memory_space<vmem>>
    %dma_start3A_1016 = arith.constant 18432 : i32
    %dma_start3A_1017 = tpu.memref_slice %arg5[%dma_start3A_1016] : memref<25600xi32, #tpu.memory_space<vmem>> -> memref<1024xi32, #tpu.memory_space<vmem>>
    %dma_start3A_1018 = arith.constant 0 : i32
    %dma_start3A_1019 = arith.constant 0 : i32
    %dma_start3A_1020 = tpu.memref_slice %arg3[%dma_start3A_1018, %dma_start3A_1019] : memref<1000000x32xf32, #tpu.memory_space<hbm>> -> memref<1000000x32xf32, #tpu.memory_space<hbm>>
    tpu.enqueue_indirect_dma source(%dma_start3A_1020 : memref<1000000x32xf32, #tpu.memory_space<hbm>>) target(%dma_start3A_1015 : memref<1024x32xf32, #tpu.memory_space<vmem>>) offsets(%dma_start3A_1017 : memref<1024xi32, #tpu.memory_space<vmem>>) semaphore(%arg7 : memref<!tpu.dma_semaphore, #tpu.memory_space<semaphore_mem>>)
    %dma_wait3A_1021 = arith.constant 1 : i32
    %dma_wait3A_1022 = arith.constant 0 : i32
    %dma_wait3A_1023 = arith.constant 0 : i32
    %dma_wait3A_1024 = tpu.memref_slice %arg6[%dma_wait3A_1021, %dma_wait3A_1022, %dma_wait3A_1023] : memref<3x1024x32xf32, #tpu.memory_space<vmem>> -> memref<1x1024x32xf32, #tpu.memory_space<vmem>>
    %dma_wait3A_1025 = tpu.memref_squeeze %dma_wait3A_1024 : memref<1x1024x32xf32, #tpu.memory_space<vmem>> -> memref<1024x32xf32, #tpu.memory_space<vmem>>
    %dma_wait3A_1026 = arith.constant 16384 : i32
    %dma_wait3A_1027 = tpu.memref_slice %arg5[%dma_wait3A_1026] : memref<25600xi32, #tpu.memory_space<vmem>> -> memref<1024xi32, #tpu.memory_space<vmem>>
    %dma_wait3A_1028 = arith.constant 0 : i32
    %dma_wait3A_1029 = arith.constant 0 : i32
    %dma_wait3A_1030 = tpu.memref_slice %arg3[%dma_wait3A_1028, %dma_wait3A_1029] : memref<1000000x32xf32, #tpu.memory_space<hbm>> -> memref<1000000x32xf32, #tpu.memory_space<hbm>>
    tpu.wait_indirect_dma semaphore(%arg8 : memref<!tpu.dma_semaphore, #tpu.memory_space<semaphore_mem>>) src(%dma_wait3A_1030 : memref<1000000x32xf32, #tpu.memory_space<hbm>>) dst(%dma_wait3A_1025 : memref<1024x32xf32, #tpu.memory_space<vmem>>)
    %add3A_1031 = arith.constant 16384 : i32
    %add3A_1032 = arith.addi %mul3A_2, %add3A_1031 : i32
    %div3A_1033 = arith.constant 16384 : i32
    %div3A_1034 = arith.divsi %add3A_1032, %div3A_1033 : i32
    %rem3A_1035 = arith.constant 16384 : i32
    %rem3A_1036 = arith.remsi %add3A_1032, %rem3A_1035 : i32
    %dma_start3A_1037 = arith.constant 1 : i32
    %dma_start3A_1038 = arith.constant 0 : i32
    %dma_start3A_1039 = arith.constant 0 : i32
    %dma_start3A_1040 = tpu.memref_slice %arg6[%dma_start3A_1037, %dma_start3A_1038, %dma_start3A_1039] : memref<3x1024x32xf32, #tpu.memory_space<vmem>> -> memref<1x1024x32xf32, #tpu.memory_space<vmem>>
    %dma_start3A_1041 = tpu.memref_squeeze %dma_start3A_1040 : memref<1x1024x32xf32, #tpu.memory_space<vmem>> -> memref<1024x32xf32, #tpu.memory_space<vmem>>
    %dma_start3A_1042 = arith.constant 0 : i32
    %dma_start3A_1043 = tpu.memref_slice %arg4[%div3A_1034, %rem3A_1036, %dma_start3A_1042] : memref<50x16384x32xf32, #tpu.memory_space<hbm>> -> memref<1x1024x32xf32, #tpu.memory_space<hbm>>
    %dma_start3A_1044 = tpu.memref_squeeze %dma_start3A_1043 : memref<1x1024x32xf32, #tpu.memory_space<hbm>> -> memref<1024x32xf32, #tpu.memory_space<hbm>>
    %dma_start3A_1045 = arith.constant 0 : i32
    %dma_start3A_1046 = tpu.memref_slice %arg4[%div3A_1034, %rem3A_1036, %dma_start3A_1045] : memref<50x16384x32xf32, #tpu.memory_space<hbm>> -> memref<1x1024x32xf32, #tpu.memory_space<hbm>>
    %dma_start3A_1047 = tpu.memref_squeeze %dma_start3A_1046 : memref<1x1024x32xf32, #tpu.memory_space<hbm>> -> memref<1024x32xf32, #tpu.memory_space<hbm>>
    %dma_start3A_1048 = arith.constant 0 : i32
    %dma_start3A_1049 = arith.constant 0 : i32
    %dma_start3A_1050 = tpu.memref_slice %arg6[%dma_start3A_1037, %dma_start3A_1048, %dma_start3A_1049] : memref<3x1024x32xf32, #tpu.memory_space<vmem>> -> memref<1x1024x32xf32, #tpu.memory_space<vmem>>
    %dma_start3A_1051 = tpu.memref_squeeze %dma_start3A_1050 : memref<1x1024x32xf32, #tpu.memory_space<vmem>> -> memref<1024x32xf32, #tpu.memory_space<vmem>>
    tpu.enqueue_dma source(%dma_start3A_1051 : memref<1024x32xf32, #tpu.memory_space<vmem>>) target(%dma_start3A_1047 : memref<1024x32xf32, #tpu.memory_space<hbm>>) target_semaphore(%arg11 : memref<!tpu.dma_semaphore, #tpu.memory_space<semaphore_mem>>)
    %add3A_1052 = arith.constant 16384 : i32
    %add3A_1053 = arith.addi %mul3A_2, %add3A_1052 : i32
    %div3A_1054 = arith.constant 16384 : i32
    %div3A_1055 = arith.divsi %add3A_1053, %div3A_1054 : i32
    %rem3A_1056 = arith.constant 16384 : i32
    %rem3A_1057 = arith.remsi %add3A_1053, %rem3A_1056 : i32
    %dma_wait3A_1058 = arith.constant 1 : i32
    %dma_wait3A_1059 = arith.constant 0 : i32
    %dma_wait3A_1060 = arith.constant 0 : i32
    %dma_wait3A_1061 = tpu.memref_slice %arg6[%dma_wait3A_1058, %dma_wait3A_1059, %dma_wait3A_1060] : memref<3x1024x32xf32, #tpu.memory_space<vmem>> -> memref<1x1024x32xf32, #tpu.memory_space<vmem>>
    %dma_wait3A_1062 = tpu.memref_squeeze %dma_wait3A_1061 : memref<1x1024x32xf32, #tpu.memory_space<vmem>> -> memref<1024x32xf32, #tpu.memory_space<vmem>>
    %dma_wait3A_1063 = arith.constant 0 : i32
    %dma_wait3A_1064 = tpu.memref_slice %arg4[%div3A_1055, %rem3A_1057, %dma_wait3A_1063] : memref<50x16384x32xf32, #tpu.memory_space<hbm>> -> memref<1x1024x32xf32, #tpu.memory_space<hbm>>
    %dma_wait3A_1065 = tpu.memref_squeeze %dma_wait3A_1064 : memref<1x1024x32xf32, #tpu.memory_space<hbm>> -> memref<1024x32xf32, #tpu.memory_space<hbm>>
    %dma_wait3A_1066 = arith.constant 0 : i32
    %dma_wait3A_1067 = tpu.memref_slice %arg4[%div3A_1055, %rem3A_1057, %dma_wait3A_1066] : memref<50x16384x32xf32, #tpu.memory_space<hbm>> -> memref<1x1024x32xf32, #tpu.memory_space<hbm>>
    %dma_wait3A_1068 = tpu.memref_squeeze %dma_wait3A_1067 : memref<1x1024x32xf32, #tpu.memory_space<hbm>> -> memref<1024x32xf32, #tpu.memory_space<hbm>>
    %dma_wait3A_1069 = arith.constant 0 : i32
    %dma_wait3A_1070 = arith.constant 0 : i32
    %dma_wait3A_1071 = tpu.memref_slice %arg6[%dma_wait3A_1058, %dma_wait3A_1069, %dma_wait3A_1070] : memref<3x1024x32xf32, #tpu.memory_space<vmem>> -> memref<1x1024x32xf32, #tpu.memory_space<vmem>>
    %dma_wait3A_1072 = tpu.memref_squeeze %dma_wait3A_1071 : memref<1x1024x32xf32, #tpu.memory_space<vmem>> -> memref<1024x32xf32, #tpu.memory_space<vmem>>
    tpu.wait_dma2 semaphore(%arg11 : memref<!tpu.dma_semaphore, #tpu.memory_space<semaphore_mem>>) src(%dma_wait3A_1072 : memref<1024x32xf32, #tpu.memory_space<vmem>>) dst(%dma_wait3A_1068 : memref<1024x32xf32, #tpu.memory_space<hbm>>)
    %dma_start3A_1073 = arith.constant 1 : i32
    %dma_start3A_1074 = arith.constant 0 : i32
    %dma_start3A_1075 = arith.constant 0 : i32
    %dma_start3A_1076 = tpu.memref_slice %arg6[%dma_start3A_1073, %dma_start3A_1074, %dma_start3A_1075] : memref<3x1024x32xf32, #tpu.memory_space<vmem>> -> memref<1x1024x32xf32, #tpu.memory_space<vmem>>
    %dma_start3A_1077 = tpu.memref_squeeze %dma_start3A_1076 : memref<1x1024x32xf32, #tpu.memory_space<vmem>> -> memref<1024x32xf32, #tpu.memory_space<vmem>>
    %dma_start3A_1078 = arith.constant 19456 : i32
    %dma_start3A_1079 = tpu.memref_slice %arg5[%dma_start3A_1078] : memref<25600xi32, #tpu.memory_space<vmem>> -> memref<1024xi32, #tpu.memory_space<vmem>>
    %dma_start3A_1080 = arith.constant 0 : i32
    %dma_start3A_1081 = arith.constant 0 : i32
    %dma_start3A_1082 = tpu.memref_slice %arg3[%dma_start3A_1080, %dma_start3A_1081] : memref<1000000x32xf32, #tpu.memory_space<hbm>> -> memref<1000000x32xf32, #tpu.memory_space<hbm>>
    tpu.enqueue_indirect_dma source(%dma_start3A_1082 : memref<1000000x32xf32, #tpu.memory_space<hbm>>) target(%dma_start3A_1077 : memref<1024x32xf32, #tpu.memory_space<vmem>>) offsets(%dma_start3A_1079 : memref<1024xi32, #tpu.memory_space<vmem>>) semaphore(%arg8 : memref<!tpu.dma_semaphore, #tpu.memory_space<semaphore_mem>>)
    %dma_wait3A_1083 = arith.constant 2 : i32
    %dma_wait3A_1084 = arith.constant 0 : i32
    %dma_wait3A_1085 = arith.constant 0 : i32
    %dma_wait3A_1086 = tpu.memref_slice %arg6[%dma_wait3A_1083, %dma_wait3A_1084, %dma_wait3A_1085] : memref<3x1024x32xf32, #tpu.memory_space<vmem>> -> memref<1x1024x32xf32, #tpu.memory_space<vmem>>
    %dma_wait3A_1087 = tpu.memref_squeeze %dma_wait3A_1086 : memref<1x1024x32xf32, #tpu.memory_space<vmem>> -> memref<1024x32xf32, #tpu.memory_space<vmem>>
    %dma_wait3A_1088 = arith.constant 17408 : i32
    %dma_wait3A_1089 = tpu.memref_slice %arg5[%dma_wait3A_1088] : memref<25600xi32, #tpu.memory_space<vmem>> -> memref<1024xi32, #tpu.memory_space<vmem>>
    %dma_wait3A_1090 = arith.constant 0 : i32
    %dma_wait3A_1091 = arith.constant 0 : i32
    %dma_wait3A_1092 = tpu.memref_slice %arg3[%dma_wait3A_1090, %dma_wait3A_1091] : memref<1000000x32xf32, #tpu.memory_space<hbm>> -> memref<1000000x32xf32, #tpu.memory_space<hbm>>
    tpu.wait_indirect_dma semaphore(%arg9 : memref<!tpu.dma_semaphore, #tpu.memory_space<semaphore_mem>>) src(%dma_wait3A_1092 : memref<1000000x32xf32, #tpu.memory_space<hbm>>) dst(%dma_wait3A_1087 : memref<1024x32xf32, #tpu.memory_space<vmem>>)
    %add3A_1093 = arith.constant 17408 : i32
    %add3A_1094 = arith.addi %mul3A_2, %add3A_1093 : i32
    %div3A_1095 = arith.constant 16384 : i32
    %div3A_1096 = arith.divsi %add3A_1094, %div3A_1095 : i32
    %rem3A_1097 = arith.constant 16384 : i32
    %rem3A_1098 = arith.remsi %add3A_1094, %rem3A_1097 : i32
    %dma_start3A_1099 = arith.constant 2 : i32
    %dma_start3A_1100 = arith.constant 0 : i32
    %dma_start3A_1101 = arith.constant 0 : i32
    %dma_start3A_1102 = tpu.memref_slice %arg6[%dma_start3A_1099, %dma_start3A_1100, %dma_start3A_1101] : memref<3x1024x32xf32, #tpu.memory_space<vmem>> -> memref<1x1024x32xf32, #tpu.memory_space<vmem>>
    %dma_start3A_1103 = tpu.memref_squeeze %dma_start3A_1102 : memref<1x1024x32xf32, #tpu.memory_space<vmem>> -> memref<1024x32xf32, #tpu.memory_space<vmem>>
    %dma_start3A_1104 = arith.constant 0 : i32
    %dma_start3A_1105 = tpu.memref_slice %arg4[%div3A_1096, %rem3A_1098, %dma_start3A_1104] : memref<50x16384x32xf32, #tpu.memory_space<hbm>> -> memref<1x1024x32xf32, #tpu.memory_space<hbm>>
    %dma_start3A_1106 = tpu.memref_squeeze %dma_start3A_1105 : memref<1x1024x32xf32, #tpu.memory_space<hbm>> -> memref<1024x32xf32, #tpu.memory_space<hbm>>
    %dma_start3A_1107 = arith.constant 0 : i32
    %dma_start3A_1108 = tpu.memref_slice %arg4[%div3A_1096, %rem3A_1098, %dma_start3A_1107] : memref<50x16384x32xf32, #tpu.memory_space<hbm>> -> memref<1x1024x32xf32, #tpu.memory_space<hbm>>
    %dma_start3A_1109 = tpu.memref_squeeze %dma_start3A_1108 : memref<1x1024x32xf32, #tpu.memory_space<hbm>> -> memref<1024x32xf32, #tpu.memory_space<hbm>>
    %dma_start3A_1110 = arith.constant 0 : i32
    %dma_start3A_1111 = arith.constant 0 : i32
    %dma_start3A_1112 = tpu.memref_slice %arg6[%dma_start3A_1099, %dma_start3A_1110, %dma_start3A_1111] : memref<3x1024x32xf32, #tpu.memory_space<vmem>> -> memref<1x1024x32xf32, #tpu.memory_space<vmem>>
    %dma_start3A_1113 = tpu.memref_squeeze %dma_start3A_1112 : memref<1x1024x32xf32, #tpu.memory_space<vmem>> -> memref<1024x32xf32, #tpu.memory_space<vmem>>
    tpu.enqueue_dma source(%dma_start3A_1113 : memref<1024x32xf32, #tpu.memory_space<vmem>>) target(%dma_start3A_1109 : memref<1024x32xf32, #tpu.memory_space<hbm>>) target_semaphore(%arg12 : memref<!tpu.dma_semaphore, #tpu.memory_space<semaphore_mem>>)
    %add3A_1114 = arith.constant 17408 : i32
    %add3A_1115 = arith.addi %mul3A_2, %add3A_1114 : i32
    %div3A_1116 = arith.constant 16384 : i32
    %div3A_1117 = arith.divsi %add3A_1115, %div3A_1116 : i32
    %rem3A_1118 = arith.constant 16384 : i32
    %rem3A_1119 = arith.remsi %add3A_1115, %rem3A_1118 : i32
    %dma_wait3A_1120 = arith.constant 2 : i32
    %dma_wait3A_1121 = arith.constant 0 : i32
    %dma_wait3A_1122 = arith.constant 0 : i32
    %dma_wait3A_1123 = tpu.memref_slice %arg6[%dma_wait3A_1120, %dma_wait3A_1121, %dma_wait3A_1122] : memref<3x1024x32xf32, #tpu.memory_space<vmem>> -> memref<1x1024x32xf32, #tpu.memory_space<vmem>>
    %dma_wait3A_1124 = tpu.memref_squeeze %dma_wait3A_1123 : memref<1x1024x32xf32, #tpu.memory_space<vmem>> -> memref<1024x32xf32, #tpu.memory_space<vmem>>
    %dma_wait3A_1125 = arith.constant 0 : i32
    %dma_wait3A_1126 = tpu.memref_slice %arg4[%div3A_1117, %rem3A_1119, %dma_wait3A_1125] : memref<50x16384x32xf32, #tpu.memory_space<hbm>> -> memref<1x1024x32xf32, #tpu.memory_space<hbm>>
    %dma_wait3A_1127 = tpu.memref_squeeze %dma_wait3A_1126 : memref<1x1024x32xf32, #tpu.memory_space<hbm>> -> memref<1024x32xf32, #tpu.memory_space<hbm>>
    %dma_wait3A_1128 = arith.constant 0 : i32
    %dma_wait3A_1129 = tpu.memref_slice %arg4[%div3A_1117, %rem3A_1119, %dma_wait3A_1128] : memref<50x16384x32xf32, #tpu.memory_space<hbm>> -> memref<1x1024x32xf32, #tpu.memory_space<hbm>>
    %dma_wait3A_1130 = tpu.memref_squeeze %dma_wait3A_1129 : memref<1x1024x32xf32, #tpu.memory_space<hbm>> -> memref<1024x32xf32, #tpu.memory_space<hbm>>
    %dma_wait3A_1131 = arith.constant 0 : i32
    %dma_wait3A_1132 = arith.constant 0 : i32
    %dma_wait3A_1133 = tpu.memref_slice %arg6[%dma_wait3A_1120, %dma_wait3A_1131, %dma_wait3A_1132] : memref<3x1024x32xf32, #tpu.memory_space<vmem>> -> memref<1x1024x32xf32, #tpu.memory_space<vmem>>
    %dma_wait3A_1134 = tpu.memref_squeeze %dma_wait3A_1133 : memref<1x1024x32xf32, #tpu.memory_space<vmem>> -> memref<1024x32xf32, #tpu.memory_space<vmem>>
    tpu.wait_dma2 semaphore(%arg12 : memref<!tpu.dma_semaphore, #tpu.memory_space<semaphore_mem>>) src(%dma_wait3A_1134 : memref<1024x32xf32, #tpu.memory_space<vmem>>) dst(%dma_wait3A_1130 : memref<1024x32xf32, #tpu.memory_space<hbm>>)
    %dma_start3A_1135 = arith.constant 2 : i32
    %dma_start3A_1136 = arith.constant 0 : i32
    %dma_start3A_1137 = arith.constant 0 : i32
    %dma_start3A_1138 = tpu.memref_slice %arg6[%dma_start3A_1135, %dma_start3A_1136, %dma_start3A_1137] : memref<3x1024x32xf32, #tpu.memory_space<vmem>> -> memref<1x1024x32xf32, #tpu.memory_space<vmem>>
    %dma_start3A_1139 = tpu.memref_squeeze %dma_start3A_1138 : memref<1x1024x32xf32, #tpu.memory_space<vmem>> -> memref<1024x32xf32, #tpu.memory_space<vmem>>
    %dma_start3A_1140 = arith.constant 20480 : i32
    %dma_start3A_1141 = tpu.memref_slice %arg5[%dma_start3A_1140] : memref<25600xi32, #tpu.memory_space<vmem>> -> memref<1024xi32, #tpu.memory_space<vmem>>
    %dma_start3A_1142 = arith.constant 0 : i32
    %dma_start3A_1143 = arith.constant 0 : i32
    %dma_start3A_1144 = tpu.memref_slice %arg3[%dma_start3A_1142, %dma_start3A_1143] : memref<1000000x32xf32, #tpu.memory_space<hbm>> -> memref<1000000x32xf32, #tpu.memory_space<hbm>>
    tpu.enqueue_indirect_dma source(%dma_start3A_1144 : memref<1000000x32xf32, #tpu.memory_space<hbm>>) target(%dma_start3A_1139 : memref<1024x32xf32, #tpu.memory_space<vmem>>) offsets(%dma_start3A_1141 : memref<1024xi32, #tpu.memory_space<vmem>>) semaphore(%arg9 : memref<!tpu.dma_semaphore, #tpu.memory_space<semaphore_mem>>)
    %dma_wait3A_1145 = arith.constant 0 : i32
    %dma_wait3A_1146 = arith.constant 0 : i32
    %dma_wait3A_1147 = arith.constant 0 : i32
    %dma_wait3A_1148 = tpu.memref_slice %arg6[%dma_wait3A_1145, %dma_wait3A_1146, %dma_wait3A_1147] : memref<3x1024x32xf32, #tpu.memory_space<vmem>> -> memref<1x1024x32xf32, #tpu.memory_space<vmem>>
    %dma_wait3A_1149 = tpu.memref_squeeze %dma_wait3A_1148 : memref<1x1024x32xf32, #tpu.memory_space<vmem>> -> memref<1024x32xf32, #tpu.memory_space<vmem>>
    %dma_wait3A_1150 = arith.constant 18432 : i32
    %dma_wait3A_1151 = tpu.memref_slice %arg5[%dma_wait3A_1150] : memref<25600xi32, #tpu.memory_space<vmem>> -> memref<1024xi32, #tpu.memory_space<vmem>>
    %dma_wait3A_1152 = arith.constant 0 : i32
    %dma_wait3A_1153 = arith.constant 0 : i32
    %dma_wait3A_1154 = tpu.memref_slice %arg3[%dma_wait3A_1152, %dma_wait3A_1153] : memref<1000000x32xf32, #tpu.memory_space<hbm>> -> memref<1000000x32xf32, #tpu.memory_space<hbm>>
    tpu.wait_indirect_dma semaphore(%arg7 : memref<!tpu.dma_semaphore, #tpu.memory_space<semaphore_mem>>) src(%dma_wait3A_1154 : memref<1000000x32xf32, #tpu.memory_space<hbm>>) dst(%dma_wait3A_1149 : memref<1024x32xf32, #tpu.memory_space<vmem>>)
    %add3A_1155 = arith.constant 18432 : i32
    %add3A_1156 = arith.addi %mul3A_2, %add3A_1155 : i32
    %div3A_1157 = arith.constant 16384 : i32
    %div3A_1158 = arith.divsi %add3A_1156, %div3A_1157 : i32
    %rem3A_1159 = arith.constant 16384 : i32
    %rem3A_1160 = arith.remsi %add3A_1156, %rem3A_1159 : i32
    %dma_start3A_1161 = arith.constant 0 : i32
    %dma_start3A_1162 = arith.constant 0 : i32
    %dma_start3A_1163 = arith.constant 0 : i32
    %dma_start3A_1164 = tpu.memref_slice %arg6[%dma_start3A_1161, %dma_start3A_1162, %dma_start3A_1163] : memref<3x1024x32xf32, #tpu.memory_space<vmem>> -> memref<1x1024x32xf32, #tpu.memory_space<vmem>>
    %dma_start3A_1165 = tpu.memref_squeeze %dma_start3A_1164 : memref<1x1024x32xf32, #tpu.memory_space<vmem>> -> memref<1024x32xf32, #tpu.memory_space<vmem>>
    %dma_start3A_1166 = arith.constant 0 : i32
    %dma_start3A_1167 = tpu.memref_slice %arg4[%div3A_1158, %rem3A_1160, %dma_start3A_1166] : memref<50x16384x32xf32, #tpu.memory_space<hbm>> -> memref<1x1024x32xf32, #tpu.memory_space<hbm>>
    %dma_start3A_1168 = tpu.memref_squeeze %dma_start3A_1167 : memref<1x1024x32xf32, #tpu.memory_space<hbm>> -> memref<1024x32xf32, #tpu.memory_space<hbm>>
    %dma_start3A_1169 = arith.constant 0 : i32
    %dma_start3A_1170 = tpu.memref_slice %arg4[%div3A_1158, %rem3A_1160, %dma_start3A_1169] : memref<50x16384x32xf32, #tpu.memory_space<hbm>> -> memref<1x1024x32xf32, #tpu.memory_space<hbm>>
    %dma_start3A_1171 = tpu.memref_squeeze %dma_start3A_1170 : memref<1x1024x32xf32, #tpu.memory_space<hbm>> -> memref<1024x32xf32, #tpu.memory_space<hbm>>
    %dma_start3A_1172 = arith.constant 0 : i32
    %dma_start3A_1173 = arith.constant 0 : i32
    %dma_start3A_1174 = tpu.memref_slice %arg6[%dma_start3A_1161, %dma_start3A_1172, %dma_start3A_1173] : memref<3x1024x32xf32, #tpu.memory_space<vmem>> -> memref<1x1024x32xf32, #tpu.memory_space<vmem>>
    %dma_start3A_1175 = tpu.memref_squeeze %dma_start3A_1174 : memref<1x1024x32xf32, #tpu.memory_space<vmem>> -> memref<1024x32xf32, #tpu.memory_space<vmem>>
    tpu.enqueue_dma source(%dma_start3A_1175 : memref<1024x32xf32, #tpu.memory_space<vmem>>) target(%dma_start3A_1171 : memref<1024x32xf32, #tpu.memory_space<hbm>>) target_semaphore(%arg10 : memref<!tpu.dma_semaphore, #tpu.memory_space<semaphore_mem>>)
    %add3A_1176 = arith.constant 18432 : i32
    %add3A_1177 = arith.addi %mul3A_2, %add3A_1176 : i32
    %div3A_1178 = arith.constant 16384 : i32
    %div3A_1179 = arith.divsi %add3A_1177, %div3A_1178 : i32
    %rem3A_1180 = arith.constant 16384 : i32
    %rem3A_1181 = arith.remsi %add3A_1177, %rem3A_1180 : i32
    %dma_wait3A_1182 = arith.constant 0 : i32
    %dma_wait3A_1183 = arith.constant 0 : i32
    %dma_wait3A_1184 = arith.constant 0 : i32
    %dma_wait3A_1185 = tpu.memref_slice %arg6[%dma_wait3A_1182, %dma_wait3A_1183, %dma_wait3A_1184] : memref<3x1024x32xf32, #tpu.memory_space<vmem>> -> memref<1x1024x32xf32, #tpu.memory_space<vmem>>
    %dma_wait3A_1186 = tpu.memref_squeeze %dma_wait3A_1185 : memref<1x1024x32xf32, #tpu.memory_space<vmem>> -> memref<1024x32xf32, #tpu.memory_space<vmem>>
    %dma_wait3A_1187 = arith.constant 0 : i32
    %dma_wait3A_1188 = tpu.memref_slice %arg4[%div3A_1179, %rem3A_1181, %dma_wait3A_1187] : memref<50x16384x32xf32, #tpu.memory_space<hbm>> -> memref<1x1024x32xf32, #tpu.memory_space<hbm>>
    %dma_wait3A_1189 = tpu.memref_squeeze %dma_wait3A_1188 : memref<1x1024x32xf32, #tpu.memory_space<hbm>> -> memref<1024x32xf32, #tpu.memory_space<hbm>>
    %dma_wait3A_1190 = arith.constant 0 : i32
    %dma_wait3A_1191 = tpu.memref_slice %arg4[%div3A_1179, %rem3A_1181, %dma_wait3A_1190] : memref<50x16384x32xf32, #tpu.memory_space<hbm>> -> memref<1x1024x32xf32, #tpu.memory_space<hbm>>
    %dma_wait3A_1192 = tpu.memref_squeeze %dma_wait3A_1191 : memref<1x1024x32xf32, #tpu.memory_space<hbm>> -> memref<1024x32xf32, #tpu.memory_space<hbm>>
    %dma_wait3A_1193 = arith.constant 0 : i32
    %dma_wait3A_1194 = arith.constant 0 : i32
    %dma_wait3A_1195 = tpu.memref_slice %arg6[%dma_wait3A_1182, %dma_wait3A_1193, %dma_wait3A_1194] : memref<3x1024x32xf32, #tpu.memory_space<vmem>> -> memref<1x1024x32xf32, #tpu.memory_space<vmem>>
    %dma_wait3A_1196 = tpu.memref_squeeze %dma_wait3A_1195 : memref<1x1024x32xf32, #tpu.memory_space<vmem>> -> memref<1024x32xf32, #tpu.memory_space<vmem>>
    tpu.wait_dma2 semaphore(%arg10 : memref<!tpu.dma_semaphore, #tpu.memory_space<semaphore_mem>>) src(%dma_wait3A_1196 : memref<1024x32xf32, #tpu.memory_space<vmem>>) dst(%dma_wait3A_1192 : memref<1024x32xf32, #tpu.memory_space<hbm>>)
    %dma_start3A_1197 = arith.constant 0 : i32
    %dma_start3A_1198 = arith.constant 0 : i32
    %dma_start3A_1199 = arith.constant 0 : i32
    %dma_start3A_1200 = tpu.memref_slice %arg6[%dma_start3A_1197, %dma_start3A_1198, %dma_start3A_1199] : memref<3x1024x32xf32, #tpu.memory_space<vmem>> -> memref<1x1024x32xf32, #tpu.memory_space<vmem>>
    %dma_start3A_1201 = tpu.memref_squeeze %dma_start3A_1200 : memref<1x1024x32xf32, #tpu.memory_space<vmem>> -> memref<1024x32xf32, #tpu.memory_space<vmem>>
    %dma_start3A_1202 = arith.constant 21504 : i32
    %dma_start3A_1203 = tpu.memref_slice %arg5[%dma_start3A_1202] : memref<25600xi32, #tpu.memory_space<vmem>> -> memref<1024xi32, #tpu.memory_space<vmem>>
    %dma_start3A_1204 = arith.constant 0 : i32
    %dma_start3A_1205 = arith.constant 0 : i32
    %dma_start3A_1206 = tpu.memref_slice %arg3[%dma_start3A_1204, %dma_start3A_1205] : memref<1000000x32xf32, #tpu.memory_space<hbm>> -> memref<1000000x32xf32, #tpu.memory_space<hbm>>
    tpu.enqueue_indirect_dma source(%dma_start3A_1206 : memref<1000000x32xf32, #tpu.memory_space<hbm>>) target(%dma_start3A_1201 : memref<1024x32xf32, #tpu.memory_space<vmem>>) offsets(%dma_start3A_1203 : memref<1024xi32, #tpu.memory_space<vmem>>) semaphore(%arg7 : memref<!tpu.dma_semaphore, #tpu.memory_space<semaphore_mem>>)
    %dma_wait3A_1207 = arith.constant 1 : i32
    %dma_wait3A_1208 = arith.constant 0 : i32
    %dma_wait3A_1209 = arith.constant 0 : i32
    %dma_wait3A_1210 = tpu.memref_slice %arg6[%dma_wait3A_1207, %dma_wait3A_1208, %dma_wait3A_1209] : memref<3x1024x32xf32, #tpu.memory_space<vmem>> -> memref<1x1024x32xf32, #tpu.memory_space<vmem>>
    %dma_wait3A_1211 = tpu.memref_squeeze %dma_wait3A_1210 : memref<1x1024x32xf32, #tpu.memory_space<vmem>> -> memref<1024x32xf32, #tpu.memory_space<vmem>>
    %dma_wait3A_1212 = arith.constant 19456 : i32
    %dma_wait3A_1213 = tpu.memref_slice %arg5[%dma_wait3A_1212] : memref<25600xi32, #tpu.memory_space<vmem>> -> memref<1024xi32, #tpu.memory_space<vmem>>
    %dma_wait3A_1214 = arith.constant 0 : i32
    %dma_wait3A_1215 = arith.constant 0 : i32
    %dma_wait3A_1216 = tpu.memref_slice %arg3[%dma_wait3A_1214, %dma_wait3A_1215] : memref<1000000x32xf32, #tpu.memory_space<hbm>> -> memref<1000000x32xf32, #tpu.memory_space<hbm>>
    tpu.wait_indirect_dma semaphore(%arg8 : memref<!tpu.dma_semaphore, #tpu.memory_space<semaphore_mem>>) src(%dma_wait3A_1216 : memref<1000000x32xf32, #tpu.memory_space<hbm>>) dst(%dma_wait3A_1211 : memref<1024x32xf32, #tpu.memory_space<vmem>>)
    %add3A_1217 = arith.constant 19456 : i32
    %add3A_1218 = arith.addi %mul3A_2, %add3A_1217 : i32
    %div3A_1219 = arith.constant 16384 : i32
    %div3A_1220 = arith.divsi %add3A_1218, %div3A_1219 : i32
    %rem3A_1221 = arith.constant 16384 : i32
    %rem3A_1222 = arith.remsi %add3A_1218, %rem3A_1221 : i32
    %dma_start3A_1223 = arith.constant 1 : i32
    %dma_start3A_1224 = arith.constant 0 : i32
    %dma_start3A_1225 = arith.constant 0 : i32
    %dma_start3A_1226 = tpu.memref_slice %arg6[%dma_start3A_1223, %dma_start3A_1224, %dma_start3A_1225] : memref<3x1024x32xf32, #tpu.memory_space<vmem>> -> memref<1x1024x32xf32, #tpu.memory_space<vmem>>
    %dma_start3A_1227 = tpu.memref_squeeze %dma_start3A_1226 : memref<1x1024x32xf32, #tpu.memory_space<vmem>> -> memref<1024x32xf32, #tpu.memory_space<vmem>>
    %dma_start3A_1228 = arith.constant 0 : i32
    %dma_start3A_1229 = tpu.memref_slice %arg4[%div3A_1220, %rem3A_1222, %dma_start3A_1228] : memref<50x16384x32xf32, #tpu.memory_space<hbm>> -> memref<1x1024x32xf32, #tpu.memory_space<hbm>>
    %dma_start3A_1230 = tpu.memref_squeeze %dma_start3A_1229 : memref<1x1024x32xf32, #tpu.memory_space<hbm>> -> memref<1024x32xf32, #tpu.memory_space<hbm>>
    %dma_start3A_1231 = arith.constant 0 : i32
    %dma_start3A_1232 = tpu.memref_slice %arg4[%div3A_1220, %rem3A_1222, %dma_start3A_1231] : memref<50x16384x32xf32, #tpu.memory_space<hbm>> -> memref<1x1024x32xf32, #tpu.memory_space<hbm>>
    %dma_start3A_1233 = tpu.memref_squeeze %dma_start3A_1232 : memref<1x1024x32xf32, #tpu.memory_space<hbm>> -> memref<1024x32xf32, #tpu.memory_space<hbm>>
    %dma_start3A_1234 = arith.constant 0 : i32
    %dma_start3A_1235 = arith.constant 0 : i32
    %dma_start3A_1236 = tpu.memref_slice %arg6[%dma_start3A_1223, %dma_start3A_1234, %dma_start3A_1235] : memref<3x1024x32xf32, #tpu.memory_space<vmem>> -> memref<1x1024x32xf32, #tpu.memory_space<vmem>>
    %dma_start3A_1237 = tpu.memref_squeeze %dma_start3A_1236 : memref<1x1024x32xf32, #tpu.memory_space<vmem>> -> memref<1024x32xf32, #tpu.memory_space<vmem>>
    tpu.enqueue_dma source(%dma_start3A_1237 : memref<1024x32xf32, #tpu.memory_space<vmem>>) target(%dma_start3A_1233 : memref<1024x32xf32, #tpu.memory_space<hbm>>) target_semaphore(%arg11 : memref<!tpu.dma_semaphore, #tpu.memory_space<semaphore_mem>>)
    %add3A_1238 = arith.constant 19456 : i32
    %add3A_1239 = arith.addi %mul3A_2, %add3A_1238 : i32
    %div3A_1240 = arith.constant 16384 : i32
    %div3A_1241 = arith.divsi %add3A_1239, %div3A_1240 : i32
    %rem3A_1242 = arith.constant 16384 : i32
    %rem3A_1243 = arith.remsi %add3A_1239, %rem3A_1242 : i32
    %dma_wait3A_1244 = arith.constant 1 : i32
    %dma_wait3A_1245 = arith.constant 0 : i32
    %dma_wait3A_1246 = arith.constant 0 : i32
    %dma_wait3A_1247 = tpu.memref_slice %arg6[%dma_wait3A_1244, %dma_wait3A_1245, %dma_wait3A_1246] : memref<3x1024x32xf32, #tpu.memory_space<vmem>> -> memref<1x1024x32xf32, #tpu.memory_space<vmem>>
    %dma_wait3A_1248 = tpu.memref_squeeze %dma_wait3A_1247 : memref<1x1024x32xf32, #tpu.memory_space<vmem>> -> memref<1024x32xf32, #tpu.memory_space<vmem>>
    %dma_wait3A_1249 = arith.constant 0 : i32
    %dma_wait3A_1250 = tpu.memref_slice %arg4[%div3A_1241, %rem3A_1243, %dma_wait3A_1249] : memref<50x16384x32xf32, #tpu.memory_space<hbm>> -> memref<1x1024x32xf32, #tpu.memory_space<hbm>>
    %dma_wait3A_1251 = tpu.memref_squeeze %dma_wait3A_1250 : memref<1x1024x32xf32, #tpu.memory_space<hbm>> -> memref<1024x32xf32, #tpu.memory_space<hbm>>
    %dma_wait3A_1252 = arith.constant 0 : i32
    %dma_wait3A_1253 = tpu.memref_slice %arg4[%div3A_1241, %rem3A_1243, %dma_wait3A_1252] : memref<50x16384x32xf32, #tpu.memory_space<hbm>> -> memref<1x1024x32xf32, #tpu.memory_space<hbm>>
    %dma_wait3A_1254 = tpu.memref_squeeze %dma_wait3A_1253 : memref<1x1024x32xf32, #tpu.memory_space<hbm>> -> memref<1024x32xf32, #tpu.memory_space<hbm>>
    %dma_wait3A_1255 = arith.constant 0 : i32
    %dma_wait3A_1256 = arith.constant 0 : i32
    %dma_wait3A_1257 = tpu.memref_slice %arg6[%dma_wait3A_1244, %dma_wait3A_1255, %dma_wait3A_1256] : memref<3x1024x32xf32, #tpu.memory_space<vmem>> -> memref<1x1024x32xf32, #tpu.memory_space<vmem>>
    %dma_wait3A_1258 = tpu.memref_squeeze %dma_wait3A_1257 : memref<1x1024x32xf32, #tpu.memory_space<vmem>> -> memref<1024x32xf32, #tpu.memory_space<vmem>>
    tpu.wait_dma2 semaphore(%arg11 : memref<!tpu.dma_semaphore, #tpu.memory_space<semaphore_mem>>) src(%dma_wait3A_1258 : memref<1024x32xf32, #tpu.memory_space<vmem>>) dst(%dma_wait3A_1254 : memref<1024x32xf32, #tpu.memory_space<hbm>>)
    %dma_start3A_1259 = arith.constant 1 : i32
    %dma_start3A_1260 = arith.constant 0 : i32
    %dma_start3A_1261 = arith.constant 0 : i32
    %dma_start3A_1262 = tpu.memref_slice %arg6[%dma_start3A_1259, %dma_start3A_1260, %dma_start3A_1261] : memref<3x1024x32xf32, #tpu.memory_space<vmem>> -> memref<1x1024x32xf32, #tpu.memory_space<vmem>>
    %dma_start3A_1263 = tpu.memref_squeeze %dma_start3A_1262 : memref<1x1024x32xf32, #tpu.memory_space<vmem>> -> memref<1024x32xf32, #tpu.memory_space<vmem>>
    %dma_start3A_1264 = arith.constant 22528 : i32
    %dma_start3A_1265 = tpu.memref_slice %arg5[%dma_start3A_1264] : memref<25600xi32, #tpu.memory_space<vmem>> -> memref<1024xi32, #tpu.memory_space<vmem>>
    %dma_start3A_1266 = arith.constant 0 : i32
    %dma_start3A_1267 = arith.constant 0 : i32
    %dma_start3A_1268 = tpu.memref_slice %arg3[%dma_start3A_1266, %dma_start3A_1267] : memref<1000000x32xf32, #tpu.memory_space<hbm>> -> memref<1000000x32xf32, #tpu.memory_space<hbm>>
    tpu.enqueue_indirect_dma source(%dma_start3A_1268 : memref<1000000x32xf32, #tpu.memory_space<hbm>>) target(%dma_start3A_1263 : memref<1024x32xf32, #tpu.memory_space<vmem>>) offsets(%dma_start3A_1265 : memref<1024xi32, #tpu.memory_space<vmem>>) semaphore(%arg8 : memref<!tpu.dma_semaphore, #tpu.memory_space<semaphore_mem>>)
    %dma_wait3A_1269 = arith.constant 2 : i32
    %dma_wait3A_1270 = arith.constant 0 : i32
    %dma_wait3A_1271 = arith.constant 0 : i32
    %dma_wait3A_1272 = tpu.memref_slice %arg6[%dma_wait3A_1269, %dma_wait3A_1270, %dma_wait3A_1271] : memref<3x1024x32xf32, #tpu.memory_space<vmem>> -> memref<1x1024x32xf32, #tpu.memory_space<vmem>>
    %dma_wait3A_1273 = tpu.memref_squeeze %dma_wait3A_1272 : memref<1x1024x32xf32, #tpu.memory_space<vmem>> -> memref<1024x32xf32, #tpu.memory_space<vmem>>
    %dma_wait3A_1274 = arith.constant 20480 : i32
    %dma_wait3A_1275 = tpu.memref_slice %arg5[%dma_wait3A_1274] : memref<25600xi32, #tpu.memory_space<vmem>> -> memref<1024xi32, #tpu.memory_space<vmem>>
    %dma_wait3A_1276 = arith.constant 0 : i32
    %dma_wait3A_1277 = arith.constant 0 : i32
    %dma_wait3A_1278 = tpu.memref_slice %arg3[%dma_wait3A_1276, %dma_wait3A_1277] : memref<1000000x32xf32, #tpu.memory_space<hbm>> -> memref<1000000x32xf32, #tpu.memory_space<hbm>>
    tpu.wait_indirect_dma semaphore(%arg9 : memref<!tpu.dma_semaphore, #tpu.memory_space<semaphore_mem>>) src(%dma_wait3A_1278 : memref<1000000x32xf32, #tpu.memory_space<hbm>>) dst(%dma_wait3A_1273 : memref<1024x32xf32, #tpu.memory_space<vmem>>)
    %add3A_1279 = arith.constant 20480 : i32
    %add3A_1280 = arith.addi %mul3A_2, %add3A_1279 : i32
    %div3A_1281 = arith.constant 16384 : i32
    %div3A_1282 = arith.divsi %add3A_1280, %div3A_1281 : i32
    %rem3A_1283 = arith.constant 16384 : i32
    %rem3A_1284 = arith.remsi %add3A_1280, %rem3A_1283 : i32
    %dma_start3A_1285 = arith.constant 2 : i32
    %dma_start3A_1286 = arith.constant 0 : i32
    %dma_start3A_1287 = arith.constant 0 : i32
    %dma_start3A_1288 = tpu.memref_slice %arg6[%dma_start3A_1285, %dma_start3A_1286, %dma_start3A_1287] : memref<3x1024x32xf32, #tpu.memory_space<vmem>> -> memref<1x1024x32xf32, #tpu.memory_space<vmem>>
    %dma_start3A_1289 = tpu.memref_squeeze %dma_start3A_1288 : memref<1x1024x32xf32, #tpu.memory_space<vmem>> -> memref<1024x32xf32, #tpu.memory_space<vmem>>
    %dma_start3A_1290 = arith.constant 0 : i32
    %dma_start3A_1291 = tpu.memref_slice %arg4[%div3A_1282, %rem3A_1284, %dma_start3A_1290] : memref<50x16384x32xf32, #tpu.memory_space<hbm>> -> memref<1x1024x32xf32, #tpu.memory_space<hbm>>
    %dma_start3A_1292 = tpu.memref_squeeze %dma_start3A_1291 : memref<1x1024x32xf32, #tpu.memory_space<hbm>> -> memref<1024x32xf32, #tpu.memory_space<hbm>>
    %dma_start3A_1293 = arith.constant 0 : i32
    %dma_start3A_1294 = tpu.memref_slice %arg4[%div3A_1282, %rem3A_1284, %dma_start3A_1293] : memref<50x16384x32xf32, #tpu.memory_space<hbm>> -> memref<1x1024x32xf32, #tpu.memory_space<hbm>>
    %dma_start3A_1295 = tpu.memref_squeeze %dma_start3A_1294 : memref<1x1024x32xf32, #tpu.memory_space<hbm>> -> memref<1024x32xf32, #tpu.memory_space<hbm>>
    %dma_start3A_1296 = arith.constant 0 : i32
    %dma_start3A_1297 = arith.constant 0 : i32
    %dma_start3A_1298 = tpu.memref_slice %arg6[%dma_start3A_1285, %dma_start3A_1296, %dma_start3A_1297] : memref<3x1024x32xf32, #tpu.memory_space<vmem>> -> memref<1x1024x32xf32, #tpu.memory_space<vmem>>
    %dma_start3A_1299 = tpu.memref_squeeze %dma_start3A_1298 : memref<1x1024x32xf32, #tpu.memory_space<vmem>> -> memref<1024x32xf32, #tpu.memory_space<vmem>>
    tpu.enqueue_dma source(%dma_start3A_1299 : memref<1024x32xf32, #tpu.memory_space<vmem>>) target(%dma_start3A_1295 : memref<1024x32xf32, #tpu.memory_space<hbm>>) target_semaphore(%arg12 : memref<!tpu.dma_semaphore, #tpu.memory_space<semaphore_mem>>)
    %add3A_1300 = arith.constant 20480 : i32
    %add3A_1301 = arith.addi %mul3A_2, %add3A_1300 : i32
    %div3A_1302 = arith.constant 16384 : i32
    %div3A_1303 = arith.divsi %add3A_1301, %div3A_1302 : i32
    %rem3A_1304 = arith.constant 16384 : i32
    %rem3A_1305 = arith.remsi %add3A_1301, %rem3A_1304 : i32
    %dma_wait3A_1306 = arith.constant 2 : i32
    %dma_wait3A_1307 = arith.constant 0 : i32
    %dma_wait3A_1308 = arith.constant 0 : i32
    %dma_wait3A_1309 = tpu.memref_slice %arg6[%dma_wait3A_1306, %dma_wait3A_1307, %dma_wait3A_1308] : memref<3x1024x32xf32, #tpu.memory_space<vmem>> -> memref<1x1024x32xf32, #tpu.memory_space<vmem>>
    %dma_wait3A_1310 = tpu.memref_squeeze %dma_wait3A_1309 : memref<1x1024x32xf32, #tpu.memory_space<vmem>> -> memref<1024x32xf32, #tpu.memory_space<vmem>>
    %dma_wait3A_1311 = arith.constant 0 : i32
    %dma_wait3A_1312 = tpu.memref_slice %arg4[%div3A_1303, %rem3A_1305, %dma_wait3A_1311] : memref<50x16384x32xf32, #tpu.memory_space<hbm>> -> memref<1x1024x32xf32, #tpu.memory_space<hbm>>
    %dma_wait3A_1313 = tpu.memref_squeeze %dma_wait3A_1312 : memref<1x1024x32xf32, #tpu.memory_space<hbm>> -> memref<1024x32xf32, #tpu.memory_space<hbm>>
    %dma_wait3A_1314 = arith.constant 0 : i32
    %dma_wait3A_1315 = tpu.memref_slice %arg4[%div3A_1303, %rem3A_1305, %dma_wait3A_1314] : memref<50x16384x32xf32, #tpu.memory_space<hbm>> -> memref<1x1024x32xf32, #tpu.memory_space<hbm>>
    %dma_wait3A_1316 = tpu.memref_squeeze %dma_wait3A_1315 : memref<1x1024x32xf32, #tpu.memory_space<hbm>> -> memref<1024x32xf32, #tpu.memory_space<hbm>>
    %dma_wait3A_1317 = arith.constant 0 : i32
    %dma_wait3A_1318 = arith.constant 0 : i32
    %dma_wait3A_1319 = tpu.memref_slice %arg6[%dma_wait3A_1306, %dma_wait3A_1317, %dma_wait3A_1318] : memref<3x1024x32xf32, #tpu.memory_space<vmem>> -> memref<1x1024x32xf32, #tpu.memory_space<vmem>>
    %dma_wait3A_1320 = tpu.memref_squeeze %dma_wait3A_1319 : memref<1x1024x32xf32, #tpu.memory_space<vmem>> -> memref<1024x32xf32, #tpu.memory_space<vmem>>
    tpu.wait_dma2 semaphore(%arg12 : memref<!tpu.dma_semaphore, #tpu.memory_space<semaphore_mem>>) src(%dma_wait3A_1320 : memref<1024x32xf32, #tpu.memory_space<vmem>>) dst(%dma_wait3A_1316 : memref<1024x32xf32, #tpu.memory_space<hbm>>)
    %dma_start3A_1321 = arith.constant 2 : i32
    %dma_start3A_1322 = arith.constant 0 : i32
    %dma_start3A_1323 = arith.constant 0 : i32
    %dma_start3A_1324 = tpu.memref_slice %arg6[%dma_start3A_1321, %dma_start3A_1322, %dma_start3A_1323] : memref<3x1024x32xf32, #tpu.memory_space<vmem>> -> memref<1x1024x32xf32, #tpu.memory_space<vmem>>
    %dma_start3A_1325 = tpu.memref_squeeze %dma_start3A_1324 : memref<1x1024x32xf32, #tpu.memory_space<vmem>> -> memref<1024x32xf32, #tpu.memory_space<vmem>>
    %dma_start3A_1326 = arith.constant 23552 : i32
    %dma_start3A_1327 = tpu.memref_slice %arg5[%dma_start3A_1326] : memref<25600xi32, #tpu.memory_space<vmem>> -> memref<1024xi32, #tpu.memory_space<vmem>>
    %dma_start3A_1328 = arith.constant 0 : i32
    %dma_start3A_1329 = arith.constant 0 : i32
    %dma_start3A_1330 = tpu.memref_slice %arg3[%dma_start3A_1328, %dma_start3A_1329] : memref<1000000x32xf32, #tpu.memory_space<hbm>> -> memref<1000000x32xf32, #tpu.memory_space<hbm>>
    tpu.enqueue_indirect_dma source(%dma_start3A_1330 : memref<1000000x32xf32, #tpu.memory_space<hbm>>) target(%dma_start3A_1325 : memref<1024x32xf32, #tpu.memory_space<vmem>>) offsets(%dma_start3A_1327 : memref<1024xi32, #tpu.memory_space<vmem>>) semaphore(%arg9 : memref<!tpu.dma_semaphore, #tpu.memory_space<semaphore_mem>>)
    %dma_wait3A_1331 = arith.constant 0 : i32
    %dma_wait3A_1332 = arith.constant 0 : i32
    %dma_wait3A_1333 = arith.constant 0 : i32
    %dma_wait3A_1334 = tpu.memref_slice %arg6[%dma_wait3A_1331, %dma_wait3A_1332, %dma_wait3A_1333] : memref<3x1024x32xf32, #tpu.memory_space<vmem>> -> memref<1x1024x32xf32, #tpu.memory_space<vmem>>
    %dma_wait3A_1335 = tpu.memref_squeeze %dma_wait3A_1334 : memref<1x1024x32xf32, #tpu.memory_space<vmem>> -> memref<1024x32xf32, #tpu.memory_space<vmem>>
    %dma_wait3A_1336 = arith.constant 21504 : i32
    %dma_wait3A_1337 = tpu.memref_slice %arg5[%dma_wait3A_1336] : memref<25600xi32, #tpu.memory_space<vmem>> -> memref<1024xi32, #tpu.memory_space<vmem>>
    %dma_wait3A_1338 = arith.constant 0 : i32
    %dma_wait3A_1339 = arith.constant 0 : i32
    %dma_wait3A_1340 = tpu.memref_slice %arg3[%dma_wait3A_1338, %dma_wait3A_1339] : memref<1000000x32xf32, #tpu.memory_space<hbm>> -> memref<1000000x32xf32, #tpu.memory_space<hbm>>
    tpu.wait_indirect_dma semaphore(%arg7 : memref<!tpu.dma_semaphore, #tpu.memory_space<semaphore_mem>>) src(%dma_wait3A_1340 : memref<1000000x32xf32, #tpu.memory_space<hbm>>) dst(%dma_wait3A_1335 : memref<1024x32xf32, #tpu.memory_space<vmem>>)
    %add3A_1341 = arith.constant 21504 : i32
    %add3A_1342 = arith.addi %mul3A_2, %add3A_1341 : i32
    %div3A_1343 = arith.constant 16384 : i32
    %div3A_1344 = arith.divsi %add3A_1342, %div3A_1343 : i32
    %rem3A_1345 = arith.constant 16384 : i32
    %rem3A_1346 = arith.remsi %add3A_1342, %rem3A_1345 : i32
    %dma_start3A_1347 = arith.constant 0 : i32
    %dma_start3A_1348 = arith.constant 0 : i32
    %dma_start3A_1349 = arith.constant 0 : i32
    %dma_start3A_1350 = tpu.memref_slice %arg6[%dma_start3A_1347, %dma_start3A_1348, %dma_start3A_1349] : memref<3x1024x32xf32, #tpu.memory_space<vmem>> -> memref<1x1024x32xf32, #tpu.memory_space<vmem>>
    %dma_start3A_1351 = tpu.memref_squeeze %dma_start3A_1350 : memref<1x1024x32xf32, #tpu.memory_space<vmem>> -> memref<1024x32xf32, #tpu.memory_space<vmem>>
    %dma_start3A_1352 = arith.constant 0 : i32
    %dma_start3A_1353 = tpu.memref_slice %arg4[%div3A_1344, %rem3A_1346, %dma_start3A_1352] : memref<50x16384x32xf32, #tpu.memory_space<hbm>> -> memref<1x1024x32xf32, #tpu.memory_space<hbm>>
    %dma_start3A_1354 = tpu.memref_squeeze %dma_start3A_1353 : memref<1x1024x32xf32, #tpu.memory_space<hbm>> -> memref<1024x32xf32, #tpu.memory_space<hbm>>
    %dma_start3A_1355 = arith.constant 0 : i32
    %dma_start3A_1356 = tpu.memref_slice %arg4[%div3A_1344, %rem3A_1346, %dma_start3A_1355] : memref<50x16384x32xf32, #tpu.memory_space<hbm>> -> memref<1x1024x32xf32, #tpu.memory_space<hbm>>
    %dma_start3A_1357 = tpu.memref_squeeze %dma_start3A_1356 : memref<1x1024x32xf32, #tpu.memory_space<hbm>> -> memref<1024x32xf32, #tpu.memory_space<hbm>>
    %dma_start3A_1358 = arith.constant 0 : i32
    %dma_start3A_1359 = arith.constant 0 : i32
    %dma_start3A_1360 = tpu.memref_slice %arg6[%dma_start3A_1347, %dma_start3A_1358, %dma_start3A_1359] : memref<3x1024x32xf32, #tpu.memory_space<vmem>> -> memref<1x1024x32xf32, #tpu.memory_space<vmem>>
    %dma_start3A_1361 = tpu.memref_squeeze %dma_start3A_1360 : memref<1x1024x32xf32, #tpu.memory_space<vmem>> -> memref<1024x32xf32, #tpu.memory_space<vmem>>
    tpu.enqueue_dma source(%dma_start3A_1361 : memref<1024x32xf32, #tpu.memory_space<vmem>>) target(%dma_start3A_1357 : memref<1024x32xf32, #tpu.memory_space<hbm>>) target_semaphore(%arg10 : memref<!tpu.dma_semaphore, #tpu.memory_space<semaphore_mem>>)
    %add3A_1362 = arith.constant 21504 : i32
    %add3A_1363 = arith.addi %mul3A_2, %add3A_1362 : i32
    %div3A_1364 = arith.constant 16384 : i32
    %div3A_1365 = arith.divsi %add3A_1363, %div3A_1364 : i32
    %rem3A_1366 = arith.constant 16384 : i32
    %rem3A_1367 = arith.remsi %add3A_1363, %rem3A_1366 : i32
    %dma_wait3A_1368 = arith.constant 0 : i32
    %dma_wait3A_1369 = arith.constant 0 : i32
    %dma_wait3A_1370 = arith.constant 0 : i32
    %dma_wait3A_1371 = tpu.memref_slice %arg6[%dma_wait3A_1368, %dma_wait3A_1369, %dma_wait3A_1370] : memref<3x1024x32xf32, #tpu.memory_space<vmem>> -> memref<1x1024x32xf32, #tpu.memory_space<vmem>>
    %dma_wait3A_1372 = tpu.memref_squeeze %dma_wait3A_1371 : memref<1x1024x32xf32, #tpu.memory_space<vmem>> -> memref<1024x32xf32, #tpu.memory_space<vmem>>
    %dma_wait3A_1373 = arith.constant 0 : i32
    %dma_wait3A_1374 = tpu.memref_slice %arg4[%div3A_1365, %rem3A_1367, %dma_wait3A_1373] : memref<50x16384x32xf32, #tpu.memory_space<hbm>> -> memref<1x1024x32xf32, #tpu.memory_space<hbm>>
    %dma_wait3A_1375 = tpu.memref_squeeze %dma_wait3A_1374 : memref<1x1024x32xf32, #tpu.memory_space<hbm>> -> memref<1024x32xf32, #tpu.memory_space<hbm>>
    %dma_wait3A_1376 = arith.constant 0 : i32
    %dma_wait3A_1377 = tpu.memref_slice %arg4[%div3A_1365, %rem3A_1367, %dma_wait3A_1376] : memref<50x16384x32xf32, #tpu.memory_space<hbm>> -> memref<1x1024x32xf32, #tpu.memory_space<hbm>>
    %dma_wait3A_1378 = tpu.memref_squeeze %dma_wait3A_1377 : memref<1x1024x32xf32, #tpu.memory_space<hbm>> -> memref<1024x32xf32, #tpu.memory_space<hbm>>
    %dma_wait3A_1379 = arith.constant 0 : i32
    %dma_wait3A_1380 = arith.constant 0 : i32
    %dma_wait3A_1381 = tpu.memref_slice %arg6[%dma_wait3A_1368, %dma_wait3A_1379, %dma_wait3A_1380] : memref<3x1024x32xf32, #tpu.memory_space<vmem>> -> memref<1x1024x32xf32, #tpu.memory_space<vmem>>
    %dma_wait3A_1382 = tpu.memref_squeeze %dma_wait3A_1381 : memref<1x1024x32xf32, #tpu.memory_space<vmem>> -> memref<1024x32xf32, #tpu.memory_space<vmem>>
    tpu.wait_dma2 semaphore(%arg10 : memref<!tpu.dma_semaphore, #tpu.memory_space<semaphore_mem>>) src(%dma_wait3A_1382 : memref<1024x32xf32, #tpu.memory_space<vmem>>) dst(%dma_wait3A_1378 : memref<1024x32xf32, #tpu.memory_space<hbm>>)
    %dma_start3A_1383 = arith.constant 0 : i32
    %dma_start3A_1384 = arith.constant 0 : i32
    %dma_start3A_1385 = arith.constant 0 : i32
    %dma_start3A_1386 = tpu.memref_slice %arg6[%dma_start3A_1383, %dma_start3A_1384, %dma_start3A_1385] : memref<3x1024x32xf32, #tpu.memory_space<vmem>> -> memref<1x1024x32xf32, #tpu.memory_space<vmem>>
    %dma_start3A_1387 = tpu.memref_squeeze %dma_start3A_1386 : memref<1x1024x32xf32, #tpu.memory_space<vmem>> -> memref<1024x32xf32, #tpu.memory_space<vmem>>
    %dma_start3A_1388 = arith.constant 24576 : i32
    %dma_start3A_1389 = tpu.memref_slice %arg5[%dma_start3A_1388] : memref<25600xi32, #tpu.memory_space<vmem>> -> memref<1024xi32, #tpu.memory_space<vmem>>
    %dma_start3A_1390 = arith.constant 0 : i32
    %dma_start3A_1391 = arith.constant 0 : i32
    %dma_start3A_1392 = tpu.memref_slice %arg3[%dma_start3A_1390, %dma_start3A_1391] : memref<1000000x32xf32, #tpu.memory_space<hbm>> -> memref<1000000x32xf32, #tpu.memory_space<hbm>>
    tpu.enqueue_indirect_dma source(%dma_start3A_1392 : memref<1000000x32xf32, #tpu.memory_space<hbm>>) target(%dma_start3A_1387 : memref<1024x32xf32, #tpu.memory_space<vmem>>) offsets(%dma_start3A_1389 : memref<1024xi32, #tpu.memory_space<vmem>>) semaphore(%arg7 : memref<!tpu.dma_semaphore, #tpu.memory_space<semaphore_mem>>)
    %dma_wait3A_1393 = arith.constant 1 : i32
    %dma_wait3A_1394 = arith.constant 0 : i32
    %dma_wait3A_1395 = arith.constant 0 : i32
    %dma_wait3A_1396 = tpu.memref_slice %arg6[%dma_wait3A_1393, %dma_wait3A_1394, %dma_wait3A_1395] : memref<3x1024x32xf32, #tpu.memory_space<vmem>> -> memref<1x1024x32xf32, #tpu.memory_space<vmem>>
    %dma_wait3A_1397 = tpu.memref_squeeze %dma_wait3A_1396 : memref<1x1024x32xf32, #tpu.memory_space<vmem>> -> memref<1024x32xf32, #tpu.memory_space<vmem>>
    %dma_wait3A_1398 = arith.constant 22528 : i32
    %dma_wait3A_1399 = tpu.memref_slice %arg5[%dma_wait3A_1398] : memref<25600xi32, #tpu.memory_space<vmem>> -> memref<1024xi32, #tpu.memory_space<vmem>>
    %dma_wait3A_1400 = arith.constant 0 : i32
    %dma_wait3A_1401 = arith.constant 0 : i32
    %dma_wait3A_1402 = tpu.memref_slice %arg3[%dma_wait3A_1400, %dma_wait3A_1401] : memref<1000000x32xf32, #tpu.memory_space<hbm>> -> memref<1000000x32xf32, #tpu.memory_space<hbm>>
    tpu.wait_indirect_dma semaphore(%arg8 : memref<!tpu.dma_semaphore, #tpu.memory_space<semaphore_mem>>) src(%dma_wait3A_1402 : memref<1000000x32xf32, #tpu.memory_space<hbm>>) dst(%dma_wait3A_1397 : memref<1024x32xf32, #tpu.memory_space<vmem>>)
    %add3A_1403 = arith.constant 22528 : i32
    %add3A_1404 = arith.addi %mul3A_2, %add3A_1403 : i32
    %div3A_1405 = arith.constant 16384 : i32
    %div3A_1406 = arith.divsi %add3A_1404, %div3A_1405 : i32
    %rem3A_1407 = arith.constant 16384 : i32
    %rem3A_1408 = arith.remsi %add3A_1404, %rem3A_1407 : i32
    %dma_start3A_1409 = arith.constant 1 : i32
    %dma_start3A_1410 = arith.constant 0 : i32
    %dma_start3A_1411 = arith.constant 0 : i32
    %dma_start3A_1412 = tpu.memref_slice %arg6[%dma_start3A_1409, %dma_start3A_1410, %dma_start3A_1411] : memref<3x1024x32xf32, #tpu.memory_space<vmem>> -> memref<1x1024x32xf32, #tpu.memory_space<vmem>>
    %dma_start3A_1413 = tpu.memref_squeeze %dma_start3A_1412 : memref<1x1024x32xf32, #tpu.memory_space<vmem>> -> memref<1024x32xf32, #tpu.memory_space<vmem>>
    %dma_start3A_1414 = arith.constant 0 : i32
    %dma_start3A_1415 = tpu.memref_slice %arg4[%div3A_1406, %rem3A_1408, %dma_start3A_1414] : memref<50x16384x32xf32, #tpu.memory_space<hbm>> -> memref<1x1024x32xf32, #tpu.memory_space<hbm>>
    %dma_start3A_1416 = tpu.memref_squeeze %dma_start3A_1415 : memref<1x1024x32xf32, #tpu.memory_space<hbm>> -> memref<1024x32xf32, #tpu.memory_space<hbm>>
    %dma_start3A_1417 = arith.constant 0 : i32
    %dma_start3A_1418 = tpu.memref_slice %arg4[%div3A_1406, %rem3A_1408, %dma_start3A_1417] : memref<50x16384x32xf32, #tpu.memory_space<hbm>> -> memref<1x1024x32xf32, #tpu.memory_space<hbm>>
    %dma_start3A_1419 = tpu.memref_squeeze %dma_start3A_1418 : memref<1x1024x32xf32, #tpu.memory_space<hbm>> -> memref<1024x32xf32, #tpu.memory_space<hbm>>
    %dma_start3A_1420 = arith.constant 0 : i32
    %dma_start3A_1421 = arith.constant 0 : i32
    %dma_start3A_1422 = tpu.memref_slice %arg6[%dma_start3A_1409, %dma_start3A_1420, %dma_start3A_1421] : memref<3x1024x32xf32, #tpu.memory_space<vmem>> -> memref<1x1024x32xf32, #tpu.memory_space<vmem>>
    %dma_start3A_1423 = tpu.memref_squeeze %dma_start3A_1422 : memref<1x1024x32xf32, #tpu.memory_space<vmem>> -> memref<1024x32xf32, #tpu.memory_space<vmem>>
    tpu.enqueue_dma source(%dma_start3A_1423 : memref<1024x32xf32, #tpu.memory_space<vmem>>) target(%dma_start3A_1419 : memref<1024x32xf32, #tpu.memory_space<hbm>>) target_semaphore(%arg11 : memref<!tpu.dma_semaphore, #tpu.memory_space<semaphore_mem>>)
    %dma_wait3A_1424 = arith.constant 2 : i32
    %dma_wait3A_1425 = arith.constant 0 : i32
    %dma_wait3A_1426 = arith.constant 0 : i32
    %dma_wait3A_1427 = tpu.memref_slice %arg6[%dma_wait3A_1424, %dma_wait3A_1425, %dma_wait3A_1426] : memref<3x1024x32xf32, #tpu.memory_space<vmem>> -> memref<1x1024x32xf32, #tpu.memory_space<vmem>>
    %dma_wait3A_1428 = tpu.memref_squeeze %dma_wait3A_1427 : memref<1x1024x32xf32, #tpu.memory_space<vmem>> -> memref<1024x32xf32, #tpu.memory_space<vmem>>
    %dma_wait3A_1429 = arith.constant 23552 : i32
    %dma_wait3A_1430 = tpu.memref_slice %arg5[%dma_wait3A_1429] : memref<25600xi32, #tpu.memory_space<vmem>> -> memref<1024xi32, #tpu.memory_space<vmem>>
    %dma_wait3A_1431 = arith.constant 0 : i32
    %dma_wait3A_1432 = arith.constant 0 : i32
    %dma_wait3A_1433 = tpu.memref_slice %arg3[%dma_wait3A_1431, %dma_wait3A_1432] : memref<1000000x32xf32, #tpu.memory_space<hbm>> -> memref<1000000x32xf32, #tpu.memory_space<hbm>>
    tpu.wait_indirect_dma semaphore(%arg9 : memref<!tpu.dma_semaphore, #tpu.memory_space<semaphore_mem>>) src(%dma_wait3A_1433 : memref<1000000x32xf32, #tpu.memory_space<hbm>>) dst(%dma_wait3A_1428 : memref<1024x32xf32, #tpu.memory_space<vmem>>)
    %add3A_1434 = arith.constant 23552 : i32
    %add3A_1435 = arith.addi %mul3A_2, %add3A_1434 : i32
    %div3A_1436 = arith.constant 16384 : i32
    %div3A_1437 = arith.divsi %add3A_1435, %div3A_1436 : i32
    %rem3A_1438 = arith.constant 16384 : i32
    %rem3A_1439 = arith.remsi %add3A_1435, %rem3A_1438 : i32
    %dma_start3A_1440 = arith.constant 2 : i32
    %dma_start3A_1441 = arith.constant 0 : i32
    %dma_start3A_1442 = arith.constant 0 : i32
    %dma_start3A_1443 = tpu.memref_slice %arg6[%dma_start3A_1440, %dma_start3A_1441, %dma_start3A_1442] : memref<3x1024x32xf32, #tpu.memory_space<vmem>> -> memref<1x1024x32xf32, #tpu.memory_space<vmem>>
    %dma_start3A_1444 = tpu.memref_squeeze %dma_start3A_1443 : memref<1x1024x32xf32, #tpu.memory_space<vmem>> -> memref<1024x32xf32, #tpu.memory_space<vmem>>
    %dma_start3A_1445 = arith.constant 0 : i32
    %dma_start3A_1446 = tpu.memref_slice %arg4[%div3A_1437, %rem3A_1439, %dma_start3A_1445] : memref<50x16384x32xf32, #tpu.memory_space<hbm>> -> memref<1x1024x32xf32, #tpu.memory_space<hbm>>
    %dma_start3A_1447 = tpu.memref_squeeze %dma_start3A_1446 : memref<1x1024x32xf32, #tpu.memory_space<hbm>> -> memref<1024x32xf32, #tpu.memory_space<hbm>>
    %dma_start3A_1448 = arith.constant 0 : i32
    %dma_start3A_1449 = tpu.memref_slice %arg4[%div3A_1437, %rem3A_1439, %dma_start3A_1448] : memref<50x16384x32xf32, #tpu.memory_space<hbm>> -> memref<1x1024x32xf32, #tpu.memory_space<hbm>>
    %dma_start3A_1450 = tpu.memref_squeeze %dma_start3A_1449 : memref<1x1024x32xf32, #tpu.memory_space<hbm>> -> memref<1024x32xf32, #tpu.memory_space<hbm>>
    %dma_start3A_1451 = arith.constant 0 : i32
    %dma_start3A_1452 = arith.constant 0 : i32
    %dma_start3A_1453 = tpu.memref_slice %arg6[%dma_start3A_1440, %dma_start3A_1451, %dma_start3A_1452] : memref<3x1024x32xf32, #tpu.memory_space<vmem>> -> memref<1x1024x32xf32, #tpu.memory_space<vmem>>
    %dma_start3A_1454 = tpu.memref_squeeze %dma_start3A_1453 : memref<1x1024x32xf32, #tpu.memory_space<vmem>> -> memref<1024x32xf32, #tpu.memory_space<vmem>>
    tpu.enqueue_dma source(%dma_start3A_1454 : memref<1024x32xf32, #tpu.memory_space<vmem>>) target(%dma_start3A_1450 : memref<1024x32xf32, #tpu.memory_space<hbm>>) target_semaphore(%arg12 : memref<!tpu.dma_semaphore, #tpu.memory_space<semaphore_mem>>)
    %dma_wait3A_1455 = arith.constant 0 : i32
    %dma_wait3A_1456 = arith.constant 0 : i32
    %dma_wait3A_1457 = arith.constant 0 : i32
    %dma_wait3A_1458 = tpu.memref_slice %arg6[%dma_wait3A_1455, %dma_wait3A_1456, %dma_wait3A_1457] : memref<3x1024x32xf32, #tpu.memory_space<vmem>> -> memref<1x1024x32xf32, #tpu.memory_space<vmem>>
    %dma_wait3A_1459 = tpu.memref_squeeze %dma_wait3A_1458 : memref<1x1024x32xf32, #tpu.memory_space<vmem>> -> memref<1024x32xf32, #tpu.memory_space<vmem>>
    %dma_wait3A_1460 = arith.constant 24576 : i32
    %dma_wait3A_1461 = tpu.memref_slice %arg5[%dma_wait3A_1460] : memref<25600xi32, #tpu.memory_space<vmem>> -> memref<1024xi32, #tpu.memory_space<vmem>>
    %dma_wait3A_1462 = arith.constant 0 : i32
    %dma_wait3A_1463 = arith.constant 0 : i32
    %dma_wait3A_1464 = tpu.memref_slice %arg3[%dma_wait3A_1462, %dma_wait3A_1463] : memref<1000000x32xf32, #tpu.memory_space<hbm>> -> memref<1000000x32xf32, #tpu.memory_space<hbm>>
    tpu.wait_indirect_dma semaphore(%arg7 : memref<!tpu.dma_semaphore, #tpu.memory_space<semaphore_mem>>) src(%dma_wait3A_1464 : memref<1000000x32xf32, #tpu.memory_space<hbm>>) dst(%dma_wait3A_1459 : memref<1024x32xf32, #tpu.memory_space<vmem>>)
    %add3A_1465 = arith.constant 24576 : i32
    %add3A_1466 = arith.addi %mul3A_2, %add3A_1465 : i32
    %div3A_1467 = arith.constant 16384 : i32
    %div3A_1468 = arith.divsi %add3A_1466, %div3A_1467 : i32
    %rem3A_1469 = arith.constant 16384 : i32
    %rem3A_1470 = arith.remsi %add3A_1466, %rem3A_1469 : i32
    %dma_start3A_1471 = arith.constant 0 : i32
    %dma_start3A_1472 = arith.constant 0 : i32
    %dma_start3A_1473 = arith.constant 0 : i32
    %dma_start3A_1474 = tpu.memref_slice %arg6[%dma_start3A_1471, %dma_start3A_1472, %dma_start3A_1473] : memref<3x1024x32xf32, #tpu.memory_space<vmem>> -> memref<1x1024x32xf32, #tpu.memory_space<vmem>>
    %dma_start3A_1475 = tpu.memref_squeeze %dma_start3A_1474 : memref<1x1024x32xf32, #tpu.memory_space<vmem>> -> memref<1024x32xf32, #tpu.memory_space<vmem>>
    %dma_start3A_1476 = arith.constant 0 : i32
    %dma_start3A_1477 = tpu.memref_slice %arg4[%div3A_1468, %rem3A_1470, %dma_start3A_1476] : memref<50x16384x32xf32, #tpu.memory_space<hbm>> -> memref<1x1024x32xf32, #tpu.memory_space<hbm>>
    %dma_start3A_1478 = tpu.memref_squeeze %dma_start3A_1477 : memref<1x1024x32xf32, #tpu.memory_space<hbm>> -> memref<1024x32xf32, #tpu.memory_space<hbm>>
    %dma_start3A_1479 = arith.constant 0 : i32
    %dma_start3A_1480 = tpu.memref_slice %arg4[%div3A_1468, %rem3A_1470, %dma_start3A_1479] : memref<50x16384x32xf32, #tpu.memory_space<hbm>> -> memref<1x1024x32xf32, #tpu.memory_space<hbm>>
    %dma_start3A_1481 = tpu.memref_squeeze %dma_start3A_1480 : memref<1x1024x32xf32, #tpu.memory_space<hbm>> -> memref<1024x32xf32, #tpu.memory_space<hbm>>
    %dma_start3A_1482 = arith.constant 0 : i32
    %dma_start3A_1483 = arith.constant 0 : i32
    %dma_start3A_1484 = tpu.memref_slice %arg6[%dma_start3A_1471, %dma_start3A_1482, %dma_start3A_1483] : memref<3x1024x32xf32, #tpu.memory_space<vmem>> -> memref<1x1024x32xf32, #tpu.memory_space<vmem>>
    %dma_start3A_1485 = tpu.memref_squeeze %dma_start3A_1484 : memref<1x1024x32xf32, #tpu.memory_space<vmem>> -> memref<1024x32xf32, #tpu.memory_space<vmem>>
    tpu.enqueue_dma source(%dma_start3A_1485 : memref<1024x32xf32, #tpu.memory_space<vmem>>) target(%dma_start3A_1481 : memref<1024x32xf32, #tpu.memory_space<hbm>>) target_semaphore(%arg10 : memref<!tpu.dma_semaphore, #tpu.memory_space<semaphore_mem>>)
    %add3A_1486 = arith.constant 22528 : i32
    %add3A_1487 = arith.addi %mul3A_2, %add3A_1486 : i32
    %div3A_1488 = arith.constant 16384 : i32
    %div3A_1489 = arith.divsi %add3A_1487, %div3A_1488 : i32
    %rem3A_1490 = arith.constant 16384 : i32
    %rem3A_1491 = arith.remsi %add3A_1487, %rem3A_1490 : i32
    %dma_wait3A_1492 = arith.constant 1 : i32
    %dma_wait3A_1493 = arith.constant 0 : i32
    %dma_wait3A_1494 = arith.constant 0 : i32
    %dma_wait3A_1495 = tpu.memref_slice %arg6[%dma_wait3A_1492, %dma_wait3A_1493, %dma_wait3A_1494] : memref<3x1024x32xf32, #tpu.memory_space<vmem>> -> memref<1x1024x32xf32, #tpu.memory_space<vmem>>
    %dma_wait3A_1496 = tpu.memref_squeeze %dma_wait3A_1495 : memref<1x1024x32xf32, #tpu.memory_space<vmem>> -> memref<1024x32xf32, #tpu.memory_space<vmem>>
    %dma_wait3A_1497 = arith.constant 0 : i32
    %dma_wait3A_1498 = tpu.memref_slice %arg4[%div3A_1489, %rem3A_1491, %dma_wait3A_1497] : memref<50x16384x32xf32, #tpu.memory_space<hbm>> -> memref<1x1024x32xf32, #tpu.memory_space<hbm>>
    %dma_wait3A_1499 = tpu.memref_squeeze %dma_wait3A_1498 : memref<1x1024x32xf32, #tpu.memory_space<hbm>> -> memref<1024x32xf32, #tpu.memory_space<hbm>>
    %dma_wait3A_1500 = arith.constant 0 : i32
    %dma_wait3A_1501 = tpu.memref_slice %arg4[%div3A_1489, %rem3A_1491, %dma_wait3A_1500] : memref<50x16384x32xf32, #tpu.memory_space<hbm>> -> memref<1x1024x32xf32, #tpu.memory_space<hbm>>
    %dma_wait3A_1502 = tpu.memref_squeeze %dma_wait3A_1501 : memref<1x1024x32xf32, #tpu.memory_space<hbm>> -> memref<1024x32xf32, #tpu.memory_space<hbm>>
    %dma_wait3A_1503 = arith.constant 0 : i32
    %dma_wait3A_1504 = arith.constant 0 : i32
    %dma_wait3A_1505 = tpu.memref_slice %arg6[%dma_wait3A_1492, %dma_wait3A_1503, %dma_wait3A_1504] : memref<3x1024x32xf32, #tpu.memory_space<vmem>> -> memref<1x1024x32xf32, #tpu.memory_space<vmem>>
    %dma_wait3A_1506 = tpu.memref_squeeze %dma_wait3A_1505 : memref<1x1024x32xf32, #tpu.memory_space<vmem>> -> memref<1024x32xf32, #tpu.memory_space<vmem>>
    tpu.wait_dma2 semaphore(%arg11 : memref<!tpu.dma_semaphore, #tpu.memory_space<semaphore_mem>>) src(%dma_wait3A_1506 : memref<1024x32xf32, #tpu.memory_space<vmem>>) dst(%dma_wait3A_1502 : memref<1024x32xf32, #tpu.memory_space<hbm>>)
    %add3A_1507 = arith.constant 23552 : i32
    %add3A_1508 = arith.addi %mul3A_2, %add3A_1507 : i32
    %div3A_1509 = arith.constant 16384 : i32
    %div3A_1510 = arith.divsi %add3A_1508, %div3A_1509 : i32
    %rem3A_1511 = arith.constant 16384 : i32
    %rem3A_1512 = arith.remsi %add3A_1508, %rem3A_1511 : i32
    %dma_wait3A_1513 = arith.constant 2 : i32
    %dma_wait3A_1514 = arith.constant 0 : i32
    %dma_wait3A_1515 = arith.constant 0 : i32
    %dma_wait3A_1516 = tpu.memref_slice %arg6[%dma_wait3A_1513, %dma_wait3A_1514, %dma_wait3A_1515] : memref<3x1024x32xf32, #tpu.memory_space<vmem>> -> memref<1x1024x32xf32, #tpu.memory_space<vmem>>
    %dma_wait3A_1517 = tpu.memref_squeeze %dma_wait3A_1516 : memref<1x1024x32xf32, #tpu.memory_space<vmem>> -> memref<1024x32xf32, #tpu.memory_space<vmem>>
    %dma_wait3A_1518 = arith.constant 0 : i32
    %dma_wait3A_1519 = tpu.memref_slice %arg4[%div3A_1510, %rem3A_1512, %dma_wait3A_1518] : memref<50x16384x32xf32, #tpu.memory_space<hbm>> -> memref<1x1024x32xf32, #tpu.memory_space<hbm>>
    %dma_wait3A_1520 = tpu.memref_squeeze %dma_wait3A_1519 : memref<1x1024x32xf32, #tpu.memory_space<hbm>> -> memref<1024x32xf32, #tpu.memory_space<hbm>>
    %dma_wait3A_1521 = arith.constant 0 : i32
    %dma_wait3A_1522 = tpu.memref_slice %arg4[%div3A_1510, %rem3A_1512, %dma_wait3A_1521] : memref<50x16384x32xf32, #tpu.memory_space<hbm>> -> memref<1x1024x32xf32, #tpu.memory_space<hbm>>
    %dma_wait3A_1523 = tpu.memref_squeeze %dma_wait3A_1522 : memref<1x1024x32xf32, #tpu.memory_space<hbm>> -> memref<1024x32xf32, #tpu.memory_space<hbm>>
    %dma_wait3A_1524 = arith.constant 0 : i32
    %dma_wait3A_1525 = arith.constant 0 : i32
    %dma_wait3A_1526 = tpu.memref_slice %arg6[%dma_wait3A_1513, %dma_wait3A_1524, %dma_wait3A_1525] : memref<3x1024x32xf32, #tpu.memory_space<vmem>> -> memref<1x1024x32xf32, #tpu.memory_space<vmem>>
    %dma_wait3A_1527 = tpu.memref_squeeze %dma_wait3A_1526 : memref<1x1024x32xf32, #tpu.memory_space<vmem>> -> memref<1024x32xf32, #tpu.memory_space<vmem>>
    tpu.wait_dma2 semaphore(%arg12 : memref<!tpu.dma_semaphore, #tpu.memory_space<semaphore_mem>>) src(%dma_wait3A_1527 : memref<1024x32xf32, #tpu.memory_space<vmem>>) dst(%dma_wait3A_1523 : memref<1024x32xf32, #tpu.memory_space<hbm>>)
    %add3A_1528 = arith.constant 24576 : i32
    %add3A_1529 = arith.addi %mul3A_2, %add3A_1528 : i32
    %div3A_1530 = arith.constant 16384 : i32
    %div3A_1531 = arith.divsi %add3A_1529, %div3A_1530 : i32
    %rem3A_1532 = arith.constant 16384 : i32
    %rem3A_1533 = arith.remsi %add3A_1529, %rem3A_1532 : i32
    %dma_wait3A_1534 = arith.constant 0 : i32
    %dma_wait3A_1535 = arith.constant 0 : i32
    %dma_wait3A_1536 = arith.constant 0 : i32
    %dma_wait3A_1537 = tpu.memref_slice %arg6[%dma_wait3A_1534, %dma_wait3A_1535, %dma_wait3A_1536] : memref<3x1024x32xf32, #tpu.memory_space<vmem>> -> memref<1x1024x32xf32, #tpu.memory_space<vmem>>
    %dma_wait3A_1538 = tpu.memref_squeeze %dma_wait3A_1537 : memref<1x1024x32xf32, #tpu.memory_space<vmem>> -> memref<1024x32xf32, #tpu.memory_space<vmem>>
    %dma_wait3A_1539 = arith.constant 0 : i32
    %dma_wait3A_1540 = tpu.memref_slice %arg4[%div3A_1531, %rem3A_1533, %dma_wait3A_1539] : memref<50x16384x32xf32, #tpu.memory_space<hbm>> -> memref<1x1024x32xf32, #tpu.memory_space<hbm>>
    %dma_wait3A_1541 = tpu.memref_squeeze %dma_wait3A_1540 : memref<1x1024x32xf32, #tpu.memory_space<hbm>> -> memref<1024x32xf32, #tpu.memory_space<hbm>>
    %dma_wait3A_1542 = arith.constant 0 : i32
    %dma_wait3A_1543 = tpu.memref_slice %arg4[%div3A_1531, %rem3A_1533, %dma_wait3A_1542] : memref<50x16384x32xf32, #tpu.memory_space<hbm>> -> memref<1x1024x32xf32, #tpu.memory_space<hbm>>
    %dma_wait3A_1544 = tpu.memref_squeeze %dma_wait3A_1543 : memref<1x1024x32xf32, #tpu.memory_space<hbm>> -> memref<1024x32xf32, #tpu.memory_space<hbm>>
    %dma_wait3A_1545 = arith.constant 0 : i32
    %dma_wait3A_1546 = arith.constant 0 : i32
    %dma_wait3A_1547 = tpu.memref_slice %arg6[%dma_wait3A_1534, %dma_wait3A_1545, %dma_wait3A_1546] : memref<3x1024x32xf32, #tpu.memory_space<vmem>> -> memref<1x1024x32xf32, #tpu.memory_space<vmem>>
    %dma_wait3A_1548 = tpu.memref_squeeze %dma_wait3A_1547 : memref<1x1024x32xf32, #tpu.memory_space<vmem>> -> memref<1024x32xf32, #tpu.memory_space<vmem>>
    tpu.wait_dma2 semaphore(%arg10 : memref<!tpu.dma_semaphore, #tpu.memory_space<semaphore_mem>>) src(%dma_wait3A_1548 : memref<1024x32xf32, #tpu.memory_space<vmem>>) dst(%dma_wait3A_1544 : memref<1024x32xf32, #tpu.memory_space<hbm>>)
    return
  }
}

#map = affine_map<(d0, d1) -> (0, 0)>
#map1 = affine_map<(d0, d1) -> (0)>
module attributes {stable_mosaic.version = 14 : i64} {
  func.func @_detile_sc(%arg0: i32, %arg1: i32, %arg2: memref<50x16384xi32, #tpu.memory_space<hbm>>, %arg3: memref<819200xi32, #tpu.memory_space<hbm>>, %arg4: memref<8x2048xi32, #tpu.memory_space<vmem>>) attributes {dimension_semantics = [#tpu.dimension_semantics<core_parallel>, #tpu.dimension_semantics<subcore_parallel>], iteration_bounds = array<i64: 2, 16>, scalar_prefetch = 0 : i64, scratch_operands = 1 : i64, tpu.core_type = #tpu.core_type<sc_vector_subcore>, window_params = [{transform_indices = #map}, {transform_indices = #map1}]} {
    %mul3A = arith.constant 2 : i32
    %mul3A_0 = arith.muli %arg1, %mul3A : i32
    %add3A = arith.addi %mul3A_0, %arg0 : i32
    %add3A_1 = arith.constant 0 : i32
    %add3A_2 = arith.addi %add3A, %add3A_1 : i32
    %lt3A = arith.constant 56 : i32
    %lt3A_3 = arith.cmpi slt, %add3A_2, %lt3A : i32
    %convert_element_type3A = arith.extui %lt3A_3 : i1 to i32
    %cond3A = arith.constant 0 : i32
    %cond3A_4 = arith.cmpi ne, %convert_element_type3A, %cond3A : i32
    scf.if %cond3A_4 {
      %jit3A = arith.constant 8 : i32
      %div3A = arith.divsi %add3A_2, %jit3A : i32
      %sign3A = arith.constant 0 : i32
      %sign3A_12 = arith.cmpi sgt, %add3A_2, %sign3A : i32
      %sign3A_13 = arith.extui %sign3A_12 : i1 to i32
      %sign3A_14 = arith.constant 0 : i32
      %sign3A_15 = arith.cmpi slt, %add3A_2, %sign3A_14 : i32
      %sign3A_16 = arith.extui %sign3A_15 : i1 to i32
      %sign3A_17 = arith.subi %sign3A_13, %sign3A_16 : i32
      %sign3A_18 = arith.constant 0 : i32
      %sign3A_19 = arith.cmpi sgt, %jit3A, %sign3A_18 : i32
      %sign3A_20 = arith.extui %sign3A_19 : i1 to i32
      %sign3A_21 = arith.constant 0 : i32
      %sign3A_22 = arith.cmpi slt, %jit3A, %sign3A_21 : i32
      %sign3A_23 = arith.extui %sign3A_22 : i1 to i32
      %sign3A_24 = arith.subi %sign3A_20, %sign3A_23 : i32
      %ne3A = arith.cmpi ne, %sign3A_17, %sign3A_24 : i32
      %rem3A = arith.remsi %add3A_2, %jit3A : i32
      %ne3A_25 = arith.constant 0 : i32
      %ne3A_26 = arith.cmpi ne, %rem3A, %ne3A_25 : i32
      %and3A = arith.andi %ne3A, %ne3A_26 : i1
      %sub3A = arith.constant 1 : i32
      %sub3A_27 = arith.subi %div3A, %sub3A : i32
      %select_n3A = arith.select %and3A, %sub3A_27, %div3A : i32
      %jit3A_28 = arith.constant 8 : i32
      %eq3A = arith.constant 0 : i32
      %eq3A_29 = arith.cmpi eq, %jit3A_28, %eq3A : i32
      %jit3A_30 = arith.constant 1 : i32
      %select_n3A_31 = arith.select %eq3A_29, %jit3A_30, %jit3A_28 : i32
      %rem3A_32 = arith.remsi %add3A_2, %select_n3A_31 : i32
      %ne3A_33 = arith.constant 0 : i32
      %ne3A_34 = arith.cmpi ne, %rem3A_32, %ne3A_33 : i32
      %lt3A_35 = arith.constant 0 : i32
      %lt3A_36 = arith.cmpi slt, %rem3A_32, %lt3A_35 : i32
      %lt3A_37 = arith.constant 0 : i32
      %lt3A_38 = arith.cmpi slt, %select_n3A_31, %lt3A_37 : i32
      %ne3A_39 = arith.xori %lt3A_36, %lt3A_38 : i1
      %and3A_40 = arith.andi %ne3A_39, %ne3A_34 : i1
      %add3A_41 = arith.addi %rem3A_32, %select_n3A_31 : i32
      %select_n3A_42 = arith.select %and3A_40, %add3A_41, %rem3A_32 : i32
      %mul3A_43 = arith.constant 2048 : i32
      %mul3A_44 = arith.muli %select_n3A_42, %mul3A_43 : i32
      %mul3A_45 = arith.constant 8 : i32
      %mul3A_46 = arith.muli %select_n3A, %mul3A_45 : i32
      "tpu.region"() ({
        %run_scoped3A = tpu.sem_alloc : memref<!tpu.dma_semaphore, #tpu.memory_space<semaphore_mem>>
        %dma_start3A = tpu.memref_slice %arg2[%mul3A_46, %mul3A_44] : memref<50x16384xi32, #tpu.memory_space<hbm>> -> memref<8x2048xi32, #tpu.memory_space<hbm>>
        %dma_start3A_119 = tpu.memref_slice %arg2[%mul3A_46, %mul3A_44] : memref<50x16384xi32, #tpu.memory_space<hbm>> -> memref<8x2048xi32, #tpu.memory_space<hbm>>
        tpu.enqueue_dma source(%dma_start3A_119 : memref<8x2048xi32, #tpu.memory_space<hbm>>) target(%arg4 : memref<8x2048xi32, #tpu.memory_space<vmem>>) target_semaphore(%run_scoped3A : memref<!tpu.dma_semaphore, #tpu.memory_space<semaphore_mem>>)
        %dma_wait3A = tpu.memref_slice %arg2[%mul3A_46, %mul3A_44] : memref<50x16384xi32, #tpu.memory_space<hbm>> -> memref<8x2048xi32, #tpu.memory_space<hbm>>
        %dma_wait3A_120 = tpu.memref_slice %arg2[%mul3A_46, %mul3A_44] : memref<50x16384xi32, #tpu.memory_space<hbm>> -> memref<8x2048xi32, #tpu.memory_space<hbm>>
        tpu.wait_dma2 semaphore(%run_scoped3A : memref<!tpu.dma_semaphore, #tpu.memory_space<semaphore_mem>>) src(%dma_wait3A_120 : memref<8x2048xi32, #tpu.memory_space<hbm>>) dst(%arg4 : memref<8x2048xi32, #tpu.memory_space<vmem>>)
        tpu.yield
      }) : () -> ()
      %mul3A_47 = arith.constant 8 : i32
      %mul3A_48 = arith.muli %select_n3A, %mul3A_47 : i32
      %add3A_49 = arith.constant 0 : i32
      %add3A_50 = arith.addi %mul3A_48, %add3A_49 : i32
      %lt3A_51 = arith.constant 50 : i32
      %lt3A_52 = arith.cmpi slt, %add3A_50, %lt3A_51 : i32
      %convert_element_type3A_53 = arith.extui %lt3A_52 : i1 to i32
      %cond3A_54 = arith.constant 0 : i32
      %cond3A_55 = arith.cmpi ne, %convert_element_type3A_53, %cond3A_54 : i32
      scf.if %cond3A_55 {
        %mul3A_119 = arith.constant 16384 : i32
        %mul3A_120 = arith.muli %add3A_50, %mul3A_119 : i32
        %add3A_121 = arith.addi %mul3A_120, %mul3A_44 : i32
        %run_scoped3A = arith.constant 0 : i32
        "tpu.region"() ({
          %run_scoped3A_122 = tpu.sem_alloc : memref<!tpu.dma_semaphore, #tpu.memory_space<semaphore_mem>>
          %dma_start3A = arith.constant 0 : i32
          %dma_start3A_123 = tpu.memref_slice %arg4[%run_scoped3A, %dma_start3A] : memref<8x2048xi32, #tpu.memory_space<vmem>> -> memref<1x2048xi32, #tpu.memory_space<vmem>>
          %dma_start3A_124 = tpu.memref_squeeze %dma_start3A_123 : memref<1x2048xi32, #tpu.memory_space<vmem>> -> memref<2048xi32, #tpu.memory_space<vmem>>
          %dma_start3A_125 = tpu.memref_slice %arg3[%add3A_121] : memref<819200xi32, #tpu.memory_space<hbm>> -> memref<2048xi32, #tpu.memory_space<hbm>>
          %dma_start3A_126 = tpu.memref_slice %arg3[%add3A_121] : memref<819200xi32, #tpu.memory_space<hbm>> -> memref<2048xi32, #tpu.memory_space<hbm>>
          %dma_start3A_127 = arith.constant 0 : i32
          %dma_start3A_128 = tpu.memref_slice %arg4[%run_scoped3A, %dma_start3A_127] : memref<8x2048xi32, #tpu.memory_space<vmem>> -> memref<1x2048xi32, #tpu.memory_space<vmem>>
          %dma_start3A_129 = tpu.memref_squeeze %dma_start3A_128 : memref<1x2048xi32, #tpu.memory_space<vmem>> -> memref<2048xi32, #tpu.memory_space<vmem>>
          tpu.enqueue_dma source(%dma_start3A_129 : memref<2048xi32, #tpu.memory_space<vmem>>) target(%dma_start3A_126 : memref<2048xi32, #tpu.memory_space<hbm>>) target_semaphore(%run_scoped3A_122 : memref<!tpu.dma_semaphore, #tpu.memory_space<semaphore_mem>>)
          %dma_wait3A = arith.constant 0 : i32
          %dma_wait3A_130 = tpu.memref_slice %arg4[%run_scoped3A, %dma_wait3A] : memref<8x2048xi32, #tpu.memory_space<vmem>> -> memref<1x2048xi32, #tpu.memory_space<vmem>>
          %dma_wait3A_131 = tpu.memref_squeeze %dma_wait3A_130 : memref<1x2048xi32, #tpu.memory_space<vmem>> -> memref<2048xi32, #tpu.memory_space<vmem>>
          %dma_wait3A_132 = tpu.memref_slice %arg3[%add3A_121] : memref<819200xi32, #tpu.memory_space<hbm>> -> memref<2048xi32, #tpu.memory_space<hbm>>
          %dma_wait3A_133 = tpu.memref_slice %arg3[%add3A_121] : memref<819200xi32, #tpu.memory_space<hbm>> -> memref<2048xi32, #tpu.memory_space<hbm>>
          %dma_wait3A_134 = arith.constant 0 : i32
          %dma_wait3A_135 = tpu.memref_slice %arg4[%run_scoped3A, %dma_wait3A_134] : memref<8x2048xi32, #tpu.memory_space<vmem>> -> memref<1x2048xi32, #tpu.memory_space<vmem>>
          %dma_wait3A_136 = tpu.memref_squeeze %dma_wait3A_135 : memref<1x2048xi32, #tpu.memory_space<vmem>> -> memref<2048xi32, #tpu.memory_space<vmem>>
          tpu.wait_dma2 semaphore(%run_scoped3A_122 : memref<!tpu.dma_semaphore, #tpu.memory_space<semaphore_mem>>) src(%dma_wait3A_136 : memref<2048xi32, #tpu.memory_space<vmem>>) dst(%dma_wait3A_133 : memref<2048xi32, #tpu.memory_space<hbm>>)
          tpu.yield
        }) : () -> ()
      } else {
      }
      %mul3A_56 = arith.constant 8 : i32
      %mul3A_57 = arith.muli %select_n3A, %mul3A_56 : i32
      %add3A_58 = arith.constant 1 : i32
      %add3A_59 = arith.addi %mul3A_57, %add3A_58 : i32
      %lt3A_60 = arith.constant 50 : i32
      %lt3A_61 = arith.cmpi slt, %add3A_59, %lt3A_60 : i32
      %convert_element_type3A_62 = arith.extui %lt3A_61 : i1 to i32
      %cond3A_63 = arith.constant 0 : i32
      %cond3A_64 = arith.cmpi ne, %convert_element_type3A_62, %cond3A_63 : i32
      scf.if %cond3A_64 {
        %mul3A_119 = arith.constant 16384 : i32
        %mul3A_120 = arith.muli %add3A_59, %mul3A_119 : i32
        %add3A_121 = arith.addi %mul3A_120, %mul3A_44 : i32
        %run_scoped3A = arith.constant 1 : i32
        "tpu.region"() ({
          %run_scoped3A_122 = tpu.sem_alloc : memref<!tpu.dma_semaphore, #tpu.memory_space<semaphore_mem>>
          %dma_start3A = arith.constant 0 : i32
          %dma_start3A_123 = tpu.memref_slice %arg4[%run_scoped3A, %dma_start3A] : memref<8x2048xi32, #tpu.memory_space<vmem>> -> memref<1x2048xi32, #tpu.memory_space<vmem>>
          %dma_start3A_124 = tpu.memref_squeeze %dma_start3A_123 : memref<1x2048xi32, #tpu.memory_space<vmem>> -> memref<2048xi32, #tpu.memory_space<vmem>>
          %dma_start3A_125 = tpu.memref_slice %arg3[%add3A_121] : memref<819200xi32, #tpu.memory_space<hbm>> -> memref<2048xi32, #tpu.memory_space<hbm>>
          %dma_start3A_126 = tpu.memref_slice %arg3[%add3A_121] : memref<819200xi32, #tpu.memory_space<hbm>> -> memref<2048xi32, #tpu.memory_space<hbm>>
          %dma_start3A_127 = arith.constant 0 : i32
          %dma_start3A_128 = tpu.memref_slice %arg4[%run_scoped3A, %dma_start3A_127] : memref<8x2048xi32, #tpu.memory_space<vmem>> -> memref<1x2048xi32, #tpu.memory_space<vmem>>
          %dma_start3A_129 = tpu.memref_squeeze %dma_start3A_128 : memref<1x2048xi32, #tpu.memory_space<vmem>> -> memref<2048xi32, #tpu.memory_space<vmem>>
          tpu.enqueue_dma source(%dma_start3A_129 : memref<2048xi32, #tpu.memory_space<vmem>>) target(%dma_start3A_126 : memref<2048xi32, #tpu.memory_space<hbm>>) target_semaphore(%run_scoped3A_122 : memref<!tpu.dma_semaphore, #tpu.memory_space<semaphore_mem>>)
          %dma_wait3A = arith.constant 0 : i32
          %dma_wait3A_130 = tpu.memref_slice %arg4[%run_scoped3A, %dma_wait3A] : memref<8x2048xi32, #tpu.memory_space<vmem>> -> memref<1x2048xi32, #tpu.memory_space<vmem>>
          %dma_wait3A_131 = tpu.memref_squeeze %dma_wait3A_130 : memref<1x2048xi32, #tpu.memory_space<vmem>> -> memref<2048xi32, #tpu.memory_space<vmem>>
          %dma_wait3A_132 = tpu.memref_slice %arg3[%add3A_121] : memref<819200xi32, #tpu.memory_space<hbm>> -> memref<2048xi32, #tpu.memory_space<hbm>>
          %dma_wait3A_133 = tpu.memref_slice %arg3[%add3A_121] : memref<819200xi32, #tpu.memory_space<hbm>> -> memref<2048xi32, #tpu.memory_space<hbm>>
          %dma_wait3A_134 = arith.constant 0 : i32
          %dma_wait3A_135 = tpu.memref_slice %arg4[%run_scoped3A, %dma_wait3A_134] : memref<8x2048xi32, #tpu.memory_space<vmem>> -> memref<1x2048xi32, #tpu.memory_space<vmem>>
          %dma_wait3A_136 = tpu.memref_squeeze %dma_wait3A_135 : memref<1x2048xi32, #tpu.memory_space<vmem>> -> memref<2048xi32, #tpu.memory_space<vmem>>
          tpu.wait_dma2 semaphore(%run_scoped3A_122 : memref<!tpu.dma_semaphore, #tpu.memory_space<semaphore_mem>>) src(%dma_wait3A_136 : memref<2048xi32, #tpu.memory_space<vmem>>) dst(%dma_wait3A_133 : memref<2048xi32, #tpu.memory_space<hbm>>)
          tpu.yield
        }) : () -> ()
      } else {
      }
      %mul3A_65 = arith.constant 8 : i32
      %mul3A_66 = arith.muli %select_n3A, %mul3A_65 : i32
      %add3A_67 = arith.constant 2 : i32
      %add3A_68 = arith.addi %mul3A_66, %add3A_67 : i32
      %lt3A_69 = arith.constant 50 : i32
      %lt3A_70 = arith.cmpi slt, %add3A_68, %lt3A_69 : i32
      %convert_element_type3A_71 = arith.extui %lt3A_70 : i1 to i32
      %cond3A_72 = arith.constant 0 : i32
      %cond3A_73 = arith.cmpi ne, %convert_element_type3A_71, %cond3A_72 : i32
      scf.if %cond3A_73 {
        %mul3A_119 = arith.constant 16384 : i32
        %mul3A_120 = arith.muli %add3A_68, %mul3A_119 : i32
        %add3A_121 = arith.addi %mul3A_120, %mul3A_44 : i32
        %run_scoped3A = arith.constant 2 : i32
        "tpu.region"() ({
          %run_scoped3A_122 = tpu.sem_alloc : memref<!tpu.dma_semaphore, #tpu.memory_space<semaphore_mem>>
          %dma_start3A = arith.constant 0 : i32
          %dma_start3A_123 = tpu.memref_slice %arg4[%run_scoped3A, %dma_start3A] : memref<8x2048xi32, #tpu.memory_space<vmem>> -> memref<1x2048xi32, #tpu.memory_space<vmem>>
          %dma_start3A_124 = tpu.memref_squeeze %dma_start3A_123 : memref<1x2048xi32, #tpu.memory_space<vmem>> -> memref<2048xi32, #tpu.memory_space<vmem>>
          %dma_start3A_125 = tpu.memref_slice %arg3[%add3A_121] : memref<819200xi32, #tpu.memory_space<hbm>> -> memref<2048xi32, #tpu.memory_space<hbm>>
          %dma_start3A_126 = tpu.memref_slice %arg3[%add3A_121] : memref<819200xi32, #tpu.memory_space<hbm>> -> memref<2048xi32, #tpu.memory_space<hbm>>
          %dma_start3A_127 = arith.constant 0 : i32
          %dma_start3A_128 = tpu.memref_slice %arg4[%run_scoped3A, %dma_start3A_127] : memref<8x2048xi32, #tpu.memory_space<vmem>> -> memref<1x2048xi32, #tpu.memory_space<vmem>>
          %dma_start3A_129 = tpu.memref_squeeze %dma_start3A_128 : memref<1x2048xi32, #tpu.memory_space<vmem>> -> memref<2048xi32, #tpu.memory_space<vmem>>
          tpu.enqueue_dma source(%dma_start3A_129 : memref<2048xi32, #tpu.memory_space<vmem>>) target(%dma_start3A_126 : memref<2048xi32, #tpu.memory_space<hbm>>) target_semaphore(%run_scoped3A_122 : memref<!tpu.dma_semaphore, #tpu.memory_space<semaphore_mem>>)
          %dma_wait3A = arith.constant 0 : i32
          %dma_wait3A_130 = tpu.memref_slice %arg4[%run_scoped3A, %dma_wait3A] : memref<8x2048xi32, #tpu.memory_space<vmem>> -> memref<1x2048xi32, #tpu.memory_space<vmem>>
          %dma_wait3A_131 = tpu.memref_squeeze %dma_wait3A_130 : memref<1x2048xi32, #tpu.memory_space<vmem>> -> memref<2048xi32, #tpu.memory_space<vmem>>
          %dma_wait3A_132 = tpu.memref_slice %arg3[%add3A_121] : memref<819200xi32, #tpu.memory_space<hbm>> -> memref<2048xi32, #tpu.memory_space<hbm>>
          %dma_wait3A_133 = tpu.memref_slice %arg3[%add3A_121] : memref<819200xi32, #tpu.memory_space<hbm>> -> memref<2048xi32, #tpu.memory_space<hbm>>
          %dma_wait3A_134 = arith.constant 0 : i32
          %dma_wait3A_135 = tpu.memref_slice %arg4[%run_scoped3A, %dma_wait3A_134] : memref<8x2048xi32, #tpu.memory_space<vmem>> -> memref<1x2048xi32, #tpu.memory_space<vmem>>
          %dma_wait3A_136 = tpu.memref_squeeze %dma_wait3A_135 : memref<1x2048xi32, #tpu.memory_space<vmem>> -> memref<2048xi32, #tpu.memory_space<vmem>>
          tpu.wait_dma2 semaphore(%run_scoped3A_122 : memref<!tpu.dma_semaphore, #tpu.memory_space<semaphore_mem>>) src(%dma_wait3A_136 : memref<2048xi32, #tpu.memory_space<vmem>>) dst(%dma_wait3A_133 : memref<2048xi32, #tpu.memory_space<hbm>>)
          tpu.yield
        }) : () -> ()
      } else {
      }
      %mul3A_74 = arith.constant 8 : i32
      %mul3A_75 = arith.muli %select_n3A, %mul3A_74 : i32
      %add3A_76 = arith.constant 3 : i32
      %add3A_77 = arith.addi %mul3A_75, %add3A_76 : i32
      %lt3A_78 = arith.constant 50 : i32
      %lt3A_79 = arith.cmpi slt, %add3A_77, %lt3A_78 : i32
      %convert_element_type3A_80 = arith.extui %lt3A_79 : i1 to i32
      %cond3A_81 = arith.constant 0 : i32
      %cond3A_82 = arith.cmpi ne, %convert_element_type3A_80, %cond3A_81 : i32
      scf.if %cond3A_82 {
        %mul3A_119 = arith.constant 16384 : i32
        %mul3A_120 = arith.muli %add3A_77, %mul3A_119 : i32
        %add3A_121 = arith.addi %mul3A_120, %mul3A_44 : i32
        %run_scoped3A = arith.constant 3 : i32
        "tpu.region"() ({
          %run_scoped3A_122 = tpu.sem_alloc : memref<!tpu.dma_semaphore, #tpu.memory_space<semaphore_mem>>
          %dma_start3A = arith.constant 0 : i32
          %dma_start3A_123 = tpu.memref_slice %arg4[%run_scoped3A, %dma_start3A] : memref<8x2048xi32, #tpu.memory_space<vmem>> -> memref<1x2048xi32, #tpu.memory_space<vmem>>
          %dma_start3A_124 = tpu.memref_squeeze %dma_start3A_123 : memref<1x2048xi32, #tpu.memory_space<vmem>> -> memref<2048xi32, #tpu.memory_space<vmem>>
          %dma_start3A_125 = tpu.memref_slice %arg3[%add3A_121] : memref<819200xi32, #tpu.memory_space<hbm>> -> memref<2048xi32, #tpu.memory_space<hbm>>
          %dma_start3A_126 = tpu.memref_slice %arg3[%add3A_121] : memref<819200xi32, #tpu.memory_space<hbm>> -> memref<2048xi32, #tpu.memory_space<hbm>>
          %dma_start3A_127 = arith.constant 0 : i32
          %dma_start3A_128 = tpu.memref_slice %arg4[%run_scoped3A, %dma_start3A_127] : memref<8x2048xi32, #tpu.memory_space<vmem>> -> memref<1x2048xi32, #tpu.memory_space<vmem>>
          %dma_start3A_129 = tpu.memref_squeeze %dma_start3A_128 : memref<1x2048xi32, #tpu.memory_space<vmem>> -> memref<2048xi32, #tpu.memory_space<vmem>>
          tpu.enqueue_dma source(%dma_start3A_129 : memref<2048xi32, #tpu.memory_space<vmem>>) target(%dma_start3A_126 : memref<2048xi32, #tpu.memory_space<hbm>>) target_semaphore(%run_scoped3A_122 : memref<!tpu.dma_semaphore, #tpu.memory_space<semaphore_mem>>)
          %dma_wait3A = arith.constant 0 : i32
          %dma_wait3A_130 = tpu.memref_slice %arg4[%run_scoped3A, %dma_wait3A] : memref<8x2048xi32, #tpu.memory_space<vmem>> -> memref<1x2048xi32, #tpu.memory_space<vmem>>
          %dma_wait3A_131 = tpu.memref_squeeze %dma_wait3A_130 : memref<1x2048xi32, #tpu.memory_space<vmem>> -> memref<2048xi32, #tpu.memory_space<vmem>>
          %dma_wait3A_132 = tpu.memref_slice %arg3[%add3A_121] : memref<819200xi32, #tpu.memory_space<hbm>> -> memref<2048xi32, #tpu.memory_space<hbm>>
          %dma_wait3A_133 = tpu.memref_slice %arg3[%add3A_121] : memref<819200xi32, #tpu.memory_space<hbm>> -> memref<2048xi32, #tpu.memory_space<hbm>>
          %dma_wait3A_134 = arith.constant 0 : i32
          %dma_wait3A_135 = tpu.memref_slice %arg4[%run_scoped3A, %dma_wait3A_134] : memref<8x2048xi32, #tpu.memory_space<vmem>> -> memref<1x2048xi32, #tpu.memory_space<vmem>>
          %dma_wait3A_136 = tpu.memref_squeeze %dma_wait3A_135 : memref<1x2048xi32, #tpu.memory_space<vmem>> -> memref<2048xi32, #tpu.memory_space<vmem>>
          tpu.wait_dma2 semaphore(%run_scoped3A_122 : memref<!tpu.dma_semaphore, #tpu.memory_space<semaphore_mem>>) src(%dma_wait3A_136 : memref<2048xi32, #tpu.memory_space<vmem>>) dst(%dma_wait3A_133 : memref<2048xi32, #tpu.memory_space<hbm>>)
          tpu.yield
        }) : () -> ()
      } else {
      }
      %mul3A_83 = arith.constant 8 : i32
      %mul3A_84 = arith.muli %select_n3A, %mul3A_83 : i32
      %add3A_85 = arith.constant 4 : i32
      %add3A_86 = arith.addi %mul3A_84, %add3A_85 : i32
      %lt3A_87 = arith.constant 50 : i32
      %lt3A_88 = arith.cmpi slt, %add3A_86, %lt3A_87 : i32
      %convert_element_type3A_89 = arith.extui %lt3A_88 : i1 to i32
      %cond3A_90 = arith.constant 0 : i32
      %cond3A_91 = arith.cmpi ne, %convert_element_type3A_89, %cond3A_90 : i32
      scf.if %cond3A_91 {
        %mul3A_119 = arith.constant 16384 : i32
        %mul3A_120 = arith.muli %add3A_86, %mul3A_119 : i32
        %add3A_121 = arith.addi %mul3A_120, %mul3A_44 : i32
        %run_scoped3A = arith.constant 4 : i32
        "tpu.region"() ({
          %run_scoped3A_122 = tpu.sem_alloc : memref<!tpu.dma_semaphore, #tpu.memory_space<semaphore_mem>>
          %dma_start3A = arith.constant 0 : i32
          %dma_start3A_123 = tpu.memref_slice %arg4[%run_scoped3A, %dma_start3A] : memref<8x2048xi32, #tpu.memory_space<vmem>> -> memref<1x2048xi32, #tpu.memory_space<vmem>>
          %dma_start3A_124 = tpu.memref_squeeze %dma_start3A_123 : memref<1x2048xi32, #tpu.memory_space<vmem>> -> memref<2048xi32, #tpu.memory_space<vmem>>
          %dma_start3A_125 = tpu.memref_slice %arg3[%add3A_121] : memref<819200xi32, #tpu.memory_space<hbm>> -> memref<2048xi32, #tpu.memory_space<hbm>>
          %dma_start3A_126 = tpu.memref_slice %arg3[%add3A_121] : memref<819200xi32, #tpu.memory_space<hbm>> -> memref<2048xi32, #tpu.memory_space<hbm>>
          %dma_start3A_127 = arith.constant 0 : i32
          %dma_start3A_128 = tpu.memref_slice %arg4[%run_scoped3A, %dma_start3A_127] : memref<8x2048xi32, #tpu.memory_space<vmem>> -> memref<1x2048xi32, #tpu.memory_space<vmem>>
          %dma_start3A_129 = tpu.memref_squeeze %dma_start3A_128 : memref<1x2048xi32, #tpu.memory_space<vmem>> -> memref<2048xi32, #tpu.memory_space<vmem>>
          tpu.enqueue_dma source(%dma_start3A_129 : memref<2048xi32, #tpu.memory_space<vmem>>) target(%dma_start3A_126 : memref<2048xi32, #tpu.memory_space<hbm>>) target_semaphore(%run_scoped3A_122 : memref<!tpu.dma_semaphore, #tpu.memory_space<semaphore_mem>>)
          %dma_wait3A = arith.constant 0 : i32
          %dma_wait3A_130 = tpu.memref_slice %arg4[%run_scoped3A, %dma_wait3A] : memref<8x2048xi32, #tpu.memory_space<vmem>> -> memref<1x2048xi32, #tpu.memory_space<vmem>>
          %dma_wait3A_131 = tpu.memref_squeeze %dma_wait3A_130 : memref<1x2048xi32, #tpu.memory_space<vmem>> -> memref<2048xi32, #tpu.memory_space<vmem>>
          %dma_wait3A_132 = tpu.memref_slice %arg3[%add3A_121] : memref<819200xi32, #tpu.memory_space<hbm>> -> memref<2048xi32, #tpu.memory_space<hbm>>
          %dma_wait3A_133 = tpu.memref_slice %arg3[%add3A_121] : memref<819200xi32, #tpu.memory_space<hbm>> -> memref<2048xi32, #tpu.memory_space<hbm>>
          %dma_wait3A_134 = arith.constant 0 : i32
          %dma_wait3A_135 = tpu.memref_slice %arg4[%run_scoped3A, %dma_wait3A_134] : memref<8x2048xi32, #tpu.memory_space<vmem>> -> memref<1x2048xi32, #tpu.memory_space<vmem>>
          %dma_wait3A_136 = tpu.memref_squeeze %dma_wait3A_135 : memref<1x2048xi32, #tpu.memory_space<vmem>> -> memref<2048xi32, #tpu.memory_space<vmem>>
          tpu.wait_dma2 semaphore(%run_scoped3A_122 : memref<!tpu.dma_semaphore, #tpu.memory_space<semaphore_mem>>) src(%dma_wait3A_136 : memref<2048xi32, #tpu.memory_space<vmem>>) dst(%dma_wait3A_133 : memref<2048xi32, #tpu.memory_space<hbm>>)
          tpu.yield
        }) : () -> ()
      } else {
      }
      %mul3A_92 = arith.constant 8 : i32
      %mul3A_93 = arith.muli %select_n3A, %mul3A_92 : i32
      %add3A_94 = arith.constant 5 : i32
      %add3A_95 = arith.addi %mul3A_93, %add3A_94 : i32
      %lt3A_96 = arith.constant 50 : i32
      %lt3A_97 = arith.cmpi slt, %add3A_95, %lt3A_96 : i32
      %convert_element_type3A_98 = arith.extui %lt3A_97 : i1 to i32
      %cond3A_99 = arith.constant 0 : i32
      %cond3A_100 = arith.cmpi ne, %convert_element_type3A_98, %cond3A_99 : i32
      scf.if %cond3A_100 {
        %mul3A_119 = arith.constant 16384 : i32
        %mul3A_120 = arith.muli %add3A_95, %mul3A_119 : i32
        %add3A_121 = arith.addi %mul3A_120, %mul3A_44 : i32
        %run_scoped3A = arith.constant 5 : i32
        "tpu.region"() ({
          %run_scoped3A_122 = tpu.sem_alloc : memref<!tpu.dma_semaphore, #tpu.memory_space<semaphore_mem>>
          %dma_start3A = arith.constant 0 : i32
          %dma_start3A_123 = tpu.memref_slice %arg4[%run_scoped3A, %dma_start3A] : memref<8x2048xi32, #tpu.memory_space<vmem>> -> memref<1x2048xi32, #tpu.memory_space<vmem>>
          %dma_start3A_124 = tpu.memref_squeeze %dma_start3A_123 : memref<1x2048xi32, #tpu.memory_space<vmem>> -> memref<2048xi32, #tpu.memory_space<vmem>>
          %dma_start3A_125 = tpu.memref_slice %arg3[%add3A_121] : memref<819200xi32, #tpu.memory_space<hbm>> -> memref<2048xi32, #tpu.memory_space<hbm>>
          %dma_start3A_126 = tpu.memref_slice %arg3[%add3A_121] : memref<819200xi32, #tpu.memory_space<hbm>> -> memref<2048xi32, #tpu.memory_space<hbm>>
          %dma_start3A_127 = arith.constant 0 : i32
          %dma_start3A_128 = tpu.memref_slice %arg4[%run_scoped3A, %dma_start3A_127] : memref<8x2048xi32, #tpu.memory_space<vmem>> -> memref<1x2048xi32, #tpu.memory_space<vmem>>
          %dma_start3A_129 = tpu.memref_squeeze %dma_start3A_128 : memref<1x2048xi32, #tpu.memory_space<vmem>> -> memref<2048xi32, #tpu.memory_space<vmem>>
          tpu.enqueue_dma source(%dma_start3A_129 : memref<2048xi32, #tpu.memory_space<vmem>>) target(%dma_start3A_126 : memref<2048xi32, #tpu.memory_space<hbm>>) target_semaphore(%run_scoped3A_122 : memref<!tpu.dma_semaphore, #tpu.memory_space<semaphore_mem>>)
          %dma_wait3A = arith.constant 0 : i32
          %dma_wait3A_130 = tpu.memref_slice %arg4[%run_scoped3A, %dma_wait3A] : memref<8x2048xi32, #tpu.memory_space<vmem>> -> memref<1x2048xi32, #tpu.memory_space<vmem>>
          %dma_wait3A_131 = tpu.memref_squeeze %dma_wait3A_130 : memref<1x2048xi32, #tpu.memory_space<vmem>> -> memref<2048xi32, #tpu.memory_space<vmem>>
          %dma_wait3A_132 = tpu.memref_slice %arg3[%add3A_121] : memref<819200xi32, #tpu.memory_space<hbm>> -> memref<2048xi32, #tpu.memory_space<hbm>>
          %dma_wait3A_133 = tpu.memref_slice %arg3[%add3A_121] : memref<819200xi32, #tpu.memory_space<hbm>> -> memref<2048xi32, #tpu.memory_space<hbm>>
          %dma_wait3A_134 = arith.constant 0 : i32
          %dma_wait3A_135 = tpu.memref_slice %arg4[%run_scoped3A, %dma_wait3A_134] : memref<8x2048xi32, #tpu.memory_space<vmem>> -> memref<1x2048xi32, #tpu.memory_space<vmem>>
          %dma_wait3A_136 = tpu.memref_squeeze %dma_wait3A_135 : memref<1x2048xi32, #tpu.memory_space<vmem>> -> memref<2048xi32, #tpu.memory_space<vmem>>
          tpu.wait_dma2 semaphore(%run_scoped3A_122 : memref<!tpu.dma_semaphore, #tpu.memory_space<semaphore_mem>>) src(%dma_wait3A_136 : memref<2048xi32, #tpu.memory_space<vmem>>) dst(%dma_wait3A_133 : memref<2048xi32, #tpu.memory_space<hbm>>)
          tpu.yield
        }) : () -> ()
      } else {
      }
      %mul3A_101 = arith.constant 8 : i32
      %mul3A_102 = arith.muli %select_n3A, %mul3A_101 : i32
      %add3A_103 = arith.constant 6 : i32
      %add3A_104 = arith.addi %mul3A_102, %add3A_103 : i32
      %lt3A_105 = arith.constant 50 : i32
      %lt3A_106 = arith.cmpi slt, %add3A_104, %lt3A_105 : i32
      %convert_element_type3A_107 = arith.extui %lt3A_106 : i1 to i32
      %cond3A_108 = arith.constant 0 : i32
      %cond3A_109 = arith.cmpi ne, %convert_element_type3A_107, %cond3A_108 : i32
      scf.if %cond3A_109 {
        %mul3A_119 = arith.constant 16384 : i32
        %mul3A_120 = arith.muli %add3A_104, %mul3A_119 : i32
        %add3A_121 = arith.addi %mul3A_120, %mul3A_44 : i32
        %run_scoped3A = arith.constant 6 : i32
        "tpu.region"() ({
          %run_scoped3A_122 = tpu.sem_alloc : memref<!tpu.dma_semaphore, #tpu.memory_space<semaphore_mem>>
          %dma_start3A = arith.constant 0 : i32
          %dma_start3A_123 = tpu.memref_slice %arg4[%run_scoped3A, %dma_start3A] : memref<8x2048xi32, #tpu.memory_space<vmem>> -> memref<1x2048xi32, #tpu.memory_space<vmem>>
          %dma_start3A_124 = tpu.memref_squeeze %dma_start3A_123 : memref<1x2048xi32, #tpu.memory_space<vmem>> -> memref<2048xi32, #tpu.memory_space<vmem>>
          %dma_start3A_125 = tpu.memref_slice %arg3[%add3A_121] : memref<819200xi32, #tpu.memory_space<hbm>> -> memref<2048xi32, #tpu.memory_space<hbm>>
          %dma_start3A_126 = tpu.memref_slice %arg3[%add3A_121] : memref<819200xi32, #tpu.memory_space<hbm>> -> memref<2048xi32, #tpu.memory_space<hbm>>
          %dma_start3A_127 = arith.constant 0 : i32
          %dma_start3A_128 = tpu.memref_slice %arg4[%run_scoped3A, %dma_start3A_127] : memref<8x2048xi32, #tpu.memory_space<vmem>> -> memref<1x2048xi32, #tpu.memory_space<vmem>>
          %dma_start3A_129 = tpu.memref_squeeze %dma_start3A_128 : memref<1x2048xi32, #tpu.memory_space<vmem>> -> memref<2048xi32, #tpu.memory_space<vmem>>
          tpu.enqueue_dma source(%dma_start3A_129 : memref<2048xi32, #tpu.memory_space<vmem>>) target(%dma_start3A_126 : memref<2048xi32, #tpu.memory_space<hbm>>) target_semaphore(%run_scoped3A_122 : memref<!tpu.dma_semaphore, #tpu.memory_space<semaphore_mem>>)
          %dma_wait3A = arith.constant 0 : i32
          %dma_wait3A_130 = tpu.memref_slice %arg4[%run_scoped3A, %dma_wait3A] : memref<8x2048xi32, #tpu.memory_space<vmem>> -> memref<1x2048xi32, #tpu.memory_space<vmem>>
          %dma_wait3A_131 = tpu.memref_squeeze %dma_wait3A_130 : memref<1x2048xi32, #tpu.memory_space<vmem>> -> memref<2048xi32, #tpu.memory_space<vmem>>
          %dma_wait3A_132 = tpu.memref_slice %arg3[%add3A_121] : memref<819200xi32, #tpu.memory_space<hbm>> -> memref<2048xi32, #tpu.memory_space<hbm>>
          %dma_wait3A_133 = tpu.memref_slice %arg3[%add3A_121] : memref<819200xi32, #tpu.memory_space<hbm>> -> memref<2048xi32, #tpu.memory_space<hbm>>
          %dma_wait3A_134 = arith.constant 0 : i32
          %dma_wait3A_135 = tpu.memref_slice %arg4[%run_scoped3A, %dma_wait3A_134] : memref<8x2048xi32, #tpu.memory_space<vmem>> -> memref<1x2048xi32, #tpu.memory_space<vmem>>
          %dma_wait3A_136 = tpu.memref_squeeze %dma_wait3A_135 : memref<1x2048xi32, #tpu.memory_space<vmem>> -> memref<2048xi32, #tpu.memory_space<vmem>>
          tpu.wait_dma2 semaphore(%run_scoped3A_122 : memref<!tpu.dma_semaphore, #tpu.memory_space<semaphore_mem>>) src(%dma_wait3A_136 : memref<2048xi32, #tpu.memory_space<vmem>>) dst(%dma_wait3A_133 : memref<2048xi32, #tpu.memory_space<hbm>>)
          tpu.yield
        }) : () -> ()
      } else {
      }
      %mul3A_110 = arith.constant 8 : i32
      %mul3A_111 = arith.muli %select_n3A, %mul3A_110 : i32
      %add3A_112 = arith.constant 7 : i32
      %add3A_113 = arith.addi %mul3A_111, %add3A_112 : i32
      %lt3A_114 = arith.constant 50 : i32
      %lt3A_115 = arith.cmpi slt, %add3A_113, %lt3A_114 : i32
      %convert_element_type3A_116 = arith.extui %lt3A_115 : i1 to i32
      %cond3A_117 = arith.constant 0 : i32
      %cond3A_118 = arith.cmpi ne, %convert_element_type3A_116, %cond3A_117 : i32
      scf.if %cond3A_118 {
        %mul3A_119 = arith.constant 16384 : i32
        %mul3A_120 = arith.muli %add3A_113, %mul3A_119 : i32
        %add3A_121 = arith.addi %mul3A_120, %mul3A_44 : i32
        %run_scoped3A = arith.constant 7 : i32
        "tpu.region"() ({
          %run_scoped3A_122 = tpu.sem_alloc : memref<!tpu.dma_semaphore, #tpu.memory_space<semaphore_mem>>
          %dma_start3A = arith.constant 0 : i32
          %dma_start3A_123 = tpu.memref_slice %arg4[%run_scoped3A, %dma_start3A] : memref<8x2048xi32, #tpu.memory_space<vmem>> -> memref<1x2048xi32, #tpu.memory_space<vmem>>
          %dma_start3A_124 = tpu.memref_squeeze %dma_start3A_123 : memref<1x2048xi32, #tpu.memory_space<vmem>> -> memref<2048xi32, #tpu.memory_space<vmem>>
          %dma_start3A_125 = tpu.memref_slice %arg3[%add3A_121] : memref<819200xi32, #tpu.memory_space<hbm>> -> memref<2048xi32, #tpu.memory_space<hbm>>
          %dma_start3A_126 = tpu.memref_slice %arg3[%add3A_121] : memref<819200xi32, #tpu.memory_space<hbm>> -> memref<2048xi32, #tpu.memory_space<hbm>>
          %dma_start3A_127 = arith.constant 0 : i32
          %dma_start3A_128 = tpu.memref_slice %arg4[%run_scoped3A, %dma_start3A_127] : memref<8x2048xi32, #tpu.memory_space<vmem>> -> memref<1x2048xi32, #tpu.memory_space<vmem>>
          %dma_start3A_129 = tpu.memref_squeeze %dma_start3A_128 : memref<1x2048xi32, #tpu.memory_space<vmem>> -> memref<2048xi32, #tpu.memory_space<vmem>>
          tpu.enqueue_dma source(%dma_start3A_129 : memref<2048xi32, #tpu.memory_space<vmem>>) target(%dma_start3A_126 : memref<2048xi32, #tpu.memory_space<hbm>>) target_semaphore(%run_scoped3A_122 : memref<!tpu.dma_semaphore, #tpu.memory_space<semaphore_mem>>)
          %dma_wait3A = arith.constant 0 : i32
          %dma_wait3A_130 = tpu.memref_slice %arg4[%run_scoped3A, %dma_wait3A] : memref<8x2048xi32, #tpu.memory_space<vmem>> -> memref<1x2048xi32, #tpu.memory_space<vmem>>
          %dma_wait3A_131 = tpu.memref_squeeze %dma_wait3A_130 : memref<1x2048xi32, #tpu.memory_space<vmem>> -> memref<2048xi32, #tpu.memory_space<vmem>>
          %dma_wait3A_132 = tpu.memref_slice %arg3[%add3A_121] : memref<819200xi32, #tpu.memory_space<hbm>> -> memref<2048xi32, #tpu.memory_space<hbm>>
          %dma_wait3A_133 = tpu.memref_slice %arg3[%add3A_121] : memref<819200xi32, #tpu.memory_space<hbm>> -> memref<2048xi32, #tpu.memory_space<hbm>>
          %dma_wait3A_134 = arith.constant 0 : i32
          %dma_wait3A_135 = tpu.memref_slice %arg4[%run_scoped3A, %dma_wait3A_134] : memref<8x2048xi32, #tpu.memory_space<vmem>> -> memref<1x2048xi32, #tpu.memory_space<vmem>>
          %dma_wait3A_136 = tpu.memref_squeeze %dma_wait3A_135 : memref<1x2048xi32, #tpu.memory_space<vmem>> -> memref<2048xi32, #tpu.memory_space<vmem>>
          tpu.wait_dma2 semaphore(%run_scoped3A_122 : memref<!tpu.dma_semaphore, #tpu.memory_space<semaphore_mem>>) src(%dma_wait3A_136 : memref<2048xi32, #tpu.memory_space<vmem>>) dst(%dma_wait3A_133 : memref<2048xi32, #tpu.memory_space<hbm>>)
          tpu.yield
        }) : () -> ()
      } else {
      }
    } else {
    }
    %add3A_5 = arith.constant 32 : i32
    %add3A_6 = arith.addi %add3A, %add3A_5 : i32
    %lt3A_7 = arith.constant 56 : i32
    %lt3A_8 = arith.cmpi slt, %add3A_6, %lt3A_7 : i32
    %convert_element_type3A_9 = arith.extui %lt3A_8 : i1 to i32
    %cond3A_10 = arith.constant 0 : i32
    %cond3A_11 = arith.cmpi ne, %convert_element_type3A_9, %cond3A_10 : i32
    scf.if %cond3A_11 {
      %jit3A = arith.constant 8 : i32
      %div3A = arith.divsi %add3A_6, %jit3A : i32
      %sign3A = arith.constant 0 : i32
      %sign3A_12 = arith.cmpi sgt, %add3A_6, %sign3A : i32
      %sign3A_13 = arith.extui %sign3A_12 : i1 to i32
      %sign3A_14 = arith.constant 0 : i32
      %sign3A_15 = arith.cmpi slt, %add3A_6, %sign3A_14 : i32
      %sign3A_16 = arith.extui %sign3A_15 : i1 to i32
      %sign3A_17 = arith.subi %sign3A_13, %sign3A_16 : i32
      %sign3A_18 = arith.constant 0 : i32
      %sign3A_19 = arith.cmpi sgt, %jit3A, %sign3A_18 : i32
      %sign3A_20 = arith.extui %sign3A_19 : i1 to i32
      %sign3A_21 = arith.constant 0 : i32
      %sign3A_22 = arith.cmpi slt, %jit3A, %sign3A_21 : i32
      %sign3A_23 = arith.extui %sign3A_22 : i1 to i32
      %sign3A_24 = arith.subi %sign3A_20, %sign3A_23 : i32
      %ne3A = arith.cmpi ne, %sign3A_17, %sign3A_24 : i32
      %rem3A = arith.remsi %add3A_6, %jit3A : i32
      %ne3A_25 = arith.constant 0 : i32
      %ne3A_26 = arith.cmpi ne, %rem3A, %ne3A_25 : i32
      %and3A = arith.andi %ne3A, %ne3A_26 : i1
      %sub3A = arith.constant 1 : i32
      %sub3A_27 = arith.subi %div3A, %sub3A : i32
      %select_n3A = arith.select %and3A, %sub3A_27, %div3A : i32
      %jit3A_28 = arith.constant 8 : i32
      %eq3A = arith.constant 0 : i32
      %eq3A_29 = arith.cmpi eq, %jit3A_28, %eq3A : i32
      %jit3A_30 = arith.constant 1 : i32
      %select_n3A_31 = arith.select %eq3A_29, %jit3A_30, %jit3A_28 : i32
      %rem3A_32 = arith.remsi %add3A_6, %select_n3A_31 : i32
      %ne3A_33 = arith.constant 0 : i32
      %ne3A_34 = arith.cmpi ne, %rem3A_32, %ne3A_33 : i32
      %lt3A_35 = arith.constant 0 : i32
      %lt3A_36 = arith.cmpi slt, %rem3A_32, %lt3A_35 : i32
      %lt3A_37 = arith.constant 0 : i32
      %lt3A_38 = arith.cmpi slt, %select_n3A_31, %lt3A_37 : i32
      %ne3A_39 = arith.xori %lt3A_36, %lt3A_38 : i1
      %and3A_40 = arith.andi %ne3A_39, %ne3A_34 : i1
      %add3A_41 = arith.addi %rem3A_32, %select_n3A_31 : i32
      %select_n3A_42 = arith.select %and3A_40, %add3A_41, %rem3A_32 : i32
      %mul3A_43 = arith.constant 2048 : i32
      %mul3A_44 = arith.muli %select_n3A_42, %mul3A_43 : i32
      %mul3A_45 = arith.constant 8 : i32
      %mul3A_46 = arith.muli %select_n3A, %mul3A_45 : i32
      "tpu.region"() ({
        %run_scoped3A = tpu.sem_alloc : memref<!tpu.dma_semaphore, #tpu.memory_space<semaphore_mem>>
        %dma_start3A = tpu.memref_slice %arg2[%mul3A_46, %mul3A_44] : memref<50x16384xi32, #tpu.memory_space<hbm>> -> memref<8x2048xi32, #tpu.memory_space<hbm>>
        %dma_start3A_119 = tpu.memref_slice %arg2[%mul3A_46, %mul3A_44] : memref<50x16384xi32, #tpu.memory_space<hbm>> -> memref<8x2048xi32, #tpu.memory_space<hbm>>
        tpu.enqueue_dma source(%dma_start3A_119 : memref<8x2048xi32, #tpu.memory_space<hbm>>) target(%arg4 : memref<8x2048xi32, #tpu.memory_space<vmem>>) target_semaphore(%run_scoped3A : memref<!tpu.dma_semaphore, #tpu.memory_space<semaphore_mem>>)
        %dma_wait3A = tpu.memref_slice %arg2[%mul3A_46, %mul3A_44] : memref<50x16384xi32, #tpu.memory_space<hbm>> -> memref<8x2048xi32, #tpu.memory_space<hbm>>
        %dma_wait3A_120 = tpu.memref_slice %arg2[%mul3A_46, %mul3A_44] : memref<50x16384xi32, #tpu.memory_space<hbm>> -> memref<8x2048xi32, #tpu.memory_space<hbm>>
        tpu.wait_dma2 semaphore(%run_scoped3A : memref<!tpu.dma_semaphore, #tpu.memory_space<semaphore_mem>>) src(%dma_wait3A_120 : memref<8x2048xi32, #tpu.memory_space<hbm>>) dst(%arg4 : memref<8x2048xi32, #tpu.memory_space<vmem>>)
        tpu.yield
      }) : () -> ()
      %mul3A_47 = arith.constant 8 : i32
      %mul3A_48 = arith.muli %select_n3A, %mul3A_47 : i32
      %add3A_49 = arith.constant 0 : i32
      %add3A_50 = arith.addi %mul3A_48, %add3A_49 : i32
      %lt3A_51 = arith.constant 50 : i32
      %lt3A_52 = arith.cmpi slt, %add3A_50, %lt3A_51 : i32
      %convert_element_type3A_53 = arith.extui %lt3A_52 : i1 to i32
      %cond3A_54 = arith.constant 0 : i32
      %cond3A_55 = arith.cmpi ne, %convert_element_type3A_53, %cond3A_54 : i32
      scf.if %cond3A_55 {
        %mul3A_119 = arith.constant 16384 : i32
        %mul3A_120 = arith.muli %add3A_50, %mul3A_119 : i32
        %add3A_121 = arith.addi %mul3A_120, %mul3A_44 : i32
        %run_scoped3A = arith.constant 0 : i32
        "tpu.region"() ({
          %run_scoped3A_122 = tpu.sem_alloc : memref<!tpu.dma_semaphore, #tpu.memory_space<semaphore_mem>>
          %dma_start3A = arith.constant 0 : i32
          %dma_start3A_123 = tpu.memref_slice %arg4[%run_scoped3A, %dma_start3A] : memref<8x2048xi32, #tpu.memory_space<vmem>> -> memref<1x2048xi32, #tpu.memory_space<vmem>>
          %dma_start3A_124 = tpu.memref_squeeze %dma_start3A_123 : memref<1x2048xi32, #tpu.memory_space<vmem>> -> memref<2048xi32, #tpu.memory_space<vmem>>
          %dma_start3A_125 = tpu.memref_slice %arg3[%add3A_121] : memref<819200xi32, #tpu.memory_space<hbm>> -> memref<2048xi32, #tpu.memory_space<hbm>>
          %dma_start3A_126 = tpu.memref_slice %arg3[%add3A_121] : memref<819200xi32, #tpu.memory_space<hbm>> -> memref<2048xi32, #tpu.memory_space<hbm>>
          %dma_start3A_127 = arith.constant 0 : i32
          %dma_start3A_128 = tpu.memref_slice %arg4[%run_scoped3A, %dma_start3A_127] : memref<8x2048xi32, #tpu.memory_space<vmem>> -> memref<1x2048xi32, #tpu.memory_space<vmem>>
          %dma_start3A_129 = tpu.memref_squeeze %dma_start3A_128 : memref<1x2048xi32, #tpu.memory_space<vmem>> -> memref<2048xi32, #tpu.memory_space<vmem>>
          tpu.enqueue_dma source(%dma_start3A_129 : memref<2048xi32, #tpu.memory_space<vmem>>) target(%dma_start3A_126 : memref<2048xi32, #tpu.memory_space<hbm>>) target_semaphore(%run_scoped3A_122 : memref<!tpu.dma_semaphore, #tpu.memory_space<semaphore_mem>>)
          %dma_wait3A = arith.constant 0 : i32
          %dma_wait3A_130 = tpu.memref_slice %arg4[%run_scoped3A, %dma_wait3A] : memref<8x2048xi32, #tpu.memory_space<vmem>> -> memref<1x2048xi32, #tpu.memory_space<vmem>>
          %dma_wait3A_131 = tpu.memref_squeeze %dma_wait3A_130 : memref<1x2048xi32, #tpu.memory_space<vmem>> -> memref<2048xi32, #tpu.memory_space<vmem>>
          %dma_wait3A_132 = tpu.memref_slice %arg3[%add3A_121] : memref<819200xi32, #tpu.memory_space<hbm>> -> memref<2048xi32, #tpu.memory_space<hbm>>
          %dma_wait3A_133 = tpu.memref_slice %arg3[%add3A_121] : memref<819200xi32, #tpu.memory_space<hbm>> -> memref<2048xi32, #tpu.memory_space<hbm>>
          %dma_wait3A_134 = arith.constant 0 : i32
          %dma_wait3A_135 = tpu.memref_slice %arg4[%run_scoped3A, %dma_wait3A_134] : memref<8x2048xi32, #tpu.memory_space<vmem>> -> memref<1x2048xi32, #tpu.memory_space<vmem>>
          %dma_wait3A_136 = tpu.memref_squeeze %dma_wait3A_135 : memref<1x2048xi32, #tpu.memory_space<vmem>> -> memref<2048xi32, #tpu.memory_space<vmem>>
          tpu.wait_dma2 semaphore(%run_scoped3A_122 : memref<!tpu.dma_semaphore, #tpu.memory_space<semaphore_mem>>) src(%dma_wait3A_136 : memref<2048xi32, #tpu.memory_space<vmem>>) dst(%dma_wait3A_133 : memref<2048xi32, #tpu.memory_space<hbm>>)
          tpu.yield
        }) : () -> ()
      } else {
      }
      %mul3A_56 = arith.constant 8 : i32
      %mul3A_57 = arith.muli %select_n3A, %mul3A_56 : i32
      %add3A_58 = arith.constant 1 : i32
      %add3A_59 = arith.addi %mul3A_57, %add3A_58 : i32
      %lt3A_60 = arith.constant 50 : i32
      %lt3A_61 = arith.cmpi slt, %add3A_59, %lt3A_60 : i32
      %convert_element_type3A_62 = arith.extui %lt3A_61 : i1 to i32
      %cond3A_63 = arith.constant 0 : i32
      %cond3A_64 = arith.cmpi ne, %convert_element_type3A_62, %cond3A_63 : i32
      scf.if %cond3A_64 {
        %mul3A_119 = arith.constant 16384 : i32
        %mul3A_120 = arith.muli %add3A_59, %mul3A_119 : i32
        %add3A_121 = arith.addi %mul3A_120, %mul3A_44 : i32
        %run_scoped3A = arith.constant 1 : i32
        "tpu.region"() ({
          %run_scoped3A_122 = tpu.sem_alloc : memref<!tpu.dma_semaphore, #tpu.memory_space<semaphore_mem>>
          %dma_start3A = arith.constant 0 : i32
          %dma_start3A_123 = tpu.memref_slice %arg4[%run_scoped3A, %dma_start3A] : memref<8x2048xi32, #tpu.memory_space<vmem>> -> memref<1x2048xi32, #tpu.memory_space<vmem>>
          %dma_start3A_124 = tpu.memref_squeeze %dma_start3A_123 : memref<1x2048xi32, #tpu.memory_space<vmem>> -> memref<2048xi32, #tpu.memory_space<vmem>>
          %dma_start3A_125 = tpu.memref_slice %arg3[%add3A_121] : memref<819200xi32, #tpu.memory_space<hbm>> -> memref<2048xi32, #tpu.memory_space<hbm>>
          %dma_start3A_126 = tpu.memref_slice %arg3[%add3A_121] : memref<819200xi32, #tpu.memory_space<hbm>> -> memref<2048xi32, #tpu.memory_space<hbm>>
          %dma_start3A_127 = arith.constant 0 : i32
          %dma_start3A_128 = tpu.memref_slice %arg4[%run_scoped3A, %dma_start3A_127] : memref<8x2048xi32, #tpu.memory_space<vmem>> -> memref<1x2048xi32, #tpu.memory_space<vmem>>
          %dma_start3A_129 = tpu.memref_squeeze %dma_start3A_128 : memref<1x2048xi32, #tpu.memory_space<vmem>> -> memref<2048xi32, #tpu.memory_space<vmem>>
          tpu.enqueue_dma source(%dma_start3A_129 : memref<2048xi32, #tpu.memory_space<vmem>>) target(%dma_start3A_126 : memref<2048xi32, #tpu.memory_space<hbm>>) target_semaphore(%run_scoped3A_122 : memref<!tpu.dma_semaphore, #tpu.memory_space<semaphore_mem>>)
          %dma_wait3A = arith.constant 0 : i32
          %dma_wait3A_130 = tpu.memref_slice %arg4[%run_scoped3A, %dma_wait3A] : memref<8x2048xi32, #tpu.memory_space<vmem>> -> memref<1x2048xi32, #tpu.memory_space<vmem>>
          %dma_wait3A_131 = tpu.memref_squeeze %dma_wait3A_130 : memref<1x2048xi32, #tpu.memory_space<vmem>> -> memref<2048xi32, #tpu.memory_space<vmem>>
          %dma_wait3A_132 = tpu.memref_slice %arg3[%add3A_121] : memref<819200xi32, #tpu.memory_space<hbm>> -> memref<2048xi32, #tpu.memory_space<hbm>>
          %dma_wait3A_133 = tpu.memref_slice %arg3[%add3A_121] : memref<819200xi32, #tpu.memory_space<hbm>> -> memref<2048xi32, #tpu.memory_space<hbm>>
          %dma_wait3A_134 = arith.constant 0 : i32
          %dma_wait3A_135 = tpu.memref_slice %arg4[%run_scoped3A, %dma_wait3A_134] : memref<8x2048xi32, #tpu.memory_space<vmem>> -> memref<1x2048xi32, #tpu.memory_space<vmem>>
          %dma_wait3A_136 = tpu.memref_squeeze %dma_wait3A_135 : memref<1x2048xi32, #tpu.memory_space<vmem>> -> memref<2048xi32, #tpu.memory_space<vmem>>
          tpu.wait_dma2 semaphore(%run_scoped3A_122 : memref<!tpu.dma_semaphore, #tpu.memory_space<semaphore_mem>>) src(%dma_wait3A_136 : memref<2048xi32, #tpu.memory_space<vmem>>) dst(%dma_wait3A_133 : memref<2048xi32, #tpu.memory_space<hbm>>)
          tpu.yield
        }) : () -> ()
      } else {
      }
      %mul3A_65 = arith.constant 8 : i32
      %mul3A_66 = arith.muli %select_n3A, %mul3A_65 : i32
      %add3A_67 = arith.constant 2 : i32
      %add3A_68 = arith.addi %mul3A_66, %add3A_67 : i32
      %lt3A_69 = arith.constant 50 : i32
      %lt3A_70 = arith.cmpi slt, %add3A_68, %lt3A_69 : i32
      %convert_element_type3A_71 = arith.extui %lt3A_70 : i1 to i32
      %cond3A_72 = arith.constant 0 : i32
      %cond3A_73 = arith.cmpi ne, %convert_element_type3A_71, %cond3A_72 : i32
      scf.if %cond3A_73 {
        %mul3A_119 = arith.constant 16384 : i32
        %mul3A_120 = arith.muli %add3A_68, %mul3A_119 : i32
        %add3A_121 = arith.addi %mul3A_120, %mul3A_44 : i32
        %run_scoped3A = arith.constant 2 : i32
        "tpu.region"() ({
          %run_scoped3A_122 = tpu.sem_alloc : memref<!tpu.dma_semaphore, #tpu.memory_space<semaphore_mem>>
          %dma_start3A = arith.constant 0 : i32
          %dma_start3A_123 = tpu.memref_slice %arg4[%run_scoped3A, %dma_start3A] : memref<8x2048xi32, #tpu.memory_space<vmem>> -> memref<1x2048xi32, #tpu.memory_space<vmem>>
          %dma_start3A_124 = tpu.memref_squeeze %dma_start3A_123 : memref<1x2048xi32, #tpu.memory_space<vmem>> -> memref<2048xi32, #tpu.memory_space<vmem>>
          %dma_start3A_125 = tpu.memref_slice %arg3[%add3A_121] : memref<819200xi32, #tpu.memory_space<hbm>> -> memref<2048xi32, #tpu.memory_space<hbm>>
          %dma_start3A_126 = tpu.memref_slice %arg3[%add3A_121] : memref<819200xi32, #tpu.memory_space<hbm>> -> memref<2048xi32, #tpu.memory_space<hbm>>
          %dma_start3A_127 = arith.constant 0 : i32
          %dma_start3A_128 = tpu.memref_slice %arg4[%run_scoped3A, %dma_start3A_127] : memref<8x2048xi32, #tpu.memory_space<vmem>> -> memref<1x2048xi32, #tpu.memory_space<vmem>>
          %dma_start3A_129 = tpu.memref_squeeze %dma_start3A_128 : memref<1x2048xi32, #tpu.memory_space<vmem>> -> memref<2048xi32, #tpu.memory_space<vmem>>
          tpu.enqueue_dma source(%dma_start3A_129 : memref<2048xi32, #tpu.memory_space<vmem>>) target(%dma_start3A_126 : memref<2048xi32, #tpu.memory_space<hbm>>) target_semaphore(%run_scoped3A_122 : memref<!tpu.dma_semaphore, #tpu.memory_space<semaphore_mem>>)
          %dma_wait3A = arith.constant 0 : i32
          %dma_wait3A_130 = tpu.memref_slice %arg4[%run_scoped3A, %dma_wait3A] : memref<8x2048xi32, #tpu.memory_space<vmem>> -> memref<1x2048xi32, #tpu.memory_space<vmem>>
          %dma_wait3A_131 = tpu.memref_squeeze %dma_wait3A_130 : memref<1x2048xi32, #tpu.memory_space<vmem>> -> memref<2048xi32, #tpu.memory_space<vmem>>
          %dma_wait3A_132 = tpu.memref_slice %arg3[%add3A_121] : memref<819200xi32, #tpu.memory_space<hbm>> -> memref<2048xi32, #tpu.memory_space<hbm>>
          %dma_wait3A_133 = tpu.memref_slice %arg3[%add3A_121] : memref<819200xi32, #tpu.memory_space<hbm>> -> memref<2048xi32, #tpu.memory_space<hbm>>
          %dma_wait3A_134 = arith.constant 0 : i32
          %dma_wait3A_135 = tpu.memref_slice %arg4[%run_scoped3A, %dma_wait3A_134] : memref<8x2048xi32, #tpu.memory_space<vmem>> -> memref<1x2048xi32, #tpu.memory_space<vmem>>
          %dma_wait3A_136 = tpu.memref_squeeze %dma_wait3A_135 : memref<1x2048xi32, #tpu.memory_space<vmem>> -> memref<2048xi32, #tpu.memory_space<vmem>>
          tpu.wait_dma2 semaphore(%run_scoped3A_122 : memref<!tpu.dma_semaphore, #tpu.memory_space<semaphore_mem>>) src(%dma_wait3A_136 : memref<2048xi32, #tpu.memory_space<vmem>>) dst(%dma_wait3A_133 : memref<2048xi32, #tpu.memory_space<hbm>>)
          tpu.yield
        }) : () -> ()
      } else {
      }
      %mul3A_74 = arith.constant 8 : i32
      %mul3A_75 = arith.muli %select_n3A, %mul3A_74 : i32
      %add3A_76 = arith.constant 3 : i32
      %add3A_77 = arith.addi %mul3A_75, %add3A_76 : i32
      %lt3A_78 = arith.constant 50 : i32
      %lt3A_79 = arith.cmpi slt, %add3A_77, %lt3A_78 : i32
      %convert_element_type3A_80 = arith.extui %lt3A_79 : i1 to i32
      %cond3A_81 = arith.constant 0 : i32
      %cond3A_82 = arith.cmpi ne, %convert_element_type3A_80, %cond3A_81 : i32
      scf.if %cond3A_82 {
        %mul3A_119 = arith.constant 16384 : i32
        %mul3A_120 = arith.muli %add3A_77, %mul3A_119 : i32
        %add3A_121 = arith.addi %mul3A_120, %mul3A_44 : i32
        %run_scoped3A = arith.constant 3 : i32
        "tpu.region"() ({
          %run_scoped3A_122 = tpu.sem_alloc : memref<!tpu.dma_semaphore, #tpu.memory_space<semaphore_mem>>
          %dma_start3A = arith.constant 0 : i32
          %dma_start3A_123 = tpu.memref_slice %arg4[%run_scoped3A, %dma_start3A] : memref<8x2048xi32, #tpu.memory_space<vmem>> -> memref<1x2048xi32, #tpu.memory_space<vmem>>
          %dma_start3A_124 = tpu.memref_squeeze %dma_start3A_123 : memref<1x2048xi32, #tpu.memory_space<vmem>> -> memref<2048xi32, #tpu.memory_space<vmem>>
          %dma_start3A_125 = tpu.memref_slice %arg3[%add3A_121] : memref<819200xi32, #tpu.memory_space<hbm>> -> memref<2048xi32, #tpu.memory_space<hbm>>
          %dma_start3A_126 = tpu.memref_slice %arg3[%add3A_121] : memref<819200xi32, #tpu.memory_space<hbm>> -> memref<2048xi32, #tpu.memory_space<hbm>>
          %dma_start3A_127 = arith.constant 0 : i32
          %dma_start3A_128 = tpu.memref_slice %arg4[%run_scoped3A, %dma_start3A_127] : memref<8x2048xi32, #tpu.memory_space<vmem>> -> memref<1x2048xi32, #tpu.memory_space<vmem>>
          %dma_start3A_129 = tpu.memref_squeeze %dma_start3A_128 : memref<1x2048xi32, #tpu.memory_space<vmem>> -> memref<2048xi32, #tpu.memory_space<vmem>>
          tpu.enqueue_dma source(%dma_start3A_129 : memref<2048xi32, #tpu.memory_space<vmem>>) target(%dma_start3A_126 : memref<2048xi32, #tpu.memory_space<hbm>>) target_semaphore(%run_scoped3A_122 : memref<!tpu.dma_semaphore, #tpu.memory_space<semaphore_mem>>)
          %dma_wait3A = arith.constant 0 : i32
          %dma_wait3A_130 = tpu.memref_slice %arg4[%run_scoped3A, %dma_wait3A] : memref<8x2048xi32, #tpu.memory_space<vmem>> -> memref<1x2048xi32, #tpu.memory_space<vmem>>
          %dma_wait3A_131 = tpu.memref_squeeze %dma_wait3A_130 : memref<1x2048xi32, #tpu.memory_space<vmem>> -> memref<2048xi32, #tpu.memory_space<vmem>>
          %dma_wait3A_132 = tpu.memref_slice %arg3[%add3A_121] : memref<819200xi32, #tpu.memory_space<hbm>> -> memref<2048xi32, #tpu.memory_space<hbm>>
          %dma_wait3A_133 = tpu.memref_slice %arg3[%add3A_121] : memref<819200xi32, #tpu.memory_space<hbm>> -> memref<2048xi32, #tpu.memory_space<hbm>>
          %dma_wait3A_134 = arith.constant 0 : i32
          %dma_wait3A_135 = tpu.memref_slice %arg4[%run_scoped3A, %dma_wait3A_134] : memref<8x2048xi32, #tpu.memory_space<vmem>> -> memref<1x2048xi32, #tpu.memory_space<vmem>>
          %dma_wait3A_136 = tpu.memref_squeeze %dma_wait3A_135 : memref<1x2048xi32, #tpu.memory_space<vmem>> -> memref<2048xi32, #tpu.memory_space<vmem>>
          tpu.wait_dma2 semaphore(%run_scoped3A_122 : memref<!tpu.dma_semaphore, #tpu.memory_space<semaphore_mem>>) src(%dma_wait3A_136 : memref<2048xi32, #tpu.memory_space<vmem>>) dst(%dma_wait3A_133 : memref<2048xi32, #tpu.memory_space<hbm>>)
          tpu.yield
        }) : () -> ()
      } else {
      }
      %mul3A_83 = arith.constant 8 : i32
      %mul3A_84 = arith.muli %select_n3A, %mul3A_83 : i32
      %add3A_85 = arith.constant 4 : i32
      %add3A_86 = arith.addi %mul3A_84, %add3A_85 : i32
      %lt3A_87 = arith.constant 50 : i32
      %lt3A_88 = arith.cmpi slt, %add3A_86, %lt3A_87 : i32
      %convert_element_type3A_89 = arith.extui %lt3A_88 : i1 to i32
      %cond3A_90 = arith.constant 0 : i32
      %cond3A_91 = arith.cmpi ne, %convert_element_type3A_89, %cond3A_90 : i32
      scf.if %cond3A_91 {
        %mul3A_119 = arith.constant 16384 : i32
        %mul3A_120 = arith.muli %add3A_86, %mul3A_119 : i32
        %add3A_121 = arith.addi %mul3A_120, %mul3A_44 : i32
        %run_scoped3A = arith.constant 4 : i32
        "tpu.region"() ({
          %run_scoped3A_122 = tpu.sem_alloc : memref<!tpu.dma_semaphore, #tpu.memory_space<semaphore_mem>>
          %dma_start3A = arith.constant 0 : i32
          %dma_start3A_123 = tpu.memref_slice %arg4[%run_scoped3A, %dma_start3A] : memref<8x2048xi32, #tpu.memory_space<vmem>> -> memref<1x2048xi32, #tpu.memory_space<vmem>>
          %dma_start3A_124 = tpu.memref_squeeze %dma_start3A_123 : memref<1x2048xi32, #tpu.memory_space<vmem>> -> memref<2048xi32, #tpu.memory_space<vmem>>
          %dma_start3A_125 = tpu.memref_slice %arg3[%add3A_121] : memref<819200xi32, #tpu.memory_space<hbm>> -> memref<2048xi32, #tpu.memory_space<hbm>>
          %dma_start3A_126 = tpu.memref_slice %arg3[%add3A_121] : memref<819200xi32, #tpu.memory_space<hbm>> -> memref<2048xi32, #tpu.memory_space<hbm>>
          %dma_start3A_127 = arith.constant 0 : i32
          %dma_start3A_128 = tpu.memref_slice %arg4[%run_scoped3A, %dma_start3A_127] : memref<8x2048xi32, #tpu.memory_space<vmem>> -> memref<1x2048xi32, #tpu.memory_space<vmem>>
          %dma_start3A_129 = tpu.memref_squeeze %dma_start3A_128 : memref<1x2048xi32, #tpu.memory_space<vmem>> -> memref<2048xi32, #tpu.memory_space<vmem>>
          tpu.enqueue_dma source(%dma_start3A_129 : memref<2048xi32, #tpu.memory_space<vmem>>) target(%dma_start3A_126 : memref<2048xi32, #tpu.memory_space<hbm>>) target_semaphore(%run_scoped3A_122 : memref<!tpu.dma_semaphore, #tpu.memory_space<semaphore_mem>>)
          %dma_wait3A = arith.constant 0 : i32
          %dma_wait3A_130 = tpu.memref_slice %arg4[%run_scoped3A, %dma_wait3A] : memref<8x2048xi32, #tpu.memory_space<vmem>> -> memref<1x2048xi32, #tpu.memory_space<vmem>>
          %dma_wait3A_131 = tpu.memref_squeeze %dma_wait3A_130 : memref<1x2048xi32, #tpu.memory_space<vmem>> -> memref<2048xi32, #tpu.memory_space<vmem>>
          %dma_wait3A_132 = tpu.memref_slice %arg3[%add3A_121] : memref<819200xi32, #tpu.memory_space<hbm>> -> memref<2048xi32, #tpu.memory_space<hbm>>
          %dma_wait3A_133 = tpu.memref_slice %arg3[%add3A_121] : memref<819200xi32, #tpu.memory_space<hbm>> -> memref<2048xi32, #tpu.memory_space<hbm>>
          %dma_wait3A_134 = arith.constant 0 : i32
          %dma_wait3A_135 = tpu.memref_slice %arg4[%run_scoped3A, %dma_wait3A_134] : memref<8x2048xi32, #tpu.memory_space<vmem>> -> memref<1x2048xi32, #tpu.memory_space<vmem>>
          %dma_wait3A_136 = tpu.memref_squeeze %dma_wait3A_135 : memref<1x2048xi32, #tpu.memory_space<vmem>> -> memref<2048xi32, #tpu.memory_space<vmem>>
          tpu.wait_dma2 semaphore(%run_scoped3A_122 : memref<!tpu.dma_semaphore, #tpu.memory_space<semaphore_mem>>) src(%dma_wait3A_136 : memref<2048xi32, #tpu.memory_space<vmem>>) dst(%dma_wait3A_133 : memref<2048xi32, #tpu.memory_space<hbm>>)
          tpu.yield
        }) : () -> ()
      } else {
      }
      %mul3A_92 = arith.constant 8 : i32
      %mul3A_93 = arith.muli %select_n3A, %mul3A_92 : i32
      %add3A_94 = arith.constant 5 : i32
      %add3A_95 = arith.addi %mul3A_93, %add3A_94 : i32
      %lt3A_96 = arith.constant 50 : i32
      %lt3A_97 = arith.cmpi slt, %add3A_95, %lt3A_96 : i32
      %convert_element_type3A_98 = arith.extui %lt3A_97 : i1 to i32
      %cond3A_99 = arith.constant 0 : i32
      %cond3A_100 = arith.cmpi ne, %convert_element_type3A_98, %cond3A_99 : i32
      scf.if %cond3A_100 {
        %mul3A_119 = arith.constant 16384 : i32
        %mul3A_120 = arith.muli %add3A_95, %mul3A_119 : i32
        %add3A_121 = arith.addi %mul3A_120, %mul3A_44 : i32
        %run_scoped3A = arith.constant 5 : i32
        "tpu.region"() ({
          %run_scoped3A_122 = tpu.sem_alloc : memref<!tpu.dma_semaphore, #tpu.memory_space<semaphore_mem>>
          %dma_start3A = arith.constant 0 : i32
          %dma_start3A_123 = tpu.memref_slice %arg4[%run_scoped3A, %dma_start3A] : memref<8x2048xi32, #tpu.memory_space<vmem>> -> memref<1x2048xi32, #tpu.memory_space<vmem>>
          %dma_start3A_124 = tpu.memref_squeeze %dma_start3A_123 : memref<1x2048xi32, #tpu.memory_space<vmem>> -> memref<2048xi32, #tpu.memory_space<vmem>>
          %dma_start3A_125 = tpu.memref_slice %arg3[%add3A_121] : memref<819200xi32, #tpu.memory_space<hbm>> -> memref<2048xi32, #tpu.memory_space<hbm>>
          %dma_start3A_126 = tpu.memref_slice %arg3[%add3A_121] : memref<819200xi32, #tpu.memory_space<hbm>> -> memref<2048xi32, #tpu.memory_space<hbm>>
          %dma_start3A_127 = arith.constant 0 : i32
          %dma_start3A_128 = tpu.memref_slice %arg4[%run_scoped3A, %dma_start3A_127] : memref<8x2048xi32, #tpu.memory_space<vmem>> -> memref<1x2048xi32, #tpu.memory_space<vmem>>
          %dma_start3A_129 = tpu.memref_squeeze %dma_start3A_128 : memref<1x2048xi32, #tpu.memory_space<vmem>> -> memref<2048xi32, #tpu.memory_space<vmem>>
          tpu.enqueue_dma source(%dma_start3A_129 : memref<2048xi32, #tpu.memory_space<vmem>>) target(%dma_start3A_126 : memref<2048xi32, #tpu.memory_space<hbm>>) target_semaphore(%run_scoped3A_122 : memref<!tpu.dma_semaphore, #tpu.memory_space<semaphore_mem>>)
          %dma_wait3A = arith.constant 0 : i32
          %dma_wait3A_130 = tpu.memref_slice %arg4[%run_scoped3A, %dma_wait3A] : memref<8x2048xi32, #tpu.memory_space<vmem>> -> memref<1x2048xi32, #tpu.memory_space<vmem>>
          %dma_wait3A_131 = tpu.memref_squeeze %dma_wait3A_130 : memref<1x2048xi32, #tpu.memory_space<vmem>> -> memref<2048xi32, #tpu.memory_space<vmem>>
          %dma_wait3A_132 = tpu.memref_slice %arg3[%add3A_121] : memref<819200xi32, #tpu.memory_space<hbm>> -> memref<2048xi32, #tpu.memory_space<hbm>>
          %dma_wait3A_133 = tpu.memref_slice %arg3[%add3A_121] : memref<819200xi32, #tpu.memory_space<hbm>> -> memref<2048xi32, #tpu.memory_space<hbm>>
          %dma_wait3A_134 = arith.constant 0 : i32
          %dma_wait3A_135 = tpu.memref_slice %arg4[%run_scoped3A, %dma_wait3A_134] : memref<8x2048xi32, #tpu.memory_space<vmem>> -> memref<1x2048xi32, #tpu.memory_space<vmem>>
          %dma_wait3A_136 = tpu.memref_squeeze %dma_wait3A_135 : memref<1x2048xi32, #tpu.memory_space<vmem>> -> memref<2048xi32, #tpu.memory_space<vmem>>
          tpu.wait_dma2 semaphore(%run_scoped3A_122 : memref<!tpu.dma_semaphore, #tpu.memory_space<semaphore_mem>>) src(%dma_wait3A_136 : memref<2048xi32, #tpu.memory_space<vmem>>) dst(%dma_wait3A_133 : memref<2048xi32, #tpu.memory_space<hbm>>)
          tpu.yield
        }) : () -> ()
      } else {
      }
      %mul3A_101 = arith.constant 8 : i32
      %mul3A_102 = arith.muli %select_n3A, %mul3A_101 : i32
      %add3A_103 = arith.constant 6 : i32
      %add3A_104 = arith.addi %mul3A_102, %add3A_103 : i32
      %lt3A_105 = arith.constant 50 : i32
      %lt3A_106 = arith.cmpi slt, %add3A_104, %lt3A_105 : i32
      %convert_element_type3A_107 = arith.extui %lt3A_106 : i1 to i32
      %cond3A_108 = arith.constant 0 : i32
      %cond3A_109 = arith.cmpi ne, %convert_element_type3A_107, %cond3A_108 : i32
      scf.if %cond3A_109 {
        %mul3A_119 = arith.constant 16384 : i32
        %mul3A_120 = arith.muli %add3A_104, %mul3A_119 : i32
        %add3A_121 = arith.addi %mul3A_120, %mul3A_44 : i32
        %run_scoped3A = arith.constant 6 : i32
        "tpu.region"() ({
          %run_scoped3A_122 = tpu.sem_alloc : memref<!tpu.dma_semaphore, #tpu.memory_space<semaphore_mem>>
          %dma_start3A = arith.constant 0 : i32
          %dma_start3A_123 = tpu.memref_slice %arg4[%run_scoped3A, %dma_start3A] : memref<8x2048xi32, #tpu.memory_space<vmem>> -> memref<1x2048xi32, #tpu.memory_space<vmem>>
          %dma_start3A_124 = tpu.memref_squeeze %dma_start3A_123 : memref<1x2048xi32, #tpu.memory_space<vmem>> -> memref<2048xi32, #tpu.memory_space<vmem>>
          %dma_start3A_125 = tpu.memref_slice %arg3[%add3A_121] : memref<819200xi32, #tpu.memory_space<hbm>> -> memref<2048xi32, #tpu.memory_space<hbm>>
          %dma_start3A_126 = tpu.memref_slice %arg3[%add3A_121] : memref<819200xi32, #tpu.memory_space<hbm>> -> memref<2048xi32, #tpu.memory_space<hbm>>
          %dma_start3A_127 = arith.constant 0 : i32
          %dma_start3A_128 = tpu.memref_slice %arg4[%run_scoped3A, %dma_start3A_127] : memref<8x2048xi32, #tpu.memory_space<vmem>> -> memref<1x2048xi32, #tpu.memory_space<vmem>>
          %dma_start3A_129 = tpu.memref_squeeze %dma_start3A_128 : memref<1x2048xi32, #tpu.memory_space<vmem>> -> memref<2048xi32, #tpu.memory_space<vmem>>
          tpu.enqueue_dma source(%dma_start3A_129 : memref<2048xi32, #tpu.memory_space<vmem>>) target(%dma_start3A_126 : memref<2048xi32, #tpu.memory_space<hbm>>) target_semaphore(%run_scoped3A_122 : memref<!tpu.dma_semaphore, #tpu.memory_space<semaphore_mem>>)
          %dma_wait3A = arith.constant 0 : i32
          %dma_wait3A_130 = tpu.memref_slice %arg4[%run_scoped3A, %dma_wait3A] : memref<8x2048xi32, #tpu.memory_space<vmem>> -> memref<1x2048xi32, #tpu.memory_space<vmem>>
          %dma_wait3A_131 = tpu.memref_squeeze %dma_wait3A_130 : memref<1x2048xi32, #tpu.memory_space<vmem>> -> memref<2048xi32, #tpu.memory_space<vmem>>
          %dma_wait3A_132 = tpu.memref_slice %arg3[%add3A_121] : memref<819200xi32, #tpu.memory_space<hbm>> -> memref<2048xi32, #tpu.memory_space<hbm>>
          %dma_wait3A_133 = tpu.memref_slice %arg3[%add3A_121] : memref<819200xi32, #tpu.memory_space<hbm>> -> memref<2048xi32, #tpu.memory_space<hbm>>
          %dma_wait3A_134 = arith.constant 0 : i32
          %dma_wait3A_135 = tpu.memref_slice %arg4[%run_scoped3A, %dma_wait3A_134] : memref<8x2048xi32, #tpu.memory_space<vmem>> -> memref<1x2048xi32, #tpu.memory_space<vmem>>
          %dma_wait3A_136 = tpu.memref_squeeze %dma_wait3A_135 : memref<1x2048xi32, #tpu.memory_space<vmem>> -> memref<2048xi32, #tpu.memory_space<vmem>>
          tpu.wait_dma2 semaphore(%run_scoped3A_122 : memref<!tpu.dma_semaphore, #tpu.memory_space<semaphore_mem>>) src(%dma_wait3A_136 : memref<2048xi32, #tpu.memory_space<vmem>>) dst(%dma_wait3A_133 : memref<2048xi32, #tpu.memory_space<hbm>>)
          tpu.yield
        }) : () -> ()
      } else {
      }
      %mul3A_110 = arith.constant 8 : i32
      %mul3A_111 = arith.muli %select_n3A, %mul3A_110 : i32
      %add3A_112 = arith.constant 7 : i32
      %add3A_113 = arith.addi %mul3A_111, %add3A_112 : i32
      %lt3A_114 = arith.constant 50 : i32
      %lt3A_115 = arith.cmpi slt, %add3A_113, %lt3A_114 : i32
      %convert_element_type3A_116 = arith.extui %lt3A_115 : i1 to i32
      %cond3A_117 = arith.constant 0 : i32
      %cond3A_118 = arith.cmpi ne, %convert_element_type3A_116, %cond3A_117 : i32
      scf.if %cond3A_118 {
        %mul3A_119 = arith.constant 16384 : i32
        %mul3A_120 = arith.muli %add3A_113, %mul3A_119 : i32
        %add3A_121 = arith.addi %mul3A_120, %mul3A_44 : i32
        %run_scoped3A = arith.constant 7 : i32
        "tpu.region"() ({
          %run_scoped3A_122 = tpu.sem_alloc : memref<!tpu.dma_semaphore, #tpu.memory_space<semaphore_mem>>
          %dma_start3A = arith.constant 0 : i32
          %dma_start3A_123 = tpu.memref_slice %arg4[%run_scoped3A, %dma_start3A] : memref<8x2048xi32, #tpu.memory_space<vmem>> -> memref<1x2048xi32, #tpu.memory_space<vmem>>
          %dma_start3A_124 = tpu.memref_squeeze %dma_start3A_123 : memref<1x2048xi32, #tpu.memory_space<vmem>> -> memref<2048xi32, #tpu.memory_space<vmem>>
          %dma_start3A_125 = tpu.memref_slice %arg3[%add3A_121] : memref<819200xi32, #tpu.memory_space<hbm>> -> memref<2048xi32, #tpu.memory_space<hbm>>
          %dma_start3A_126 = tpu.memref_slice %arg3[%add3A_121] : memref<819200xi32, #tpu.memory_space<hbm>> -> memref<2048xi32, #tpu.memory_space<hbm>>
          %dma_start3A_127 = arith.constant 0 : i32
          %dma_start3A_128 = tpu.memref_slice %arg4[%run_scoped3A, %dma_start3A_127] : memref<8x2048xi32, #tpu.memory_space<vmem>> -> memref<1x2048xi32, #tpu.memory_space<vmem>>
          %dma_start3A_129 = tpu.memref_squeeze %dma_start3A_128 : memref<1x2048xi32, #tpu.memory_space<vmem>> -> memref<2048xi32, #tpu.memory_space<vmem>>
          tpu.enqueue_dma source(%dma_start3A_129 : memref<2048xi32, #tpu.memory_space<vmem>>) target(%dma_start3A_126 : memref<2048xi32, #tpu.memory_space<hbm>>) target_semaphore(%run_scoped3A_122 : memref<!tpu.dma_semaphore, #tpu.memory_space<semaphore_mem>>)
          %dma_wait3A = arith.constant 0 : i32
          %dma_wait3A_130 = tpu.memref_slice %arg4[%run_scoped3A, %dma_wait3A] : memref<8x2048xi32, #tpu.memory_space<vmem>> -> memref<1x2048xi32, #tpu.memory_space<vmem>>
          %dma_wait3A_131 = tpu.memref_squeeze %dma_wait3A_130 : memref<1x2048xi32, #tpu.memory_space<vmem>> -> memref<2048xi32, #tpu.memory_space<vmem>>
          %dma_wait3A_132 = tpu.memref_slice %arg3[%add3A_121] : memref<819200xi32, #tpu.memory_space<hbm>> -> memref<2048xi32, #tpu.memory_space<hbm>>
          %dma_wait3A_133 = tpu.memref_slice %arg3[%add3A_121] : memref<819200xi32, #tpu.memory_space<hbm>> -> memref<2048xi32, #tpu.memory_space<hbm>>
          %dma_wait3A_134 = arith.constant 0 : i32
          %dma_wait3A_135 = tpu.memref_slice %arg4[%run_scoped3A, %dma_wait3A_134] : memref<8x2048xi32, #tpu.memory_space<vmem>> -> memref<1x2048xi32, #tpu.memory_space<vmem>>
          %dma_wait3A_136 = tpu.memref_squeeze %dma_wait3A_135 : memref<1x2048xi32, #tpu.memory_space<vmem>> -> memref<2048xi32, #tpu.memory_space<vmem>>
          tpu.wait_dma2 semaphore(%run_scoped3A_122 : memref<!tpu.dma_semaphore, #tpu.memory_space<semaphore_mem>>) src(%dma_wait3A_136 : memref<2048xi32, #tpu.memory_space<vmem>>) dst(%dma_wait3A_133 : memref<2048xi32, #tpu.memory_space<hbm>>)
          tpu.yield
        }) : () -> ()
      } else {
      }
    } else {
    }
    return
  }
}

</mosaic_0001>

<sc_bundles>
// kernel: kernel.4.cloned.1.call-start
scs
__scs_entry_jumppad:
0x0: {  	(pc) =	sbr.rel $0x88, $3  }
0x1: {  	(tag) =	ssettag $0x0;
	lr =	simm.s32 $0x1  }
0x2: {  	[smem:$0x3F9F] =	sst lr;
	_ =	strace $0xD0000000  }
0x3: {  	_ = 	snop  }
0x4: {  	_ = 	snop  }
0x5: {  	_ = 	snop  }
0x6: {  	_ = 	snop  }
0x7: {  	_ = 	snop  }
__scs_overlays_trampoline_lowered:
0x8: {  	[smem:$0x3FAE] =	sst s0  }
0x9: {  	[smem:$0x3FAF] =	sst s1  }
0xa: {  	[smem:$0x3FB0] =	sst s2  }
0xb: {  	[smem:$0x3FB1] =	sst s3  }
0xc: {  	[smem:$0x3FB2] =	sst s4  }
0xd: {  	[smem:$0x3FB3] =	sst s5  }
0xe: {  	[smem:$0x3FB4] =	sst s6  }
0xf: {  	[smem:$0x3FB5] =	sst s7  }
0x10: {  	[smem:$0x3FB6] =	sst s8  }
0x11: {  	[smem:$0x3FB7] =	sst s9;
	s0 =	simm.s32 @!p0 $0x0  }
0x12: {  	s1 =	sld [smem:$0x3F9D];
	s0 =	simm.s32 @p0 $0x1  }
0x13: {  	[smem:$0x3FB8] =	sst s0;
	s0 =	simm.s32 @!p1 $0x0  }
0x14: {  	s2 =	sld [smem:$0x3F9C];
	s0 =	simm.s32 @p1 $0x1  }
0x15: {  	[smem:$0x3FB9] =	sst s0;
	s0 =	simm.s32 @!p2 $0x0  }
0x16: {  	s3 =	sld [smem:$0x3FDB];
	s0 =	simm.s32 @p2 $0x1  }
0x17: {  	s4 =	simm.s32 $0x1BF5;
	[smem:$0x3FBB] =	sst s0  }
0x18: {  	s0 =	sld [smem:$0x3F9E];
	_ =	swait.ge [sflag:s4], $0x0  }
0x19: {  	s7 =	sld [smem:$0x3F9F]  }
0x1a: {  	s8 =	sadd.s32 $0xFFFFE003, lr  }
0x1b: {  	s9 =	sadd.s32 $0xFFFFFEF7, lr;
	s5 =	simm.s32 $0xFFFFFFFF;
	p2 =	slt.u32 s8, $0xFFFFF086  }
0x1c: {  	p1 =	slt.u32 s9, $0xF7A;
	s5 =	simm.s32 @!p2 $0x0  }
0x1d: {  	s5 =	simm.s32 @p1 $0x1;
	p0 =	seq.s32 s7, s2  }
0x1e: {  	s7 =	smul.u32 @!p0 $0xF7A, s2;
	p2 =	seq.s32 @!p0 s5, $0x0  }
0x1f: {  	s9 =	smul.u32 $0xF7A, s1;
	s8 =	simm.s32 @!p0 $0x1BF5;
	p2 =	por !p2, p0  }
0x20: {  	[sflag:s8] =	ssyncset.s32 @!p0 $0xFFFFF086;
	s6 =	sadd.s32 @!p0 s3, s7;
	s7 =	simm.s32 @!p0 $0x108  }
0x21: {  	s3 =	sadd.s32 s3, s9;
	s6 =	sadd.s32 @!p0 $0x88, s6;
	s7 =	simm.s32 @p2 $0x1082  }
0x22: {  	[simem:s7], [sflag:s8] =	dma.local @!p0 [hbm:s6], $0xF7A  }
0x23: {  	s9 =	sor.u32 $0xD0000000, s2;
	s6 =	simm.s32 $0x108;
	_ =	swait.ge @!p0 [sflag:s8], $0x0  }
0x24: {  	s3 =	sadd.s32 $0x88, s3;
	s6 =	simm.s32 @!p1 $0x1082;
	[sflag:s4] =	ssyncset.s32 $0xFFFFF086  }
0x25: {  	[simem:s6], [sflag:s4] =	dma.local [hbm:s3], $0xF7A  }
0x26: {  	[smem:$0x3F9F] =	sst s1;
	(tag) =	ssettag s2;
	_ =	strace s9  }
0x27: {  	s1 =	sld [smem:$0x3FAF]  }
0x28: {  	s2 =	sld [smem:$0x3FB0]  }
0x29: {  	s4 =	sld [smem:$0x3FB2]  }
0x2a: {  	p0 =	seq.s32 s5, $0x0;
	s5 =	sld [smem:$0x3FB3]  }
0x2b: {  	s6 =	sld [smem:$0x3FB4]  }
0x2c: {  	s7 =	sld [smem:$0x3FB5]  }
0x2d: {  	s3 =	simm.s32 $0x108;
	s8 =	sld [smem:$0x3FB6]  }
0x2e: {  	s3 =	simm.s32 @!p0 $0x1082;
	s9 =	sld [smem:$0x3FB7]  }
0x2f: {  	lr =	sadd.s32 s0, s3;
	s0 =	sld [smem:$0x3FAE]  }
0x30: {  	s3 =	sld [smem:$0x3FB1]  }
0x31: {  	[smem:$0x3FBA] =	sst s10  }
0x32: {  	s10 =	sld [smem:$0x3FB8];
	_ =	sdelay $0x3  }
0x33: {  	p0 =	seq.s32 s10, $0x1;
	s10 =	sld [smem:$0x3FBA];
	_ =	sdelay $0x3  }
0x34: {  	[smem:$0x3FBA] =	sst s10  }
0x35: {  	s10 =	sld [smem:$0x3FB9];
	_ =	sdelay $0x3  }
0x36: {  	p1 =	seq.s32 s10, $0x1;
	s10 =	sld [smem:$0x3FBA];
	_ =	sdelay $0x3  }
0x37: {  	[smem:$0x3FBA] =	sst s10  }
0x38: {  	s10 =	sld [smem:$0x3FBB]  }
0x39: {  	_ = 	snop;
	(pc) =	sbr.ind lr, $3  }
0x3a: {  	_ = 	snop  }
0x3b: {  	_ = 	snop  }
0x3c: {  	p2 =	seq.s32 s10, $0x1;
	s10 =	sld [smem:$0x3FBA]  }
0x3d: {  	_ =	shalt  }
0x3e: {  	_ =	shalt  }
0x3f: {  	_ =	shalt  }
0x40: {  	_ =	shalt  }
0x41: {  	_ =	shalt  }
0x42: {  	_ =	shalt  }
0x43: {  	_ =	shalt  }
0x44: {  	_ =	shalt  }
0x45: {  	_ =	shalt  }
0x46: {  	_ =	shalt  }
0x47: {  	_ =	shalt  }
0x48: {  	_ =	shalt  }
0x49: {  	_ =	shalt  }
0x4a: {  	_ =	shalt  }
0x4b: {  	_ =	shalt  }
0x4c: {  	_ =	shalt  }
0x4d: {  	_ =	shalt  }
0x4e: {  	_ =	shalt  }
0x4f: {  	_ =	shalt  }
0x50: {  	_ =	shalt  }
0x51: {  	_ =	shalt  }
0x52: {  	_ =	shalt  }
0x53: {  	_ =	shalt  }
0x54: {  	_ =	shalt  }
0x55: {  	_ =	shalt  }
0x56: {  	_ =	shalt  }
0x57: {  	_ =	shalt  }
0x58: {  	_ =	shalt  }
0x59: {  	_ =	shalt  }
0x5a: {  	_ =	shalt  }
0x5b: {  	_ =	shalt  }
0x5c: {  	_ =	shalt  }
0x5d: {  	_ =	shalt  }
0x5e: {  	_ =	shalt  }
0x5f: {  	_ =	shalt  }
0x60: {  	_ =	shalt  }
0x61: {  	_ =	shalt  }
0x62: {  	_ =	shalt  }
0x63: {  	_ =	shalt  }
0x64: {  	_ =	shalt  }
0x65: {  	_ =	shalt  }
0x66: {  	_ =	shalt  }
0x67: {  	_ =	shalt  }
0x68: {  	_ =	shalt  }
0x69: {  	_ =	shalt  }
0x6a: {  	_ =	shalt  }
0x6b: {  	_ =	shalt  }
0x6c: {  	_ =	shalt  }
0x6d: {  	_ =	shalt  }
0x6e: {  	_ =	shalt  }
0x6f: {  	_ =	shalt  }
0x70: {  	_ =	shalt  }
0x71: {  	_ =	shalt  }
0x72: {  	_ =	shalt  }
0x73: {  	_ =	shalt  }
0x74: {  	_ =	shalt  }
0x75: {  	_ =	shalt  }
0x76: {  	_ =	shalt  }
0x77: {  	_ =	shalt  }
0x78: {  	_ =	shalt  }
0x79: {  	_ =	shalt  }
0x7a: {  	_ =	shalt  }
0x7b: {  	_ =	shalt  }
0x7c: {  	_ =	shalt  }
0x7d: {  	_ =	shalt  }
0x7e: {  	_ =	shalt  }
0x7f: {  	_ =	shalt  }
0x80: {  	_ =	shalt  }
0x81: {  	_ =	shalt  }
0x82: {  	_ =	shalt  }
0x83: {  	_ =	shalt  }
0x84: {  	_ =	shalt  }
0x85: {  	_ =	shalt  }
0x86: {  	_ =	shalt  }
0x87: {  	_ =	shalt  }
.Lfunc_end0:
.L_simem_size_0:
called_computation.1_lowered:
.L_overlay_start_0:
0x88: {  	s2 =	sld [smem:$0x3FD9]  }
0x89: {  	s3 =	sld [smem:$0x3FFE];
	_ =	sdelay $0x1  }
0x8a: {  	s1 =	srdreg.scid  }
0x8b: {  	s0 =	sand.u32 $0x1, s1  }
0x8c: {  	s17 =	sshll.u32 s0, $0xA;
	s2 =	sadd.s32 s3, s2  }
0x8d: {  	s2 =	sadd.s32 s2, s17  }
0x8e: {  	[smem:$0x3FC6] =	sst s2  }
0x8f: {  	_ = 	snop  }
0x90: {  	s2 =	sld [smem:$0x3FC9];
	(tm) =	ssettm $0x1  }
0x91: {  	s18 =	sld [smem:$0x3FFB];
	_ =	sdelay $0x3  }
0x92: {  	_ =	strace s18  }
0x93: {  	s3 =	sld [smem:$0x3FFC];
	_ =	sdelay $0x3  }
0x94: {  	_ =	strace s3  }
0x95: {  	s3 =	sld [smem:$0x3FFD];
	_ =	sdelay $0x3  }
0x96: {  	_ =	strace s3  }
0x97: {  	_ =	strace $0x8FFFFFFF  }
0x98: {  	s19 =	sld [smem:$0x3FDB];
	_ =	sdelay $0x1  }
0x99: {  	s4 =	simm.s32 $_scs_section_size  }
0x9a: {  	s5 =	simm.s32 $_size__tile_overlayer_lowered;
	s6 =	simm.s32 $_tile_overlayer_lowered  }
0x9b: {  	s22 =	simm.s32 $0x1BFF;
	s21 =	sshll.u32 s6, $0x1;
	s3 =	sadd.s32 s4, s19  }
0x9c: {  	s7 =	simm.s32 $0x0;
	s20 =	sshll.u32 s5, $0x1;
	s5 =	sadd.s32 s21, s3  }
0x9d: {  	[timem:s7], [sflag:s22] =	dma.local [hbm:s5], s20  }
0x9e: {  	_ =	swait.ge [sflag:s22], s20  }
0x9f: {  	s4 =	ssub.s32 $0x0, s20;
	[sflag:s22] =	ssyncset.done $0x0  }
0xa0: {  	[sflag:s22] =	ssyncadd.s32 s4;
	_ =	sdelay $0x1  }
0xa1: {  	s23 =	simm.s32 $0x1B8B  }
0xa2: {  	_ =	swait.ge [sflag:s23], $0x1  }
0xa3: {  	[sflag:s23] =	ssyncset.done $0x0  }
0xa4: {  	s25 =	simm.s32 $0x1B8E;
	s24 =	sld [smem:$0x3FFE];
	[sflag:s23] =	ssyncadd.s32 $0xFFFFFFFF  }
0xa5: {  	s26 =	simm.s32 $execute0_lowered;
	[smem:$0x3FD2] =	sst s25  }
0xa6: {  	s5 =	sshll.u32 s26, $0x1;
	_ =	strace $0x80000046;
	[dreg:$0x1] =	wrdreg $0xFFFFFFFF  }
0xa7: {  	s28 =	simm.s32 $_size_execute0_lowered;
	s3 =	sadd.s32 s3, s5;
	[dreg:$0x0] =	wrdreg $0x0  }
0xa8: {  	s5 =	sshll.u32 s28, $0x1;
	[dreg:$0x2] =	wrdreg s3  }
0xa9: {  	[dreg:$0x3] =	wrdreg s5  }
0xaa: {  	[dreg:$0x4] =	wrdreg $0xC0  }
0xab: {  	_ =	task [dreg:s7], $0x5FFFF  }
0xac: {  	[dreg:$0x1] =	wrdreg $0xFFFFFFFF  }
0xad: {  	[dreg:$0x0] =	wrdreg $0x60  }
0xae: {  	[dreg:$0x2] =	wrdreg s2  }
0xaf: {  	[dreg:$0x3] =	wrdreg s24  }
0xb0: {  	[dreg:$0x4] =	wrdreg $0x9  }
0xb1: {  	_ =	task.clear_ibuf [dreg:s7], $0x5FFFF;
	_ =	strace $0x90000046  }
0xb2: {  	s29 =	simm.s32 $0x9;
	_ =	strace $0x80000048  }
0xb3: {  	_ =	swait.ge [sflag:s29], $0x1  }
0xb4: {  	[sflag:s29] =	ssyncadd.s32 $0xFFFFFFFF  }
0xb5: {  	_ =	strace $0x90000048  }
0xb6: {  	_ =	sfence  }
0xb7: {  	s30 =	sld [smem:$0x0];
	_ =	sdelay $0x2  }
0xb8: {  	s31 =	sshll.u32 s1, $0xD;
	s1 =	sshrl.u32 s1, $0x2  }
0xb9: {  	s3 =	sand.u32 $0x4000, s31;
	s1 =	sadd.s32 s1, s30  }
0xba: {  	s0 =	sor.u32 s3, s0;
	s1 =	sshll.u32 s1, $0x11  }
0xbb: {  	s0 =	sor.u32 s1, s0  }
0xbc: {  	s0 =	sadd.s32 $0x8F2B, s0  }
0xbd: {  	[sflag:s0] =	ssyncadd.remote.s32 $0x1  }
0xbe: {  	_ =	sfence.sel $0xFFFF  }
0xbf: {  	[dreg:$0x0] =	wrdreg $0xFFFFFFFF;
	(pc) =	sbr.abs _section_cstart, $3  }
0xc0: {  	[dreg:$0x1] =	wrdreg $0xFFFFFFFF  }
0xc1: {  	_ =	task.clear_ibuf [dreg:s7], $0x2FFFF;
	_ =	strace $0x9FFFFFFF  }
0xc2: {  	(tm) =	ssettm $0x7FFFFFFF  }
0xc3: {  	_ =	shalt  }
tec
execute0_lowered:
.L_overlay_start_1:
0x0: {  	(tag) =	ssettag $0x1  }
0x1: {  	s1 =	rddreg [dreg:$0x0]  }
0x2: {  	s4 =	rddreg [dreg:$0x1];
	s2 =	simm.s32 $0x0;
	s0 =	srdreg.scid  }
0x3: {  	s25 =	stileid.u32;
	s28 =	simm.s32 $0x2C80;
	s29 =	simm.s32 $0x3080  }
0x4: {  	s30 =	simm.s32 $0x3480;
	s31 =	simm.s32 $0x3880;
	[smem:$0x7FF] =	sst s2  }
0x5: {  	s3 =	sand.u32 $0x1, s0;
	s7 =	sshll.u32 s25, $0x1;
	s0 =	sadd.s32 $0xC00, s4  }
0x6: {  	s8 =	sshrl.u32 s25, $0x2;
	s24 =	sadd.s32 $0x1400, s4;
	p2 =	sgt.u32 s25, $0xB  }
0x7: {  	s25 =	simm.s32 $0x2480;
	_ =	strace $0x80000047;
	s5 =	ssub.s32 $0x2, s3  }
0x8: {  	s6 =	sor.u32 s3, s7;
	s11 =	sshll.u32 s8, $0x11;
	s8 =	sshll.u32 s8, $0xE  }
0x9: {  	s7 =	sor.u32 $0x27, s7;
	s21 =	sshrl.u32 s5, $0x1;
	s10 =	sshll.u32 s6, $0xB  }
0xa: {  	s22 =	sadd.s32 s1, s8;
	s26 =	sor.u32 $0x20, s6;
	p6 =	sgt.u32 s7, $0x31  }
0xb: {  	s9 =	sand.u32 $0x3800, s10;
	s21 =	ssub.s32 s5, s21;
	s12 =	sand.u32 $0x38, s26  }
0xc: {  	s13 =	sshll.u32 s26, $0xB;
	s23 =	sor.u32 s11, s9;
	s3 =	sadd.s32 s9, s22  }
0xd: {  	s13 =	sand.u32 $0x1C000, s13;
	s11 =	sshll.u32 s26, $0xE;
	s14 =	sshll.u32 s12, $0xE  }
0xe: {  	s1 =	sadd.s32 s1, s9;
	s19 =	sor.u32 $0x2, s12;
	s20 =	sor.u32 $0x3, s12  }
0xf: {  	s22 =	sor.u32 $0x4, s12;
	s26 =	sshll.u32 s7, $0xE;
	s21 =	smax.u32 s21, $0x1  }
0x10: {  	s7 =	simm.s32 $0x800;
	s5 =	sshrl.u32 s23, $0x3;
	s11 =	sor.u32 s10, s11  }
0x11: {  	s14 =	sor.u32 s9, s14;
	s1 =	sadd.s32 s13, s1;
	s15 =	sshll.u32 s19, $0xE  }
0x12: {  	s16 =	sshll.u32 s20, $0xE;
	s17 =	sshll.u32 s22, $0xE;
	s23 =	sor.u32 $0x5, s12  }
0x13: {  	p0 =	sgt.u32 s19, $0x31;
	p1 =	sgt.u32 s20, $0x31;
	p3 =	sgt.u32 s22, $0x31  }
0x14: {  	s22 =	simm.s32 $0x1;
	s4 =	sadd.s32 s0, s5;
	s5 =	sadd.s32 s5, s24  }
0x15: {  	[dreg:$0x3] =	wrdreg s1;
	s1 =	sand.u32 $0xE3800, s11;
	s14 =	sshrl.u32 s14, $0x3  }
0x16: {  	s13 =	sor.u32 s9, s16;
	s18 =	sshll.u32 s23, $0xE;
	p4 =	sgt.u32 s23, $0x31  }
0x17: {  	s23 =	simm.s32 $0x400;
	s6 =	sadd.s32 $0x1000, s4;
	s8 =	sadd.s32 s14, s24  }
0x18: {  	s14 =	sor.u32 s9, s15;
	s15 =	sor.u32 s9, s17;
	s24 =	sor.u32 $0x6, s12  }
0x19: {  	s16 =	sor.u32 s9, s18;
	s1 =	sshrl.u32 s1, $0x3;
	s18 =	sor.u32 s26, s10  }
0x1a: {  	s10 =	sadd.s32 $0x2000, s4;
	s19 =	sadd.s32 $0x3000, s4;
	s20 =	sadd.s32 $0x3800, s4  }
0x1b: {  	s12 =	sshll.u32 s24, $0xE;
	s11 =	sadd.s32 s0, s1;
	s15 =	sshrl.u32 s15, $0x3  }
0x1c: {  	s16 =	sshrl.u32 s16, $0x3;
	s26 =	sshrl.u32 s18, $0x3;
	s18 =	sadd.s32 $0x2800, s4  }
0x1d: {  	s17 =	sor.u32 s9, s12;
	s12 =	sshrl.u32 s14, $0x3;
	s14 =	sshrl.u32 s13, $0x3  }
.Ltmp0:
0x1e: {  	s12 =	sadd.s32 s0, s12;
	s13 =	sadd.s32 s0, s14;
	(pc) =	sbr.rel .LBB2_1-.Ltmp0, $4  }
0x1f: {  	s14 =	sadd.s32 s0, s15;
	s15 =	sadd.s32 s0, s16;
	s17 =	sshrl.u32 s17, $0x3  }
0x20: {  	s16 =	sadd.s32 s0, s17;
	s17 =	sadd.s32 s0, s26;
	s0 =	simm.s32 @!p2 $0x0  }
0x21: {  	p5 =	sgt.u32 s24, $0x31;
	s9 =	sadd.s32 $0x1800, s4;
	s0 =	simm.s32 @p2 $0x1  }
0x22: {  	s26 =	simm.s32 $0x2880;
	[smem:$0x7FD] =	sst s0;
	s0 =	simm.s32 $0x3C80  }
.LBB2_3:
0x23: {  	s21 =	sadd.s32 $0xFFFFFFFF, s21  }
0x24: {  	p2 =	sne.s32 s21, $0x0  }
.Ltmp1:
0x25: {  	_ = 	snop;
	(pc) =	sbr.rel @!p2 .LBB2_4-.Ltmp1, $1  }
0x26: {  	_ =	sdelay $0x3  }
.LBB2_1:
0x27: {  	[tilespmem:s2], [sflag:$0x1] =	stream.linear.gather [hbm4b:s3+s2], $0x4000, $0x38;
	[tilespmem:$0x4000] =	vst v63  }
0x28: {  	_ =	swait.ge [sflag:s22], $0x4000  }
0x29: {  	[sflag:s22] =	ssyncset.done $0x0  }
0x2a: {  	[sflag:s22] =	ssyncadd.s32 $0xFFFFC000  }
0x2b: {  	[hbm4b:s4+s2] =	stream.linear.scatter [tilespmem:s2], [sflag:$0x1], $0x80, $0x38;
	[tilespmem:$0x4000] =	vst v63  }
0x2c: {  	s1 =	sadd.s32 $0x10, s4  }
0x2d: {  	[hbm4b:s1+s2] =	stream.linear.scatter [tilespmem:s23], [sflag:$0x1], $0x80, $0x38;
	[tilespmem:$0x4000] =	vst v63  }
0x2e: {  	s24 =	sadd.s32 $0x20, s4  }
0x2f: {  	[hbm4b:s24+s2] =	stream.linear.scatter [tilespmem:s7], [sflag:$0x1], $0x80, $0x38;
	[tilespmem:$0x4000] =	vst v63  }
0x30: {  	s1 =	sadd.s32 $0x30, s4;
	s24 =	simm.s32 $0xC00  }
0x31: {  	[hbm4b:s1+s2] =	stream.linear.scatter [tilespmem:s24], [sflag:$0x1], $0x80, $0x38;
	[tilespmem:$0x4000] =	vst v63  }
0x32: {  	s1 =	sadd.s32 $0x40, s4;
	s24 =	simm.s32 $0x1000  }
0x33: {  	[hbm4b:s1+s2] =	stream.linear.scatter [tilespmem:s24], [sflag:$0x1], $0x80, $0x38;
	[tilespmem:$0x4000] =	vst v63  }
0x34: {  	s1 =	sadd.s32 $0x50, s4;
	s24 =	simm.s32 $0x1400  }
0x35: {  	[hbm4b:s1+s2] =	stream.linear.scatter [tilespmem:s24], [sflag:$0x1], $0x80, $0x38;
	[tilespmem:$0x4000] =	vst v63  }
0x36: {  	s1 =	sadd.s32 $0x60, s4;
	s24 =	simm.s32 $0x1800  }
0x37: {  	[hbm4b:s1+s2] =	stream.linear.scatter [tilespmem:s24], [sflag:$0x1], $0x80, $0x38;
	[tilespmem:$0x4000] =	vst v63  }
0x38: {  	s1 =	sadd.s32 $0x70, s4;
	s24 =	simm.s32 $0x1C00  }
0x39: {  	[hbm4b:s1+s2] =	stream.linear.scatter [tilespmem:s24], [sflag:$0x1], $0x80, $0x38;
	[tilespmem:$0x4000] =	vst v63  }
0x3a: {  	s1 =	sadd.s32 $0x80, s4;
	s24 =	simm.s32 $0x2000  }
0x3b: {  	[hbm4b:s1+s2] =	stream.linear.scatter [tilespmem:s24], [sflag:$0x1], $0x80, $0x38;
	[tilespmem:$0x4000] =	vst v63  }
0x3c: {  	s1 =	sadd.s32 $0x90, s4;
	s24 =	simm.s32 $0x2400  }
0x3d: {  	[hbm4b:s1+s2] =	stream.linear.scatter [tilespmem:s24], [sflag:$0x1], $0x80, $0x38;
	[tilespmem:$0x4000] =	vst v63  }
0x3e: {  	s1 =	sadd.s32 $0xA0, s4;
	s24 =	simm.s32 $0x2800  }
0x3f: {  	[hbm4b:s1+s2] =	stream.linear.scatter [tilespmem:s24], [sflag:$0x1], $0x80, $0x38;
	[tilespmem:$0x4000] =	vst v63  }
0x40: {  	s1 =	sadd.s32 $0xB0, s4;
	s24 =	simm.s32 $0x2C00  }
0x41: {  	[hbm4b:s1+s2] =	stream.linear.scatter [tilespmem:s24], [sflag:$0x1], $0x80, $0x38;
	[tilespmem:$0x4000] =	vst v63  }
0x42: {  	s1 =	sadd.s32 $0xC0, s4;
	s24 =	simm.s32 $0x3000  }
0x43: {  	[hbm4b:s1+s2] =	stream.linear.scatter [tilespmem:s24], [sflag:$0x1], $0x80, $0x38;
	[tilespmem:$0x4000] =	vst v63  }
0x44: {  	s1 =	sadd.s32 $0xD0, s4;
	s24 =	simm.s32 $0x3400  }
0x45: {  	[hbm4b:s1+s2] =	stream.linear.scatter [tilespmem:s24], [sflag:$0x1], $0x80, $0x38;
	[tilespmem:$0x4000] =	vst v63  }
0x46: {  	s1 =	sadd.s32 $0xE0, s4;
	s24 =	simm.s32 $0x3800  }
0x47: {  	[hbm4b:s1+s2] =	stream.linear.scatter [tilespmem:s24], [sflag:$0x1], $0x80, $0x38;
	[tilespmem:$0x4000] =	vst v63  }
0x48: {  	s1 =	sadd.s32 $0xF0, s4;
	s24 =	simm.s32 $0x3C00  }
0x49: {  	[hbm4b:s1+s2] =	stream.linear.scatter [tilespmem:s24], [sflag:$0x1], $0x80, $0x38;
	[tilespmem:$0x4000] =	vst v63  }
0x4a: {  	_ =	swait.ge [sflag:s22], $0x800  }
0x4b: {  	[sflag:s22] =	ssyncset.done $0x0  }
0x4c: {  	s24 =	simm.s32 $0x80;
	[sflag:s22] =	ssyncadd.s32 $0xFFFFF800  }
0x4d: {  	[hbm4b:s5+s2] =	stream.linear.scatter [tilespmem:s24], [sflag:$0x1], $0x80, $0x38;
	[tilespmem:$0x4000] =	vst v63  }
0x4e: {  	s1 =	sadd.s32 $0x10, s5;
	s24 =	simm.s32 $0x480  }
0x4f: {  	[hbm4b:s1+s2] =	stream.linear.scatter [tilespmem:s24], [sflag:$0x1], $0x80, $0x38;
	[tilespmem:$0x4000] =	vst v63  }
0x50: {  	s1 =	sadd.s32 $0x20, s5;
	s24 =	simm.s32 $0x880  }
0x51: {  	[hbm4b:s1+s2] =	stream.linear.scatter [tilespmem:s24], [sflag:$0x1], $0x80, $0x38;
	[tilespmem:$0x4000] =	vst v63  }
0x52: {  	s1 =	sadd.s32 $0x30, s5;
	s24 =	simm.s32 $0xC80  }
0x53: {  	[hbm4b:s1+s2] =	stream.linear.scatter [tilespmem:s24], [sflag:$0x1], $0x80, $0x38;
	[tilespmem:$0x4000] =	vst v63  }
0x54: {  	s1 =	sadd.s32 $0x40, s5;
	s24 =	simm.s32 $0x1080  }
0x55: {  	[hbm4b:s1+s2] =	stream.linear.scatter [tilespmem:s24], [sflag:$0x1], $0x80, $0x38;
	[tilespmem:$0x4000] =	vst v63  }
0x56: {  	s1 =	sadd.s32 $0x50, s5;
	s24 =	simm.s32 $0x1480  }
0x57: {  	[hbm4b:s1+s2] =	stream.linear.scatter [tilespmem:s24], [sflag:$0x1], $0x80, $0x38;
	[tilespmem:$0x4000] =	vst v63  }
0x58: {  	s1 =	sadd.s32 $0x60, s5;
	s24 =	simm.s32 $0x1880  }
0x59: {  	[hbm4b:s1+s2] =	stream.linear.scatter [tilespmem:s24], [sflag:$0x1], $0x80, $0x38;
	[tilespmem:$0x4000] =	vst v63  }
0x5a: {  	s1 =	sadd.s32 $0x70, s5;
	s24 =	simm.s32 $0x1C80  }
0x5b: {  	[hbm4b:s1+s2] =	stream.linear.scatter [tilespmem:s24], [sflag:$0x1], $0x80, $0x38;
	[tilespmem:$0x4000] =	vst v63  }
0x5c: {  	s1 =	sadd.s32 $0x80, s5;
	s24 =	simm.s32 $0x2080  }
0x5d: {  	[hbm4b:s1+s2] =	stream.linear.scatter [tilespmem:s24], [sflag:$0x1], $0x80, $0x38;
	[tilespmem:$0x4000] =	vst v63  }
0x5e: {  	s24 =	sadd.s32 $0x90, s5  }
0x5f: {  	[hbm4b:s24+s2] =	stream.linear.scatter [tilespmem:s25], [sflag:$0x1], $0x80, $0x38;
	[tilespmem:$0x4000] =	vst v63  }
0x60: {  	s24 =	sadd.s32 $0xA0, s5  }
0x61: {  	[hbm4b:s24+s2] =	stream.linear.scatter [tilespmem:s26], [sflag:$0x1], $0x80, $0x38;
	[tilespmem:$0x4000] =	vst v63  }
0x62: {  	s24 =	sadd.s32 $0xB0, s5  }
0x63: {  	[hbm4b:s24+s2] =	stream.linear.scatter [tilespmem:s28], [sflag:$0x1], $0x80, $0x38;
	[tilespmem:$0x4000] =	vst v63  }
0x64: {  	s24 =	sadd.s32 $0xC0, s5  }
0x65: {  	[hbm4b:s24+s2] =	stream.linear.scatter [tilespmem:s29], [sflag:$0x1], $0x80, $0x38;
	[tilespmem:$0x4000] =	vst v63  }
0x66: {  	s24 =	sadd.s32 $0xD0, s5  }
0x67: {  	[hbm4b:s24+s2] =	stream.linear.scatter [tilespmem:s30], [sflag:$0x1], $0x80, $0x38;
	[tilespmem:$0x4000] =	vst v63  }
0x68: {  	s24 =	sadd.s32 $0xE0, s5  }
0x69: {  	[hbm4b:s24+s2] =	stream.linear.scatter [tilespmem:s31], [sflag:$0x1], $0x80, $0x38;
	[tilespmem:$0x4000] =	vst v63  }
0x6a: {  	s24 =	sadd.s32 $0xF0, s5  }
0x6b: {  	[hbm4b:s24+s2] =	stream.linear.scatter [tilespmem:s0], [sflag:$0x1], $0x80, $0x38;
	[tilespmem:$0x4000] =	vst v63  }
0x6c: {  	_ =	swait.ge [sflag:s22], $0x800  }
0x6d: {  	[sflag:s22] =	ssyncset.done $0x0  }
0x6e: {  	s24 =	simm.s32 $0x100;
	[sflag:s22] =	ssyncadd.s32 $0xFFFFF800  }
0x6f: {  	[hbm4b:s6+s2] =	stream.linear.scatter [tilespmem:s24], [sflag:$0x1], $0x80, $0x38;
	[tilespmem:$0x4000] =	vst v63  }
0x70: {  	s1 =	sadd.s32 $0x10, s6;
	s24 =	simm.s32 $0x500  }
0x71: {  	[hbm4b:s1+s2] =	stream.linear.scatter [tilespmem:s24], [sflag:$0x1], $0x80, $0x38;
	[tilespmem:$0x4000] =	vst v63  }
0x72: {  	s1 =	sadd.s32 $0x20, s6;
	s24 =	simm.s32 $0x900  }
0x73: {  	[hbm4b:s1+s2] =	stream.linear.scatter [tilespmem:s24], [sflag:$0x1], $0x80, $0x38;
	[tilespmem:$0x4000] =	vst v63  }
0x74: {  	s1 =	sadd.s32 $0x30, s6;
	s24 =	simm.s32 $0xD00  }
0x75: {  	[hbm4b:s1+s2] =	stream.linear.scatter [tilespmem:s24], [sflag:$0x1], $0x80, $0x38;
	[tilespmem:$0x4000] =	vst v63  }
0x76: {  	s1 =	sadd.s32 $0x40, s6;
	s24 =	simm.s32 $0x1100  }
0x77: {  	[hbm4b:s1+s2] =	stream.linear.scatter [tilespmem:s24], [sflag:$0x1], $0x80, $0x38;
	[tilespmem:$0x4000] =	vst v63  }
0x78: {  	s1 =	sadd.s32 $0x50, s6;
	s24 =	simm.s32 $0x1500  }
0x79: {  	[hbm4b:s1+s2] =	stream.linear.scatter [tilespmem:s24], [sflag:$0x1], $0x80, $0x38;
	[tilespmem:$0x4000] =	vst v63  }
0x7a: {  	s1 =	sadd.s32 $0x60, s6;
	s24 =	simm.s32 $0x1900  }
0x7b: {  	[hbm4b:s1+s2] =	stream.linear.scatter [tilespmem:s24], [sflag:$0x1], $0x80, $0x38;
	[tilespmem:$0x4000] =	vst v63  }
0x7c: {  	s1 =	sadd.s32 $0x70, s6;
	s24 =	simm.s32 $0x1D00  }
0x7d: {  	[hbm4b:s1+s2] =	stream.linear.scatter [tilespmem:s24], [sflag:$0x1], $0x80, $0x38;
	[tilespmem:$0x4000] =	vst v63  }
0x7e: {  	s1 =	sadd.s32 $0x80, s6;
	s24 =	simm.s32 $0x2100  }
0x7f: {  	[hbm4b:s1+s2] =	stream.linear.scatter [tilespmem:s24], [sflag:$0x1], $0x80, $0x38;
	[tilespmem:$0x4000] =	vst v63  }
0x80: {  	s1 =	sadd.s32 $0x90, s6;
	s24 =	simm.s32 $0x2500  }
0x81: {  	[hbm4b:s1+s2] =	stream.linear.scatter [tilespmem:s24], [sflag:$0x1], $0x80, $0x38;
	[tilespmem:$0x4000] =	vst v63  }
0x82: {  	s1 =	sadd.s32 $0xA0, s6;
	s24 =	simm.s32 $0x2900  }
0x83: {  	[hbm4b:s1+s2] =	stream.linear.scatter [tilespmem:s24], [sflag:$0x1], $0x80, $0x38;
	[tilespmem:$0x4000] =	vst v63  }
0x84: {  	s1 =	sadd.s32 $0xB0, s6;
	s24 =	simm.s32 $0x2D00  }
0x85: {  	[hbm4b:s1+s2] =	stream.linear.scatter [tilespmem:s24], [sflag:$0x1], $0x80, $0x38;
	[tilespmem:$0x4000] =	vst v63  }
0x86: {  	s1 =	sadd.s32 $0xC0, s6;
	s24 =	simm.s32 $0x3100  }
0x87: {  	[hbm4b:s1+s2] =	stream.linear.scatter [tilespmem:s24], [sflag:$0x1], $0x80, $0x38;
	[tilespmem:$0x4000] =	vst v63  }
0x88: {  	s1 =	sadd.s32 $0xD0, s6;
	s24 =	simm.s32 $0x3500  }
0x89: {  	[hbm4b:s1+s2] =	stream.linear.scatter [tilespmem:s24], [sflag:$0x1], $0x80, $0x38;
	[tilespmem:$0x4000] =	vst v63  }
0x8a: {  	s1 =	sadd.s32 $0xE0, s6;
	s24 =	simm.s32 $0x3900  }
0x8b: {  	[hbm4b:s1+s2] =	stream.linear.scatter [tilespmem:s24], [sflag:$0x1], $0x80, $0x38;
	[tilespmem:$0x4000] =	vst v63  }
0x8c: {  	s1 =	sadd.s32 $0xF0, s6;
	s24 =	simm.s32 $0x3D00  }
0x8d: {  	[hbm4b:s1+s2] =	stream.linear.scatter [tilespmem:s24], [sflag:$0x1], $0x80, $0x38;
	[tilespmem:$0x4000] =	vst v63  }
0x8e: {  	_ =	swait.ge [sflag:s22], $0x800  }
0x8f: {  	[sflag:s22] =	ssyncset.done $0x0  }
0x90: {  	s24 =	simm.s32 $0x180;
	[sflag:s22] =	ssyncadd.s32 $0xFFFFF800  }
0x91: {  	[hbm4b:s9+s2] =	stream.linear.scatter [tilespmem:s24], [sflag:$0x1], $0x80, $0x38;
	[tilespmem:$0x4000] =	vst v63  }
0x92: {  	s1 =	sadd.s32 $0x10, s9;
	s24 =	simm.s32 $0x580  }
0x93: {  	[hbm4b:s1+s2] =	stream.linear.scatter [tilespmem:s24], [sflag:$0x1], $0x80, $0x38;
	[tilespmem:$0x4000] =	vst v63  }
0x94: {  	s1 =	sadd.s32 $0x20, s9;
	s24 =	simm.s32 $0x980  }
0x95: {  	[hbm4b:s1+s2] =	stream.linear.scatter [tilespmem:s24], [sflag:$0x1], $0x80, $0x38;
	[tilespmem:$0x4000] =	vst v63  }
0x96: {  	s1 =	sadd.s32 $0x30, s9;
	s24 =	simm.s32 $0xD80  }
0x97: {  	[hbm4b:s1+s2] =	stream.linear.scatter [tilespmem:s24], [sflag:$0x1], $0x80, $0x38;
	[tilespmem:$0x4000] =	vst v63  }
0x98: {  	s1 =	sadd.s32 $0x40, s9;
	s24 =	simm.s32 $0x1180  }
0x99: {  	[hbm4b:s1+s2] =	stream.linear.scatter [tilespmem:s24], [sflag:$0x1], $0x80, $0x38;
	[tilespmem:$0x4000] =	vst v63  }
0x9a: {  	s1 =	sadd.s32 $0x50, s9;
	s24 =	simm.s32 $0x1580  }
0x9b: {  	[hbm4b:s1+s2] =	stream.linear.scatter [tilespmem:s24], [sflag:$0x1], $0x80, $0x38;
	[tilespmem:$0x4000] =	vst v63  }
0x9c: {  	s1 =	sadd.s32 $0x60, s9;
	s24 =	simm.s32 $0x1980  }
0x9d: {  	[hbm4b:s1+s2] =	stream.linear.scatter [tilespmem:s24], [sflag:$0x1], $0x80, $0x38;
	[tilespmem:$0x4000] =	vst v63  }
0x9e: {  	s1 =	sadd.s32 $0x70, s9;
	s24 =	simm.s32 $0x1D80  }
0x9f: {  	[hbm4b:s1+s2] =	stream.linear.scatter [tilespmem:s24], [sflag:$0x1], $0x80, $0x38;
	[tilespmem:$0x4000] =	vst v63  }
0xa0: {  	s1 =	sadd.s32 $0x80, s9;
	s24 =	simm.s32 $0x2180  }
0xa1: {  	[hbm4b:s1+s2] =	stream.linear.scatter [tilespmem:s24], [sflag:$0x1], $0x80, $0x38;
	[tilespmem:$0x4000] =	vst v63  }
0xa2: {  	s1 =	sadd.s32 $0x90, s9;
	s24 =	simm.s32 $0x2580  }
0xa3: {  	[hbm4b:s1+s2] =	stream.linear.scatter [tilespmem:s24], [sflag:$0x1], $0x80, $0x38;
	[tilespmem:$0x4000] =	vst v63  }
0xa4: {  	s1 =	sadd.s32 $0xA0, s9;
	s24 =	simm.s32 $0x2980  }
0xa5: {  	[hbm4b:s1+s2] =	stream.linear.scatter [tilespmem:s24], [sflag:$0x1], $0x80, $0x38;
	[tilespmem:$0x4000] =	vst v63  }
0xa6: {  	s1 =	sadd.s32 $0xB0, s9;
	s24 =	simm.s32 $0x2D80  }
0xa7: {  	[hbm4b:s1+s2] =	stream.linear.scatter [tilespmem:s24], [sflag:$0x1], $0x80, $0x38;
	[tilespmem:$0x4000] =	vst v63  }
0xa8: {  	s1 =	sadd.s32 $0xC0, s9;
	s24 =	simm.s32 $0x3180  }
0xa9: {  	[hbm4b:s1+s2] =	stream.linear.scatter [tilespmem:s24], [sflag:$0x1], $0x80, $0x38;
	[tilespmem:$0x4000] =	vst v63  }
0xaa: {  	s1 =	sadd.s32 $0xD0, s9;
	s24 =	simm.s32 $0x3580  }
0xab: {  	[hbm4b:s1+s2] =	stream.linear.scatter [tilespmem:s24], [sflag:$0x1], $0x80, $0x38;
	[tilespmem:$0x4000] =	vst v63  }
0xac: {  	s1 =	sadd.s32 $0xE0, s9;
	s24 =	simm.s32 $0x3980  }
0xad: {  	[hbm4b:s1+s2] =	stream.linear.scatter [tilespmem:s24], [sflag:$0x1], $0x80, $0x38;
	[tilespmem:$0x4000] =	vst v63  }
0xae: {  	s1 =	sadd.s32 $0xF0, s9;
	s24 =	simm.s32 $0x3D80  }
0xaf: {  	[hbm4b:s1+s2] =	stream.linear.scatter [tilespmem:s24], [sflag:$0x1], $0x80, $0x38;
	[tilespmem:$0x4000] =	vst v63  }
0xb0: {  	_ =	swait.ge [sflag:s22], $0x800  }
0xb1: {  	[sflag:s22] =	ssyncset.done $0x0  }
0xb2: {  	s24 =	simm.s32 $0x200;
	[sflag:s22] =	ssyncadd.s32 $0xFFFFF800  }
0xb3: {  	[hbm4b:s10+s2] =	stream.linear.scatter [tilespmem:s24], [sflag:$0x1], $0x80, $0x38;
	[tilespmem:$0x4000] =	vst v63  }
0xb4: {  	s1 =	sadd.s32 $0x10, s10;
	s24 =	simm.s32 $0x600  }
0xb5: {  	[hbm4b:s1+s2] =	stream.linear.scatter [tilespmem:s24], [sflag:$0x1], $0x80, $0x38;
	[tilespmem:$0x4000] =	vst v63  }
0xb6: {  	s1 =	sadd.s32 $0x20, s10;
	s24 =	simm.s32 $0xA00  }
0xb7: {  	[hbm4b:s1+s2] =	stream.linear.scatter [tilespmem:s24], [sflag:$0x1], $0x80, $0x38;
	[tilespmem:$0x4000] =	vst v63  }
0xb8: {  	s1 =	sadd.s32 $0x30, s10;
	s24 =	simm.s32 $0xE00  }
0xb9: {  	[hbm4b:s1+s2] =	stream.linear.scatter [tilespmem:s24], [sflag:$0x1], $0x80, $0x38;
	[tilespmem:$0x4000] =	vst v63  }
0xba: {  	s1 =	sadd.s32 $0x40, s10;
	s24 =	simm.s32 $0x1200  }
0xbb: {  	[hbm4b:s1+s2] =	stream.linear.scatter [tilespmem:s24], [sflag:$0x1], $0x80, $0x38;
	[tilespmem:$0x4000] =	vst v63  }
0xbc: {  	s1 =	sadd.s32 $0x50, s10;
	s24 =	simm.s32 $0x1600  }
0xbd: {  	[hbm4b:s1+s2] =	stream.linear.scatter [tilespmem:s24], [sflag:$0x1], $0x80, $0x38;
	[tilespmem:$0x4000] =	vst v63  }
0xbe: {  	s1 =	sadd.s32 $0x60, s10;
	s24 =	simm.s32 $0x1A00  }
0xbf: {  	[hbm4b:s1+s2] =	stream.linear.scatter [tilespmem:s24], [sflag:$0x1], $0x80, $0x38;
	[tilespmem:$0x4000] =	vst v63  }
0xc0: {  	s1 =	sadd.s32 $0x70, s10;
	s24 =	simm.s32 $0x1E00  }
0xc1: {  	[hbm4b:s1+s2] =	stream.linear.scatter [tilespmem:s24], [sflag:$0x1], $0x80, $0x38;
	[tilespmem:$0x4000] =	vst v63  }
0xc2: {  	s1 =	sadd.s32 $0x80, s10;
	s24 =	simm.s32 $0x2200  }
0xc3: {  	[hbm4b:s1+s2] =	stream.linear.scatter [tilespmem:s24], [sflag:$0x1], $0x80, $0x38;
	[tilespmem:$0x4000] =	vst v63  }
0xc4: {  	s1 =	sadd.s32 $0x90, s10;
	s24 =	simm.s32 $0x2600  }
0xc5: {  	[hbm4b:s1+s2] =	stream.linear.scatter [tilespmem:s24], [sflag:$0x1], $0x80, $0x38;
	[tilespmem:$0x4000] =	vst v63  }
0xc6: {  	s1 =	sadd.s32 $0xA0, s10;
	s24 =	simm.s32 $0x2A00  }
0xc7: {  	[hbm4b:s1+s2] =	stream.linear.scatter [tilespmem:s24], [sflag:$0x1], $0x80, $0x38;
	[tilespmem:$0x4000] =	vst v63  }
0xc8: {  	s1 =	sadd.s32 $0xB0, s10;
	s24 =	simm.s32 $0x2E00  }
0xc9: {  	[hbm4b:s1+s2] =	stream.linear.scatter [tilespmem:s24], [sflag:$0x1], $0x80, $0x38;
	[tilespmem:$0x4000] =	vst v63  }
0xca: {  	s1 =	sadd.s32 $0xC0, s10;
	s24 =	simm.s32 $0x3200  }
0xcb: {  	[hbm4b:s1+s2] =	stream.linear.scatter [tilespmem:s24], [sflag:$0x1], $0x80, $0x38;
	[tilespmem:$0x4000] =	vst v63  }
0xcc: {  	s1 =	sadd.s32 $0xD0, s10;
	s24 =	simm.s32 $0x3600  }
0xcd: {  	[hbm4b:s1+s2] =	stream.linear.scatter [tilespmem:s24], [sflag:$0x1], $0x80, $0x38;
	[tilespmem:$0x4000] =	vst v63  }
0xce: {  	s1 =	sadd.s32 $0xE0, s10;
	s24 =	simm.s32 $0x3A00  }
0xcf: {  	[hbm4b:s1+s2] =	stream.linear.scatter [tilespmem:s24], [sflag:$0x1], $0x80, $0x38;
	[tilespmem:$0x4000] =	vst v63  }
0xd0: {  	s1 =	sadd.s32 $0xF0, s10;
	s24 =	simm.s32 $0x3E00  }
0xd1: {  	[hbm4b:s1+s2] =	stream.linear.scatter [tilespmem:s24], [sflag:$0x1], $0x80, $0x38;
	[tilespmem:$0x4000] =	vst v63  }
0xd2: {  	_ =	swait.ge [sflag:s22], $0x800  }
0xd3: {  	[sflag:s22] =	ssyncset.done $0x0  }
0xd4: {  	s24 =	simm.s32 $0x280;
	[sflag:s22] =	ssyncadd.s32 $0xFFFFF800  }
0xd5: {  	[hbm4b:s18+s2] =	stream.linear.scatter [tilespmem:s24], [sflag:$0x1], $0x80, $0x38;
	[tilespmem:$0x4000] =	vst v63  }
0xd6: {  	s1 =	sadd.s32 $0x10, s18;
	s24 =	simm.s32 $0x680  }
0xd7: {  	[hbm4b:s1+s2] =	stream.linear.scatter [tilespmem:s24], [sflag:$0x1], $0x80, $0x38;
	[tilespmem:$0x4000] =	vst v63  }
0xd8: {  	s1 =	sadd.s32 $0x20, s18;
	s24 =	simm.s32 $0xA80  }
0xd9: {  	[hbm4b:s1+s2] =	stream.linear.scatter [tilespmem:s24], [sflag:$0x1], $0x80, $0x38;
	[tilespmem:$0x4000] =	vst v63  }
0xda: {  	s1 =	sadd.s32 $0x30, s18;
	s24 =	simm.s32 $0xE80  }
0xdb: {  	[hbm4b:s1+s2] =	stream.linear.scatter [tilespmem:s24], [sflag:$0x1], $0x80, $0x38;
	[tilespmem:$0x4000] =	vst v63  }
0xdc: {  	s1 =	sadd.s32 $0x40, s18;
	s24 =	simm.s32 $0x1280  }
0xdd: {  	[hbm4b:s1+s2] =	stream.linear.scatter [tilespmem:s24], [sflag:$0x1], $0x80, $0x38;
	[tilespmem:$0x4000] =	vst v63  }
0xde: {  	s1 =	sadd.s32 $0x50, s18;
	s24 =	simm.s32 $0x1680  }
0xdf: {  	[hbm4b:s1+s2] =	stream.linear.scatter [tilespmem:s24], [sflag:$0x1], $0x80, $0x38;
	[tilespmem:$0x4000] =	vst v63  }
0xe0: {  	s1 =	sadd.s32 $0x60, s18;
	s24 =	simm.s32 $0x1A80  }
0xe1: {  	[hbm4b:s1+s2] =	stream.linear.scatter [tilespmem:s24], [sflag:$0x1], $0x80, $0x38;
	[tilespmem:$0x4000] =	vst v63  }
0xe2: {  	s1 =	sadd.s32 $0x70, s18;
	s24 =	simm.s32 $0x1E80  }
0xe3: {  	[hbm4b:s1+s2] =	stream.linear.scatter [tilespmem:s24], [sflag:$0x1], $0x80, $0x38;
	[tilespmem:$0x4000] =	vst v63  }
0xe4: {  	s1 =	sadd.s32 $0x80, s18;
	s24 =	simm.s32 $0x2280  }
0xe5: {  	[hbm4b:s1+s2] =	stream.linear.scatter [tilespmem:s24], [sflag:$0x1], $0x80, $0x38;
	[tilespmem:$0x4000] =	vst v63  }
0xe6: {  	s1 =	sadd.s32 $0x90, s18;
	s24 =	simm.s32 $0x2680  }
0xe7: {  	[hbm4b:s1+s2] =	stream.linear.scatter [tilespmem:s24], [sflag:$0x1], $0x80, $0x38;
	[tilespmem:$0x4000] =	vst v63  }
0xe8: {  	s1 =	sadd.s32 $0xA0, s18;
	s24 =	simm.s32 $0x2A80  }
0xe9: {  	[hbm4b:s1+s2] =	stream.linear.scatter [tilespmem:s24], [sflag:$0x1], $0x80, $0x38;
	[tilespmem:$0x4000] =	vst v63  }
0xea: {  	s1 =	sadd.s32 $0xB0, s18;
	s24 =	simm.s32 $0x2E80  }
0xeb: {  	[hbm4b:s1+s2] =	stream.linear.scatter [tilespmem:s24], [sflag:$0x1], $0x80, $0x38;
	[tilespmem:$0x4000] =	vst v63  }
0xec: {  	s1 =	sadd.s32 $0xC0, s18;
	s24 =	simm.s32 $0x3280  }
0xed: {  	[hbm4b:s1+s2] =	stream.linear.scatter [tilespmem:s24], [sflag:$0x1], $0x80, $0x38;
	[tilespmem:$0x4000] =	vst v63  }
0xee: {  	s1 =	sadd.s32 $0xD0, s18;
	s24 =	simm.s32 $0x3680  }
0xef: {  	[hbm4b:s1+s2] =	stream.linear.scatter [tilespmem:s24], [sflag:$0x1], $0x80, $0x38;
	[tilespmem:$0x4000] =	vst v63  }
0xf0: {  	s1 =	sadd.s32 $0xE0, s18;
	s24 =	simm.s32 $0x3A80  }
0xf1: {  	[hbm4b:s1+s2] =	stream.linear.scatter [tilespmem:s24], [sflag:$0x1], $0x80, $0x38;
	[tilespmem:$0x4000] =	vst v63  }
0xf2: {  	s1 =	sadd.s32 $0xF0, s18;
	s24 =	simm.s32 $0x3E80  }
0xf3: {  	[hbm4b:s1+s2] =	stream.linear.scatter [tilespmem:s24], [sflag:$0x1], $0x80, $0x38;
	[tilespmem:$0x4000] =	vst v63  }
0xf4: {  	_ =	swait.ge [sflag:s22], $0x800  }
0xf5: {  	[sflag:s22] =	ssyncset.done $0x0  }
0xf6: {  	s24 =	simm.s32 $0x300;
	[sflag:s22] =	ssyncadd.s32 $0xFFFFF800  }
0xf7: {  	[hbm4b:s19+s2] =	stream.linear.scatter [tilespmem:s24], [sflag:$0x1], $0x80, $0x38;
	[tilespmem:$0x4000] =	vst v63  }
0xf8: {  	s1 =	sadd.s32 $0x10, s19;
	s24 =	simm.s32 $0x700  }
0xf9: {  	[hbm4b:s1+s2] =	stream.linear.scatter [tilespmem:s24], [sflag:$0x1], $0x80, $0x38;
	[tilespmem:$0x4000] =	vst v63  }
0xfa: {  	s1 =	sadd.s32 $0x20, s19;
	s24 =	simm.s32 $0xB00  }
0xfb: {  	[hbm4b:s1+s2] =	stream.linear.scatter [tilespmem:s24], [sflag:$0x1], $0x80, $0x38;
	[tilespmem:$0x4000] =	vst v63  }
0xfc: {  	s1 =	sadd.s32 $0x30, s19;
	s24 =	simm.s32 $0xF00  }
0xfd: {  	[hbm4b:s1+s2] =	stream.linear.scatter [tilespmem:s24], [sflag:$0x1], $0x80, $0x38;
	[tilespmem:$0x4000] =	vst v63  }
0xfe: {  	s1 =	sadd.s32 $0x40, s19;
	s24 =	simm.s32 $0x1300  }
0xff: {  	[hbm4b:s1+s2] =	stream.linear.scatter [tilespmem:s24], [sflag:$0x1], $0x80, $0x38;
	[tilespmem:$0x4000] =	vst v63  }
0x100: {  	s1 =	sadd.s32 $0x50, s19;
	s24 =	simm.s32 $0x1700  }
0x101: {  	[hbm4b:s1+s2] =	stream.linear.scatter [tilespmem:s24], [sflag:$0x1], $0x80, $0x38;
	[tilespmem:$0x4000] =	vst v63  }
0x102: {  	s1 =	sadd.s32 $0x60, s19;
	s24 =	simm.s32 $0x1B00  }
0x103: {  	[hbm4b:s1+s2] =	stream.linear.scatter [tilespmem:s24], [sflag:$0x1], $0x80, $0x38;
	[tilespmem:$0x4000] =	vst v63  }
0x104: {  	s1 =	sadd.s32 $0x70, s19;
	s24 =	simm.s32 $0x1F00  }
0x105: {  	[hbm4b:s1+s2] =	stream.linear.scatter [tilespmem:s24], [sflag:$0x1], $0x80, $0x38;
	[tilespmem:$0x4000] =	vst v63  }
0x106: {  	s1 =	sadd.s32 $0x80, s19;
	s24 =	simm.s32 $0x2300  }
0x107: {  	[hbm4b:s1+s2] =	stream.linear.scatter [tilespmem:s24], [sflag:$0x1], $0x80, $0x38;
	[tilespmem:$0x4000] =	vst v63  }
0x108: {  	s1 =	sadd.s32 $0x90, s19;
	s24 =	simm.s32 $0x2700  }
0x109: {  	[hbm4b:s1+s2] =	stream.linear.scatter [tilespmem:s24], [sflag:$0x1], $0x80, $0x38;
	[tilespmem:$0x4000] =	vst v63  }
0x10a: {  	s1 =	sadd.s32 $0xA0, s19;
	s24 =	simm.s32 $0x2B00  }
0x10b: {  	[hbm4b:s1+s2] =	stream.linear.scatter [tilespmem:s24], [sflag:$0x1], $0x80, $0x38;
	[tilespmem:$0x4000] =	vst v63  }
0x10c: {  	s1 =	sadd.s32 $0xB0, s19;
	s24 =	simm.s32 $0x2F00  }
0x10d: {  	[hbm4b:s1+s2] =	stream.linear.scatter [tilespmem:s24], [sflag:$0x1], $0x80, $0x38;
	[tilespmem:$0x4000] =	vst v63  }
0x10e: {  	s1 =	sadd.s32 $0xC0, s19;
	s24 =	simm.s32 $0x3300  }
0x10f: {  	[hbm4b:s1+s2] =	stream.linear.scatter [tilespmem:s24], [sflag:$0x1], $0x80, $0x38;
	[tilespmem:$0x4000] =	vst v63  }
0x110: {  	s1 =	sadd.s32 $0xD0, s19;
	s24 =	simm.s32 $0x3700  }
0x111: {  	[hbm4b:s1+s2] =	stream.linear.scatter [tilespmem:s24], [sflag:$0x1], $0x80, $0x38;
	[tilespmem:$0x4000] =	vst v63  }
0x112: {  	s1 =	sadd.s32 $0xE0, s19;
	s24 =	simm.s32 $0x3B00  }
0x113: {  	[hbm4b:s1+s2] =	stream.linear.scatter [tilespmem:s24], [sflag:$0x1], $0x80, $0x38;
	[tilespmem:$0x4000] =	vst v63  }
0x114: {  	s1 =	sadd.s32 $0xF0, s19;
	s24 =	simm.s32 $0x3F00  }
0x115: {  	[hbm4b:s1+s2] =	stream.linear.scatter [tilespmem:s24], [sflag:$0x1], $0x80, $0x38;
	[tilespmem:$0x4000] =	vst v63  }
0x116: {  	_ =	swait.ge [sflag:s22], $0x800  }
0x117: {  	[sflag:s22] =	ssyncset.done $0x0  }
0x118: {  	s24 =	simm.s32 $0x380;
	[sflag:s22] =	ssyncadd.s32 $0xFFFFF800  }
0x119: {  	[hbm4b:s20+s2] =	stream.linear.scatter [tilespmem:s24], [sflag:$0x1], $0x80, $0x38;
	[tilespmem:$0x4000] =	vst v63  }
0x11a: {  	s1 =	sadd.s32 $0x10, s20;
	s24 =	simm.s32 $0x780  }
0x11b: {  	[hbm4b:s1+s2] =	stream.linear.scatter [tilespmem:s24], [sflag:$0x1], $0x80, $0x38;
	[tilespmem:$0x4000] =	vst v63  }
0x11c: {  	s1 =	sadd.s32 $0x20, s20;
	s24 =	simm.s32 $0xB80  }
0x11d: {  	[hbm4b:s1+s2] =	stream.linear.scatter [tilespmem:s24], [sflag:$0x1], $0x80, $0x38;
	[tilespmem:$0x4000] =	vst v63  }
0x11e: {  	s1 =	sadd.s32 $0x30, s20;
	s24 =	simm.s32 $0xF80  }
0x11f: {  	[hbm4b:s1+s2] =	stream.linear.scatter [tilespmem:s24], [sflag:$0x1], $0x80, $0x38;
	[tilespmem:$0x4000] =	vst v63  }
0x120: {  	s1 =	sadd.s32 $0x40, s20;
	s24 =	simm.s32 $0x1380  }
0x121: {  	[hbm4b:s1+s2] =	stream.linear.scatter [tilespmem:s24], [sflag:$0x1], $0x80, $0x38;
	[tilespmem:$0x4000] =	vst v63  }
0x122: {  	s1 =	sadd.s32 $0x50, s20;
	s24 =	simm.s32 $0x1780  }
0x123: {  	[hbm4b:s1+s2] =	stream.linear.scatter [tilespmem:s24], [sflag:$0x1], $0x80, $0x38;
	[tilespmem:$0x4000] =	vst v63  }
0x124: {  	s1 =	sadd.s32 $0x60, s20;
	s24 =	simm.s32 $0x1B80  }
0x125: {  	[hbm4b:s1+s2] =	stream.linear.scatter [tilespmem:s24], [sflag:$0x1], $0x80, $0x38;
	[tilespmem:$0x4000] =	vst v63  }
0x126: {  	s1 =	sadd.s32 $0x70, s20;
	s24 =	simm.s32 $0x1F80  }
0x127: {  	[hbm4b:s1+s2] =	stream.linear.scatter [tilespmem:s24], [sflag:$0x1], $0x80, $0x38;
	[tilespmem:$0x4000] =	vst v63  }
0x128: {  	s1 =	sadd.s32 $0x80, s20;
	s24 =	simm.s32 $0x2380  }
0x129: {  	[hbm4b:s1+s2] =	stream.linear.scatter [tilespmem:s24], [sflag:$0x1], $0x80, $0x38;
	[tilespmem:$0x4000] =	vst v63  }
0x12a: {  	s1 =	sadd.s32 $0x90, s20;
	s24 =	simm.s32 $0x2780  }
0x12b: {  	[hbm4b:s1+s2] =	stream.linear.scatter [tilespmem:s24], [sflag:$0x1], $0x80, $0x38;
	[tilespmem:$0x4000] =	vst v63  }
0x12c: {  	s1 =	sadd.s32 $0xA0, s20;
	s24 =	simm.s32 $0x2B80  }
0x12d: {  	[hbm4b:s1+s2] =	stream.linear.scatter [tilespmem:s24], [sflag:$0x1], $0x80, $0x38;
	[tilespmem:$0x4000] =	vst v63  }
0x12e: {  	s1 =	sadd.s32 $0xB0, s20;
	s24 =	simm.s32 $0x2F80  }
0x12f: {  	[hbm4b:s1+s2] =	stream.linear.scatter [tilespmem:s24], [sflag:$0x1], $0x80, $0x38;
	[tilespmem:$0x4000] =	vst v63  }
0x130: {  	s1 =	sadd.s32 $0xC0, s20;
	s24 =	simm.s32 $0x3380  }
0x131: {  	[hbm4b:s1+s2] =	stream.linear.scatter [tilespmem:s24], [sflag:$0x1], $0x80, $0x38;
	[tilespmem:$0x4000] =	vst v63  }
0x132: {  	s1 =	sadd.s32 $0xD0, s20;
	s24 =	simm.s32 $0x3780  }
0x133: {  	[hbm4b:s1+s2] =	stream.linear.scatter [tilespmem:s24], [sflag:$0x1], $0x80, $0x38;
	[tilespmem:$0x4000] =	vst v63  }
0x134: {  	s1 =	sadd.s32 $0xE0, s20;
	s24 =	simm.s32 $0x3B80  }
0x135: {  	[hbm4b:s1+s2] =	stream.linear.scatter [tilespmem:s24], [sflag:$0x1], $0x80, $0x38;
	[tilespmem:$0x4000] =	vst v63  }
0x136: {  	s1 =	sadd.s32 $0xF0, s20;
	s24 =	simm.s32 $0x3F80  }
0x137: {  	[hbm4b:s1+s2] =	stream.linear.scatter [tilespmem:s24], [sflag:$0x1], $0x80, $0x38;
	[tilespmem:$0x4000] =	vst v63  }
0x138: {  	_ =	swait.ge [sflag:s22], $0x800  }
0x139: {  	s24 =	sld [smem:$0x7FD];
	_ =	sdelay $0x2  }
0x13a: {  	p2 =	seq.s32 s24, $0x1  }
.Ltmp2:
0x13b: {  	_ = 	snop;
	(pc) =	sbr.rel @p2 .LBB2_3-.Ltmp2, $3  }
0x13c: {  	_ =	sdelay $0x1  }
0x13d: {  	[sflag:s22] =	ssyncset.done $0x0  }
0x13e: {  	[sflag:s22] =	ssyncadd.s32 $0xFFFFF800  }
0x13f: {  	s1 =	rddreg [dreg:$0x3]  }
0x140: {  	[tilespmem:s2], [sflag:$0x1] =	stream.linear.gather [hbm4b:s1+s2], $0x4000, $0x38;
	[tilespmem:$0x4000] =	vst v63  }
0x141: {  	_ =	swait.ge [sflag:s22], $0x4000  }
0x142: {  	[sflag:s22] =	ssyncset.done $0x0  }
0x143: {  	[sflag:s22] =	ssyncadd.s32 $0xFFFFC000  }
0x144: {  	[hbm4b:s11+s2] =	stream.linear.scatter [tilespmem:s2], [sflag:$0x1], $0x80, $0x38;
	[tilespmem:$0x4000] =	vst v63  }
0x145: {  	s24 =	sadd.s32 $0x10, s11  }
0x146: {  	[hbm4b:s24+s2] =	stream.linear.scatter [tilespmem:s23], [sflag:$0x1], $0x80, $0x38;
	[tilespmem:$0x4000] =	vst v63  }
0x147: {  	s24 =	sadd.s32 $0x20, s11  }
0x148: {  	[hbm4b:s24+s2] =	stream.linear.scatter [tilespmem:s7], [sflag:$0x1], $0x80, $0x38;
	[tilespmem:$0x4000] =	vst v63  }
0x149: {  	s23 =	sadd.s32 $0x30, s11;
	s24 =	simm.s32 $0xC00  }
0x14a: {  	[hbm4b:s23+s2] =	stream.linear.scatter [tilespmem:s24], [sflag:$0x1], $0x80, $0x38;
	[tilespmem:$0x4000] =	vst v63  }
0x14b: {  	s23 =	sadd.s32 $0x40, s11;
	s24 =	simm.s32 $0x1000  }
0x14c: {  	[hbm4b:s23+s2] =	stream.linear.scatter [tilespmem:s24], [sflag:$0x1], $0x80, $0x38;
	[tilespmem:$0x4000] =	vst v63  }
0x14d: {  	s23 =	sadd.s32 $0x50, s11;
	s24 =	simm.s32 $0x1400  }
0x14e: {  	[hbm4b:s23+s2] =	stream.linear.scatter [tilespmem:s24], [sflag:$0x1], $0x80, $0x38;
	[tilespmem:$0x4000] =	vst v63  }
0x14f: {  	s23 =	sadd.s32 $0x60, s11;
	s24 =	simm.s32 $0x1800  }
0x150: {  	[hbm4b:s23+s2] =	stream.linear.scatter [tilespmem:s24], [sflag:$0x1], $0x80, $0x38;
	[tilespmem:$0x4000] =	vst v63  }
0x151: {  	s23 =	sadd.s32 $0x70, s11;
	s24 =	simm.s32 $0x1C00  }
0x152: {  	[hbm4b:s23+s2] =	stream.linear.scatter [tilespmem:s24], [sflag:$0x1], $0x80, $0x38;
	[tilespmem:$0x4000] =	vst v63  }
0x153: {  	s23 =	sadd.s32 $0x80, s11;
	s24 =	simm.s32 $0x2000  }
0x154: {  	[hbm4b:s23+s2] =	stream.linear.scatter [tilespmem:s24], [sflag:$0x1], $0x80, $0x38;
	[tilespmem:$0x4000] =	vst v63  }
0x155: {  	s23 =	sadd.s32 $0x90, s11;
	s24 =	simm.s32 $0x2400  }
0x156: {  	[hbm4b:s23+s2] =	stream.linear.scatter [tilespmem:s24], [sflag:$0x1], $0x80, $0x38;
	[tilespmem:$0x4000] =	vst v63  }
0x157: {  	s23 =	sadd.s32 $0xA0, s11;
	s24 =	simm.s32 $0x2800  }
0x158: {  	[hbm4b:s23+s2] =	stream.linear.scatter [tilespmem:s24], [sflag:$0x1], $0x80, $0x38;
	[tilespmem:$0x4000] =	vst v63  }
0x159: {  	s23 =	sadd.s32 $0xB0, s11;
	s24 =	simm.s32 $0x2C00  }
0x15a: {  	[hbm4b:s23+s2] =	stream.linear.scatter [tilespmem:s24], [sflag:$0x1], $0x80, $0x38;
	[tilespmem:$0x4000] =	vst v63  }
0x15b: {  	s23 =	sadd.s32 $0xC0, s11;
	s24 =	simm.s32 $0x3000  }
0x15c: {  	[hbm4b:s23+s2] =	stream.linear.scatter [tilespmem:s24], [sflag:$0x1], $0x80, $0x38;
	[tilespmem:$0x4000] =	vst v63  }
0x15d: {  	s23 =	sadd.s32 $0xD0, s11;
	s24 =	simm.s32 $0x3400  }
0x15e: {  	[hbm4b:s23+s2] =	stream.linear.scatter [tilespmem:s24], [sflag:$0x1], $0x80, $0x38;
	[tilespmem:$0x4000] =	vst v63  }
0x15f: {  	s23 =	sadd.s32 $0xE0, s11;
	s24 =	simm.s32 $0x3800  }
0x160: {  	[hbm4b:s23+s2] =	stream.linear.scatter [tilespmem:s24], [sflag:$0x1], $0x80, $0x38;
	[tilespmem:$0x4000] =	vst v63  }
0x161: {  	s23 =	sadd.s32 $0xF0, s11;
	s24 =	simm.s32 $0x3C00  }
0x162: {  	[hbm4b:s23+s2] =	stream.linear.scatter [tilespmem:s24], [sflag:$0x1], $0x80, $0x38;
	[tilespmem:$0x4000] =	vst v63  }
0x163: {  	_ =	swait.ge [sflag:s22], $0x800  }
0x164: {  	[sflag:s22] =	ssyncset.done $0x0  }
0x165: {  	s7 =	simm.s32 $0x80;
	[sflag:s22] =	ssyncadd.s32 $0xFFFFF800  }
0x166: {  	[hbm4b:s8+s2] =	stream.linear.scatter [tilespmem:s7], [sflag:$0x1], $0x80, $0x38;
	[tilespmem:$0x4000] =	vst v63  }
0x167: {  	s23 =	sadd.s32 $0x10, s8;
	s24 =	simm.s32 $0x480  }
0x168: {  	[hbm4b:s23+s2] =	stream.linear.scatter [tilespmem:s24], [sflag:$0x1], $0x80, $0x38;
	[tilespmem:$0x4000] =	vst v63  }
0x169: {  	s23 =	sadd.s32 $0x20, s8;
	s24 =	simm.s32 $0x880  }
0x16a: {  	[hbm4b:s23+s2] =	stream.linear.scatter [tilespmem:s24], [sflag:$0x1], $0x80, $0x38;
	[tilespmem:$0x4000] =	vst v63  }
0x16b: {  	s23 =	sadd.s32 $0x30, s8;
	s24 =	simm.s32 $0xC80  }
0x16c: {  	[hbm4b:s23+s2] =	stream.linear.scatter [tilespmem:s24], [sflag:$0x1], $0x80, $0x38;
	[tilespmem:$0x4000] =	vst v63  }
0x16d: {  	s23 =	sadd.s32 $0x40, s8;
	s24 =	simm.s32 $0x1080  }
0x16e: {  	[hbm4b:s23+s2] =	stream.linear.scatter [tilespmem:s24], [sflag:$0x1], $0x80, $0x38;
	[tilespmem:$0x4000] =	vst v63  }
0x16f: {  	s23 =	sadd.s32 $0x50, s8;
	s24 =	simm.s32 $0x1480  }
0x170: {  	[hbm4b:s23+s2] =	stream.linear.scatter [tilespmem:s24], [sflag:$0x1], $0x80, $0x38;
	[tilespmem:$0x4000] =	vst v63  }
0x171: {  	s23 =	sadd.s32 $0x60, s8;
	s24 =	simm.s32 $0x1880  }
0x172: {  	[hbm4b:s23+s2] =	stream.linear.scatter [tilespmem:s24], [sflag:$0x1], $0x80, $0x38;
	[tilespmem:$0x4000] =	vst v63  }
0x173: {  	s23 =	sadd.s32 $0x70, s8;
	s24 =	simm.s32 $0x1C80  }
0x174: {  	[hbm4b:s23+s2] =	stream.linear.scatter [tilespmem:s24], [sflag:$0x1], $0x80, $0x38;
	[tilespmem:$0x4000] =	vst v63  }
0x175: {  	s7 =	sadd.s32 $0x80, s8;
	s23 =	simm.s32 $0x2080  }
0x176: {  	[hbm4b:s7+s2] =	stream.linear.scatter [tilespmem:s23], [sflag:$0x1], $0x80, $0x38;
	[tilespmem:$0x4000] =	vst v63  }
0x177: {  	s24 =	sadd.s32 $0x90, s8  }
0x178: {  	[hbm4b:s24+s2] =	stream.linear.scatter [tilespmem:s25], [sflag:$0x1], $0x80, $0x38;
	[tilespmem:$0x4000] =	vst v63  }
0x179: {  	s7 =	sadd.s32 $0xA0, s8  }
0x17a: {  	[hbm4b:s7+s2] =	stream.linear.scatter [tilespmem:s26], [sflag:$0x1], $0x80, $0x38;
	[tilespmem:$0x4000] =	vst v63  }
0x17b: {  	s23 =	sadd.s32 $0xB0, s8  }
0x17c: {  	[hbm4b:s23+s2] =	stream.linear.scatter [tilespmem:s28], [sflag:$0x1], $0x80, $0x38;
	[tilespmem:$0x4000] =	vst v63  }
0x17d: {  	s24 =	sadd.s32 $0xC0, s8  }
0x17e: {  	[hbm4b:s24+s2] =	stream.linear.scatter [tilespmem:s29], [sflag:$0x1], $0x80, $0x38;
	[tilespmem:$0x4000] =	vst v63  }
0x17f: {  	s7 =	sadd.s32 $0xD0, s8  }
0x180: {  	[hbm4b:s7+s2] =	stream.linear.scatter [tilespmem:s30], [sflag:$0x1], $0x80, $0x38;
	[tilespmem:$0x4000] =	vst v63  }
0x181: {  	s23 =	sadd.s32 $0xE0, s8  }
0x182: {  	[hbm4b:s23+s2] =	stream.linear.scatter [tilespmem:s31], [sflag:$0x1], $0x80, $0x38;
	[tilespmem:$0x4000] =	vst v63  }
0x183: {  	s24 =	sadd.s32 $0xF0, s8  }
0x184: {  	[hbm4b:s24+s2] =	stream.linear.scatter [tilespmem:s0], [sflag:$0x1], $0x80, $0x38;
	[tilespmem:$0x4000] =	vst v63  }
0x185: {  	_ =	swait.ge [sflag:s22], $0x800  }
0x186: {  	[sflag:s22] =	ssyncset.done $0x0  }
0x187: {  	s1 =	simm.s32 @!p0 $0x0;
	s7 =	simm.s32 @!p0 $0x100;
	[sflag:s22] =	ssyncadd.s32 $0xFFFFF800  }
0x188: {  	[hbm4b:s12+s1] =	stream.linear.scatter @!p0 [tilespmem:s7], [sflag:$0x1], $0x80, $0x38;
	[tilespmem:$0x4000] =	vst v63  }
0x189: {  	s23 =	simm.s32 @!p0 $0x500;
	s7 =	sadd.s32 @!p0 $0x10, s12  }
0x18a: {  	[hbm4b:s7+s1] =	stream.linear.scatter @!p0 [tilespmem:s23], [sflag:$0x1], $0x80, $0x38;
	[tilespmem:$0x4000] =	vst v63  }
0x18b: {  	s7 =	sadd.s32 @!p0 $0x20, s12;
	s23 =	simm.s32 @!p0 $0x900  }
0x18c: {  	[hbm4b:s7+s1] =	stream.linear.scatter @!p0 [tilespmem:s23], [sflag:$0x1], $0x80, $0x38;
	[tilespmem:$0x4000] =	vst v63  }
0x18d: {  	s7 =	sadd.s32 @!p0 $0x30, s12;
	s23 =	simm.s32 @!p0 $0xD00  }
0x18e: {  	[hbm4b:s7+s1] =	stream.linear.scatter @!p0 [tilespmem:s23], [sflag:$0x1], $0x80, $0x38;
	[tilespmem:$0x4000] =	vst v63  }
0x18f: {  	s7 =	sadd.s32 @!p0 $0x40, s12;
	s23 =	simm.s32 @!p0 $0x1100  }
0x190: {  	[hbm4b:s7+s1] =	stream.linear.scatter @!p0 [tilespmem:s23], [sflag:$0x1], $0x80, $0x38;
	[tilespmem:$0x4000] =	vst v63  }
0x191: {  	s7 =	sadd.s32 @!p0 $0x50, s12;
	s23 =	simm.s32 @!p0 $0x1500  }
0x192: {  	[hbm4b:s7+s1] =	stream.linear.scatter @!p0 [tilespmem:s23], [sflag:$0x1], $0x80, $0x38;
	[tilespmem:$0x4000] =	vst v63  }
0x193: {  	s7 =	sadd.s32 @!p0 $0x60, s12;
	s23 =	simm.s32 @!p0 $0x1900  }
0x194: {  	[hbm4b:s7+s1] =	stream.linear.scatter @!p0 [tilespmem:s23], [sflag:$0x1], $0x80, $0x38;
	[tilespmem:$0x4000] =	vst v63  }
0x195: {  	s7 =	sadd.s32 @!p0 $0x70, s12;
	s23 =	simm.s32 @!p0 $0x1D00  }
0x196: {  	[hbm4b:s7+s1] =	stream.linear.scatter @!p0 [tilespmem:s23], [sflag:$0x1], $0x80, $0x38;
	[tilespmem:$0x4000] =	vst v63  }
0x197: {  	s7 =	sadd.s32 @!p0 $0x80, s12;
	s23 =	simm.s32 @!p0 $0x2100  }
0x198: {  	[hbm4b:s7+s1] =	stream.linear.scatter @!p0 [tilespmem:s23], [sflag:$0x1], $0x80, $0x38;
	[tilespmem:$0x4000] =	vst v63  }
0x199: {  	s7 =	sadd.s32 @!p0 $0x90, s12;
	s23 =	simm.s32 @!p0 $0x2500  }
0x19a: {  	[hbm4b:s7+s1] =	stream.linear.scatter @!p0 [tilespmem:s23], [sflag:$0x1], $0x80, $0x38;
	[tilespmem:$0x4000] =	vst v63  }
0x19b: {  	s7 =	sadd.s32 @!p0 $0xA0, s12;
	s23 =	simm.s32 @!p0 $0x2900  }
0x19c: {  	[hbm4b:s7+s1] =	stream.linear.scatter @!p0 [tilespmem:s23], [sflag:$0x1], $0x80, $0x38;
	[tilespmem:$0x4000] =	vst v63  }
0x19d: {  	s7 =	sadd.s32 @!p0 $0xB0, s12;
	s23 =	simm.s32 @!p0 $0x2D00  }
0x19e: {  	[hbm4b:s7+s1] =	stream.linear.scatter @!p0 [tilespmem:s23], [sflag:$0x1], $0x80, $0x38;
	[tilespmem:$0x4000] =	vst v63  }
0x19f: {  	s7 =	sadd.s32 @!p0 $0xC0, s12;
	s23 =	simm.s32 @!p0 $0x3100  }
0x1a0: {  	[hbm4b:s7+s1] =	stream.linear.scatter @!p0 [tilespmem:s23], [sflag:$0x1], $0x80, $0x38;
	[tilespmem:$0x4000] =	vst v63  }
0x1a1: {  	s7 =	sadd.s32 @!p0 $0xD0, s12;
	s23 =	simm.s32 @!p0 $0x3500  }
0x1a2: {  	[hbm4b:s7+s1] =	stream.linear.scatter @!p0 [tilespmem:s23], [sflag:$0x1], $0x80, $0x38;
	[tilespmem:$0x4000] =	vst v63  }
0x1a3: {  	s7 =	sadd.s32 @!p0 $0xE0, s12;
	s23 =	simm.s32 @!p0 $0x3900  }
0x1a4: {  	[hbm4b:s7+s1] =	stream.linear.scatter @!p0 [tilespmem:s23], [sflag:$0x1], $0x80, $0x38;
	[tilespmem:$0x4000] =	vst v63  }
0x1a5: {  	s7 =	sadd.s32 @!p0 $0xF0, s12;
	s23 =	simm.s32 @!p0 $0x3D00  }
0x1a6: {  	[hbm4b:s7+s1] =	stream.linear.scatter @!p0 [tilespmem:s23], [sflag:$0x1], $0x80, $0x38;
	[tilespmem:$0x4000] =	vst v63  }
0x1a7: {  	s1 =	simm.s32 @!p0 $0x1  }
0x1a8: {  	_ =	swait.ge @!p0 [sflag:s1], $0x800  }
0x1a9: {  	[sflag:s1] =	ssyncset.done @!p0 $0x0  }
0x1aa: {  	s7 =	simm.s32 @!p1 $0x180;
	[sflag:s1] =	ssyncadd.s32 @!p0 $0xFFFFF800;
	s1 =	simm.s32 @!p1 $0x0  }
0x1ab: {  	[hbm4b:s13+s1] =	stream.linear.scatter @!p1 [tilespmem:s7], [sflag:$0x1], $0x80, $0x38;
	[tilespmem:$0x4000] =	vst v63  }
0x1ac: {  	s23 =	simm.s32 @!p1 $0x580;
	s7 =	sadd.s32 @!p1 $0x10, s13  }
0x1ad: {  	[hbm4b:s7+s1] =	stream.linear.scatter @!p1 [tilespmem:s23], [sflag:$0x1], $0x80, $0x38;
	[tilespmem:$0x4000] =	vst v63  }
0x1ae: {  	s7 =	sadd.s32 @!p1 $0x20, s13;
	s23 =	simm.s32 @!p1 $0x980  }
0x1af: {  	[hbm4b:s7+s1] =	stream.linear.scatter @!p1 [tilespmem:s23], [sflag:$0x1], $0x80, $0x38;
	[tilespmem:$0x4000] =	vst v63  }
0x1b0: {  	s7 =	sadd.s32 @!p1 $0x30, s13;
	s23 =	simm.s32 @!p1 $0xD80  }
0x1b1: {  	[hbm4b:s7+s1] =	stream.linear.scatter @!p1 [tilespmem:s23], [sflag:$0x1], $0x80, $0x38;
	[tilespmem:$0x4000] =	vst v63  }
0x1b2: {  	s7 =	sadd.s32 @!p1 $0x40, s13;
	s23 =	simm.s32 @!p1 $0x1180  }
0x1b3: {  	[hbm4b:s7+s1] =	stream.linear.scatter @!p1 [tilespmem:s23], [sflag:$0x1], $0x80, $0x38;
	[tilespmem:$0x4000] =	vst v63  }
0x1b4: {  	s7 =	sadd.s32 @!p1 $0x50, s13;
	s23 =	simm.s32 @!p1 $0x1580  }
0x1b5: {  	[hbm4b:s7+s1] =	stream.linear.scatter @!p1 [tilespmem:s23], [sflag:$0x1], $0x80, $0x38;
	[tilespmem:$0x4000] =	vst v63  }
0x1b6: {  	s7 =	sadd.s32 @!p1 $0x60, s13;
	s23 =	simm.s32 @!p1 $0x1980  }
0x1b7: {  	[hbm4b:s7+s1] =	stream.linear.scatter @!p1 [tilespmem:s23], [sflag:$0x1], $0x80, $0x38;
	[tilespmem:$0x4000] =	vst v63  }
0x1b8: {  	s7 =	sadd.s32 @!p1 $0x70, s13;
	s23 =	simm.s32 @!p1 $0x1D80  }
0x1b9: {  	[hbm4b:s7+s1] =	stream.linear.scatter @!p1 [tilespmem:s23], [sflag:$0x1], $0x80, $0x38;
	[tilespmem:$0x4000] =	vst v63  }
0x1ba: {  	s7 =	sadd.s32 @!p1 $0x80, s13;
	s23 =	simm.s32 @!p1 $0x2180  }
0x1bb: {  	[hbm4b:s7+s1] =	stream.linear.scatter @!p1 [tilespmem:s23], [sflag:$0x1], $0x80, $0x38;
	[tilespmem:$0x4000] =	vst v63  }
0x1bc: {  	s7 =	sadd.s32 @!p1 $0x90, s13;
	s23 =	simm.s32 @!p1 $0x2580  }
0x1bd: {  	[hbm4b:s7+s1] =	stream.linear.scatter @!p1 [tilespmem:s23], [sflag:$0x1], $0x80, $0x38;
	[tilespmem:$0x4000] =	vst v63  }
0x1be: {  	s7 =	sadd.s32 @!p1 $0xA0, s13;
	s23 =	simm.s32 @!p1 $0x2980  }
0x1bf: {  	[hbm4b:s7+s1] =	stream.linear.scatter @!p1 [tilespmem:s23], [sflag:$0x1], $0x80, $0x38;
	[tilespmem:$0x4000] =	vst v63  }
0x1c0: {  	s7 =	sadd.s32 @!p1 $0xB0, s13;
	s23 =	simm.s32 @!p1 $0x2D80  }
0x1c1: {  	[hbm4b:s7+s1] =	stream.linear.scatter @!p1 [tilespmem:s23], [sflag:$0x1], $0x80, $0x38;
	[tilespmem:$0x4000] =	vst v63  }
0x1c2: {  	s7 =	sadd.s32 @!p1 $0xC0, s13;
	s23 =	simm.s32 @!p1 $0x3180  }
0x1c3: {  	[hbm4b:s7+s1] =	stream.linear.scatter @!p1 [tilespmem:s23], [sflag:$0x1], $0x80, $0x38;
	[tilespmem:$0x4000] =	vst v63  }
0x1c4: {  	s7 =	sadd.s32 @!p1 $0xD0, s13;
	s23 =	simm.s32 @!p1 $0x3580  }
0x1c5: {  	[hbm4b:s7+s1] =	stream.linear.scatter @!p1 [tilespmem:s23], [sflag:$0x1], $0x80, $0x38;
	[tilespmem:$0x4000] =	vst v63  }
0x1c6: {  	s7 =	sadd.s32 @!p1 $0xE0, s13;
	s23 =	simm.s32 @!p1 $0x3980  }
0x1c7: {  	[hbm4b:s7+s1] =	stream.linear.scatter @!p1 [tilespmem:s23], [sflag:$0x1], $0x80, $0x38;
	[tilespmem:$0x4000] =	vst v63  }
0x1c8: {  	s7 =	sadd.s32 @!p1 $0xF0, s13;
	s23 =	simm.s32 @!p1 $0x3D80  }
0x1c9: {  	[hbm4b:s7+s1] =	stream.linear.scatter @!p1 [tilespmem:s23], [sflag:$0x1], $0x80, $0x38;
	[tilespmem:$0x4000] =	vst v63  }
0x1ca: {  	s1 =	simm.s32 @!p1 $0x1  }
0x1cb: {  	_ =	swait.ge @!p1 [sflag:s1], $0x800  }
0x1cc: {  	[sflag:s1] =	ssyncset.done @!p1 $0x0  }
0x1cd: {  	s7 =	simm.s32 @!p3 $0x200;
	[sflag:s1] =	ssyncadd.s32 @!p1 $0xFFFFF800;
	s1 =	simm.s32 @!p3 $0x0  }
0x1ce: {  	[hbm4b:s14+s1] =	stream.linear.scatter @!p3 [tilespmem:s7], [sflag:$0x1], $0x80, $0x38;
	[tilespmem:$0x4000] =	vst v63  }
0x1cf: {  	s23 =	simm.s32 @!p3 $0x600;
	s7 =	sadd.s32 @!p3 $0x10, s14  }
0x1d0: {  	[hbm4b:s7+s1] =	stream.linear.scatter @!p3 [tilespmem:s23], [sflag:$0x1], $0x80, $0x38;
	[tilespmem:$0x4000] =	vst v63  }
0x1d1: {  	s7 =	sadd.s32 @!p3 $0x20, s14;
	s23 =	simm.s32 @!p3 $0xA00  }
0x1d2: {  	[hbm4b:s7+s1] =	stream.linear.scatter @!p3 [tilespmem:s23], [sflag:$0x1], $0x80, $0x38;
	[tilespmem:$0x4000] =	vst v63  }
0x1d3: {  	s7 =	sadd.s32 @!p3 $0x30, s14;
	s23 =	simm.s32 @!p3 $0xE00  }
0x1d4: {  	[hbm4b:s7+s1] =	stream.linear.scatter @!p3 [tilespmem:s23], [sflag:$0x1], $0x80, $0x38;
	[tilespmem:$0x4000] =	vst v63  }
0x1d5: {  	s7 =	sadd.s32 @!p3 $0x40, s14;
	s23 =	simm.s32 @!p3 $0x1200  }
0x1d6: {  	[hbm4b:s7+s1] =	stream.linear.scatter @!p3 [tilespmem:s23], [sflag:$0x1], $0x80, $0x38;
	[tilespmem:$0x4000] =	vst v63  }
0x1d7: {  	s7 =	sadd.s32 @!p3 $0x50, s14;
	s23 =	simm.s32 @!p3 $0x1600  }
0x1d8: {  	[hbm4b:s7+s1] =	stream.linear.scatter @!p3 [tilespmem:s23], [sflag:$0x1], $0x80, $0x38;
	[tilespmem:$0x4000] =	vst v63  }
0x1d9: {  	s7 =	sadd.s32 @!p3 $0x60, s14;
	s23 =	simm.s32 @!p3 $0x1A00  }
0x1da: {  	[hbm4b:s7+s1] =	stream.linear.scatter @!p3 [tilespmem:s23], [sflag:$0x1], $0x80, $0x38;
	[tilespmem:$0x4000] =	vst v63  }
0x1db: {  	s7 =	sadd.s32 @!p3 $0x70, s14;
	s23 =	simm.s32 @!p3 $0x1E00  }
0x1dc: {  	[hbm4b:s7+s1] =	stream.linear.scatter @!p3 [tilespmem:s23], [sflag:$0x1], $0x80, $0x38;
	[tilespmem:$0x4000] =	vst v63  }
0x1dd: {  	s7 =	sadd.s32 @!p3 $0x80, s14;
	s23 =	simm.s32 @!p3 $0x2200  }
0x1de: {  	[hbm4b:s7+s1] =	stream.linear.scatter @!p3 [tilespmem:s23], [sflag:$0x1], $0x80, $0x38;
	[tilespmem:$0x4000] =	vst v63  }
0x1df: {  	s7 =	sadd.s32 @!p3 $0x90, s14;
	s23 =	simm.s32 @!p3 $0x2600  }
0x1e0: {  	[hbm4b:s7+s1] =	stream.linear.scatter @!p3 [tilespmem:s23], [sflag:$0x1], $0x80, $0x38;
	[tilespmem:$0x4000] =	vst v63  }
0x1e1: {  	s7 =	sadd.s32 @!p3 $0xA0, s14;
	s23 =	simm.s32 @!p3 $0x2A00  }
0x1e2: {  	[hbm4b:s7+s1] =	stream.linear.scatter @!p3 [tilespmem:s23], [sflag:$0x1], $0x80, $0x38;
	[tilespmem:$0x4000] =	vst v63  }
0x1e3: {  	s7 =	sadd.s32 @!p3 $0xB0, s14;
	s23 =	simm.s32 @!p3 $0x2E00  }
0x1e4: {  	[hbm4b:s7+s1] =	stream.linear.scatter @!p3 [tilespmem:s23], [sflag:$0x1], $0x80, $0x38;
	[tilespmem:$0x4000] =	vst v63  }
0x1e5: {  	s7 =	sadd.s32 @!p3 $0xC0, s14;
	s23 =	simm.s32 @!p3 $0x3200  }
0x1e6: {  	[hbm4b:s7+s1] =	stream.linear.scatter @!p3 [tilespmem:s23], [sflag:$0x1], $0x80, $0x38;
	[tilespmem:$0x4000] =	vst v63  }
0x1e7: {  	s7 =	sadd.s32 @!p3 $0xD0, s14;
	s23 =	simm.s32 @!p3 $0x3600  }
0x1e8: {  	[hbm4b:s7+s1] =	stream.linear.scatter @!p3 [tilespmem:s23], [sflag:$0x1], $0x80, $0x38;
	[tilespmem:$0x4000] =	vst v63  }
0x1e9: {  	s7 =	sadd.s32 @!p3 $0xE0, s14;
	s23 =	simm.s32 @!p3 $0x3A00  }
0x1ea: {  	[hbm4b:s7+s1] =	stream.linear.scatter @!p3 [tilespmem:s23], [sflag:$0x1], $0x80, $0x38;
	[tilespmem:$0x4000] =	vst v63  }
0x1eb: {  	s7 =	sadd.s32 @!p3 $0xF0, s14;
	s23 =	simm.s32 @!p3 $0x3E00  }
0x1ec: {  	[hbm4b:s7+s1] =	stream.linear.scatter @!p3 [tilespmem:s23], [sflag:$0x1], $0x80, $0x38;
	[tilespmem:$0x4000] =	vst v63  }
0x1ed: {  	s1 =	simm.s32 @!p3 $0x1  }
0x1ee: {  	_ =	swait.ge @!p3 [sflag:s1], $0x800  }
0x1ef: {  	[sflag:s1] =	ssyncset.done @!p3 $0x0  }
0x1f0: {  	s7 =	simm.s32 @!p4 $0x280;
	[sflag:s1] =	ssyncadd.s32 @!p3 $0xFFFFF800;
	s1 =	simm.s32 @!p4 $0x0  }
0x1f1: {  	[hbm4b:s15+s1] =	stream.linear.scatter @!p4 [tilespmem:s7], [sflag:$0x1], $0x80, $0x38;
	[tilespmem:$0x4000] =	vst v63  }
0x1f2: {  	s23 =	simm.s32 @!p4 $0x680;
	s7 =	sadd.s32 @!p4 $0x10, s15  }
0x1f3: {  	[hbm4b:s7+s1] =	stream.linear.scatter @!p4 [tilespmem:s23], [sflag:$0x1], $0x80, $0x38;
	[tilespmem:$0x4000] =	vst v63  }
0x1f4: {  	s7 =	sadd.s32 @!p4 $0x20, s15;
	s23 =	simm.s32 @!p4 $0xA80  }
0x1f5: {  	[hbm4b:s7+s1] =	stream.linear.scatter @!p4 [tilespmem:s23], [sflag:$0x1], $0x80, $0x38;
	[tilespmem:$0x4000] =	vst v63  }
0x1f6: {  	s7 =	sadd.s32 @!p4 $0x30, s15;
	s23 =	simm.s32 @!p4 $0xE80  }
0x1f7: {  	[hbm4b:s7+s1] =	stream.linear.scatter @!p4 [tilespmem:s23], [sflag:$0x1], $0x80, $0x38;
	[tilespmem:$0x4000] =	vst v63  }
0x1f8: {  	s7 =	sadd.s32 @!p4 $0x40, s15;
	s23 =	simm.s32 @!p4 $0x1280  }
0x1f9: {  	[hbm4b:s7+s1] =	stream.linear.scatter @!p4 [tilespmem:s23], [sflag:$0x1], $0x80, $0x38;
	[tilespmem:$0x4000] =	vst v63  }
0x1fa: {  	s7 =	sadd.s32 @!p4 $0x50, s15;
	s23 =	simm.s32 @!p4 $0x1680  }
0x1fb: {  	[hbm4b:s7+s1] =	stream.linear.scatter @!p4 [tilespmem:s23], [sflag:$0x1], $0x80, $0x38;
	[tilespmem:$0x4000] =	vst v63  }
0x1fc: {  	s7 =	sadd.s32 @!p4 $0x60, s15;
	s23 =	simm.s32 @!p4 $0x1A80  }
0x1fd: {  	[hbm4b:s7+s1] =	stream.linear.scatter @!p4 [tilespmem:s23], [sflag:$0x1], $0x80, $0x38;
	[tilespmem:$0x4000] =	vst v63  }
0x1fe: {  	s7 =	sadd.s32 @!p4 $0x70, s15;
	s23 =	simm.s32 @!p4 $0x1E80  }
0x1ff: {  	[hbm4b:s7+s1] =	stream.linear.scatter @!p4 [tilespmem:s23], [sflag:$0x1], $0x80, $0x38;
	[tilespmem:$0x4000] =	vst v63  }
0x200: {  	s7 =	sadd.s32 @!p4 $0x80, s15;
	s23 =	simm.s32 @!p4 $0x2280  }
0x201: {  	[hbm4b:s7+s1] =	stream.linear.scatter @!p4 [tilespmem:s23], [sflag:$0x1], $0x80, $0x38;
	[tilespmem:$0x4000] =	vst v63  }
0x202: {  	s7 =	sadd.s32 @!p4 $0x90, s15;
	s23 =	simm.s32 @!p4 $0x2680  }
0x203: {  	[hbm4b:s7+s1] =	stream.linear.scatter @!p4 [tilespmem:s23], [sflag:$0x1], $0x80, $0x38;
	[tilespmem:$0x4000] =	vst v63  }
0x204: {  	s7 =	sadd.s32 @!p4 $0xA0, s15;
	s23 =	simm.s32 @!p4 $0x2A80  }
0x205: {  	[hbm4b:s7+s1] =	stream.linear.scatter @!p4 [tilespmem:s23], [sflag:$0x1], $0x80, $0x38;
	[tilespmem:$0x4000] =	vst v63  }
0x206: {  	s7 =	sadd.s32 @!p4 $0xB0, s15;
	s23 =	simm.s32 @!p4 $0x2E80  }
0x207: {  	[hbm4b:s7+s1] =	stream.linear.scatter @!p4 [tilespmem:s23], [sflag:$0x1], $0x80, $0x38;
	[tilespmem:$0x4000] =	vst v63  }
0x208: {  	s7 =	sadd.s32 @!p4 $0xC0, s15;
	s23 =	simm.s32 @!p4 $0x3280  }
0x209: {  	[hbm4b:s7+s1] =	stream.linear.scatter @!p4 [tilespmem:s23], [sflag:$0x1], $0x80, $0x38;
	[tilespmem:$0x4000] =	vst v63  }
0x20a: {  	s7 =	sadd.s32 @!p4 $0xD0, s15;
	s23 =	simm.s32 @!p4 $0x3680  }
0x20b: {  	[hbm4b:s7+s1] =	stream.linear.scatter @!p4 [tilespmem:s23], [sflag:$0x1], $0x80, $0x38;
	[tilespmem:$0x4000] =	vst v63  }
0x20c: {  	s7 =	sadd.s32 @!p4 $0xE0, s15;
	s23 =	simm.s32 @!p4 $0x3A80  }
0x20d: {  	[hbm4b:s7+s1] =	stream.linear.scatter @!p4 [tilespmem:s23], [sflag:$0x1], $0x80, $0x38;
	[tilespmem:$0x4000] =	vst v63  }
0x20e: {  	s7 =	sadd.s32 @!p4 $0xF0, s15;
	s23 =	simm.s32 @!p4 $0x3E80  }
0x20f: {  	[hbm4b:s7+s1] =	stream.linear.scatter @!p4 [tilespmem:s23], [sflag:$0x1], $0x80, $0x38;
	[tilespmem:$0x4000] =	vst v63  }
0x210: {  	s1 =	simm.s32 @!p4 $0x1  }
0x211: {  	_ =	swait.ge @!p4 [sflag:s1], $0x800  }
0x212: {  	[sflag:s1] =	ssyncset.done @!p4 $0x0  }
0x213: {  	s7 =	simm.s32 @!p5 $0x300;
	[sflag:s1] =	ssyncadd.s32 @!p4 $0xFFFFF800;
	s1 =	simm.s32 @!p5 $0x0  }
0x214: {  	[hbm4b:s16+s1] =	stream.linear.scatter @!p5 [tilespmem:s7], [sflag:$0x1], $0x80, $0x38;
	[tilespmem:$0x4000] =	vst v63  }
0x215: {  	s23 =	simm.s32 @!p5 $0x700;
	s7 =	sadd.s32 @!p5 $0x10, s16  }
0x216: {  	[hbm4b:s7+s1] =	stream.linear.scatter @!p5 [tilespmem:s23], [sflag:$0x1], $0x80, $0x38;
	[tilespmem:$0x4000] =	vst v63  }
0x217: {  	s7 =	sadd.s32 @!p5 $0x20, s16;
	s23 =	simm.s32 @!p5 $0xB00  }
0x218: {  	[hbm4b:s7+s1] =	stream.linear.scatter @!p5 [tilespmem:s23], [sflag:$0x1], $0x80, $0x38;
	[tilespmem:$0x4000] =	vst v63  }
0x219: {  	s7 =	sadd.s32 @!p5 $0x30, s16;
	s23 =	simm.s32 @!p5 $0xF00  }
0x21a: {  	[hbm4b:s7+s1] =	stream.linear.scatter @!p5 [tilespmem:s23], [sflag:$0x1], $0x80, $0x38;
	[tilespmem:$0x4000] =	vst v63  }
0x21b: {  	s7 =	sadd.s32 @!p5 $0x40, s16;
	s23 =	simm.s32 @!p5 $0x1300  }
0x21c: {  	[hbm4b:s7+s1] =	stream.linear.scatter @!p5 [tilespmem:s23], [sflag:$0x1], $0x80, $0x38;
	[tilespmem:$0x4000] =	vst v63  }
0x21d: {  	s7 =	sadd.s32 @!p5 $0x50, s16;
	s23 =	simm.s32 @!p5 $0x1700  }
0x21e: {  	[hbm4b:s7+s1] =	stream.linear.scatter @!p5 [tilespmem:s23], [sflag:$0x1], $0x80, $0x38;
	[tilespmem:$0x4000] =	vst v63  }
0x21f: {  	s7 =	sadd.s32 @!p5 $0x60, s16;
	s23 =	simm.s32 @!p5 $0x1B00  }
0x220: {  	[hbm4b:s7+s1] =	stream.linear.scatter @!p5 [tilespmem:s23], [sflag:$0x1], $0x80, $0x38;
	[tilespmem:$0x4000] =	vst v63  }
0x221: {  	s7 =	sadd.s32 @!p5 $0x70, s16;
	s23 =	simm.s32 @!p5 $0x1F00  }
0x222: {  	[hbm4b:s7+s1] =	stream.linear.scatter @!p5 [tilespmem:s23], [sflag:$0x1], $0x80, $0x38;
	[tilespmem:$0x4000] =	vst v63  }
0x223: {  	s7 =	sadd.s32 @!p5 $0x80, s16;
	s23 =	simm.s32 @!p5 $0x2300  }
0x224: {  	[hbm4b:s7+s1] =	stream.linear.scatter @!p5 [tilespmem:s23], [sflag:$0x1], $0x80, $0x38;
	[tilespmem:$0x4000] =	vst v63  }
0x225: {  	s7 =	sadd.s32 @!p5 $0x90, s16;
	s23 =	simm.s32 @!p5 $0x2700  }
0x226: {  	[hbm4b:s7+s1] =	stream.linear.scatter @!p5 [tilespmem:s23], [sflag:$0x1], $0x80, $0x38;
	[tilespmem:$0x4000] =	vst v63  }
0x227: {  	s7 =	sadd.s32 @!p5 $0xA0, s16;
	s23 =	simm.s32 @!p5 $0x2B00  }
0x228: {  	[hbm4b:s7+s1] =	stream.linear.scatter @!p5 [tilespmem:s23], [sflag:$0x1], $0x80, $0x38;
	[tilespmem:$0x4000] =	vst v63  }
0x229: {  	s7 =	sadd.s32 @!p5 $0xB0, s16;
	s23 =	simm.s32 @!p5 $0x2F00  }
0x22a: {  	[hbm4b:s7+s1] =	stream.linear.scatter @!p5 [tilespmem:s23], [sflag:$0x1], $0x80, $0x38;
	[tilespmem:$0x4000] =	vst v63  }
0x22b: {  	s7 =	sadd.s32 @!p5 $0xC0, s16;
	s23 =	simm.s32 @!p5 $0x3300  }
0x22c: {  	[hbm4b:s7+s1] =	stream.linear.scatter @!p5 [tilespmem:s23], [sflag:$0x1], $0x80, $0x38;
	[tilespmem:$0x4000] =	vst v63  }
0x22d: {  	s7 =	sadd.s32 @!p5 $0xD0, s16;
	s23 =	simm.s32 @!p5 $0x3700  }
0x22e: {  	[hbm4b:s7+s1] =	stream.linear.scatter @!p5 [tilespmem:s23], [sflag:$0x1], $0x80, $0x38;
	[tilespmem:$0x4000] =	vst v63  }
0x22f: {  	s7 =	sadd.s32 @!p5 $0xE0, s16;
	s23 =	simm.s32 @!p5 $0x3B00  }
0x230: {  	[hbm4b:s7+s1] =	stream.linear.scatter @!p5 [tilespmem:s23], [sflag:$0x1], $0x80, $0x38;
	[tilespmem:$0x4000] =	vst v63  }
0x231: {  	s7 =	sadd.s32 @!p5 $0xF0, s16;
	s23 =	simm.s32 @!p5 $0x3F00  }
0x232: {  	[hbm4b:s7+s1] =	stream.linear.scatter @!p5 [tilespmem:s23], [sflag:$0x1], $0x80, $0x38;
	[tilespmem:$0x4000] =	vst v63  }
0x233: {  	s1 =	simm.s32 @!p5 $0x1  }
0x234: {  	_ =	swait.ge @!p5 [sflag:s1], $0x800  }
0x235: {  	[sflag:s1] =	ssyncset.done @!p5 $0x0  }
0x236: {  	s7 =	simm.s32 @!p6 $0x380;
	[sflag:s1] =	ssyncadd.s32 @!p5 $0xFFFFF800;
	s1 =	simm.s32 @!p6 $0x0  }
0x237: {  	[hbm4b:s17+s1] =	stream.linear.scatter @!p6 [tilespmem:s7], [sflag:$0x1], $0x80, $0x38;
	[tilespmem:$0x4000] =	vst v63  }
0x238: {  	s23 =	simm.s32 @!p6 $0x780;
	s7 =	sadd.s32 @!p6 $0x10, s17  }
0x239: {  	[hbm4b:s7+s1] =	stream.linear.scatter @!p6 [tilespmem:s23], [sflag:$0x1], $0x80, $0x38;
	[tilespmem:$0x4000] =	vst v63  }
0x23a: {  	s7 =	sadd.s32 @!p6 $0x20, s17;
	s23 =	simm.s32 @!p6 $0xB80  }
0x23b: {  	[hbm4b:s7+s1] =	stream.linear.scatter @!p6 [tilespmem:s23], [sflag:$0x1], $0x80, $0x38;
	[tilespmem:$0x4000] =	vst v63  }
0x23c: {  	s7 =	sadd.s32 @!p6 $0x30, s17;
	s23 =	simm.s32 @!p6 $0xF80  }
0x23d: {  	[hbm4b:s7+s1] =	stream.linear.scatter @!p6 [tilespmem:s23], [sflag:$0x1], $0x80, $0x38;
	[tilespmem:$0x4000] =	vst v63  }
0x23e: {  	s7 =	sadd.s32 @!p6 $0x40, s17;
	s23 =	simm.s32 @!p6 $0x1380  }
0x23f: {  	[hbm4b:s7+s1] =	stream.linear.scatter @!p6 [tilespmem:s23], [sflag:$0x1], $0x80, $0x38;
	[tilespmem:$0x4000] =	vst v63  }
0x240: {  	s7 =	sadd.s32 @!p6 $0x50, s17;
	s23 =	simm.s32 @!p6 $0x1780  }
0x241: {  	[hbm4b:s7+s1] =	stream.linear.scatter @!p6 [tilespmem:s23], [sflag:$0x1], $0x80, $0x38;
	[tilespmem:$0x4000] =	vst v63  }
0x242: {  	s7 =	sadd.s32 @!p6 $0x60, s17;
	s23 =	simm.s32 @!p6 $0x1B80  }
0x243: {  	[hbm4b:s7+s1] =	stream.linear.scatter @!p6 [tilespmem:s23], [sflag:$0x1], $0x80, $0x38;
	[tilespmem:$0x4000] =	vst v63  }
0x244: {  	s7 =	sadd.s32 @!p6 $0x70, s17;
	s23 =	simm.s32 @!p6 $0x1F80  }
0x245: {  	[hbm4b:s7+s1] =	stream.linear.scatter @!p6 [tilespmem:s23], [sflag:$0x1], $0x80, $0x38;
	[tilespmem:$0x4000] =	vst v63  }
0x246: {  	s7 =	sadd.s32 @!p6 $0x80, s17;
	s23 =	simm.s32 @!p6 $0x2380  }
0x247: {  	[hbm4b:s7+s1] =	stream.linear.scatter @!p6 [tilespmem:s23], [sflag:$0x1], $0x80, $0x38;
	[tilespmem:$0x4000] =	vst v63  }
0x248: {  	s7 =	sadd.s32 @!p6 $0x90, s17;
	s23 =	simm.s32 @!p6 $0x2780  }
0x249: {  	[hbm4b:s7+s1] =	stream.linear.scatter @!p6 [tilespmem:s23], [sflag:$0x1], $0x80, $0x38;
	[tilespmem:$0x4000] =	vst v63  }
0x24a: {  	s7 =	sadd.s32 @!p6 $0xA0, s17;
	s23 =	simm.s32 @!p6 $0x2B80  }
0x24b: {  	[hbm4b:s7+s1] =	stream.linear.scatter @!p6 [tilespmem:s23], [sflag:$0x1], $0x80, $0x38;
	[tilespmem:$0x4000] =	vst v63  }
0x24c: {  	s7 =	sadd.s32 @!p6 $0xB0, s17;
	s23 =	simm.s32 @!p6 $0x2F80  }
0x24d: {  	[hbm4b:s7+s1] =	stream.linear.scatter @!p6 [tilespmem:s23], [sflag:$0x1], $0x80, $0x38;
	[tilespmem:$0x4000] =	vst v63  }
0x24e: {  	s7 =	sadd.s32 @!p6 $0xC0, s17;
	s23 =	simm.s32 @!p6 $0x3380  }
0x24f: {  	[hbm4b:s7+s1] =	stream.linear.scatter @!p6 [tilespmem:s23], [sflag:$0x1], $0x80, $0x38;
	[tilespmem:$0x4000] =	vst v63  }
0x250: {  	s7 =	sadd.s32 @!p6 $0xD0, s17;
	s23 =	simm.s32 @!p6 $0x3780  }
0x251: {  	[hbm4b:s7+s1] =	stream.linear.scatter @!p6 [tilespmem:s23], [sflag:$0x1], $0x80, $0x38;
	[tilespmem:$0x4000] =	vst v63  }
0x252: {  	s7 =	sadd.s32 @!p6 $0xE0, s17;
	s23 =	simm.s32 @!p6 $0x3B80  }
0x253: {  	[hbm4b:s7+s1] =	stream.linear.scatter @!p6 [tilespmem:s23], [sflag:$0x1], $0x80, $0x38;
	[tilespmem:$0x4000] =	vst v63  }
0x254: {  	s7 =	sadd.s32 @!p6 $0xF0, s17;
	s23 =	simm.s32 @!p6 $0x3F80  }
0x255: {  	[hbm4b:s7+s1] =	stream.linear.scatter @!p6 [tilespmem:s23], [sflag:$0x1], $0x80, $0x38;
	[tilespmem:$0x4000] =	vst v63  }
.Ltmp3:
0x256: {  	_ = 	snop;
	(pc) =	sbr.rel .LBB2_3-.Ltmp3, $4  }
0x257: {  	s1 =	simm.s32 @!p6 $0x1  }
0x258: {  	_ =	swait.ge @!p6 [sflag:s1], $0x800  }
0x259: {  	[sflag:s1] =	ssyncset.done @!p6 $0x0  }
0x25a: {  	s7 =	simm.s32 $0x800;
	s23 =	simm.s32 $0x400;
	[sflag:s1] =	ssyncadd.s32 @!p6 $0xFFFFF800  }
.LBB2_4:
0x25b: {  	_ =	sfence.sel $0x180000  }
0x25c: {  	[bflag:$0x0] =	sbarrier.arrive $0xFFFF  }
0x25d: {  	_ =	strace $0x90000047  }
0x25e: {  	s0 =	stileid.u32;
	[bflag:$0x2] =	sbarrier.arrive $0xFFFF  }
0x25f: {  	p0 =	sne.s32 s0, $0x0;
	s0 =	rddreg [dreg:$0x2]  }
0x260: {  	s0 =	sadd.s32 @!p0 $0x100000, s0  }
0x261: {  	[sflag:s0] =	ssyncadd.tile.s32 @!p0 $0x1;
	_ =	shalt  }
.Lfunc_end2:
_tile_overlayer_lowered:
.L_overlay_start_2:
0x262: {  	(tag) =	ssettag $0x2  }
0x263: {  	s0 =	rddreg [dreg:$0x0];
	s2 =	stileid.u32  }
0x264: {  	s1 =	rddreg [dreg:$0x1];
	p0 =	sne.s32 s2, $0x0  }
0x265: {  	s3 =	rddreg [dreg:$0x2];
	[bflag:$0x3] =	sbarrier.arrive $0xFFFF;
	s2 =	simm.s32 @!p0 $0x1C01  }
0x266: {  	[timem:s3], [sflag:s2] =	dma.local @!p0 [hbm:s0], s1  }
0x267: {  	s0 =	simm.s32 @!p0 $0x1  }
0x268: {  	_ =	swait.ge @!p0 [sflag:s0], s1  }
0x269: {  	s1 =	ssub.s32 @!p0 $0x0, s1;
	[sflag:s0] =	ssyncset.done @!p0 $0x0  }
0x26a: {  	[sflag:s0] =	ssyncadd.s32 @!p0 s1  }
0x26b: {  	[bflag:$0x3] =	sbarrier.arrive $0xFFFF  }
0x26c: {  	_ =	shalt  }

// kernel: kernel.7.cloned.1.call-start
scs
__scs_entry_jumppad:
0x0: {  	(pc) =	sbr.rel $0x88, $3  }
0x1: {  	(tag) =	ssettag $0x0;
	lr =	simm.s32 $0x1  }
0x2: {  	[smem:$0x3F9F] =	sst lr;
	_ =	strace $0xD0000000  }
0x3: {  	_ = 	snop  }
0x4: {  	_ = 	snop  }
0x5: {  	_ = 	snop  }
0x6: {  	_ = 	snop  }
0x7: {  	_ = 	snop  }
__scs_overlays_trampoline_lowered:
0x8: {  	[smem:$0x3FAE] =	sst s0  }
0x9: {  	[smem:$0x3FAF] =	sst s1  }
0xa: {  	[smem:$0x3FB0] =	sst s2  }
0xb: {  	[smem:$0x3FB1] =	sst s3  }
0xc: {  	[smem:$0x3FB2] =	sst s4  }
0xd: {  	[smem:$0x3FB3] =	sst s5  }
0xe: {  	[smem:$0x3FB4] =	sst s6  }
0xf: {  	[smem:$0x3FB5] =	sst s7  }
0x10: {  	[smem:$0x3FB6] =	sst s8  }
0x11: {  	[smem:$0x3FB7] =	sst s9;
	s0 =	simm.s32 @!p0 $0x0  }
0x12: {  	s1 =	sld [smem:$0x3F9D];
	s0 =	simm.s32 @p0 $0x1  }
0x13: {  	[smem:$0x3FB8] =	sst s0;
	s0 =	simm.s32 @!p1 $0x0  }
0x14: {  	s2 =	sld [smem:$0x3F9C];
	s0 =	simm.s32 @p1 $0x1  }
0x15: {  	[smem:$0x3FB9] =	sst s0;
	s0 =	simm.s32 @!p2 $0x0  }
0x16: {  	s3 =	sld [smem:$0x3FDB];
	s0 =	simm.s32 @p2 $0x1  }
0x17: {  	s4 =	simm.s32 $0x1BF5;
	[smem:$0x3FBB] =	sst s0  }
0x18: {  	s0 =	sld [smem:$0x3F9E];
	_ =	swait.ge [sflag:s4], $0x0  }
0x19: {  	s7 =	sld [smem:$0x3F9F]  }
0x1a: {  	s8 =	sadd.s32 $0xFFFFE003, lr  }
0x1b: {  	s9 =	sadd.s32 $0xFFFFFEF7, lr;
	s5 =	simm.s32 $0xFFFFFFFF;
	p2 =	slt.u32 s8, $0xFFFFF086  }
0x1c: {  	p1 =	slt.u32 s9, $0xF7A;
	s5 =	simm.s32 @!p2 $0x0  }
0x1d: {  	s5 =	simm.s32 @p1 $0x1;
	p0 =	seq.s32 s7, s2  }
0x1e: {  	s7 =	smul.u32 @!p0 $0xF7A, s2;
	p2 =	seq.s32 @!p0 s5, $0x0  }
0x1f: {  	s9 =	smul.u32 $0xF7A, s1;
	s8 =	simm.s32 @!p0 $0x1BF5;
	p2 =	por !p2, p0  }
0x20: {  	[sflag:s8] =	ssyncset.s32 @!p0 $0xFFFFF086;
	s6 =	sadd.s32 @!p0 s3, s7;
	s7 =	simm.s32 @!p0 $0x108  }
0x21: {  	s3 =	sadd.s32 s3, s9;
	s6 =	sadd.s32 @!p0 $0x88, s6;
	s7 =	simm.s32 @p2 $0x1082  }
0x22: {  	[simem:s7], [sflag:s8] =	dma.local @!p0 [hbm:s6], $0xF7A  }
0x23: {  	s9 =	sor.u32 $0xD0000000, s2;
	s6 =	simm.s32 $0x108;
	_ =	swait.ge @!p0 [sflag:s8], $0x0  }
0x24: {  	s3 =	sadd.s32 $0x88, s3;
	s6 =	simm.s32 @!p1 $0x1082;
	[sflag:s4] =	ssyncset.s32 $0xFFFFF086  }
0x25: {  	[simem:s6], [sflag:s4] =	dma.local [hbm:s3], $0xF7A  }
0x26: {  	[smem:$0x3F9F] =	sst s1;
	(tag) =	ssettag s2;
	_ =	strace s9  }
0x27: {  	s1 =	sld [smem:$0x3FAF]  }
0x28: {  	s2 =	sld [smem:$0x3FB0]  }
0x29: {  	s4 =	sld [smem:$0x3FB2]  }
0x2a: {  	p0 =	seq.s32 s5, $0x0;
	s5 =	sld [smem:$0x3FB3]  }
0x2b: {  	s6 =	sld [smem:$0x3FB4]  }
0x2c: {  	s7 =	sld [smem:$0x3FB5]  }
0x2d: {  	s3 =	simm.s32 $0x108;
	s8 =	sld [smem:$0x3FB6]  }
0x2e: {  	s3 =	simm.s32 @!p0 $0x1082;
	s9 =	sld [smem:$0x3FB7]  }
0x2f: {  	lr =	sadd.s32 s0, s3;
	s0 =	sld [smem:$0x3FAE]  }
0x30: {  	s3 =	sld [smem:$0x3FB1]  }
0x31: {  	[smem:$0x3FBA] =	sst s10  }
0x32: {  	s10 =	sld [smem:$0x3FB8];
	_ =	sdelay $0x3  }
0x33: {  	p0 =	seq.s32 s10, $0x1;
	s10 =	sld [smem:$0x3FBA];
	_ =	sdelay $0x3  }
0x34: {  	[smem:$0x3FBA] =	sst s10  }
0x35: {  	s10 =	sld [smem:$0x3FB9];
	_ =	sdelay $0x3  }
0x36: {  	p1 =	seq.s32 s10, $0x1;
	s10 =	sld [smem:$0x3FBA];
	_ =	sdelay $0x3  }
0x37: {  	[smem:$0x3FBA] =	sst s10  }
0x38: {  	s10 =	sld [smem:$0x3FBB]  }
0x39: {  	_ = 	snop;
	(pc) =	sbr.ind lr, $3  }
0x3a: {  	_ = 	snop  }
0x3b: {  	_ = 	snop  }
0x3c: {  	p2 =	seq.s32 s10, $0x1;
	s10 =	sld [smem:$0x3FBA]  }
0x3d: {  	_ =	shalt  }
0x3e: {  	_ =	shalt  }
0x3f: {  	_ =	shalt  }
0x40: {  	_ =	shalt  }
0x41: {  	_ =	shalt  }
0x42: {  	_ =	shalt  }
0x43: {  	_ =	shalt  }
0x44: {  	_ =	shalt  }
0x45: {  	_ =	shalt  }
0x46: {  	_ =	shalt  }
0x47: {  	_ =	shalt  }
0x48: {  	_ =	shalt  }
0x49: {  	_ =	shalt  }
0x4a: {  	_ =	shalt  }
0x4b: {  	_ =	shalt  }
0x4c: {  	_ =	shalt  }
0x4d: {  	_ =	shalt  }
0x4e: {  	_ =	shalt  }
0x4f: {  	_ =	shalt  }
0x50: {  	_ =	shalt  }
0x51: {  	_ =	shalt  }
0x52: {  	_ =	shalt  }
0x53: {  	_ =	shalt  }
0x54: {  	_ =	shalt  }
0x55: {  	_ =	shalt  }
0x56: {  	_ =	shalt  }
0x57: {  	_ =	shalt  }
0x58: {  	_ =	shalt  }
0x59: {  	_ =	shalt  }
0x5a: {  	_ =	shalt  }
0x5b: {  	_ =	shalt  }
0x5c: {  	_ =	shalt  }
0x5d: {  	_ =	shalt  }
0x5e: {  	_ =	shalt  }
0x5f: {  	_ =	shalt  }
0x60: {  	_ =	shalt  }
0x61: {  	_ =	shalt  }
0x62: {  	_ =	shalt  }
0x63: {  	_ =	shalt  }
0x64: {  	_ =	shalt  }
0x65: {  	_ =	shalt  }
0x66: {  	_ =	shalt  }
0x67: {  	_ =	shalt  }
0x68: {  	_ =	shalt  }
0x69: {  	_ =	shalt  }
0x6a: {  	_ =	shalt  }
0x6b: {  	_ =	shalt  }
0x6c: {  	_ =	shalt  }
0x6d: {  	_ =	shalt  }
0x6e: {  	_ =	shalt  }
0x6f: {  	_ =	shalt  }
0x70: {  	_ =	shalt  }
0x71: {  	_ =	shalt  }
0x72: {  	_ =	shalt  }
0x73: {  	_ =	shalt  }
0x74: {  	_ =	shalt  }
0x75: {  	_ =	shalt  }
0x76: {  	_ =	shalt  }
0x77: {  	_ =	shalt  }
0x78: {  	_ =	shalt  }
0x79: {  	_ =	shalt  }
0x7a: {  	_ =	shalt  }
0x7b: {  	_ =	shalt  }
0x7c: {  	_ =	shalt  }
0x7d: {  	_ =	shalt  }
0x7e: {  	_ =	shalt  }
0x7f: {  	_ =	shalt  }
0x80: {  	_ =	shalt  }
0x81: {  	_ =	shalt  }
0x82: {  	_ =	shalt  }
0x83: {  	_ =	shalt  }
0x84: {  	_ =	shalt  }
0x85: {  	_ =	shalt  }
0x86: {  	_ =	shalt  }
0x87: {  	_ =	shalt  }
.Lfunc_end0:
.L_simem_size_0:
called_computation.2_lowered:
.L_overlay_start_0:
0x88: {  	s2 =	sld [smem:$0x3FD9]  }
0x89: {  	s3 =	sld [smem:$0x3FFE];
	_ =	sdelay $0x1  }
0x8a: {  	s1 =	srdreg.scid  }
0x8b: {  	s0 =	sand.u32 $0x1, s1  }
0x8c: {  	s17 =	sshll.u32 s0, $0xA;
	s2 =	sadd.s32 s3, s2  }
0x8d: {  	s2 =	sadd.s32 s2, s17  }
0x8e: {  	[smem:$0x3FC6] =	sst s2  }
0x8f: {  	_ = 	snop  }
0x90: {  	s2 =	sld [smem:$0x3FD0];
	(tm) =	ssettm $0x1  }
0x91: {  	s18 =	sld [smem:$0x3FFB];
	_ =	sdelay $0x3  }
0x92: {  	_ =	strace s18  }
0x93: {  	s3 =	sld [smem:$0x3FFC];
	_ =	sdelay $0x3  }
0x94: {  	_ =	strace s3  }
0x95: {  	s3 =	sld [smem:$0x3FFD];
	_ =	sdelay $0x3  }
0x96: {  	_ =	strace s3  }
0x97: {  	_ =	strace $0x8FFFFFFF  }
0x98: {  	s19 =	sld [smem:$0x3FDB];
	_ =	sdelay $0x1  }
0x99: {  	s4 =	simm.s32 $_scs_section_size  }
0x9a: {  	s5 =	simm.s32 $_size__tile_overlayer_lowered;
	s6 =	simm.s32 $_tile_overlayer_lowered  }
0x9b: {  	s22 =	simm.s32 $0x1BFF;
	s21 =	sshll.u32 s6, $0x1;
	s3 =	sadd.s32 s4, s19  }
0x9c: {  	s7 =	simm.s32 $0x0;
	s20 =	sshll.u32 s5, $0x1;
	s5 =	sadd.s32 s21, s3  }
0x9d: {  	[timem:s7], [sflag:s22] =	dma.local [hbm:s5], s20  }
0x9e: {  	_ =	swait.ge [sflag:s22], s20  }
0x9f: {  	s4 =	ssub.s32 $0x0, s20;
	[sflag:s22] =	ssyncset.done $0x0  }
0xa0: {  	[sflag:s22] =	ssyncadd.s32 s4;
	_ =	sdelay $0x1  }
0xa1: {  	s23 =	simm.s32 $0x1B8B  }
0xa2: {  	_ =	swait.ge [sflag:s23], $0x1  }
0xa3: {  	[sflag:s23] =	ssyncset.done $0x0  }
0xa4: {  	s25 =	simm.s32 $0x1B8E;
	s24 =	sld [smem:$0x3FFE];
	[sflag:s23] =	ssyncadd.s32 $0xFFFFFFFF  }
0xa5: {  	s26 =	simm.s32 $execute0_lowered;
	[smem:$0x3FD2] =	sst s25  }
0xa6: {  	s5 =	sshll.u32 s26, $0x1;
	_ =	strace $0x80000049;
	[dreg:$0x1] =	wrdreg $0xFFFFFFFF  }
0xa7: {  	s28 =	simm.s32 $_size_execute0_lowered;
	s3 =	sadd.s32 s3, s5;
	[dreg:$0x0] =	wrdreg $0x0  }
0xa8: {  	s5 =	sshll.u32 s28, $0x1;
	[dreg:$0x2] =	wrdreg s3  }
0xa9: {  	[dreg:$0x3] =	wrdreg s5  }
0xaa: {  	[dreg:$0x4] =	wrdreg $0xC0  }
0xab: {  	_ =	task [dreg:s7], $0x5FFFF  }
0xac: {  	[dreg:$0x1] =	wrdreg $0xFFFFFFFF  }
0xad: {  	[dreg:$0x0] =	wrdreg $0x60  }
0xae: {  	[dreg:$0x2] =	wrdreg s24  }
0xaf: {  	[dreg:$0x3] =	wrdreg s2  }
0xb0: {  	[dreg:$0x4] =	wrdreg $0x9  }
0xb1: {  	_ =	task.clear_ibuf [dreg:s7], $0x5FFFF;
	_ =	strace $0x90000049  }
0xb2: {  	s29 =	simm.s32 $0x9;
	_ =	strace $0x8000004B  }
0xb3: {  	_ =	swait.ge [sflag:s29], $0x1  }
0xb4: {  	[sflag:s29] =	ssyncadd.s32 $0xFFFFFFFF  }
0xb5: {  	_ =	strace $0x9000004B  }
0xb6: {  	_ =	sfence  }
0xb7: {  	s30 =	sld [smem:$0x0];
	_ =	sdelay $0x2  }
0xb8: {  	s31 =	sshll.u32 s1, $0xD;
	s1 =	sshrl.u32 s1, $0x2  }
0xb9: {  	s3 =	sand.u32 $0x4000, s31;
	s1 =	sadd.s32 s1, s30  }
0xba: {  	s0 =	sor.u32 s3, s0;
	s1 =	sshll.u32 s1, $0x11  }
0xbb: {  	s0 =	sor.u32 s1, s0  }
0xbc: {  	s0 =	sadd.s32 $0x8F2B, s0  }
0xbd: {  	[sflag:s0] =	ssyncadd.remote.s32 $0x1  }
0xbe: {  	_ =	sfence.sel $0xFFFF  }
0xbf: {  	[dreg:$0x0] =	wrdreg $0xFFFFFFFF;
	(pc) =	sbr.abs _section_cstart, $3  }
0xc0: {  	[dreg:$0x1] =	wrdreg $0xFFFFFFFF  }
0xc1: {  	_ =	task.clear_ibuf [dreg:s7], $0x2FFFF;
	_ =	strace $0x9FFFFFFF  }
0xc2: {  	(tm) =	ssettm $0x7FFFFFFF  }
0xc3: {  	_ =	shalt  }
tec
execute0_lowered:
.L_overlay_start_1:
0x0: {  	(tag) =	ssettag $0x1  }
0x1: {  	s0 =	srdreg.scid;
	s1 =	stileid.u32  }
0x2: {  	s3 =	sand.u32 $0x1, s0;
	s12 =	sshll.u32 s1, $0x1  }
0x3: {  	s0 =	sor.u32 s3, s12  }
0x4: {  	s4 =	smul.u32 $0xC8000, s0  }
0x5: {  	s6 =	smul.u32 $0x48000, s0  }
0x6: {  	s5 =	rddreg [dreg:$0x1];
	s0 =	smul.u32 $0xC80, s0  }
0x7: {  	s2 =	simm.s32 $0x0;
	s1 =	rddreg [dreg:$0x0]  }
0x8: {  	s7 =	sand.u32 $0x1F80000, s4;
	s0 =	sadd.s32 s0, s1;
	s4 =	sshrl.u32 s4, $0x3  }
0x9: {  	[smem:$0x7FF] =	sst s2;
	s0 =	sadd.s32 $0xC00, s0;
	s4 =	sadd.s32 s5, s4  }
0xa: {  	_ =	strace $0x8000004A;
	[dreg:$0x3] =	wrdreg s0;
	s14 =	sadd.s32 $0x1000, s4  }
0xb: {  	s15 =	sadd.s32 $0x2000, s4;
	[dreg:$0x5] =	wrdreg s14  }
0xc: {  	s16 =	sadd.s32 $0x3000, s4;
	[dreg:$0x6] =	wrdreg s15  }
0xd: {  	s17 =	sadd.s32 $0x4000, s4;
	[dreg:$0x7] =	wrdreg s16  }
0xe: {  	s18 =	sadd.s32 $0x5000, s4;
	[dreg:$0x8] =	wrdreg s17  }
0xf: {  	s19 =	sadd.s32 $0x6000, s4;
	[dreg:$0x9] =	wrdreg s18  }
0x10: {  	s20 =	sadd.s32 $0x7000, s4;
	[dreg:$0xa] =	wrdreg s19  }
0x11: {  	s21 =	sadd.s32 $0x8000, s4;
	[dreg:$0xb] =	wrdreg s20  }
0x12: {  	s22 =	sadd.s32 $0x9000, s4;
	[dreg:$0xc] =	wrdreg s21  }
0x13: {  	s23 =	sadd.s32 $0xA000, s4;
	[dreg:$0xd] =	wrdreg s22  }
0x14: {  	s31 =	simm.s32 $0x7;
	s24 =	sadd.s32 $0xB000, s4;
	[dreg:$0xe] =	wrdreg s23  }
0x15: {  	s30 =	simm.s32 $0x2400;
	s25 =	sadd.s32 $0xC000, s4;
	[dreg:$0xf] =	wrdreg s24  }
0x16: {  	s29 =	simm.s32 $0x2800;
	s26 =	sadd.s32 $0xD000, s4;
	[dreg:$0x10] =	wrdreg s25  }
0x17: {  	s28 =	simm.s32 $0x2C00;
	s8 =	sadd.s32 $0xF000, s4;
	[dreg:$0x11] =	wrdreg s26  }
0x18: {  	p0 =	por $0x0, $0x0;
	s10 =	sadd.s32 $0x11000, s4;
	[dreg:$0x13] =	wrdreg s8  }
0x19: {  	s6 =	sand.u32 $0x78000, s6;
	s11 =	sadd.s32 $0x12000, s4;
	[dreg:$0x15] =	wrdreg s10  }
0x1a: {  	s6 =	sor.u32 s6, s7;
	s12 =	sadd.s32 $0x13000, s4;
	[dreg:$0x16] =	wrdreg s11  }
0x1b: {  	s3 =	ssub.s32 $0x2, s3;
	s7 =	sshrl.u32 s6, $0x3;
	[dreg:$0x17] =	wrdreg s12  }
0x1c: {  	s6 =	sadd.s32 $0x80000, s6;
	s13 =	sadd.s32 s5, s7;
	s0 =	rddreg [dreg:$0x3]  }
0x1d: {  	s7 =	sadd.s32 $0xE000, s4;
	s6 =	sshrl.u32 s6, $0x3;
	[dreg:$0x4] =	wrdreg s13  }
0x1e: {  	s14 =	sadd.s32 $0x15000, s4;
	s15 =	sadd.s32 $0x16000, s4;
	[dreg:$0x12] =	wrdreg s7  }
0x1f: {  	s16 =	sshrl.u32 s3, $0x1;
	s17 =	sadd.s32 $0x17000, s4;
	[dreg:$0x19] =	wrdreg s14  }
0x20: {  	s18 =	sadd.s32 $0x18000, s4;
	s11 =	simm.s32 $0x400;
	[dreg:$0x1a] =	wrdreg s15  }
0x21: {  	s20 =	simm.s32 $0x800;
	s21 =	simm.s32 $0xC00;
	[dreg:$0x1b] =	wrdreg s17  }
0x22: {  	s22 =	simm.s32 $0x1000;
	s12 =	simm.s32 $0x2;
	[dreg:$0x1c] =	wrdreg s18  }
0x23: {  	s23 =	simm.s32 $0x1400;
	s8 =	simm.s32 $0x5;
	[dreg:$0x1d] =	wrdreg s20  }
0x24: {  	s24 =	simm.s32 $0x1800;
	s25 =	simm.s32 $0x1C00;
	[dreg:$0x1e] =	wrdreg s21  }
0x25: {  	s10 =	simm.s32 $0x6;
	s26 =	simm.s32 $0x2000;
	[dreg:$0x1f] =	wrdreg s22  }
0x26: {  	s9 =	sadd.s32 s5, s6;
	s13 =	sadd.s32 $0x14000, s4;
	[smem:$0x7FA] =	sst s23  }
0x27: {  	s3 =	ssub.s32 s3, s16;
	s7 =	sadd.s32 $0xF5C000, s1;
	[smem:$0x7FB] =	sst s24  }
0x28: {  	s4 =	simm.s32 $0x6400;
	s6 =	simm.s32 $0x16400;
	[smem:$0x7FC] =	sst s25  }
0x29: {  	s5 =	simm.s32 $0x1;
	[smem:$0x7FD] =	sst s26;
	s26 =	simm.s32 $0x3000  }
0x2a: {  	s25 =	simm.s32 $0x3400;
	s24 =	simm.s32 $0x3800;
	s19 =	smax.u32 s3, $0x1  }
0x2b: {  	s23 =	simm.s32 $0x3C00;
	s22 =	simm.s32 $0x4000;
	p1 =	sne.s32 s19, $0x1  }
.Ltmp0:
0x2c: {  	s21 =	simm.s32 $0x4400;
	s20 =	simm.s32 $0x4800;
	(pc) =	sbr.rel @!p1 .LBB2_3-.Ltmp0, $4  }
0x2d: {  	s18 =	simm.s32 $0x5000;
	s17 =	simm.s32 $0x5400;
	s16 =	simm.s32 $0x5800  }
0x2e: {  	s15 =	simm.s32 $0x5C00;
	s14 =	simm.s32 $0x6000;
	[dreg:$0x14] =	wrdreg s9  }
0x2f: {  	[dreg:$0x18] =	wrdreg s13;
	s9 =	simm.s32 $0xE400;
	s3 =	simm.s32 $0x4  }
0x30: {  	s13 =	simm.s32 $0x3;
	s1 =	sadd.s32 $0xFFFFFFFF, s19;
	s19 =	simm.s32 $0x4C00  }
0x31: {  	[tilespmem:s2], [sflag:$0x7] =	stream.linear.gather [hbm4b:s0+s2], $0x6400, $0x38;
	[tilespmem:$0x1E400] =	vst v63  }
0x32: {  	_ =	swait.ge [sflag:s31], $0x6400  }
0x33: {  	[sflag:s31] =	ssyncset.done $0x0  }
0x34: {  	[sflag:s31] =	ssyncadd.s32 $0xFFFF9C00  }
0x35: {  	[tilespmem:s4], [sflag:$0x1] =	stream.indirect.gather [hbm4b:s7+s11], $0x20, s2, s11, $0xb8;
	[tilespmem:$0x1E400] =	vst v63  }
0x36: {  	_ = 	snop  }
0x37: {  	[tilespmem:s9], [sflag:$0x2] =	stream.indirect.gather [hbm4b:s7+s11], $0x20, s11, s11, $0xb8;
	[tilespmem:$0x1E400] =	vst v63  }
0x38: {  	s0 =	rddreg [dreg:$0x1d]  }
0x39: {  	[tilespmem:s6], [sflag:$0x3] =	stream.indirect.gather [hbm4b:s7+s11], $0x20, s0, s11, $0xb8;
	[tilespmem:$0x1E400] =	vst v63  }
0x3a: {  	_ =	swait.ge [sflag:s5], $0x8000  }
0x3b: {  	[sflag:s5] =	ssyncset.done $0x0  }
0x3c: {  	s0 =	rddreg [dreg:$0x4];
	[sflag:s5] =	ssyncadd.s32 $0xFFFF8000  }
0x3d: {  	[hbm4b:s0+s2] =	stream.linear.scatter [tilespmem:s4], [sflag:$0x4], $0x8000, $0x38;
	[tilespmem:$0x1E400] =	vst v63  }
0x3e: {  	_ =	swait.ge [sflag:s3], $0x8000  }
0x3f: {  	[sflag:s3] =	ssyncset.done $0x0  }
0x40: {  	s0 =	rddreg [dreg:$0x1e];
	[sflag:s3] =	ssyncadd.s32 $0xFFFF8000  }
0x41: {  	[tilespmem:s4], [sflag:$0x1] =	stream.indirect.gather [hbm4b:s7+s11], $0x20, s0, s11, $0xb8;
	[tilespmem:$0x1E400] =	vst v63  }
0x42: {  	_ =	swait.ge [sflag:s12], $0x8000  }
0x43: {  	[sflag:s12] =	ssyncset.done $0x0  }
0x44: {  	s0 =	rddreg [dreg:$0x5];
	[sflag:s12] =	ssyncadd.s32 $0xFFFF8000  }
0x45: {  	[hbm4b:s0+s2] =	stream.linear.scatter [tilespmem:s9], [sflag:$0x5], $0x8000, $0x38;
	[tilespmem:$0x1E400] =	vst v63  }
0x46: {  	_ =	swait.ge [sflag:s8], $0x8000  }
0x47: {  	[sflag:s8] =	ssyncset.done $0x0  }
0x48: {  	s0 =	rddreg [dreg:$0x1f];
	[sflag:s8] =	ssyncadd.s32 $0xFFFF8000  }
0x49: {  	[tilespmem:s9], [sflag:$0x2] =	stream.indirect.gather [hbm4b:s7+s11], $0x20, s0, s11, $0xb8;
	[tilespmem:$0x1E400] =	vst v63  }
0x4a: {  	_ =	swait.ge [sflag:s13], $0x8000  }
0x4b: {  	[sflag:s13] =	ssyncset.done $0x0  }
0x4c: {  	s0 =	rddreg [dreg:$0x6];
	[sflag:s13] =	ssyncadd.s32 $0xFFFF8000  }
0x4d: {  	[hbm4b:s0+s2] =	stream.linear.scatter [tilespmem:s6], [sflag:$0x6], $0x8000, $0x38;
	[tilespmem:$0x1E400] =	vst v63  }
0x4e: {  	_ =	swait.ge [sflag:s10], $0x8000  }
0x4f: {  	s0 =	sld [smem:$0x7FA]  }
0x50: {  	[sflag:s10] =	ssyncset.done $0x0  }
0x51: {  	[sflag:s10] =	ssyncadd.s32 $0xFFFF8000  }
0x52: {  	[tilespmem:s6], [sflag:$0x3] =	stream.indirect.gather [hbm4b:s7+s11], $0x20, s0, s11, $0xb8;
	[tilespmem:$0x1E400] =	vst v63  }
0x53: {  	_ =	swait.ge [sflag:s5], $0x8000  }
0x54: {  	[sflag:s5] =	ssyncset.done $0x0  }
0x55: {  	s0 =	rddreg [dreg:$0x7];
	[sflag:s5] =	ssyncadd.s32 $0xFFFF8000  }
0x56: {  	[hbm4b:s0+s2] =	stream.linear.scatter [tilespmem:s4], [sflag:$0x4], $0x8000, $0x38;
	[tilespmem:$0x1E400] =	vst v63  }
0x57: {  	_ =	swait.ge [sflag:s3], $0x8000  }
0x58: {  	s0 =	sld [smem:$0x7FB]  }
0x59: {  	[sflag:s3] =	ssyncset.done $0x0  }
0x5a: {  	[sflag:s3] =	ssyncadd.s32 $0xFFFF8000  }
0x5b: {  	[tilespmem:s4], [sflag:$0x1] =	stream.indirect.gather [hbm4b:s7+s11], $0x20, s0, s11, $0xb8;
	[tilespmem:$0x1E400] =	vst v63  }
0x5c: {  	_ =	swait.ge [sflag:s12], $0x8000  }
0x5d: {  	[sflag:s12] =	ssyncset.done $0x0  }
0x5e: {  	s0 =	rddreg [dreg:$0x8];
	[sflag:s12] =	ssyncadd.s32 $0xFFFF8000  }
0x5f: {  	[hbm4b:s0+s2] =	stream.linear.scatter [tilespmem:s9], [sflag:$0x5], $0x8000, $0x38;
	[tilespmem:$0x1E400] =	vst v63  }
0x60: {  	_ =	swait.ge [sflag:s8], $0x8000  }
0x61: {  	s0 =	sld [smem:$0x7FC]  }
0x62: {  	[sflag:s8] =	ssyncset.done $0x0  }
0x63: {  	[sflag:s8] =	ssyncadd.s32 $0xFFFF8000  }
0x64: {  	[tilespmem:s9], [sflag:$0x2] =	stream.indirect.gather [hbm4b:s7+s11], $0x20, s0, s11, $0xb8;
	[tilespmem:$0x1E400] =	vst v63  }
0x65: {  	_ =	swait.ge [sflag:s13], $0x8000  }
0x66: {  	[sflag:s13] =	ssyncset.done $0x0  }
0x67: {  	s0 =	rddreg [dreg:$0x9];
	[sflag:s13] =	ssyncadd.s32 $0xFFFF8000  }
0x68: {  	[hbm4b:s0+s2] =	stream.linear.scatter [tilespmem:s6], [sflag:$0x6], $0x8000, $0x38;
	[tilespmem:$0x1E400] =	vst v63  }
0x69: {  	_ =	swait.ge [sflag:s10], $0x8000  }
0x6a: {  	s0 =	sld [smem:$0x7FD]  }
0x6b: {  	[sflag:s10] =	ssyncset.done $0x0  }
0x6c: {  	[sflag:s10] =	ssyncadd.s32 $0xFFFF8000  }
0x6d: {  	[tilespmem:s6], [sflag:$0x3] =	stream.indirect.gather [hbm4b:s7+s11], $0x20, s0, s11, $0xb8;
	[tilespmem:$0x1E400] =	vst v63  }
0x6e: {  	_ =	swait.ge [sflag:s5], $0x8000  }
0x6f: {  	[sflag:s5] =	ssyncset.done $0x0  }
0x70: {  	s0 =	rddreg [dreg:$0xa];
	[sflag:s5] =	ssyncadd.s32 $0xFFFF8000  }
0x71: {  	[hbm4b:s0+s2] =	stream.linear.scatter [tilespmem:s4], [sflag:$0x4], $0x8000, $0x38;
	[tilespmem:$0x1E400] =	vst v63  }
0x72: {  	_ =	swait.ge [sflag:s3], $0x8000  }
0x73: {  	[sflag:s3] =	ssyncset.done $0x0  }
0x74: {  	[sflag:s3] =	ssyncadd.s32 $0xFFFF8000  }
0x75: {  	[tilespmem:s4], [sflag:$0x1] =	stream.indirect.gather [hbm4b:s7+s11], $0x20, s30, s11, $0xb8;
	[tilespmem:$0x1E400] =	vst v63  }
0x76: {  	_ =	swait.ge [sflag:s12], $0x8000  }
0x77: {  	[sflag:s12] =	ssyncset.done $0x0  }
0x78: {  	s0 =	rddreg [dreg:$0xb];
	[sflag:s12] =	ssyncadd.s32 $0xFFFF8000  }
0x79: {  	[hbm4b:s0+s2] =	stream.linear.scatter [tilespmem:s9], [sflag:$0x5], $0x8000, $0x38;
	[tilespmem:$0x1E400] =	vst v63  }
0x7a: {  	_ =	swait.ge [sflag:s8], $0x8000  }
0x7b: {  	[sflag:s8] =	ssyncset.done $0x0  }
0x7c: {  	[sflag:s8] =	ssyncadd.s32 $0xFFFF8000  }
0x7d: {  	[tilespmem:s9], [sflag:$0x2] =	stream.indirect.gather [hbm4b:s7+s11], $0x20, s29, s11, $0xb8;
	[tilespmem:$0x1E400] =	vst v63  }
0x7e: {  	_ =	swait.ge [sflag:s13], $0x8000  }
0x7f: {  	[sflag:s13] =	ssyncset.done $0x0  }
0x80: {  	s0 =	rddreg [dreg:$0xc];
	[sflag:s13] =	ssyncadd.s32 $0xFFFF8000  }
0x81: {  	[hbm4b:s0+s2] =	stream.linear.scatter [tilespmem:s6], [sflag:$0x6], $0x8000, $0x38;
	[tilespmem:$0x1E400] =	vst v63  }
0x82: {  	_ =	swait.ge [sflag:s10], $0x8000  }
0x83: {  	[sflag:s10] =	ssyncset.done $0x0  }
0x84: {  	[sflag:s10] =	ssyncadd.s32 $0xFFFF8000  }
0x85: {  	[tilespmem:s6], [sflag:$0x3] =	stream.indirect.gather [hbm4b:s7+s11], $0x20, s28, s11, $0xb8;
	[tilespmem:$0x1E400] =	vst v63  }
0x86: {  	_ =	swait.ge [sflag:s5], $0x8000  }
0x87: {  	[sflag:s5] =	ssyncset.done $0x0  }
0x88: {  	s0 =	rddreg [dreg:$0xd];
	[sflag:s5] =	ssyncadd.s32 $0xFFFF8000  }
0x89: {  	[hbm4b:s0+s2] =	stream.linear.scatter [tilespmem:s4], [sflag:$0x4], $0x8000, $0x38;
	[tilespmem:$0x1E400] =	vst v63  }
0x8a: {  	_ =	swait.ge [sflag:s3], $0x8000  }
0x8b: {  	[sflag:s3] =	ssyncset.done $0x0  }
0x8c: {  	[sflag:s3] =	ssyncadd.s32 $0xFFFF8000  }
0x8d: {  	[tilespmem:s4], [sflag:$0x1] =	stream.indirect.gather [hbm4b:s7+s11], $0x20, s26, s11, $0xb8;
	[tilespmem:$0x1E400] =	vst v63  }
0x8e: {  	_ =	swait.ge [sflag:s12], $0x8000  }
0x8f: {  	[sflag:s12] =	ssyncset.done $0x0  }
0x90: {  	s0 =	rddreg [dreg:$0xe];
	[sflag:s12] =	ssyncadd.s32 $0xFFFF8000  }
0x91: {  	[hbm4b:s0+s2] =	stream.linear.scatter [tilespmem:s9], [sflag:$0x5], $0x8000, $0x38;
	[tilespmem:$0x1E400] =	vst v63  }
0x92: {  	_ =	swait.ge [sflag:s8], $0x8000  }
0x93: {  	[sflag:s8] =	ssyncset.done $0x0  }
0x94: {  	[sflag:s8] =	ssyncadd.s32 $0xFFFF8000  }
0x95: {  	[tilespmem:s9], [sflag:$0x2] =	stream.indirect.gather [hbm4b:s7+s11], $0x20, s25, s11, $0xb8;
	[tilespmem:$0x1E400] =	vst v63  }
0x96: {  	_ =	swait.ge [sflag:s13], $0x8000  }
0x97: {  	[sflag:s13] =	ssyncset.done $0x0  }
0x98: {  	s0 =	rddreg [dreg:$0xf];
	[sflag:s13] =	ssyncadd.s32 $0xFFFF8000  }
0x99: {  	[hbm4b:s0+s2] =	stream.linear.scatter [tilespmem:s6], [sflag:$0x6], $0x8000, $0x38;
	[tilespmem:$0x1E400] =	vst v63  }
0x9a: {  	_ =	swait.ge [sflag:s10], $0x8000  }
0x9b: {  	[sflag:s10] =	ssyncset.done $0x0  }
0x9c: {  	[sflag:s10] =	ssyncadd.s32 $0xFFFF8000  }
0x9d: {  	[tilespmem:s6], [sflag:$0x3] =	stream.indirect.gather [hbm4b:s7+s11], $0x20, s24, s11, $0xb8;
	[tilespmem:$0x1E400] =	vst v63  }
0x9e: {  	_ =	swait.ge [sflag:s5], $0x8000  }
0x9f: {  	[sflag:s5] =	ssyncset.done $0x0  }
0xa0: {  	s0 =	rddreg [dreg:$0x10];
	[sflag:s5] =	ssyncadd.s32 $0xFFFF8000  }
0xa1: {  	[hbm4b:s0+s2] =	stream.linear.scatter [tilespmem:s4], [sflag:$0x4], $0x8000, $0x38;
	[tilespmem:$0x1E400] =	vst v63  }
0xa2: {  	_ =	swait.ge [sflag:s3], $0x8000  }
0xa3: {  	[sflag:s3] =	ssyncset.done $0x0  }
0xa4: {  	[sflag:s3] =	ssyncadd.s32 $0xFFFF8000  }
0xa5: {  	[tilespmem:s4], [sflag:$0x1] =	stream.indirect.gather [hbm4b:s7+s11], $0x20, s23, s11, $0xb8;
	[tilespmem:$0x1E400] =	vst v63  }
0xa6: {  	_ =	swait.ge [sflag:s12], $0x8000  }
0xa7: {  	[sflag:s12] =	ssyncset.done $0x0  }
0xa8: {  	s0 =	rddreg [dreg:$0x11];
	[sflag:s12] =	ssyncadd.s32 $0xFFFF8000  }
0xa9: {  	[hbm4b:s0+s2] =	stream.linear.scatter [tilespmem:s9], [sflag:$0x5], $0x8000, $0x38;
	[tilespmem:$0x1E400] =	vst v63  }
0xaa: {  	_ =	swait.ge [sflag:s8], $0x8000  }
0xab: {  	[sflag:s8] =	ssyncset.done $0x0  }
0xac: {  	[sflag:s8] =	ssyncadd.s32 $0xFFFF8000  }
0xad: {  	[tilespmem:s9], [sflag:$0x2] =	stream.indirect.gather [hbm4b:s7+s11], $0x20, s22, s11, $0xb8;
	[tilespmem:$0x1E400] =	vst v63  }
0xae: {  	_ =	swait.ge [sflag:s13], $0x8000  }
0xaf: {  	[sflag:s13] =	ssyncset.done $0x0  }
0xb0: {  	s0 =	rddreg [dreg:$0x12];
	[sflag:s13] =	ssyncadd.s32 $0xFFFF8000  }
0xb1: {  	[hbm4b:s0+s2] =	stream.linear.scatter [tilespmem:s6], [sflag:$0x6], $0x8000, $0x38;
	[tilespmem:$0x1E400] =	vst v63  }
0xb2: {  	_ =	swait.ge [sflag:s10], $0x8000  }
0xb3: {  	[sflag:s10] =	ssyncset.done $0x0  }
0xb4: {  	[sflag:s10] =	ssyncadd.s32 $0xFFFF8000  }
0xb5: {  	[tilespmem:s6], [sflag:$0x3] =	stream.indirect.gather [hbm4b:s7+s11], $0x20, s21, s11, $0xb8;
	[tilespmem:$0x1E400] =	vst v63  }
0xb6: {  	_ =	swait.ge [sflag:s5], $0x8000  }
0xb7: {  	[sflag:s5] =	ssyncset.done $0x0  }
0xb8: {  	s0 =	rddreg [dreg:$0x13];
	[sflag:s5] =	ssyncadd.s32 $0xFFFF8000  }
0xb9: {  	[hbm4b:s0+s2] =	stream.linear.scatter [tilespmem:s4], [sflag:$0x4], $0x8000, $0x38;
	[tilespmem:$0x1E400] =	vst v63  }
0xba: {  	_ =	swait.ge [sflag:s3], $0x8000  }
0xbb: {  	[sflag:s3] =	ssyncset.done $0x0  }
0xbc: {  	[sflag:s3] =	ssyncadd.s32 $0xFFFF8000  }
0xbd: {  	[tilespmem:s4], [sflag:$0x1] =	stream.indirect.gather [hbm4b:s7+s11], $0x20, s20, s11, $0xb8;
	[tilespmem:$0x1E400] =	vst v63  }
0xbe: {  	_ =	swait.ge [sflag:s12], $0x8000  }
0xbf: {  	[sflag:s12] =	ssyncset.done $0x0  }
0xc0: {  	s0 =	rddreg [dreg:$0x14];
	[sflag:s12] =	ssyncadd.s32 $0xFFFF8000  }
0xc1: {  	[hbm4b:s0+s2] =	stream.linear.scatter [tilespmem:s9], [sflag:$0x5], $0x8000, $0x38;
	[tilespmem:$0x1E400] =	vst v63  }
0xc2: {  	_ =	swait.ge [sflag:s8], $0x8000  }
0xc3: {  	[sflag:s8] =	ssyncset.done $0x0  }
0xc4: {  	[sflag:s8] =	ssyncadd.s32 $0xFFFF8000  }
0xc5: {  	[tilespmem:s9], [sflag:$0x2] =	stream.indirect.gather [hbm4b:s7+s11], $0x20, s19, s11, $0xb8;
	[tilespmem:$0x1E400] =	vst v63  }
0xc6: {  	_ =	swait.ge [sflag:s13], $0x8000  }
0xc7: {  	[sflag:s13] =	ssyncset.done $0x0  }
0xc8: {  	s0 =	rddreg [dreg:$0x15];
	[sflag:s13] =	ssyncadd.s32 $0xFFFF8000  }
0xc9: {  	[hbm4b:s0+s2] =	stream.linear.scatter [tilespmem:s6], [sflag:$0x6], $0x8000, $0x38;
	[tilespmem:$0x1E400] =	vst v63  }
0xca: {  	_ =	swait.ge [sflag:s10], $0x8000  }
0xcb: {  	[sflag:s10] =	ssyncset.done $0x0  }
0xcc: {  	[sflag:s10] =	ssyncadd.s32 $0xFFFF8000  }
0xcd: {  	[tilespmem:s6], [sflag:$0x3] =	stream.indirect.gather [hbm4b:s7+s11], $0x20, s18, s11, $0xb8;
	[tilespmem:$0x1E400] =	vst v63  }
0xce: {  	_ =	swait.ge [sflag:s5], $0x8000  }
0xcf: {  	[sflag:s5] =	ssyncset.done $0x0  }
0xd0: {  	s0 =	rddreg [dreg:$0x16];
	[sflag:s5] =	ssyncadd.s32 $0xFFFF8000  }
0xd1: {  	[hbm4b:s0+s2] =	stream.linear.scatter [tilespmem:s4], [sflag:$0x4], $0x8000, $0x38;
	[tilespmem:$0x1E400] =	vst v63  }
0xd2: {  	_ =	swait.ge [sflag:s3], $0x8000  }
0xd3: {  	[sflag:s3] =	ssyncset.done $0x0  }
0xd4: {  	[sflag:s3] =	ssyncadd.s32 $0xFFFF8000  }
0xd5: {  	[tilespmem:s4], [sflag:$0x1] =	stream.indirect.gather [hbm4b:s7+s11], $0x20, s17, s11, $0xb8;
	[tilespmem:$0x1E400] =	vst v63  }
0xd6: {  	_ =	swait.ge [sflag:s12], $0x8000  }
0xd7: {  	[sflag:s12] =	ssyncset.done $0x0  }
0xd8: {  	s0 =	rddreg [dreg:$0x17];
	[sflag:s12] =	ssyncadd.s32 $0xFFFF8000  }
0xd9: {  	[hbm4b:s0+s2] =	stream.linear.scatter [tilespmem:s9], [sflag:$0x5], $0x8000, $0x38;
	[tilespmem:$0x1E400] =	vst v63  }
0xda: {  	_ =	swait.ge [sflag:s8], $0x8000  }
0xdb: {  	[sflag:s8] =	ssyncset.done $0x0  }
0xdc: {  	[sflag:s8] =	ssyncadd.s32 $0xFFFF8000  }
0xdd: {  	[tilespmem:s9], [sflag:$0x2] =	stream.indirect.gather [hbm4b:s7+s11], $0x20, s16, s11, $0xb8;
	[tilespmem:$0x1E400] =	vst v63  }
0xde: {  	_ =	swait.ge [sflag:s13], $0x8000  }
0xdf: {  	[sflag:s13] =	ssyncset.done $0x0  }
0xe0: {  	s0 =	rddreg [dreg:$0x18];
	[sflag:s13] =	ssyncadd.s32 $0xFFFF8000  }
0xe1: {  	[hbm4b:s0+s2] =	stream.linear.scatter [tilespmem:s6], [sflag:$0x6], $0x8000, $0x38;
	[tilespmem:$0x1E400] =	vst v63  }
0xe2: {  	_ =	swait.ge [sflag:s10], $0x8000  }
0xe3: {  	[sflag:s10] =	ssyncset.done $0x0  }
0xe4: {  	[sflag:s10] =	ssyncadd.s32 $0xFFFF8000  }
0xe5: {  	[tilespmem:s6], [sflag:$0x3] =	stream.indirect.gather [hbm4b:s7+s11], $0x20, s15, s11, $0xb8;
	[tilespmem:$0x1E400] =	vst v63  }
0xe6: {  	_ =	swait.ge [sflag:s5], $0x8000  }
0xe7: {  	[sflag:s5] =	ssyncset.done $0x0  }
0xe8: {  	s0 =	rddreg [dreg:$0x19];
	[sflag:s5] =	ssyncadd.s32 $0xFFFF8000  }
0xe9: {  	[hbm4b:s0+s2] =	stream.linear.scatter [tilespmem:s4], [sflag:$0x4], $0x8000, $0x38;
	[tilespmem:$0x1E400] =	vst v63  }
0xea: {  	_ =	swait.ge [sflag:s3], $0x8000  }
0xeb: {  	[sflag:s3] =	ssyncset.done $0x0  }
0xec: {  	[sflag:s3] =	ssyncadd.s32 $0xFFFF8000  }
0xed: {  	[tilespmem:s4], [sflag:$0x1] =	stream.indirect.gather [hbm4b:s7+s11], $0x20, s14, s11, $0xb8;
	[tilespmem:$0x1E400] =	vst v63  }
0xee: {  	_ =	swait.ge [sflag:s12], $0x8000  }
0xef: {  	[sflag:s12] =	ssyncset.done $0x0  }
0xf0: {  	s0 =	rddreg [dreg:$0x1a];
	[sflag:s12] =	ssyncadd.s32 $0xFFFF8000  }
0xf1: {  	[hbm4b:s0+s2] =	stream.linear.scatter [tilespmem:s9], [sflag:$0x5], $0x8000, $0x38;
	[tilespmem:$0x1E400] =	vst v63  }
0xf2: {  	_ =	swait.ge [sflag:s13], $0x8000  }
0xf3: {  	[sflag:s13] =	ssyncset.done $0x0  }
0xf4: {  	s0 =	rddreg [dreg:$0x1b];
	[sflag:s13] =	ssyncadd.s32 $0xFFFF8000  }
0xf5: {  	[hbm4b:s0+s2] =	stream.linear.scatter [tilespmem:s6], [sflag:$0x6], $0x8000, $0x38;
	[tilespmem:$0x1E400] =	vst v63  }
0xf6: {  	_ =	swait.ge [sflag:s5], $0x8000  }
0xf7: {  	[sflag:s5] =	ssyncset.done $0x0  }
0xf8: {  	s0 =	rddreg [dreg:$0x1c];
	[sflag:s5] =	ssyncadd.s32 $0xFFFF8000  }
0xf9: {  	[hbm4b:s0+s2] =	stream.linear.scatter [tilespmem:s4], [sflag:$0x4], $0x8000, $0x38;
	[tilespmem:$0x1E400] =	vst v63  }
0xfa: {  	_ =	swait.ge [sflag:s8], $0x8000  }
0xfb: {  	[sflag:s8] =	ssyncset.done $0x0  }
0xfc: {  	p1 =	sne.s32 s1, $0x1;
	[sflag:s8] =	ssyncadd.s32 $0xFFFF8000  }
.Ltmp1:
0xfd: {  	_ =	swait.ge [sflag:s10], $0x8000;
	(pc) =	sbr.rel @!p1 .LBB2_3-.Ltmp1, $4  }
0xfe: {  	[sflag:s10] =	ssyncset.done $0x0  }
0xff: {  	[sflag:s10] =	ssyncadd.s32 $0xFFFF8000  }
0x100: {  	s1 =	sadd.s32 $0xFFFFFFFF, s1;
	_ =	swait.ge [sflag:s3], $0x8000  }
0x101: {  	p0 =	por $0x1, $0x1;
	s0 =	rddreg [dreg:$0x3];
	[sflag:s3] =	ssyncset.done $0x0  }
.LBB2_2:
0x102: {  	[sflag:s3] =	ssyncadd.s32 $0xFFFF8000  }
0x103: {  	[tilespmem:s2], [sflag:$0x7] =	stream.linear.gather [hbm4b:s0+s2], $0x6400, $0x38;
	[tilespmem:$0x1E400] =	vst v63  }
0x104: {  	_ =	swait.ge [sflag:s31], $0x6400  }
0x105: {  	[sflag:s31] =	ssyncset.done $0x0  }
0x106: {  	[sflag:s31] =	ssyncadd.s32 $0xFFFF9C00  }
0x107: {  	[tilespmem:s4], [sflag:$0x1] =	stream.indirect.gather [hbm4b:s7+s11], $0x20, s2, s11, $0xb8;
	[tilespmem:$0x1E400] =	vst v63  }
0x108: {  	_ = 	snop  }
0x109: {  	[tilespmem:s9], [sflag:$0x2] =	stream.indirect.gather [hbm4b:s7+s11], $0x20, s11, s11, $0xb8;
	[tilespmem:$0x1E400] =	vst v63  }
0x10a: {  	s0 =	rddreg [dreg:$0x1d]  }
0x10b: {  	[tilespmem:s6], [sflag:$0x3] =	stream.indirect.gather [hbm4b:s7+s11], $0x20, s0, s11, $0xb8;
	[tilespmem:$0x1E400] =	vst v63  }
0x10c: {  	_ =	swait.ge [sflag:s5], $0x8000  }
0x10d: {  	[sflag:s5] =	ssyncset.done $0x0  }
0x10e: {  	s0 =	rddreg [dreg:$0x4];
	[sflag:s5] =	ssyncadd.s32 $0xFFFF8000  }
0x10f: {  	[hbm4b:s0+s2] =	stream.linear.scatter [tilespmem:s4], [sflag:$0x4], $0x8000, $0x38;
	[tilespmem:$0x1E400] =	vst v63  }
0x110: {  	_ =	swait.ge [sflag:s3], $0x8000  }
0x111: {  	[sflag:s3] =	ssyncset.done $0x0  }
0x112: {  	s0 =	rddreg [dreg:$0x1e];
	[sflag:s3] =	ssyncadd.s32 $0xFFFF8000  }
0x113: {  	[tilespmem:s4], [sflag:$0x1] =	stream.indirect.gather [hbm4b:s7+s11], $0x20, s0, s11, $0xb8;
	[tilespmem:$0x1E400] =	vst v63  }
0x114: {  	_ =	swait.ge [sflag:s12], $0x8000  }
0x115: {  	[sflag:s12] =	ssyncset.done $0x0  }
0x116: {  	s0 =	rddreg [dreg:$0x5];
	[sflag:s12] =	ssyncadd.s32 $0xFFFF8000  }
0x117: {  	[hbm4b:s0+s2] =	stream.linear.scatter [tilespmem:s9], [sflag:$0x5], $0x8000, $0x38;
	[tilespmem:$0x1E400] =	vst v63  }
0x118: {  	_ =	swait.ge [sflag:s8], $0x8000  }
0x119: {  	[sflag:s8] =	ssyncset.done $0x0  }
0x11a: {  	s0 =	rddreg [dreg:$0x1f];
	[sflag:s8] =	ssyncadd.s32 $0xFFFF8000  }
0x11b: {  	[tilespmem:s9], [sflag:$0x2] =	stream.indirect.gather [hbm4b:s7+s11], $0x20, s0, s11, $0xb8;
	[tilespmem:$0x1E400] =	vst v63  }
0x11c: {  	_ =	swait.ge [sflag:s13], $0x8000  }
0x11d: {  	[sflag:s13] =	ssyncset.done $0x0  }
0x11e: {  	s0 =	rddreg [dreg:$0x6];
	[sflag:s13] =	ssyncadd.s32 $0xFFFF8000  }
0x11f: {  	[hbm4b:s0+s2] =	stream.linear.scatter [tilespmem:s6], [sflag:$0x6], $0x8000, $0x38;
	[tilespmem:$0x1E400] =	vst v63  }
0x120: {  	_ =	swait.ge [sflag:s10], $0x8000  }
0x121: {  	s0 =	sld [smem:$0x7FA]  }
0x122: {  	[sflag:s10] =	ssyncset.done $0x0  }
0x123: {  	[sflag:s10] =	ssyncadd.s32 $0xFFFF8000  }
0x124: {  	[tilespmem:s6], [sflag:$0x3] =	stream.indirect.gather [hbm4b:s7+s11], $0x20, s0, s11, $0xb8;
	[tilespmem:$0x1E400] =	vst v63  }
0x125: {  	_ =	swait.ge [sflag:s5], $0x8000  }
0x126: {  	[sflag:s5] =	ssyncset.done $0x0  }
0x127: {  	s0 =	rddreg [dreg:$0x7];
	[sflag:s5] =	ssyncadd.s32 $0xFFFF8000  }
0x128: {  	[hbm4b:s0+s2] =	stream.linear.scatter [tilespmem:s4], [sflag:$0x4], $0x8000, $0x38;
	[tilespmem:$0x1E400] =	vst v63  }
0x129: {  	_ =	swait.ge [sflag:s3], $0x8000  }
0x12a: {  	s0 =	sld [smem:$0x7FB]  }
0x12b: {  	[sflag:s3] =	ssyncset.done $0x0  }
0x12c: {  	[sflag:s3] =	ssyncadd.s32 $0xFFFF8000  }
0x12d: {  	[tilespmem:s4], [sflag:$0x1] =	stream.indirect.gather [hbm4b:s7+s11], $0x20, s0, s11, $0xb8;
	[tilespmem:$0x1E400] =	vst v63  }
0x12e: {  	_ =	swait.ge [sflag:s12], $0x8000  }
0x12f: {  	[sflag:s12] =	ssyncset.done $0x0  }
0x130: {  	s0 =	rddreg [dreg:$0x8];
	[sflag:s12] =	ssyncadd.s32 $0xFFFF8000  }
0x131: {  	[hbm4b:s0+s2] =	stream.linear.scatter [tilespmem:s9], [sflag:$0x5], $0x8000, $0x38;
	[tilespmem:$0x1E400] =	vst v63  }
0x132: {  	_ =	swait.ge [sflag:s8], $0x8000  }
0x133: {  	s0 =	sld [smem:$0x7FC]  }
0x134: {  	[sflag:s8] =	ssyncset.done $0x0  }
0x135: {  	[sflag:s8] =	ssyncadd.s32 $0xFFFF8000  }
0x136: {  	[tilespmem:s9], [sflag:$0x2] =	stream.indirect.gather [hbm4b:s7+s11], $0x20, s0, s11, $0xb8;
	[tilespmem:$0x1E400] =	vst v63  }
0x137: {  	_ =	swait.ge [sflag:s13], $0x8000  }
0x138: {  	[sflag:s13] =	ssyncset.done $0x0  }
0x139: {  	s0 =	rddreg [dreg:$0x9];
	[sflag:s13] =	ssyncadd.s32 $0xFFFF8000  }
0x13a: {  	[hbm4b:s0+s2] =	stream.linear.scatter [tilespmem:s6], [sflag:$0x6], $0x8000, $0x38;
	[tilespmem:$0x1E400] =	vst v63  }
0x13b: {  	_ =	swait.ge [sflag:s10], $0x8000  }
0x13c: {  	s0 =	sld [smem:$0x7FD]  }
0x13d: {  	[sflag:s10] =	ssyncset.done $0x0  }
0x13e: {  	[sflag:s10] =	ssyncadd.s32 $0xFFFF8000  }
0x13f: {  	[tilespmem:s6], [sflag:$0x3] =	stream.indirect.gather [hbm4b:s7+s11], $0x20, s0, s11, $0xb8;
	[tilespmem:$0x1E400] =	vst v63  }
0x140: {  	_ =	swait.ge [sflag:s5], $0x8000  }
0x141: {  	[sflag:s5] =	ssyncset.done $0x0  }
0x142: {  	s0 =	rddreg [dreg:$0xa];
	[sflag:s5] =	ssyncadd.s32 $0xFFFF8000  }
0x143: {  	[hbm4b:s0+s2] =	stream.linear.scatter [tilespmem:s4], [sflag:$0x4], $0x8000, $0x38;
	[tilespmem:$0x1E400] =	vst v63  }
0x144: {  	_ =	swait.ge [sflag:s3], $0x8000  }
0x145: {  	[sflag:s3] =	ssyncset.done $0x0  }
0x146: {  	[sflag:s3] =	ssyncadd.s32 $0xFFFF8000  }
0x147: {  	[tilespmem:s4], [sflag:$0x1] =	stream.indirect.gather [hbm4b:s7+s11], $0x20, s30, s11, $0xb8;
	[tilespmem:$0x1E400] =	vst v63  }
0x148: {  	_ =	swait.ge [sflag:s12], $0x8000  }
0x149: {  	[sflag:s12] =	ssyncset.done $0x0  }
0x14a: {  	s0 =	rddreg [dreg:$0xb];
	[sflag:s12] =	ssyncadd.s32 $0xFFFF8000  }
0x14b: {  	[hbm4b:s0+s2] =	stream.linear.scatter [tilespmem:s9], [sflag:$0x5], $0x8000, $0x38;
	[tilespmem:$0x1E400] =	vst v63  }
0x14c: {  	_ =	swait.ge [sflag:s8], $0x8000  }
0x14d: {  	[sflag:s8] =	ssyncset.done $0x0  }
0x14e: {  	[sflag:s8] =	ssyncadd.s32 $0xFFFF8000  }
0x14f: {  	[tilespmem:s9], [sflag:$0x2] =	stream.indirect.gather [hbm4b:s7+s11], $0x20, s29, s11, $0xb8;
	[tilespmem:$0x1E400] =	vst v63  }
0x150: {  	_ =	swait.ge [sflag:s13], $0x8000  }
0x151: {  	[sflag:s13] =	ssyncset.done $0x0  }
0x152: {  	s0 =	rddreg [dreg:$0xc];
	[sflag:s13] =	ssyncadd.s32 $0xFFFF8000  }
0x153: {  	[hbm4b:s0+s2] =	stream.linear.scatter [tilespmem:s6], [sflag:$0x6], $0x8000, $0x38;
	[tilespmem:$0x1E400] =	vst v63  }
0x154: {  	_ =	swait.ge [sflag:s10], $0x8000  }
0x155: {  	[sflag:s10] =	ssyncset.done $0x0  }
0x156: {  	[sflag:s10] =	ssyncadd.s32 $0xFFFF8000  }
0x157: {  	[tilespmem:s6], [sflag:$0x3] =	stream.indirect.gather [hbm4b:s7+s11], $0x20, s28, s11, $0xb8;
	[tilespmem:$0x1E400] =	vst v63  }
0x158: {  	_ =	swait.ge [sflag:s5], $0x8000  }
0x159: {  	[sflag:s5] =	ssyncset.done $0x0  }
0x15a: {  	s0 =	rddreg [dreg:$0xd];
	[sflag:s5] =	ssyncadd.s32 $0xFFFF8000  }
0x15b: {  	[hbm4b:s0+s2] =	stream.linear.scatter [tilespmem:s4], [sflag:$0x4], $0x8000, $0x38;
	[tilespmem:$0x1E400] =	vst v63  }
0x15c: {  	_ =	swait.ge [sflag:s3], $0x8000  }
0x15d: {  	[sflag:s3] =	ssyncset.done $0x0  }
0x15e: {  	[sflag:s3] =	ssyncadd.s32 $0xFFFF8000  }
0x15f: {  	[tilespmem:s4], [sflag:$0x1] =	stream.indirect.gather [hbm4b:s7+s11], $0x20, s26, s11, $0xb8;
	[tilespmem:$0x1E400] =	vst v63  }
0x160: {  	_ =	swait.ge [sflag:s12], $0x8000  }
0x161: {  	[sflag:s12] =	ssyncset.done $0x0  }
0x162: {  	s0 =	rddreg [dreg:$0xe];
	[sflag:s12] =	ssyncadd.s32 $0xFFFF8000  }
0x163: {  	[hbm4b:s0+s2] =	stream.linear.scatter [tilespmem:s9], [sflag:$0x5], $0x8000, $0x38;
	[tilespmem:$0x1E400] =	vst v63  }
0x164: {  	_ =	swait.ge [sflag:s8], $0x8000  }
0x165: {  	[sflag:s8] =	ssyncset.done $0x0  }
0x166: {  	[sflag:s8] =	ssyncadd.s32 $0xFFFF8000  }
0x167: {  	[tilespmem:s9], [sflag:$0x2] =	stream.indirect.gather [hbm4b:s7+s11], $0x20, s25, s11, $0xb8;
	[tilespmem:$0x1E400] =	vst v63  }
0x168: {  	_ =	swait.ge [sflag:s13], $0x8000  }
0x169: {  	[sflag:s13] =	ssyncset.done $0x0  }
0x16a: {  	s0 =	rddreg [dreg:$0xf];
	[sflag:s13] =	ssyncadd.s32 $0xFFFF8000  }
0x16b: {  	[hbm4b:s0+s2] =	stream.linear.scatter [tilespmem:s6], [sflag:$0x6], $0x8000, $0x38;
	[tilespmem:$0x1E400] =	vst v63  }
0x16c: {  	_ =	swait.ge [sflag:s10], $0x8000  }
0x16d: {  	[sflag:s10] =	ssyncset.done $0x0  }
0x16e: {  	[sflag:s10] =	ssyncadd.s32 $0xFFFF8000  }
0x16f: {  	[tilespmem:s6], [sflag:$0x3] =	stream.indirect.gather [hbm4b:s7+s11], $0x20, s24, s11, $0xb8;
	[tilespmem:$0x1E400] =	vst v63  }
0x170: {  	_ =	swait.ge [sflag:s5], $0x8000  }
0x171: {  	[sflag:s5] =	ssyncset.done $0x0  }
0x172: {  	s0 =	rddreg [dreg:$0x10];
	[sflag:s5] =	ssyncadd.s32 $0xFFFF8000  }
0x173: {  	[hbm4b:s0+s2] =	stream.linear.scatter [tilespmem:s4], [sflag:$0x4], $0x8000, $0x38;
	[tilespmem:$0x1E400] =	vst v63  }
0x174: {  	_ =	swait.ge [sflag:s3], $0x8000  }
0x175: {  	[sflag:s3] =	ssyncset.done $0x0  }
0x176: {  	[sflag:s3] =	ssyncadd.s32 $0xFFFF8000  }
0x177: {  	[tilespmem:s4], [sflag:$0x1] =	stream.indirect.gather [hbm4b:s7+s11], $0x20, s23, s11, $0xb8;
	[tilespmem:$0x1E400] =	vst v63  }
0x178: {  	_ =	swait.ge [sflag:s12], $0x8000  }
0x179: {  	[sflag:s12] =	ssyncset.done $0x0  }
0x17a: {  	s0 =	rddreg [dreg:$0x11];
	[sflag:s12] =	ssyncadd.s32 $0xFFFF8000  }
0x17b: {  	[hbm4b:s0+s2] =	stream.linear.scatter [tilespmem:s9], [sflag:$0x5], $0x8000, $0x38;
	[tilespmem:$0x1E400] =	vst v63  }
0x17c: {  	_ =	swait.ge [sflag:s8], $0x8000  }
0x17d: {  	[sflag:s8] =	ssyncset.done $0x0  }
0x17e: {  	[sflag:s8] =	ssyncadd.s32 $0xFFFF8000  }
0x17f: {  	[tilespmem:s9], [sflag:$0x2] =	stream.indirect.gather [hbm4b:s7+s11], $0x20, s22, s11, $0xb8;
	[tilespmem:$0x1E400] =	vst v63  }
0x180: {  	_ =	swait.ge [sflag:s13], $0x8000  }
0x181: {  	[sflag:s13] =	ssyncset.done $0x0  }
0x182: {  	s0 =	rddreg [dreg:$0x12];
	[sflag:s13] =	ssyncadd.s32 $0xFFFF8000  }
0x183: {  	[hbm4b:s0+s2] =	stream.linear.scatter [tilespmem:s6], [sflag:$0x6], $0x8000, $0x38;
	[tilespmem:$0x1E400] =	vst v63  }
0x184: {  	_ =	swait.ge [sflag:s10], $0x8000  }
0x185: {  	[sflag:s10] =	ssyncset.done $0x0  }
0x186: {  	[sflag:s10] =	ssyncadd.s32 $0xFFFF8000  }
0x187: {  	[tilespmem:s6], [sflag:$0x3] =	stream.indirect.gather [hbm4b:s7+s11], $0x20, s21, s11, $0xb8;
	[tilespmem:$0x1E400] =	vst v63  }
0x188: {  	_ =	swait.ge [sflag:s5], $0x8000  }
0x189: {  	[sflag:s5] =	ssyncset.done $0x0  }
0x18a: {  	s0 =	rddreg [dreg:$0x13];
	[sflag:s5] =	ssyncadd.s32 $0xFFFF8000  }
0x18b: {  	[hbm4b:s0+s2] =	stream.linear.scatter [tilespmem:s4], [sflag:$0x4], $0x8000, $0x38;
	[tilespmem:$0x1E400] =	vst v63  }
0x18c: {  	_ =	swait.ge [sflag:s3], $0x8000  }
0x18d: {  	[sflag:s3] =	ssyncset.done $0x0  }
0x18e: {  	[sflag:s3] =	ssyncadd.s32 $0xFFFF8000  }
0x18f: {  	[tilespmem:s4], [sflag:$0x1] =	stream.indirect.gather [hbm4b:s7+s11], $0x20, s20, s11, $0xb8;
	[tilespmem:$0x1E400] =	vst v63  }
0x190: {  	_ =	swait.ge [sflag:s12], $0x8000  }
0x191: {  	[sflag:s12] =	ssyncset.done $0x0  }
0x192: {  	s0 =	rddreg [dreg:$0x14];
	[sflag:s12] =	ssyncadd.s32 $0xFFFF8000  }
0x193: {  	[hbm4b:s0+s2] =	stream.linear.scatter [tilespmem:s9], [sflag:$0x5], $0x8000, $0x38;
	[tilespmem:$0x1E400] =	vst v63  }
0x194: {  	_ =	swait.ge [sflag:s8], $0x8000  }
0x195: {  	[sflag:s8] =	ssyncset.done $0x0  }
0x196: {  	[sflag:s8] =	ssyncadd.s32 $0xFFFF8000  }
0x197: {  	[tilespmem:s9], [sflag:$0x2] =	stream.indirect.gather [hbm4b:s7+s11], $0x20, s19, s11, $0xb8;
	[tilespmem:$0x1E400] =	vst v63  }
0x198: {  	_ =	swait.ge [sflag:s13], $0x8000  }
0x199: {  	[sflag:s13] =	ssyncset.done $0x0  }
0x19a: {  	s0 =	rddreg [dreg:$0x15];
	[sflag:s13] =	ssyncadd.s32 $0xFFFF8000  }
0x19b: {  	[hbm4b:s0+s2] =	stream.linear.scatter [tilespmem:s6], [sflag:$0x6], $0x8000, $0x38;
	[tilespmem:$0x1E400] =	vst v63  }
0x19c: {  	_ =	swait.ge [sflag:s10], $0x8000  }
0x19d: {  	[sflag:s10] =	ssyncset.done $0x0  }
0x19e: {  	[sflag:s10] =	ssyncadd.s32 $0xFFFF8000  }
0x19f: {  	[tilespmem:s6], [sflag:$0x3] =	stream.indirect.gather [hbm4b:s7+s11], $0x20, s18, s11, $0xb8;
	[tilespmem:$0x1E400] =	vst v63  }
0x1a0: {  	_ =	swait.ge [sflag:s5], $0x8000  }
0x1a1: {  	[sflag:s5] =	ssyncset.done $0x0  }
0x1a2: {  	s0 =	rddreg [dreg:$0x16];
	[sflag:s5] =	ssyncadd.s32 $0xFFFF8000  }
0x1a3: {  	[hbm4b:s0+s2] =	stream.linear.scatter [tilespmem:s4], [sflag:$0x4], $0x8000, $0x38;
	[tilespmem:$0x1E400] =	vst v63  }
0x1a4: {  	_ =	swait.ge [sflag:s3], $0x8000  }
0x1a5: {  	[sflag:s3] =	ssyncset.done $0x0  }
0x1a6: {  	[sflag:s3] =	ssyncadd.s32 $0xFFFF8000  }
0x1a7: {  	[tilespmem:s4], [sflag:$0x1] =	stream.indirect.gather [hbm4b:s7+s11], $0x20, s17, s11, $0xb8;
	[tilespmem:$0x1E400] =	vst v63  }
0x1a8: {  	_ =	swait.ge [sflag:s12], $0x8000  }
0x1a9: {  	[sflag:s12] =	ssyncset.done $0x0  }
0x1aa: {  	s0 =	rddreg [dreg:$0x17];
	[sflag:s12] =	ssyncadd.s32 $0xFFFF8000  }
0x1ab: {  	[hbm4b:s0+s2] =	stream.linear.scatter [tilespmem:s9], [sflag:$0x5], $0x8000, $0x38;
	[tilespmem:$0x1E400] =	vst v63  }
0x1ac: {  	_ =	swait.ge [sflag:s8], $0x8000  }
0x1ad: {  	[sflag:s8] =	ssyncset.done $0x0  }
0x1ae: {  	[sflag:s8] =	ssyncadd.s32 $0xFFFF8000  }
0x1af: {  	[tilespmem:s9], [sflag:$0x2] =	stream.indirect.gather [hbm4b:s7+s11], $0x20, s16, s11, $0xb8;
	[tilespmem:$0x1E400] =	vst v63  }
0x1b0: {  	_ =	swait.ge [sflag:s13], $0x8000  }
0x1b1: {  	[sflag:s13] =	ssyncset.done $0x0  }
0x1b2: {  	s0 =	rddreg [dreg:$0x18];
	[sflag:s13] =	ssyncadd.s32 $0xFFFF8000  }
0x1b3: {  	[hbm4b:s0+s2] =	stream.linear.scatter [tilespmem:s6], [sflag:$0x6], $0x8000, $0x38;
	[tilespmem:$0x1E400] =	vst v63  }
0x1b4: {  	_ =	swait.ge [sflag:s10], $0x8000  }
0x1b5: {  	[sflag:s10] =	ssyncset.done $0x0  }
0x1b6: {  	[sflag:s10] =	ssyncadd.s32 $0xFFFF8000  }
0x1b7: {  	[tilespmem:s6], [sflag:$0x3] =	stream.indirect.gather [hbm4b:s7+s11], $0x20, s15, s11, $0xb8;
	[tilespmem:$0x1E400] =	vst v63  }
0x1b8: {  	_ =	swait.ge [sflag:s5], $0x8000  }
0x1b9: {  	[sflag:s5] =	ssyncset.done $0x0  }
0x1ba: {  	s0 =	rddreg [dreg:$0x19];
	[sflag:s5] =	ssyncadd.s32 $0xFFFF8000  }
0x1bb: {  	[hbm4b:s0+s2] =	stream.linear.scatter [tilespmem:s4], [sflag:$0x4], $0x8000, $0x38;
	[tilespmem:$0x1E400] =	vst v63  }
0x1bc: {  	_ =	swait.ge [sflag:s3], $0x8000  }
0x1bd: {  	[sflag:s3] =	ssyncset.done $0x0  }
0x1be: {  	[sflag:s3] =	ssyncadd.s32 $0xFFFF8000  }
0x1bf: {  	[tilespmem:s4], [sflag:$0x1] =	stream.indirect.gather [hbm4b:s7+s11], $0x20, s14, s11, $0xb8;
	[tilespmem:$0x1E400] =	vst v63  }
0x1c0: {  	_ =	swait.ge [sflag:s12], $0x8000  }
0x1c1: {  	[sflag:s12] =	ssyncset.done $0x0  }
0x1c2: {  	s0 =	rddreg [dreg:$0x1a];
	[sflag:s12] =	ssyncadd.s32 $0xFFFF8000  }
0x1c3: {  	[hbm4b:s0+s2] =	stream.linear.scatter [tilespmem:s9], [sflag:$0x5], $0x8000, $0x38;
	[tilespmem:$0x1E400] =	vst v63  }
0x1c4: {  	_ =	swait.ge [sflag:s13], $0x8000  }
0x1c5: {  	[sflag:s13] =	ssyncset.done $0x0  }
0x1c6: {  	s0 =	rddreg [dreg:$0x1b];
	[sflag:s13] =	ssyncadd.s32 $0xFFFF8000  }
0x1c7: {  	[hbm4b:s0+s2] =	stream.linear.scatter [tilespmem:s6], [sflag:$0x6], $0x8000, $0x38;
	[tilespmem:$0x1E400] =	vst v63  }
0x1c8: {  	_ =	swait.ge [sflag:s5], $0x8000  }
0x1c9: {  	[sflag:s5] =	ssyncset.done $0x0  }
0x1ca: {  	s0 =	rddreg [dreg:$0x1c];
	[sflag:s5] =	ssyncadd.s32 $0xFFFF8000  }
0x1cb: {  	[hbm4b:s0+s2] =	stream.linear.scatter [tilespmem:s4], [sflag:$0x4], $0x8000, $0x38;
	[tilespmem:$0x1E400] =	vst v63  }
0x1cc: {  	_ =	swait.ge [sflag:s8], $0x8000  }
0x1cd: {  	[sflag:s8] =	ssyncset.done $0x0  }
0x1ce: {  	p1 =	sne.s32 s1, $0x1;
	[sflag:s8] =	ssyncadd.s32 $0xFFFF8000  }
.Ltmp2:
0x1cf: {  	_ =	swait.ge [sflag:s10], $0x8000;
	(pc) =	sbr.rel @p1 .LBB2_2-.Ltmp2, $4  }
0x1d0: {  	[sflag:s10] =	ssyncset.done $0x0  }
0x1d1: {  	[sflag:s10] =	ssyncadd.s32 $0xFFFF8000  }
0x1d2: {  	_ =	swait.ge [sflag:s3], $0x8000  }
0x1d3: {  	s1 =	sadd.s32 $0xFFFFFFFF, s1;
	s0 =	rddreg [dreg:$0x3];
	[sflag:s3] =	ssyncset.done $0x0  }
.LBB2_3:
0x1d4: {  	[sflag:s3] =	ssyncadd.s32 @p0 $0xFFFF8000  }
0x1d5: {  	[tilespmem:s2], [sflag:$0x7] =	stream.linear.gather [hbm4b:s0+s2], $0x6400, $0x38;
	[tilespmem:$0x1E400] =	vst v63  }
0x1d6: {  	_ =	swait.ge [sflag:s31], $0x6400  }
0x1d7: {  	[sflag:s31] =	ssyncset.done $0x0  }
0x1d8: {  	[sflag:s31] =	ssyncadd.s32 $0xFFFF9C00  }
0x1d9: {  	[tilespmem:s4], [sflag:$0x1] =	stream.indirect.gather [hbm4b:s7+s11], $0x20, s2, s11, $0xb8;
	[tilespmem:$0x1E400] =	vst v63  }
0x1da: {  	_ = 	snop  }
0x1db: {  	[tilespmem:s9], [sflag:$0x2] =	stream.indirect.gather [hbm4b:s7+s11], $0x20, s11, s11, $0xb8;
	[tilespmem:$0x1E400] =	vst v63  }
0x1dc: {  	s31 =	rddreg [dreg:$0x1d]  }
0x1dd: {  	[tilespmem:s6], [sflag:$0x3] =	stream.indirect.gather [hbm4b:s7+s11], $0x20, s31, s11, $0xb8;
	[tilespmem:$0x1E400] =	vst v63  }
0x1de: {  	_ =	swait.ge [sflag:s5], $0x8000  }
0x1df: {  	[sflag:s5] =	ssyncset.done $0x0  }
0x1e0: {  	s1 =	rddreg [dreg:$0x4];
	[sflag:s5] =	ssyncadd.s32 $0xFFFF8000  }
0x1e1: {  	[hbm4b:s1+s2] =	stream.linear.scatter [tilespmem:s4], [sflag:$0x4], $0x8000, $0x38;
	[tilespmem:$0x1E400] =	vst v63  }
0x1e2: {  	_ =	swait.ge [sflag:s3], $0x8000  }
0x1e3: {  	[sflag:s3] =	ssyncset.done $0x0  }
0x1e4: {  	s31 =	rddreg [dreg:$0x1e];
	[sflag:s3] =	ssyncadd.s32 $0xFFFF8000  }
0x1e5: {  	[tilespmem:s4], [sflag:$0x1] =	stream.indirect.gather [hbm4b:s7+s11], $0x20, s31, s11, $0xb8;
	[tilespmem:$0x1E400] =	vst v63  }
0x1e6: {  	_ =	swait.ge [sflag:s12], $0x8000  }
0x1e7: {  	[sflag:s12] =	ssyncset.done $0x0  }
0x1e8: {  	s1 =	rddreg [dreg:$0x5];
	[sflag:s12] =	ssyncadd.s32 $0xFFFF8000  }
0x1e9: {  	[hbm4b:s1+s2] =	stream.linear.scatter [tilespmem:s9], [sflag:$0x5], $0x8000, $0x38;
	[tilespmem:$0x1E400] =	vst v63  }
0x1ea: {  	_ =	swait.ge [sflag:s8], $0x8000  }
0x1eb: {  	[sflag:s8] =	ssyncset.done $0x0  }
0x1ec: {  	s31 =	rddreg [dreg:$0x1f];
	[sflag:s8] =	ssyncadd.s32 $0xFFFF8000  }
0x1ed: {  	[tilespmem:s9], [sflag:$0x2] =	stream.indirect.gather [hbm4b:s7+s11], $0x20, s31, s11, $0xb8;
	[tilespmem:$0x1E400] =	vst v63  }
0x1ee: {  	_ =	swait.ge [sflag:s13], $0x8000  }
0x1ef: {  	[sflag:s13] =	ssyncset.done $0x0  }
0x1f0: {  	s1 =	rddreg [dreg:$0x6];
	[sflag:s13] =	ssyncadd.s32 $0xFFFF8000  }
0x1f1: {  	[hbm4b:s1+s2] =	stream.linear.scatter [tilespmem:s6], [sflag:$0x6], $0x8000, $0x38;
	[tilespmem:$0x1E400] =	vst v63  }
0x1f2: {  	_ =	swait.ge [sflag:s10], $0x8000  }
0x1f3: {  	s31 =	sld [smem:$0x7FA]  }
0x1f4: {  	[sflag:s10] =	ssyncset.done $0x0  }
0x1f5: {  	[sflag:s10] =	ssyncadd.s32 $0xFFFF8000  }
0x1f6: {  	[tilespmem:s6], [sflag:$0x3] =	stream.indirect.gather [hbm4b:s7+s11], $0x20, s31, s11, $0xb8;
	[tilespmem:$0x1E400] =	vst v63  }
0x1f7: {  	_ =	swait.ge [sflag:s5], $0x8000  }
0x1f8: {  	[sflag:s5] =	ssyncset.done $0x0  }
0x1f9: {  	s1 =	rddreg [dreg:$0x7];
	[sflag:s5] =	ssyncadd.s32 $0xFFFF8000  }
0x1fa: {  	[hbm4b:s1+s2] =	stream.linear.scatter [tilespmem:s4], [sflag:$0x4], $0x8000, $0x38;
	[tilespmem:$0x1E400] =	vst v63  }
0x1fb: {  	_ =	swait.ge [sflag:s3], $0x8000  }
0x1fc: {  	s31 =	sld [smem:$0x7FB]  }
0x1fd: {  	[sflag:s3] =	ssyncset.done $0x0  }
0x1fe: {  	[sflag:s3] =	ssyncadd.s32 $0xFFFF8000  }
0x1ff: {  	[tilespmem:s4], [sflag:$0x1] =	stream.indirect.gather [hbm4b:s7+s11], $0x20, s31, s11, $0xb8;
	[tilespmem:$0x1E400] =	vst v63  }
0x200: {  	_ =	swait.ge [sflag:s12], $0x8000  }
0x201: {  	[sflag:s12] =	ssyncset.done $0x0  }
0x202: {  	s1 =	rddreg [dreg:$0x8];
	[sflag:s12] =	ssyncadd.s32 $0xFFFF8000  }
0x203: {  	[hbm4b:s1+s2] =	stream.linear.scatter [tilespmem:s9], [sflag:$0x5], $0x8000, $0x38;
	[tilespmem:$0x1E400] =	vst v63  }
0x204: {  	_ =	swait.ge [sflag:s8], $0x8000  }
0x205: {  	s31 =	sld [smem:$0x7FC]  }
0x206: {  	[sflag:s8] =	ssyncset.done $0x0  }
0x207: {  	[sflag:s8] =	ssyncadd.s32 $0xFFFF8000  }
0x208: {  	[tilespmem:s9], [sflag:$0x2] =	stream.indirect.gather [hbm4b:s7+s11], $0x20, s31, s11, $0xb8;
	[tilespmem:$0x1E400] =	vst v63  }
0x209: {  	_ =	swait.ge [sflag:s13], $0x8000  }
0x20a: {  	[sflag:s13] =	ssyncset.done $0x0  }
0x20b: {  	s1 =	rddreg [dreg:$0x9];
	[sflag:s13] =	ssyncadd.s32 $0xFFFF8000  }
0x20c: {  	[hbm4b:s1+s2] =	stream.linear.scatter [tilespmem:s6], [sflag:$0x6], $0x8000, $0x38;
	[tilespmem:$0x1E400] =	vst v63  }
0x20d: {  	_ =	swait.ge [sflag:s10], $0x8000  }
0x20e: {  	s31 =	sld [smem:$0x7FD]  }
0x20f: {  	[sflag:s10] =	ssyncset.done $0x0  }
0x210: {  	[sflag:s10] =	ssyncadd.s32 $0xFFFF8000  }
0x211: {  	[tilespmem:s6], [sflag:$0x3] =	stream.indirect.gather [hbm4b:s7+s11], $0x20, s31, s11, $0xb8;
	[tilespmem:$0x1E400] =	vst v63  }
0x212: {  	_ =	swait.ge [sflag:s5], $0x8000  }
0x213: {  	[sflag:s5] =	ssyncset.done $0x0  }
0x214: {  	s1 =	rddreg [dreg:$0xa];
	[sflag:s5] =	ssyncadd.s32 $0xFFFF8000  }
0x215: {  	[hbm4b:s1+s2] =	stream.linear.scatter [tilespmem:s4], [sflag:$0x4], $0x8000, $0x38;
	[tilespmem:$0x1E400] =	vst v63  }
0x216: {  	_ =	swait.ge [sflag:s3], $0x8000  }
0x217: {  	[sflag:s3] =	ssyncset.done $0x0  }
0x218: {  	[sflag:s3] =	ssyncadd.s32 $0xFFFF8000  }
0x219: {  	[tilespmem:s4], [sflag:$0x1] =	stream.indirect.gather [hbm4b:s7+s11], $0x20, s30, s11, $0xb8;
	[tilespmem:$0x1E400] =	vst v63  }
0x21a: {  	_ =	swait.ge [sflag:s12], $0x8000  }
0x21b: {  	[sflag:s12] =	ssyncset.done $0x0  }
0x21c: {  	s30 =	rddreg [dreg:$0xb];
	[sflag:s12] =	ssyncadd.s32 $0xFFFF8000  }
0x21d: {  	[hbm4b:s30+s2] =	stream.linear.scatter [tilespmem:s9], [sflag:$0x5], $0x8000, $0x38;
	[tilespmem:$0x1E400] =	vst v63  }
0x21e: {  	_ =	swait.ge [sflag:s8], $0x8000  }
0x21f: {  	[sflag:s8] =	ssyncset.done $0x0  }
0x220: {  	[sflag:s8] =	ssyncadd.s32 $0xFFFF8000  }
0x221: {  	[tilespmem:s9], [sflag:$0x2] =	stream.indirect.gather [hbm4b:s7+s11], $0x20, s29, s11, $0xb8;
	[tilespmem:$0x1E400] =	vst v63  }
0x222: {  	_ =	swait.ge [sflag:s13], $0x8000  }
0x223: {  	[sflag:s13] =	ssyncset.done $0x0  }
0x224: {  	s31 =	rddreg [dreg:$0xc];
	[sflag:s13] =	ssyncadd.s32 $0xFFFF8000  }
0x225: {  	[hbm4b:s31+s2] =	stream.linear.scatter [tilespmem:s6], [sflag:$0x6], $0x8000, $0x38;
	[tilespmem:$0x1E400] =	vst v63  }
0x226: {  	_ =	swait.ge [sflag:s10], $0x8000  }
0x227: {  	[sflag:s10] =	ssyncset.done $0x0  }
0x228: {  	[sflag:s10] =	ssyncadd.s32 $0xFFFF8000  }
0x229: {  	[tilespmem:s6], [sflag:$0x3] =	stream.indirect.gather [hbm4b:s7+s11], $0x20, s28, s11, $0xb8;
	[tilespmem:$0x1E400] =	vst v63  }
0x22a: {  	_ =	swait.ge [sflag:s5], $0x8000  }
0x22b: {  	[sflag:s5] =	ssyncset.done $0x0  }
0x22c: {  	s1 =	rddreg [dreg:$0xd];
	[sflag:s5] =	ssyncadd.s32 $0xFFFF8000  }
0x22d: {  	[hbm4b:s1+s2] =	stream.linear.scatter [tilespmem:s4], [sflag:$0x4], $0x8000, $0x38;
	[tilespmem:$0x1E400] =	vst v63  }
0x22e: {  	_ =	swait.ge [sflag:s3], $0x8000  }
0x22f: {  	[sflag:s3] =	ssyncset.done $0x0  }
0x230: {  	[sflag:s3] =	ssyncadd.s32 $0xFFFF8000  }
0x231: {  	[tilespmem:s4], [sflag:$0x1] =	stream.indirect.gather [hbm4b:s7+s11], $0x20, s26, s11, $0xb8;
	[tilespmem:$0x1E400] =	vst v63  }
0x232: {  	_ =	swait.ge [sflag:s12], $0x8000  }
0x233: {  	[sflag:s12] =	ssyncset.done $0x0  }
0x234: {  	s26 =	rddreg [dreg:$0xe];
	[sflag:s12] =	ssyncadd.s32 $0xFFFF8000  }
0x235: {  	[hbm4b:s26+s2] =	stream.linear.scatter [tilespmem:s9], [sflag:$0x5], $0x8000, $0x38;
	[tilespmem:$0x1E400] =	vst v63  }
0x236: {  	_ =	swait.ge [sflag:s8], $0x8000  }
0x237: {  	[sflag:s8] =	ssyncset.done $0x0  }
0x238: {  	[sflag:s8] =	ssyncadd.s32 $0xFFFF8000  }
0x239: {  	[tilespmem:s9], [sflag:$0x2] =	stream.indirect.gather [hbm4b:s7+s11], $0x20, s25, s11, $0xb8;
	[tilespmem:$0x1E400] =	vst v63  }
0x23a: {  	_ =	swait.ge [sflag:s13], $0x8000  }
0x23b: {  	[sflag:s13] =	ssyncset.done $0x0  }
0x23c: {  	s28 =	rddreg [dreg:$0xf];
	[sflag:s13] =	ssyncadd.s32 $0xFFFF8000  }
0x23d: {  	[hbm4b:s28+s2] =	stream.linear.scatter [tilespmem:s6], [sflag:$0x6], $0x8000, $0x38;
	[tilespmem:$0x1E400] =	vst v63  }
0x23e: {  	_ =	swait.ge [sflag:s10], $0x8000  }
0x23f: {  	[sflag:s10] =	ssyncset.done $0x0  }
0x240: {  	[sflag:s10] =	ssyncadd.s32 $0xFFFF8000  }
0x241: {  	[tilespmem:s6], [sflag:$0x3] =	stream.indirect.gather [hbm4b:s7+s11], $0x20, s24, s11, $0xb8;
	[tilespmem:$0x1E400] =	vst v63  }
0x242: {  	_ =	swait.ge [sflag:s5], $0x8000  }
0x243: {  	[sflag:s5] =	ssyncset.done $0x0  }
0x244: {  	s29 =	rddreg [dreg:$0x10];
	[sflag:s5] =	ssyncadd.s32 $0xFFFF8000  }
0x245: {  	[hbm4b:s29+s2] =	stream.linear.scatter [tilespmem:s4], [sflag:$0x4], $0x8000, $0x38;
	[tilespmem:$0x1E400] =	vst v63  }
0x246: {  	_ =	swait.ge [sflag:s3], $0x8000  }
0x247: {  	[sflag:s3] =	ssyncset.done $0x0  }
0x248: {  	[sflag:s3] =	ssyncadd.s32 $0xFFFF8000  }
0x249: {  	[tilespmem:s4], [sflag:$0x1] =	stream.indirect.gather [hbm4b:s7+s11], $0x20, s23, s11, $0xb8;
	[tilespmem:$0x1E400] =	vst v63  }
0x24a: {  	_ =	swait.ge [sflag:s12], $0x8000  }
0x24b: {  	[sflag:s12] =	ssyncset.done $0x0  }
0x24c: {  	s30 =	rddreg [dreg:$0x11];
	[sflag:s12] =	ssyncadd.s32 $0xFFFF8000  }
0x24d: {  	[hbm4b:s30+s2] =	stream.linear.scatter [tilespmem:s9], [sflag:$0x5], $0x8000, $0x38;
	[tilespmem:$0x1E400] =	vst v63  }
0x24e: {  	_ =	swait.ge [sflag:s8], $0x8000  }
0x24f: {  	[sflag:s8] =	ssyncset.done $0x0  }
0x250: {  	[sflag:s8] =	ssyncadd.s32 $0xFFFF8000  }
0x251: {  	[tilespmem:s9], [sflag:$0x2] =	stream.indirect.gather [hbm4b:s7+s11], $0x20, s22, s11, $0xb8;
	[tilespmem:$0x1E400] =	vst v63  }
0x252: {  	_ =	swait.ge [sflag:s13], $0x8000  }
0x253: {  	[sflag:s13] =	ssyncset.done $0x0  }
0x254: {  	s31 =	rddreg [dreg:$0x12];
	[sflag:s13] =	ssyncadd.s32 $0xFFFF8000  }
0x255: {  	[hbm4b:s31+s2] =	stream.linear.scatter [tilespmem:s6], [sflag:$0x6], $0x8000, $0x38;
	[tilespmem:$0x1E400] =	vst v63  }
0x256: {  	_ =	swait.ge [sflag:s10], $0x8000  }
0x257: {  	[sflag:s10] =	ssyncset.done $0x0  }
0x258: {  	[sflag:s10] =	ssyncadd.s32 $0xFFFF8000  }
0x259: {  	[tilespmem:s6], [sflag:$0x3] =	stream.indirect.gather [hbm4b:s7+s11], $0x20, s21, s11, $0xb8;
	[tilespmem:$0x1E400] =	vst v63  }
0x25a: {  	_ =	swait.ge [sflag:s5], $0x8000  }
0x25b: {  	[sflag:s5] =	ssyncset.done $0x0  }
0x25c: {  	s1 =	rddreg [dreg:$0x13];
	[sflag:s5] =	ssyncadd.s32 $0xFFFF8000  }
0x25d: {  	[hbm4b:s1+s2] =	stream.linear.scatter [tilespmem:s4], [sflag:$0x4], $0x8000, $0x38;
	[tilespmem:$0x1E400] =	vst v63  }
0x25e: {  	_ =	swait.ge [sflag:s3], $0x8000  }
0x25f: {  	[sflag:s3] =	ssyncset.done $0x0  }
0x260: {  	[sflag:s3] =	ssyncadd.s32 $0xFFFF8000  }
0x261: {  	[tilespmem:s4], [sflag:$0x1] =	stream.indirect.gather [hbm4b:s7+s11], $0x20, s20, s11, $0xb8;
	[tilespmem:$0x1E400] =	vst v63  }
0x262: {  	_ =	swait.ge [sflag:s12], $0x8000  }
0x263: {  	[sflag:s12] =	ssyncset.done $0x0  }
0x264: {  	s21 =	rddreg [dreg:$0x14];
	[sflag:s12] =	ssyncadd.s32 $0xFFFF8000  }
0x265: {  	[hbm4b:s21+s2] =	stream.linear.scatter [tilespmem:s9], [sflag:$0x5], $0x8000, $0x38;
	[tilespmem:$0x1E400] =	vst v63  }
0x266: {  	_ =	swait.ge [sflag:s8], $0x8000  }
0x267: {  	[sflag:s8] =	ssyncset.done $0x0  }
0x268: {  	[sflag:s8] =	ssyncadd.s32 $0xFFFF8000  }
0x269: {  	[tilespmem:s9], [sflag:$0x2] =	stream.indirect.gather [hbm4b:s7+s11], $0x20, s19, s11, $0xb8;
	[tilespmem:$0x1E400] =	vst v63  }
0x26a: {  	_ =	swait.ge [sflag:s13], $0x8000  }
0x26b: {  	[sflag:s13] =	ssyncset.done $0x0  }
0x26c: {  	s22 =	rddreg [dreg:$0x15];
	[sflag:s13] =	ssyncadd.s32 $0xFFFF8000  }
0x26d: {  	[hbm4b:s22+s2] =	stream.linear.scatter [tilespmem:s6], [sflag:$0x6], $0x8000, $0x38;
	[tilespmem:$0x1E400] =	vst v63  }
0x26e: {  	_ =	swait.ge [sflag:s10], $0x8000  }
0x26f: {  	[sflag:s10] =	ssyncset.done $0x0  }
0x270: {  	[sflag:s10] =	ssyncadd.s32 $0xFFFF8000  }
0x271: {  	[tilespmem:s6], [sflag:$0x3] =	stream.indirect.gather [hbm4b:s7+s11], $0x20, s18, s11, $0xb8;
	[tilespmem:$0x1E400] =	vst v63  }
0x272: {  	_ =	swait.ge [sflag:s5], $0x8000  }
0x273: {  	[sflag:s5] =	ssyncset.done $0x0  }
0x274: {  	s23 =	rddreg [dreg:$0x16];
	[sflag:s5] =	ssyncadd.s32 $0xFFFF8000  }
0x275: {  	[hbm4b:s23+s2] =	stream.linear.scatter [tilespmem:s4], [sflag:$0x4], $0x8000, $0x38;
	[tilespmem:$0x1E400] =	vst v63  }
0x276: {  	_ =	swait.ge [sflag:s3], $0x8000  }
0x277: {  	[sflag:s3] =	ssyncset.done $0x0  }
0x278: {  	[sflag:s3] =	ssyncadd.s32 $0xFFFF8000  }
0x279: {  	[tilespmem:s4], [sflag:$0x1] =	stream.indirect.gather [hbm4b:s7+s11], $0x20, s17, s11, $0xb8;
	[tilespmem:$0x1E400] =	vst v63  }
0x27a: {  	_ =	swait.ge [sflag:s12], $0x8000  }
0x27b: {  	[sflag:s12] =	ssyncset.done $0x0  }
0x27c: {  	s24 =	rddreg [dreg:$0x17];
	[sflag:s12] =	ssyncadd.s32 $0xFFFF8000  }
0x27d: {  	[hbm4b:s24+s2] =	stream.linear.scatter [tilespmem:s9], [sflag:$0x5], $0x8000, $0x38;
	[tilespmem:$0x1E400] =	vst v63  }
0x27e: {  	_ =	swait.ge [sflag:s8], $0x8000  }
0x27f: {  	[sflag:s8] =	ssyncset.done $0x0  }
0x280: {  	[sflag:s8] =	ssyncadd.s32 $0xFFFF8000  }
0x281: {  	[tilespmem:s9], [sflag:$0x2] =	stream.indirect.gather [hbm4b:s7+s11], $0x20, s16, s11, $0xb8;
	[tilespmem:$0x1E400] =	vst v63  }
0x282: {  	_ =	swait.ge [sflag:s13], $0x8000  }
0x283: {  	[sflag:s13] =	ssyncset.done $0x0  }
0x284: {  	s25 =	rddreg [dreg:$0x18];
	[sflag:s13] =	ssyncadd.s32 $0xFFFF8000  }
0x285: {  	[hbm4b:s25+s2] =	stream.linear.scatter [tilespmem:s6], [sflag:$0x6], $0x8000, $0x38;
	[tilespmem:$0x1E400] =	vst v63  }
0x286: {  	_ =	swait.ge [sflag:s10], $0x8000  }
0x287: {  	[sflag:s10] =	ssyncset.done $0x0  }
0x288: {  	[sflag:s10] =	ssyncadd.s32 $0xFFFF8000  }
0x289: {  	[tilespmem:s6], [sflag:$0x3] =	stream.indirect.gather [hbm4b:s7+s11], $0x20, s15, s11, $0xb8;
	[tilespmem:$0x1E400] =	vst v63  }
0x28a: {  	_ =	swait.ge [sflag:s5], $0x8000  }
0x28b: {  	[sflag:s5] =	ssyncset.done $0x0  }
0x28c: {  	s26 =	rddreg [dreg:$0x19];
	[sflag:s5] =	ssyncadd.s32 $0xFFFF8000  }
0x28d: {  	[hbm4b:s26+s2] =	stream.linear.scatter [tilespmem:s4], [sflag:$0x4], $0x8000, $0x38;
	[tilespmem:$0x1E400] =	vst v63  }
0x28e: {  	_ =	swait.ge [sflag:s3], $0x8000  }
0x28f: {  	[sflag:s3] =	ssyncset.done $0x0  }
0x290: {  	[sflag:s3] =	ssyncadd.s32 $0xFFFF8000  }
0x291: {  	[tilespmem:s4], [sflag:$0x1] =	stream.indirect.gather [hbm4b:s7+s11], $0x20, s14, s11, $0xb8;
	[tilespmem:$0x1E400] =	vst v63  }
0x292: {  	_ =	swait.ge [sflag:s12], $0x8000  }
0x293: {  	[sflag:s12] =	ssyncset.done $0x0  }
0x294: {  	s28 =	rddreg [dreg:$0x1a];
	[sflag:s12] =	ssyncadd.s32 $0xFFFF8000  }
0x295: {  	[hbm4b:s28+s2] =	stream.linear.scatter [tilespmem:s9], [sflag:$0x5], $0x8000, $0x38;
	[tilespmem:$0x1E400] =	vst v63  }
0x296: {  	_ =	swait.ge [sflag:s13], $0x8000  }
0x297: {  	[sflag:s13] =	ssyncset.done $0x0  }
0x298: {  	s29 =	rddreg [dreg:$0x1b];
	[sflag:s13] =	ssyncadd.s32 $0xFFFF8000  }
0x299: {  	[hbm4b:s29+s2] =	stream.linear.scatter [tilespmem:s6], [sflag:$0x6], $0x8000, $0x38;
	[tilespmem:$0x1E400] =	vst v63  }
0x29a: {  	_ =	swait.ge [sflag:s5], $0x8000  }
0x29b: {  	[sflag:s5] =	ssyncset.done $0x0  }
0x29c: {  	s30 =	rddreg [dreg:$0x1c];
	[sflag:s5] =	ssyncadd.s32 $0xFFFF8000  }
0x29d: {  	[hbm4b:s30+s2] =	stream.linear.scatter [tilespmem:s4], [sflag:$0x4], $0x8000, $0x38;
	[tilespmem:$0x1E400] =	vst v63  }
0x29e: {  	_ =	swait.ge [sflag:s8], $0x8000  }
0x29f: {  	[sflag:s8] =	ssyncset.done $0x0  }
0x2a0: {  	[sflag:s8] =	ssyncadd.s32 $0xFFFF8000  }
0x2a1: {  	_ =	swait.ge [sflag:s10], $0x8000  }
0x2a2: {  	[sflag:s10] =	ssyncset.done $0x0  }
0x2a3: {  	[sflag:s10] =	ssyncadd.s32 $0xFFFF8000  }
0x2a4: {  	_ =	swait.ge [sflag:s3], $0x8000  }
0x2a5: {  	[sflag:s3] =	ssyncset.done $0x0  }
0x2a6: {  	[sflag:s3] =	ssyncadd.s32 $0xFFFF8000  }
0x2a7: {  	_ =	sfence.sel $0x180000  }
0x2a8: {  	[bflag:$0x0] =	sbarrier.arrive $0xFFFF  }
0x2a9: {  	_ =	strace $0x9000004A  }
0x2aa: {  	s31 =	stileid.u32;
	[bflag:$0x2] =	sbarrier.arrive $0xFFFF  }
0x2ab: {  	p0 =	sne.s32 s31, $0x0;
	s0 =	rddreg [dreg:$0x2]  }
0x2ac: {  	s0 =	sadd.s32 @!p0 $0x100000, s0  }
0x2ad: {  	[sflag:s0] =	ssyncadd.tile.s32 @!p0 $0x1;
	_ =	shalt  }
.Lfunc_end2:
_tile_overlayer_lowered:
.L_overlay_start_2:
0x2ae: {  	(tag) =	ssettag $0x2  }
0x2af: {  	s0 =	rddreg [dreg:$0x0];
	s2 =	stileid.u32  }
0x2b0: {  	s1 =	rddreg [dreg:$0x1];
	p0 =	sne.s32 s2, $0x0  }
0x2b1: {  	s3 =	rddreg [dreg:$0x2];
	[bflag:$0x3] =	sbarrier.arrive $0xFFFF;
	s2 =	simm.s32 @!p0 $0x1C07  }
0x2b2: {  	[timem:s3], [sflag:s2] =	dma.local @!p0 [hbm:s0], s1  }
0x2b3: {  	s0 =	simm.s32 @!p0 $0x7  }
0x2b4: {  	_ =	swait.ge @!p0 [sflag:s0], s1  }
0x2b5: {  	s1 =	ssub.s32 @!p0 $0x0, s1;
	[sflag:s0] =	ssyncset.done @!p0 $0x0  }
0x2b6: {  	[sflag:s0] =	ssyncadd.s32 @!p0 s1  }
0x2b7: {  	[bflag:$0x3] =	sbarrier.arrive $0xFFFF  }
0x2b8: {  	_ =	shalt  }

// kernel: sparse-core-data-format-call.cloned.1.call-start
scs
called_computation_lowered:
.L_overlay_start_0:
0x0: {  	s2 =	sld [smem:$0x3FD9]  }
0x1: {  	s3 =	sld [smem:$0x3FFE];
	_ =	sdelay $0x1  }
0x2: {  	s1 =	srdreg.scid  }
0x3: {  	s0 =	sand.u32 $0x1, s1  }
0x4: {  	s18 =	sshll.u32 s0, $0xA;
	s2 =	sadd.s32 s3, s2  }
0x5: {  	s2 =	sadd.s32 s2, s18  }
0x6: {  	[smem:$0x3FC6] =	sst s2  }
0x7: {  	_ = 	snop  }
0x8: {  	s2 =	sld [smem:$0x3FD0];
	(tm) =	ssettm $0x1  }
0x9: {  	s19 =	sld [smem:$0x3FFB];
	_ =	sdelay $0x3  }
0xa: {  	_ =	strace s19  }
0xb: {  	s3 =	sld [smem:$0x3FFC];
	_ =	sdelay $0x3  }
0xc: {  	_ =	strace s3  }
0xd: {  	s3 =	sld [smem:$0x3FFD];
	_ =	sdelay $0x3  }
0xe: {  	_ =	strace s3  }
0xf: {  	_ =	strace $0x8FFFFFFF  }
0x10: {  	s20 =	sld [smem:$0x3FDB];
	_ =	sdelay $0x1  }
0x11: {  	s4 =	simm.s32 $_scs_section_size  }
0x12: {  	s5 =	simm.s32 $_size__tile_overlayer_lowered;
	s6 =	simm.s32 $_tile_overlayer_lowered  }
0x13: {  	s23 =	simm.s32 $0x1BFF;
	s22 =	sshll.u32 s6, $0x1;
	s3 =	sadd.s32 s4, s20  }
0x14: {  	s7 =	simm.s32 $0x0;
	s21 =	sshll.u32 s5, $0x1;
	s5 =	sadd.s32 s22, s3  }
0x15: {  	[timem:s7], [sflag:s23] =	dma.local [hbm:s5], s21  }
0x16: {  	_ =	swait.ge [sflag:s23], s21  }
0x17: {  	s4 =	ssub.s32 $0x0, s21;
	[sflag:s23] =	ssyncset.done $0x0  }
0x18: {  	[sflag:s23] =	ssyncadd.s32 s4;
	_ =	sdelay $0x1  }
0x19: {  	s24 =	simm.s32 $0x1B8B  }
0x1a: {  	_ =	swait.ge [sflag:s24], $0x1  }
0x1b: {  	[sflag:s24] =	ssyncset.done $0x0  }
0x1c: {  	s26 =	simm.s32 $0x1B8E;
	s25 =	sld [smem:$0x3FFE];
	[sflag:s24] =	ssyncadd.s32 $0xFFFFFFFF  }
0x1d: {  	s27 =	simm.s32 $execute0_lowered;
	[smem:$0x3FD2] =	sst s26  }
0x1e: {  	s5 =	sshll.u32 s27, $0x1;
	_ =	strace $0x8000004C;
	[dreg:$0x1] =	wrdreg $0xFFFFFFFF  }
0x1f: {  	s28 =	simm.s32 $_size_execute0_lowered;
	s3 =	sadd.s32 s3, s5;
	[dreg:$0x0] =	wrdreg $0x0  }
0x20: {  	s5 =	sshll.u32 s28, $0x1;
	[dreg:$0x2] =	wrdreg s3  }
0x21: {  	[dreg:$0x3] =	wrdreg s5  }
0x22: {  	[dreg:$0x4] =	wrdreg $0xC0  }
0x23: {  	_ =	task [dreg:s7], $0x5FFFF  }
0x24: {  	[dreg:$0x1] =	wrdreg $0xFFFFFFFF  }
0x25: {  	[dreg:$0x0] =	wrdreg $0x60  }
0x26: {  	[dreg:$0x2] =	wrdreg s25  }
0x27: {  	[dreg:$0x3] =	wrdreg s2  }
0x28: {  	[dreg:$0x4] =	wrdreg $0x9  }
0x29: {  	_ =	task.clear_ibuf [dreg:s7], $0x5FFFF;
	_ =	strace $0x9000004C  }
0x2a: {  	s29 =	simm.s32 $0x9;
	_ =	strace $0x8000004E  }
0x2b: {  	_ =	swait.ge [sflag:s29], $0x1  }
0x2c: {  	[sflag:s29] =	ssyncadd.s32 $0xFFFFFFFF  }
0x2d: {  	_ =	strace $0x9000004E  }
0x2e: {  	_ =	sfence  }
0x2f: {  	s30 =	sld [smem:$0x0];
	_ =	sdelay $0x2  }
0x30: {  	s31 =	sshll.u32 s1, $0xD;
	s1 =	sshrl.u32 s1, $0x2  }
0x31: {  	s3 =	sand.u32 $0x4000, s31;
	s1 =	sadd.s32 s1, s30  }
0x32: {  	s0 =	sor.u32 s3, s0;
	s1 =	sshll.u32 s1, $0x11  }
0x33: {  	s0 =	sor.u32 s1, s0  }
0x34: {  	s0 =	sadd.s32 $0x8F2B, s0  }
0x35: {  	[sflag:s0] =	ssyncadd.remote.s32 $0x1  }
0x36: {  	_ =	sfence.sel $0xFFFF  }
0x37: {  	[dreg:$0x0] =	wrdreg $0xFFFFFFFF;
	(pc) =	sbr.abs _section_cstart, $3  }
0x38: {  	[dreg:$0x1] =	wrdreg $0xFFFFFFFF  }
0x39: {  	_ =	task.clear_ibuf [dreg:s7], $0x2FFFF;
	_ =	strace $0x9FFFFFFF  }
0x3a: {  	(tm) =	ssettm $0x7FFFFFFF  }
0x3b: {  	_ =	shalt  }
tec
execute0_lowered:
.L_overlay_start_1:
0x0: {  	(tag) =	ssettag $0x1  }
0x1: {  	s0 =	srdreg.scid  }
0x2: {  	s1 =	sshll.u32 s0, $0x4  }
0x3: {  	s0 =	stileid.u32;
	s1 =	sand.u32 $0x10, s1  }
0x4: {  	s7 =	rddreg [dreg:$0x0];
	s1 =	sor.u32 s0, s1  }
0x5: {  	s4 =	simm.s32 $0x1;
	s8 =	simm.s32 $0x2;
	s2 =	sshll.u32 s1, $0x7  }
0x6: {  	s13 =	simm.s32 $0x0;
	s9 =	simm.s32 $0x20000;
	s1 =	ssub.s32 $0x4000, s2  }
0x7: {  	s14 =	simm.s32 $0x0;
	s11 =	simm.s32 $0x0;
	s3 =	sand.u32 $0xF80, s1  }
0x8: {  	s12 =	simm.s32 $0x0;
	s5 =	sshrl.u32 s1, $0xC;
	p0 =	sne.s32 s3, $0x0  }
.Ltmp0:
0x9: {  	s1 =	rddreg [dreg:$0x2];
	s4 =	simm.s32 @!p0 $0x0;
	(pc) =	sbr.rel .LBB1_1-.Ltmp0, $4  }
0xa: {  	s6 =	sadd.s32 $0xC00, s7;
	s3 =	rddreg [dreg:$0x1];
	s5 =	sadd.s32 s4, s5  }
0xb: {  	_ =	strace $0x8000004D;
	s4 =	simm.s32 $0x1;
	s5 =	smul.u32 $0x19, s5  }
0xc: {  	s7 =	sadd.s32 $0x40C00, s7;
	s10 =	smov.u32 s2;
	[sflag:s4] =	ssyncpa.u1 $0x0  }
0xd: {  	p0 =	por $0x0, $0x0;
	[sflag:s8] =	ssyncpa.u1 $0x0;
	s8 =	sadd.s32 $0x1, s5  }
.LBB1_7:
0xe: {  	s15 =	sadd.s32 $0x1000, s10  }
0xf: {  	s13 =	sadd.s32 $0x2, s11;
	s17 =	smov.u32 s11;
	p2 =	sgt.s32 s15, $0x3FFF  }
0x10: {  	s17 =	smov.u32 @p2 s13  }
0x11: {  	s15 =	smov.u32 @p2 s2;
	p2 =	sgt.s32 s17, $0x31  }
0x12: {  	s17 =	simm.s32 @p2 $0x0;
	p2 =	sne.s32 s12, s8  }
.Ltmp1:
0x13: {  	p1 =	slt.u32 s12, $0x2;
	(pc) =	sbr.rel @!p2 .LBB1_8-.Ltmp1, $4  }
0x14: {  	s16 =	simm.s32 @!p1 $0x2  }
0x15: {  	s14 =	smov.u32 s11;
	p0 =	por !p0, !p0;
	_ =	swait.ge @!p1 [sflag:s16], $0x2000  }
0x16: {  	s13 =	smov.u32 s10;
	[sflag:s16] =	ssyncset.done @!p1 $0x0;
	s10 =	smov.u32 s15  }
0x17: {  	s12 =	sadd.s32 $0x1, s12;
	[sflag:s16] =	ssyncadd.s32 @!p1 $0xFFFFE000;
	s11 =	smov.u32 s17  }
.LBB1_1:
0x18: {  	p1 =	sge.u32 s12, s5  }
0x19: {  	s15 =	sxor.u32 @!p1 $0xFFFFFFFF, s12;
	s16 =	sshll.u32 @!p1 s11, $0x12  }
0x1a: {  	s17 =	sshll.u32 @!p1 s10, $0x4;
	s19 =	simm.s32 @!p1 $0x20;
	s20 =	simm.s32 @!p1 $0x80  }
0x1b: {  	s15 =	sshll.u32 @!p1 s15, $0xD;
	s17 =	sand.u32 @!p1 $0x3FFF0, s17;
	s18 =	sadd.s32 @!p1 s6, s16  }
0x1c: {  	s16 =	sadd.s32 @!p1 s16, s7;
	s15 =	sand.u32 @!p1 $0x2000, s15;
	s18 =	sadd.s32 @!p1 s17, s18  }
0x1d: {  	[tilespmem:s15], [sflag:$0x1] =	stream.strided.gather @!p1 [hbm4b:s18+s19], $0x1000, s20, s19, $0x38;
	[tilespmem:$0x8080] =	vst v63  }
0x1e: {  	s31 =	sadd.s32 $0xFFFFFFFF, s12;
	s16 =	sadd.s32 @!p1 s17, s16;
	s15 =	sor.u32 @!p1 $0x1000, s15  }
0x1f: {  	[tilespmem:s15], [sflag:$0x1] =	stream.strided.gather @!p1 [hbm4b:s16+s19], $0x1000, s20, s19, $0x38;
	[tilespmem:$0x8080] =	vst v63  }
0x20: {  	p1 =	sge.u32 s31, s5  }
.Ltmp2:
0x21: {  	_ = 	snop;
	(pc) =	sbr.rel @p1 .LBB1_7-.Ltmp2, $1  }
0x22: {  	_ =	sdelay $0x3  }
0x23: {  	s15 =	simm.s32 $0x1;
	s17 =	sand.u32 $0x1, s12  }
0x24: {  	_ =	swait.ge [sflag:s4], $0x2000;
	s15 =	simm.s32 @!p0 $0x0;
	s17 =	smul.u32 $0x8100, s17  }
0x25: {  	p2 =	por $0x1, $0x1;
	[sflag:s4] =	ssyncset.done $0x0;
	s16 =	smul.u32 $0x8100, s15  }
0x26: {  	s18 =	sshll.u32 s15, $0xF;
	[sflag:s4] =	ssyncadd.s32 $0xFFFFE000;
	s30 =	sshrl.u32 s17, $0x2  }
0x27: {  	s31 =	sshrl.u32 s18, $0x2;
	s18 =	simm.s32 $0x0;
	s16 =	sshrl.u32 s16, $0x2  }
0x28: {  	s15 =	sor.u32 $0x4000, s30;
	s17 =	sadd.s32 $0x10, s31;
	s16 =	sor.u32 $0x4000, s16  }
.LBB1_3:
0x29: {  	s19 =	sshll.u32 s18, $0xC  }
0x2a: {  	s19 =	sand.u32 $0x3FFFF000, s19  }
0x2b: {  	s20 =	sadd.s32 s19, s17  }
0x2c: {  	s31 =	smul.u32 $0x4080, s18;
	v1 =	vld [tilespmem:s20+$0x0]  }
0x2d: {  	v0 =	vld [tilespmem:s20+$0xFFFFFFF0]  }
0x2e: {  	s18 =	sshra.s32 s31, $0x2  }
0x2f: {  	s18 =	sadd.s32 s18, s16  }
0x30: {  	s21 =	sadd.s32 $0x0, s18  }
0x31: {  	p1 =	por p2, p2;
	s19 =	simm.s32 $0x4;
	s20 =	sadd.s32 $0x20, s20;
	[tilespmem:s21+$0x810 ss:$0x81] =	vst.msk $0xffff, v1  }
.LBB1_4:
0x32: {  	v1 =	vld [tilespmem:s20+$0x0];
	p2 =	sne.s32 s19, $0x1FC;
	[tilespmem:s21+$0x0 ss:$0x81] =	vst.msk $0xffff, v0;
	s21 =	smov.u32 s19;
	s19 =	sadd.s32 $0x4, s19  }
.Ltmp3:
0x33: {  	v0 =	vld [tilespmem:s20+$0xFFFFFFF0];
	(pc) =	sbr.rel @p2 .LBB1_4-.Ltmp3, $4  }
0x34: {  	_ = 	snop  }
0x35: {  	s21 =	sshra.s32 s21, $0x2  }
0x36: {  	s21 =	sadd.s32 s21, s18  }
0x37: {  	s20 =	sadd.s32 $0x20, s20;
	[tilespmem:s21+$0x810 ss:$0x81] =	vst.msk $0xffff, v1  }
.Ltmp4:
0x38: {  	(pc) =	sbr.rel @p1 .LBB1_3-.Ltmp4, $2  }
0x39: {  	_ =	sdelay $0x2  }
0x3a: {  	[tilespmem:s21+$0x0 ss:$0x81] =	vst.msk $0xffff, v0;
	s18 =	simm.s32 $0x1;
	p2 =	por $0x0, $0x0  }
0x3b: {  	s16 =	sshll.u32 s13, $0x3;
	s17 =	sand.u32 $0x78, s13;
	s14 =	sshll.u32 s14, $0x10  }
.Ltmp5:
0x3c: {  	s30 =	sand.u32 $0xF800, s13;
	s16 =	sand.u32 $0x3C00, s16;
	(pc) =	sbr.rel .LBB1_7-.Ltmp5, $4  }
0x3d: {  	s31 =	sand.u32 $0x7, s13;
	s14 =	sadd.s32 s3, s14;
	s16 =	sor.u32 s17, s16  }
0x3e: {  	s13 =	sshll.u32 s31, $0x12;
	s14 =	sadd.s32 s30, s14;
	s16 =	sshrl.u32 s16, $0x3  }
0x3f: {  	s13 =	sor.u32 $0x400, s13;
	s14 =	sadd.s32 s16, s14  }
0x40: {  	[hbm4b:s14+s13] =	stream.strided.scatter [tilespmem:s15], [sflag:$0x2], $0x2000, s9, s13, $0x20;
	[tilespmem:$0x8080] =	vst v63  }
.LBB1_8:
0x41: {  	_ =	sfence.sel $0x180000  }
0x42: {  	s2 =	simm.s32 $0x1;
	[bflag:$0x0] =	sbarrier.arrive $0xFFFF  }
0x43: {  	s31 =	simm.s32 $0x2;
	[sflag:s2] =	ssyncpa.u1 $0x1  }
0x44: {  	[sflag:s31] =	ssyncpa.u1 $0x1  }
0x45: {  	p0 =	sne.s32 s0, $0x0;
	_ =	strace $0x9000004D  }
0x46: {  	s0 =	sadd.s32 @!p0 $0x100000, s1;
	[bflag:$0x2] =	sbarrier.arrive $0xFFFF  }
0x47: {  	[sflag:s0] =	ssyncadd.tile.s32 @!p0 $0x1;
	_ =	shalt  }
.Lfunc_end1:
_tile_overlayer_lowered:
.L_overlay_start_2:
0x48: {  	(tag) =	ssettag $0x2  }
0x49: {  	s0 =	rddreg [dreg:$0x0];
	s2 =	stileid.u32  }
0x4a: {  	s1 =	rddreg [dreg:$0x1];
	p0 =	sne.s32 s2, $0x0  }
0x4b: {  	s3 =	rddreg [dreg:$0x2];
	[bflag:$0x3] =	sbarrier.arrive $0xFFFF;
	s2 =	simm.s32 @!p0 $0x1C01  }
0x4c: {  	[timem:s3], [sflag:s2] =	dma.local @!p0 [hbm:s0], s1  }
0x4d: {  	s0 =	simm.s32 @!p0 $0x1  }
0x4e: {  	_ =	swait.ge @!p0 [sflag:s0], s1  }
0x4f: {  	s1 =	ssub.s32 @!p0 $0x0, s1;
	[sflag:s0] =	ssyncset.done @!p0 $0x0  }
0x50: {  	[sflag:s0] =	ssyncadd.s32 @!p0 s1  }
0x51: {  	[bflag:$0x3] =	sbarrier.arrive $0xFFFF  }
0x52: {  	_ =	shalt  }

</sc_bundles>
